<compile_context>
chip_gen: v7x
topology: tpu7x:2x2x1
jax: 0.10.2.dev20260603
libtpu: 0.0.44.dev20260713+nightly
codegen_flags: <defaults>
</compile_context>

<pallas_src>
import functools

import jax
import jax.numpy as jnp
from jax import lax
from jax.experimental import pallas as pl
from jax.experimental.pallas import tpu as pltpu
from jax.experimental.pallas import tpu_sc as plsc

B = 1024
N_NUM = 13
N_CAT = 26
L = 5
VH = 30522
VV = 100000
D = 768
H = 128

NC = 2
NS = 16
NW = NC * NS

CS = 64
SEG_G = 16
GPC = CS // SEG_G
R = CS * L
SV = B * N_CAT
SE = 2048
SH = SV + SE
NV = SV // NW
BLK = 2400
VPV = 100800
VPH = 31200
NSPREAD = 512



def _table_proj_body(tab_ref, wwt_ref, s2_ref, bwt_ref, o_ref, *, v_rows):
    pid = pl.program_id(0)
    x = tab_ref[...]
    mu = jnp.mean(x, axis=1, keepdims=True)
    msq = jnp.mean(x * x, axis=1, keepdims=True)
    rstd = lax.rsqrt(jnp.maximum(msq - mu * mu, 0.0) + 1e-5)
    p = jnp.dot(x, wwt_ref[...], preferred_element_type=jnp.float32)
    z = (p - mu * s2_ref[...]) * rstd + bwt_ref[...]
    rows = pid * BLK + lax.broadcasted_iota(jnp.int32, (BLK, 1), 0)
    o_ref[...] = jnp.where(rows < v_rows, z, 0.0)


def _table_proj(tab, w, b, wt, v_rows, vp_rows):
    nb = vp_rows // BLK
    in_cap = (v_rows + BLK - 1) // BLK - 1
    wwt = w[:, None] * wt
    s2 = jnp.sum(wwt, axis=0)[None]
    bwt = (b @ wt)[None]
    f = pl.pallas_call(
        functools.partial(_table_proj_body, v_rows=v_rows),
        grid=(nb,),
        in_specs=[
            pl.BlockSpec((BLK, D), lambda i: (jnp.minimum(i, in_cap), 0)),
            pl.BlockSpec((D, H), lambda i: (0, 0)),
            pl.BlockSpec((1, H), lambda i: (0, 0)),
            pl.BlockSpec((1, H), lambda i: (0, 0)),
        ],
        out_specs=pl.BlockSpec((BLK, H), lambda i: (i, 0)),
        out_shape=jax.ShapeDtypeStruct((vp_rows, H), jnp.float32),
    )
    return f(tab, wwt, s2, bwt)



def _sc_pool_side_body(n_per_w, has_extras, g_hbm, id_hbm, *rest):
    if has_extras:
        eid_hbm, o_hbm, ids_v, rows_v, acc_v, g0, g1, s0, s1 = rest
    else:
        o_hbm, ids_v, rows_v, acc_v, g0, g1, s0, s1 = rest
    wid = lax.axis_index("s") * NC + lax.axis_index("c")
    base = wid * n_per_w
    nw = n_per_w * L
    nchunks = n_per_w // CS
    pltpu.sync_copy(id_hbm.at[pl.ds(base * L, nw)], ids_v)

    def gather_descs(ci, buf, sem):
        return [
            pltpu.make_async_copy(
                g_hbm.at[ids_v.at[pl.ds(ci * R + gi * SEG_G * L, SEG_G * L)]],
                rows_v.at[buf, pl.ds(gi * SEG_G * L, SEG_G * L)], sem)
            for gi in range(GPC)
        ]

    def start(descs):
        for dsc in descs:
            dsc.start()

    def wait(descs):
        for dsc in descs:
            dsc.wait()

    def scatter_desc(ci, buf, sem):
        return pltpu.make_async_copy(
            acc_v.at[buf], o_hbm.at[pl.ds(base + ci * CS, CS)],
            s0 if sem == 0 else s1)

    def compute(buf):
        def seg(si, _):
            r0 = si * L
            for dc in range(H // 16):
                sl = pl.ds(dc * 16, 16)
                acc = rows_v[buf, r0, sl] + rows_v[buf, r0 + 1, sl]
                acc = acc + rows_v[buf, r0 + 2, sl]
                acc = acc + rows_v[buf, r0 + 3, sl]
                acc = acc + rows_v[buf, r0 + 4, sl]
                acc_v[buf, si, sl] = acc
            return 0

        lax.fori_loop(0, CS, seg, 0)

    start(gather_descs(0, 0, g0))

    def pair(k, _):
        ci0 = 2 * k
        ci1 = ci0 + 1
        start(gather_descs(ci1, 1, g1))
        wait(gather_descs(ci0, 0, g0))

        @pl.when(ci0 >= 2)
        def _():
            scatter_desc(ci0 - 2, 0, 0).wait()

        compute(0)
        scatter_desc(ci0, 0, 0).start()

        @pl.when(ci1 + 1 < nchunks)
        def _():
            start(gather_descs(ci1 + 1, 0, g0))

        wait(gather_descs(ci1, 1, g1))

        @pl.when(ci1 >= 2)
        def _():
            scatter_desc(ci1 - 2, 1, 1).wait()

        compute(1)
        scatter_desc(ci1, 1, 1).start()
        return 0

    lax.fori_loop(0, nchunks // 2, pair, 0)

    if nchunks % 2:
        ci = nchunks - 1
        wait(gather_descs(ci, 0, g0))
        scatter_desc(ci - 2, 0, 0).wait()
        compute(0)
        scatter_desc(ci, 0, 0).start()

    scatter_desc(nchunks - 1, 0, 0).wait()
    scatter_desc(nchunks - 2, 1, 1).wait()

    if has_extras:
        pltpu.sync_copy(eid_hbm.at[pl.ds(wid * R, R)],
                        ids_v.at[pl.ds(0, R)])
        descs = [
            pltpu.make_async_copy(
                g_hbm.at[ids_v.at[pl.ds(gi * SEG_G * L, SEG_G * L)]],
                rows_v.at[0, pl.ds(gi * SEG_G * L, SEG_G * L)], g0)
            for gi in range(GPC)
        ]
        start(descs)
        wait(descs)
        compute(0)
        pltpu.sync_copy(acc_v.at[0],
                        o_hbm.at[pl.ds(NW * n_per_w + wid * CS, CS)])


@functools.cache
def _sc_pool_side(n_per_w, n_extra):
    return pl.kernel(
        functools.partial(_sc_pool_side_body, n_per_w, n_extra > 0),
        mesh=plsc.VectorSubcoreMesh(core_axis_name="c", subcore_axis_name="s"),
        out_type=jax.ShapeDtypeStruct((NW * n_per_w + n_extra, H),
                                      jnp.float32),
        scratch_types=[
            pltpu.VMEM((n_per_w * L,), jnp.int32),
            pltpu.VMEM((2, R, H), jnp.float32),
            pltpu.VMEM((2, CS, H), jnp.float32),
            pltpu.SemaphoreType.DMA,
            pltpu.SemaphoreType.DMA,
            pltpu.SemaphoreType.DMA,
            pltpu.SemaphoreType.DMA,
        ],
        compiler_params=pltpu.CompilerParams(use_tc_tiling_on_sc=False),
    )



def _assemble_body(xnum_ref, vsum_ref, hsum_ref, xm_ref, nm_ref, cm_ref,
                   ex_ref, nbias_ref, wt_ref, emb_ref, bert_ref):
    eps = 1e-12
    bb = xnum_ref.shape[0]
    ex = ex_ref[...]
    nden = jnp.sum(nm_ref[...].astype(jnp.float32), axis=1, keepdims=True) + eps
    ncp_avg = ex[N_CAT:N_CAT + N_NUM] / nden
    cden = jnp.sum(cm_ref[...].astype(jnp.float32), axis=1, keepdims=True) + eps
    colp_avg = ex[:N_CAT] / cden
    bias_p = jnp.dot(nbias_ref[...], wt_ref[...],
                     preferred_element_type=jnp.float32)
    rden = 1.0 / (jnp.sum(xm_ref[...].astype(jnp.float32), axis=2) + eps)
    vsum = vsum_ref[...].reshape(bb, N_CAT, H)
    hsum = hsum_ref[...].reshape(bb, N_CAT, H)
    val_avg = vsum * rden[:, :, None]
    hdr_avg = hsum * rden[:, :, None]
    num_part = xnum_ref[...][:, :, None] * ncp_avg[None] + bias_p[None]
    cat_part = (colp_avg[None] + val_avg) * 0.5
    emb_ref[...] = jnp.concatenate([num_part, cat_part], axis=1)
    bert_ref[...] = hdr_avg


def _assemble(xnum, vsum, hsum_all, xm, nm, cm, nbias, wt):
    BB = 128
    nb = B // BB
    f = pl.pallas_call(
        _assemble_body,
        grid=(nb,),
        in_specs=[
            pl.BlockSpec((BB, N_NUM), lambda i: (i, 0)),
            pl.BlockSpec((BB * N_CAT, H), lambda i: (i, 0)),
            pl.BlockSpec((BB * N_CAT, H), lambda i: (i, 0)),
            pl.BlockSpec((BB, N_CAT, L), lambda i: (i, 0, 0)),
            pl.BlockSpec((N_NUM, L), lambda i: (0, 0)),
            pl.BlockSpec((N_CAT, L), lambda i: (0, 0)),
            pl.BlockSpec((64, H), lambda i: (SV // 64, 0)),
            pl.BlockSpec((1, D), lambda i: (0, 0)),
            pl.BlockSpec((D, H), lambda i: (0, 0)),
        ],
        out_specs=[
            pl.BlockSpec((BB, N_NUM + N_CAT, H), lambda i: (i, 0, 0)),
            pl.BlockSpec((BB, N_CAT, H), lambda i: (i, 0, 0)),
        ],
        out_shape=[
            jax.ShapeDtypeStruct((B, N_NUM + N_CAT, H), jnp.float32),
            jax.ShapeDtypeStruct((B, N_CAT, H), jnp.float32),
        ],
    )
    return f(xnum, vsum, hsum_all, xm, nm, cm, hsum_all, nbias, wt)



def kernel(x_num, num_col_input_ids, num_att_mask, x_cat_input_ids,
           x_cat_att_mask, col_cat_input_ids, col_cat_att_mask, header_table,
           value_table, norm_header_w, norm_header_b, norm_value_w,
           norm_value_b, num_bias, align_W):
    wt = align_W.T
    gv = _table_proj(value_table, norm_value_w, norm_value_b, wt, VV, VPV)
    gh = _table_proj(header_table, norm_header_w, norm_header_b, wt, VH, VPH)

    xm = x_cat_att_mask != 0
    spread = (jnp.arange(SV * L, dtype=jnp.int32) % NSPREAD).reshape(
        B, N_CAT, L)
    val_ids = jnp.where(xm, x_cat_input_ids, VV + spread).reshape(-1)
    hdr_ids = jnp.where(xm, x_cat_input_ids, VH + spread).reshape(-1)
    extra_ids = jnp.concatenate(
        [col_cat_input_ids.reshape(-1), num_col_input_ids.reshape(-1),
         jnp.zeros(((SE - N_CAT - N_NUM) * L,), jnp.int32)])
    extra_msk = jnp.concatenate(
        [col_cat_att_mask.reshape(-1), num_att_mask.reshape(-1),
         jnp.zeros(((SE - N_CAT - N_NUM) * L,), jnp.int32)])
    epos = jnp.arange(SE * L, dtype=jnp.int32)
    extra_idsm = jnp.where(extra_msk != 0, extra_ids, VH + epos % NSPREAD)

    vsum = _sc_pool_side(NV, 0)(gv, val_ids)
    hsum_all = _sc_pool_side(NV, SE)(gh, hdr_ids, extra_idsm)

    emb, bert = _assemble(x_num, vsum, hsum_all, x_cat_att_mask, num_att_mask,
                          col_cat_att_mask, num_bias.reshape(1, D), wt)
    return emb, bert

# --- scband reference (transcript-rebuilt; emitter-appended) ---
"""Pipeline reference for scband-cm2-feature-processor-55422257987728 (READ-ONLY COPY).

The authoritative reference and input builder live on the scoring server;
editing this copy changes nothing except your own understanding.
"""

import jax, jax.numpy as jnp
import numpy as np
import math

B = 1024
N_NUM = 13
N_CAT = 26
L = 5
VOCAB_HEADER = 30522
VOCAB_VALUE = 100000
VOCAB_DIM = 768
HIDDEN_DIM = 128


def _layernorm(x, w, b, eps=1e-5):
    mu = jnp.mean(x, axis=-1, keepdims=True)
    var = jnp.mean((x - mu) ** 2, axis=-1, keepdims=True)
    return (x - mu) / jnp.sqrt(var + eps) * w + b


def _avg_by_mask(embs, mask=None, eps=1e-12):
    if mask is None:
        return jnp.mean(embs, axis=-2)
    m = (mask != 0)
    embs = jnp.where(m[..., None], embs, 0.0)
    denom = jnp.sum(mask, axis=-1, keepdims=True).astype(embs.dtype) + eps
    return jnp.sum(embs, axis=-2) / denom


def setup_inputs(seed: int = 0) -> dict:
    key = jax.random.key(seed)
    ks = jax.random.split(key, 16)
    x_num = jax.random.normal(ks[0], (B, N_NUM), dtype=jnp.float32)
    num_col_input_ids = jax.random.randint(ks[1], (N_NUM, L), 0, VOCAB_HEADER, dtype=jnp.int32)
    num_att_mask = jax.random.randint(ks[2], (N_NUM, L), 0, 2, dtype=jnp.int32)
    x_cat_input_ids = jax.random.randint(ks[3], (B, N_CAT, L), 0, VOCAB_HEADER, dtype=jnp.int32)
    x_cat_att_mask = jax.random.randint(ks[4], (B, N_CAT, L), 0, 2, dtype=jnp.int32)
    col_cat_input_ids = jax.random.randint(ks[5], (N_CAT, L), 0, VOCAB_HEADER, dtype=jnp.int32)
    col_cat_att_mask = jax.random.randint(ks[6], (N_CAT, L), 0, 2, dtype=jnp.int32)
    header_table = jax.random.normal(ks[7], (VOCAB_HEADER, VOCAB_DIM), dtype=jnp.float32) * 0.02
    value_table = jax.random.normal(ks[8], (VOCAB_VALUE, VOCAB_DIM), dtype=jnp.float32) * math.sqrt(2.0 / VOCAB_DIM)
    norm_header_w = jnp.ones((VOCAB_DIM,), dtype=jnp.float32)
    norm_header_b = jnp.zeros((VOCAB_DIM,), dtype=jnp.float32)
    norm_value_w = jnp.ones((VOCAB_DIM,), dtype=jnp.float32)
    norm_value_b = jnp.zeros((VOCAB_DIM,), dtype=jnp.float32)
    r = 1.0 / math.sqrt(VOCAB_DIM)
    num_bias = jax.random.uniform(ks[9], (1, 1, VOCAB_DIM), dtype=jnp.float32, minval=-r, maxval=r)
    align_W = jax.random.uniform(ks[10], (HIDDEN_DIM, VOCAB_DIM), dtype=jnp.float32, minval=-r, maxval=r)
    return {
        'x_num': x_num,
        'num_col_input_ids': num_col_input_ids,
        'num_att_mask': num_att_mask,
        'x_cat_input_ids': x_cat_input_ids,
        'x_cat_att_mask': x_cat_att_mask,
        'col_cat_input_ids': col_cat_input_ids,
        'col_cat_att_mask': col_cat_att_mask,
        'header_table': header_table,
        'value_table': value_table,
        'norm_header_w': norm_header_w,
        'norm_header_b': norm_header_b,
        'norm_value_w': norm_value_w,
        'norm_value_b': norm_value_b,
        'num_bias': num_bias,
        'align_W': align_W,
    }


def reference(x_num, num_col_input_ids, num_att_mask, x_cat_input_ids, x_cat_att_mask,
              col_cat_input_ids, col_cat_att_mask, header_table, value_table,
              norm_header_w, norm_header_b, norm_value_w, norm_value_b, num_bias, align_W):
    # numerical branch
    num_col_emb = _layernorm(jnp.take(header_table, num_col_input_ids, axis=0), norm_header_w, norm_header_b)
    num_col_emb = _avg_by_mask(num_col_emb, num_att_mask)  # [N_NUM, D]
    num_feat = num_col_emb[None, :, :] * x_num[:, :, None].astype(jnp.float32) + num_bias  # [B, N_NUM, D]
    num_feat = num_feat @ align_W.T  # [B, N_NUM, H]
    # categorical branch
    x_cat_val = _layernorm(jnp.take(value_table, x_cat_input_ids, axis=0), norm_value_w, norm_value_b)
    x_cat_val = _avg_by_mask(x_cat_val, x_cat_att_mask)  # [B, N_CAT, D]
    col_cat = _layernorm(jnp.take(header_table, col_cat_input_ids, axis=0), norm_header_w, norm_header_b)
    cat_col_emb = _avg_by_mask(col_cat, col_cat_att_mask)  # [N_CAT, D]
    col_exp = jnp.broadcast_to(cat_col_emb[None, :, :], (x_cat_val.shape[0], N_CAT, VOCAB_DIM))
    cat_feat = jnp.stack((col_exp, x_cat_val), axis=2)  # [B, N_CAT, 2, D]
    cat_feat = _avg_by_mask(cat_feat, None)  # mean over the pair
    cat_feat = cat_feat @ align_W.T  # [B, N_CAT, H]
    # bert-side embedding of categorical values (stored detached in other_info)
    x_cat_bert = _layernorm(jnp.take(header_table, x_cat_input_ids, axis=0), norm_header_w, norm_header_b)
    x_cat_bert = _avg_by_mask(x_cat_bert, x_cat_att_mask) @ align_W.T
    emb = jnp.concatenate((num_feat, cat_feat), axis=1)  # [B, N_NUM+N_CAT, H]
    return emb, jax.lax.stop_gradient(x_cat_bert)


if False:  # reference __main__ guard neutralized (emitter)
    out = reference(**setup_inputs())
    print(out[0].shape, out[1].shape)

if __name__ == "__main__":
    import jax
    _d = setup_inputs()
    print(jax.jit(kernel)(*tuple(_d.values())))

</pallas_src>

<mosaic_0001>
#map = affine_map<(d0, d1) -> (0, 0)>
#map1 = affine_map<(d0, d1) -> (0)>
module attributes {stable_mosaic.version = 14 : i64} {
  func.func @_sc_pool_side_body(%arg0: i32, %arg1: i32, %arg2: memref<31200x128xf32, #tpu.memory_space<hbm>>, %arg3: memref<133120xi32, #tpu.memory_space<hbm>>, %arg4: memref<10240xi32, #tpu.memory_space<hbm>>, %arg5: memref<28672x128xf32, #tpu.memory_space<hbm>>, %arg6: memref<4160xi32, #tpu.memory_space<vmem>>, %arg7: memref<2x320x128xf32, #tpu.memory_space<vmem>>, %arg8: memref<2x64x128xf32, #tpu.memory_space<vmem>>, %arg9: memref<!tpu.dma_semaphore, #tpu.memory_space<semaphore_mem>>, %arg10: memref<!tpu.dma_semaphore, #tpu.memory_space<semaphore_mem>>, %arg11: memref<!tpu.dma_semaphore, #tpu.memory_space<semaphore_mem>>, %arg12: memref<!tpu.dma_semaphore, #tpu.memory_space<semaphore_mem>>) attributes {dimension_semantics = [#tpu.dimension_semantics<core_parallel>, #tpu.dimension_semantics<subcore_parallel>], iteration_bounds = array<i64: 2, 16>, scalar_prefetch = 0 : i64, scratch_operands = 7 : i64, tpu.core_type = #tpu.core_type<sc_vector_subcore>, window_params = [{transform_indices = #map}, {transform_indices = #map1}, {transform_indices = #map1}, {transform_indices = #map}]} {
    %mul3A = arith.constant 2 : i32
    %mul3A_0 = arith.muli %arg1, %mul3A : i32
    %add3A = arith.addi %mul3A_0, %arg0 : i32
    %mul3A_1 = arith.constant 832 : i32
    %mul3A_2 = arith.muli %add3A, %mul3A_1 : i32
    %mul3A_3 = arith.constant 5 : i32
    %mul3A_4 = arith.muli %mul3A_2, %mul3A_3 : i32
    "tpu.region"() ({
      %run_scoped3A_249 = tpu.sem_alloc : memref<!tpu.dma_semaphore, #tpu.memory_space<semaphore_mem>>
      %dma_start3A_250 = tpu.memref_slice %arg3[%mul3A_4] : memref<133120xi32, #tpu.memory_space<hbm>> -> memref<4160xi32, #tpu.memory_space<hbm>>
      %dma_start3A_251 = tpu.memref_slice %arg3[%mul3A_4] : memref<133120xi32, #tpu.memory_space<hbm>> -> memref<4160xi32, #tpu.memory_space<hbm>>
      tpu.enqueue_dma source(%dma_start3A_251 : memref<4160xi32, #tpu.memory_space<hbm>>) target(%arg6 : memref<4160xi32, #tpu.memory_space<vmem>>) target_semaphore(%run_scoped3A_249 : memref<!tpu.dma_semaphore, #tpu.memory_space<semaphore_mem>>)
      %dma_wait3A_252 = tpu.memref_slice %arg3[%mul3A_4] : memref<133120xi32, #tpu.memory_space<hbm>> -> memref<4160xi32, #tpu.memory_space<hbm>>
      %dma_wait3A_253 = tpu.memref_slice %arg3[%mul3A_4] : memref<133120xi32, #tpu.memory_space<hbm>> -> memref<4160xi32, #tpu.memory_space<hbm>>
      tpu.wait_dma2 semaphore(%run_scoped3A_249 : memref<!tpu.dma_semaphore, #tpu.memory_space<semaphore_mem>>) src(%dma_wait3A_253 : memref<4160xi32, #tpu.memory_space<hbm>>) dst(%arg6 : memref<4160xi32, #tpu.memory_space<vmem>>)
      tpu.yield
    }) : () -> ()
    %dma_start3A = arith.constant 0 : i32
    %dma_start3A_5 = arith.constant 0 : i32
    %dma_start3A_6 = arith.constant 0 : i32
    %dma_start3A_7 = tpu.memref_slice %arg7[%dma_start3A, %dma_start3A_5, %dma_start3A_6] : memref<2x320x128xf32, #tpu.memory_space<vmem>> -> memref<1x80x128xf32, #tpu.memory_space<vmem>>
    %dma_start3A_8 = tpu.memref_squeeze %dma_start3A_7 : memref<1x80x128xf32, #tpu.memory_space<vmem>> -> memref<80x128xf32, #tpu.memory_space<vmem>>
    %dma_start3A_9 = arith.constant 0 : i32
    %dma_start3A_10 = tpu.memref_slice %arg6[%dma_start3A_9] : memref<4160xi32, #tpu.memory_space<vmem>> -> memref<80xi32, #tpu.memory_space<vmem>>
    %dma_start3A_11 = arith.constant 0 : i32
    %dma_start3A_12 = arith.constant 0 : i32
    %dma_start3A_13 = tpu.memref_slice %arg2[%dma_start3A_11, %dma_start3A_12] : memref<31200x128xf32, #tpu.memory_space<hbm>> -> memref<31200x128xf32, #tpu.memory_space<hbm>>
    tpu.enqueue_indirect_dma source(%dma_start3A_13 : memref<31200x128xf32, #tpu.memory_space<hbm>>) target(%dma_start3A_8 : memref<80x128xf32, #tpu.memory_space<vmem>>) offsets(%dma_start3A_10 : memref<80xi32, #tpu.memory_space<vmem>>) semaphore(%arg9 : memref<!tpu.dma_semaphore, #tpu.memory_space<semaphore_mem>>)
    %dma_start3A_14 = arith.constant 0 : i32
    %dma_start3A_15 = arith.constant 80 : i32
    %dma_start3A_16 = arith.constant 0 : i32
    %dma_start3A_17 = tpu.memref_slice %arg7[%dma_start3A_14, %dma_start3A_15, %dma_start3A_16] : memref<2x320x128xf32, #tpu.memory_space<vmem>> -> memref<1x80x128xf32, #tpu.memory_space<vmem>>
    %dma_start3A_18 = tpu.memref_squeeze %dma_start3A_17 : memref<1x80x128xf32, #tpu.memory_space<vmem>> -> memref<80x128xf32, #tpu.memory_space<vmem>>
    %dma_start3A_19 = arith.constant 80 : i32
    %dma_start3A_20 = tpu.memref_slice %arg6[%dma_start3A_19] : memref<4160xi32, #tpu.memory_space<vmem>> -> memref<80xi32, #tpu.memory_space<vmem>>
    %dma_start3A_21 = arith.constant 0 : i32
    %dma_start3A_22 = arith.constant 0 : i32
    %dma_start3A_23 = tpu.memref_slice %arg2[%dma_start3A_21, %dma_start3A_22] : memref<31200x128xf32, #tpu.memory_space<hbm>> -> memref<31200x128xf32, #tpu.memory_space<hbm>>
    tpu.enqueue_indirect_dma source(%dma_start3A_23 : memref<31200x128xf32, #tpu.memory_space<hbm>>) target(%dma_start3A_18 : memref<80x128xf32, #tpu.memory_space<vmem>>) offsets(%dma_start3A_20 : memref<80xi32, #tpu.memory_space<vmem>>) semaphore(%arg9 : memref<!tpu.dma_semaphore, #tpu.memory_space<semaphore_mem>>)
    %dma_start3A_24 = arith.constant 0 : i32
    %dma_start3A_25 = arith.constant 160 : i32
    %dma_start3A_26 = arith.constant 0 : i32
    %dma_start3A_27 = tpu.memref_slice %arg7[%dma_start3A_24, %dma_start3A_25, %dma_start3A_26] : memref<2x320x128xf32, #tpu.memory_space<vmem>> -> memref<1x80x128xf32, #tpu.memory_space<vmem>>
    %dma_start3A_28 = tpu.memref_squeeze %dma_start3A_27 : memref<1x80x128xf32, #tpu.memory_space<vmem>> -> memref<80x128xf32, #tpu.memory_space<vmem>>
    %dma_start3A_29 = arith.constant 160 : i32
    %dma_start3A_30 = tpu.memref_slice %arg6[%dma_start3A_29] : memref<4160xi32, #tpu.memory_space<vmem>> -> memref<80xi32, #tpu.memory_space<vmem>>
    %dma_start3A_31 = arith.constant 0 : i32
    %dma_start3A_32 = arith.constant 0 : i32
    %dma_start3A_33 = tpu.memref_slice %arg2[%dma_start3A_31, %dma_start3A_32] : memref<31200x128xf32, #tpu.memory_space<hbm>> -> memref<31200x128xf32, #tpu.memory_space<hbm>>
    tpu.enqueue_indirect_dma source(%dma_start3A_33 : memref<31200x128xf32, #tpu.memory_space<hbm>>) target(%dma_start3A_28 : memref<80x128xf32, #tpu.memory_space<vmem>>) offsets(%dma_start3A_30 : memref<80xi32, #tpu.memory_space<vmem>>) semaphore(%arg9 : memref<!tpu.dma_semaphore, #tpu.memory_space<semaphore_mem>>)
    %dma_start3A_34 = arith.constant 0 : i32
    %dma_start3A_35 = arith.constant 240 : i32
    %dma_start3A_36 = arith.constant 0 : i32
    %dma_start3A_37 = tpu.memref_slice %arg7[%dma_start3A_34, %dma_start3A_35, %dma_start3A_36] : memref<2x320x128xf32, #tpu.memory_space<vmem>> -> memref<1x80x128xf32, #tpu.memory_space<vmem>>
    %dma_start3A_38 = tpu.memref_squeeze %dma_start3A_37 : memref<1x80x128xf32, #tpu.memory_space<vmem>> -> memref<80x128xf32, #tpu.memory_space<vmem>>
    %dma_start3A_39 = arith.constant 240 : i32
    %dma_start3A_40 = tpu.memref_slice %arg6[%dma_start3A_39] : memref<4160xi32, #tpu.memory_space<vmem>> -> memref<80xi32, #tpu.memory_space<vmem>>
    %dma_start3A_41 = arith.constant 0 : i32
    %dma_start3A_42 = arith.constant 0 : i32
    %dma_start3A_43 = tpu.memref_slice %arg2[%dma_start3A_41, %dma_start3A_42] : memref<31200x128xf32, #tpu.memory_space<hbm>> -> memref<31200x128xf32, #tpu.memory_space<hbm>>
    tpu.enqueue_indirect_dma source(%dma_start3A_43 : memref<31200x128xf32, #tpu.memory_space<hbm>>) target(%dma_start3A_38 : memref<80x128xf32, #tpu.memory_space<vmem>>) offsets(%dma_start3A_40 : memref<80xi32, #tpu.memory_space<vmem>>) semaphore(%arg9 : memref<!tpu.dma_semaphore, #tpu.memory_space<semaphore_mem>>)
    %scan3A = arith.constant 0 : i32
    %scan3A_44 = arith.constant 0 : i32
    %scan3A_45 = arith.constant 6 : i32
    %scan3A_46 = arith.addi %scan3A_44, %scan3A_45 : i32
    %scan3A_47 = arith.constant 1 : i32
    %scan3A_48 = scf.for %scan3A_249 = %scan3A_44 to %scan3A_46 step %scan3A_47 iter_args(%scan3A_250 = %scan3A) -> (i32)  : i32 {
      %mul3A_251 = arith.constant 2 : i32
      %mul3A_252 = arith.muli %mul3A_251, %scan3A_249 : i32
      %add3A_253 = arith.constant 1 : i32
      %add3A_254 = arith.addi %mul3A_252, %add3A_253 : i32
      %mul3A_255 = arith.constant 320 : i32
      %mul3A_256 = arith.muli %add3A_254, %mul3A_255 : i32
      %add3A_257 = arith.constant 0 : i32
      %add3A_258 = arith.addi %mul3A_256, %add3A_257 : i32
      %mul3A_259 = arith.constant 320 : i32
      %mul3A_260 = arith.muli %add3A_254, %mul3A_259 : i32
      %add3A_261 = arith.constant 80 : i32
      %add3A_262 = arith.addi %mul3A_260, %add3A_261 : i32
      %mul3A_263 = arith.constant 320 : i32
      %mul3A_264 = arith.muli %add3A_254, %mul3A_263 : i32
      %add3A_265 = arith.constant 160 : i32
      %add3A_266 = arith.addi %mul3A_264, %add3A_265 : i32
      %mul3A_267 = arith.constant 320 : i32
      %mul3A_268 = arith.muli %add3A_254, %mul3A_267 : i32
      %add3A_269 = arith.constant 240 : i32
      %add3A_270 = arith.addi %mul3A_268, %add3A_269 : i32
      %dma_start3A_271 = arith.constant 1 : i32
      %dma_start3A_272 = arith.constant 0 : i32
      %dma_start3A_273 = arith.constant 0 : i32
      %dma_start3A_274 = tpu.memref_slice %arg7[%dma_start3A_271, %dma_start3A_272, %dma_start3A_273] : memref<2x320x128xf32, #tpu.memory_space<vmem>> -> memref<1x80x128xf32, #tpu.memory_space<vmem>>
      %dma_start3A_275 = tpu.memref_squeeze %dma_start3A_274 : memref<1x80x128xf32, #tpu.memory_space<vmem>> -> memref<80x128xf32, #tpu.memory_space<vmem>>
      %dma_start3A_276 = tpu.memref_slice %arg6[%add3A_258] : memref<4160xi32, #tpu.memory_space<vmem>> -> memref<80xi32, #tpu.memory_space<vmem>>
      %dma_start3A_277 = arith.constant 0 : i32
      %dma_start3A_278 = arith.constant 0 : i32
      %dma_start3A_279 = tpu.memref_slice %arg2[%dma_start3A_277, %dma_start3A_278] : memref<31200x128xf32, #tpu.memory_space<hbm>> -> memref<31200x128xf32, #tpu.memory_space<hbm>>
      tpu.enqueue_indirect_dma source(%dma_start3A_279 : memref<31200x128xf32, #tpu.memory_space<hbm>>) target(%dma_start3A_275 : memref<80x128xf32, #tpu.memory_space<vmem>>) offsets(%dma_start3A_276 : memref<80xi32, #tpu.memory_space<vmem>>) semaphore(%arg10 : memref<!tpu.dma_semaphore, #tpu.memory_space<semaphore_mem>>)
      %dma_start3A_280 = arith.constant 1 : i32
      %dma_start3A_281 = arith.constant 80 : i32
      %dma_start3A_282 = arith.constant 0 : i32
      %dma_start3A_283 = tpu.memref_slice %arg7[%dma_start3A_280, %dma_start3A_281, %dma_start3A_282] : memref<2x320x128xf32, #tpu.memory_space<vmem>> -> memref<1x80x128xf32, #tpu.memory_space<vmem>>
      %dma_start3A_284 = tpu.memref_squeeze %dma_start3A_283 : memref<1x80x128xf32, #tpu.memory_space<vmem>> -> memref<80x128xf32, #tpu.memory_space<vmem>>
      %dma_start3A_285 = tpu.memref_slice %arg6[%add3A_262] : memref<4160xi32, #tpu.memory_space<vmem>> -> memref<80xi32, #tpu.memory_space<vmem>>
      %dma_start3A_286 = arith.constant 0 : i32
      %dma_start3A_287 = arith.constant 0 : i32
      %dma_start3A_288 = tpu.memref_slice %arg2[%dma_start3A_286, %dma_start3A_287] : memref<31200x128xf32, #tpu.memory_space<hbm>> -> memref<31200x128xf32, #tpu.memory_space<hbm>>
      tpu.enqueue_indirect_dma source(%dma_start3A_288 : memref<31200x128xf32, #tpu.memory_space<hbm>>) target(%dma_start3A_284 : memref<80x128xf32, #tpu.memory_space<vmem>>) offsets(%dma_start3A_285 : memref<80xi32, #tpu.memory_space<vmem>>) semaphore(%arg10 : memref<!tpu.dma_semaphore, #tpu.memory_space<semaphore_mem>>)
      %dma_start3A_289 = arith.constant 1 : i32
      %dma_start3A_290 = arith.constant 160 : i32
      %dma_start3A_291 = arith.constant 0 : i32
      %dma_start3A_292 = tpu.memref_slice %arg7[%dma_start3A_289, %dma_start3A_290, %dma_start3A_291] : memref<2x320x128xf32, #tpu.memory_space<vmem>> -> memref<1x80x128xf32, #tpu.memory_space<vmem>>
      %dma_start3A_293 = tpu.memref_squeeze %dma_start3A_292 : memref<1x80x128xf32, #tpu.memory_space<vmem>> -> memref<80x128xf32, #tpu.memory_space<vmem>>
      %dma_start3A_294 = tpu.memref_slice %arg6[%add3A_266] : memref<4160xi32, #tpu.memory_space<vmem>> -> memref<80xi32, #tpu.memory_space<vmem>>
      %dma_start3A_295 = arith.constant 0 : i32
      %dma_start3A_296 = arith.constant 0 : i32
      %dma_start3A_297 = tpu.memref_slice %arg2[%dma_start3A_295, %dma_start3A_296] : memref<31200x128xf32, #tpu.memory_space<hbm>> -> memref<31200x128xf32, #tpu.memory_space<hbm>>
      tpu.enqueue_indirect_dma source(%dma_start3A_297 : memref<31200x128xf32, #tpu.memory_space<hbm>>) target(%dma_start3A_293 : memref<80x128xf32, #tpu.memory_space<vmem>>) offsets(%dma_start3A_294 : memref<80xi32, #tpu.memory_space<vmem>>) semaphore(%arg10 : memref<!tpu.dma_semaphore, #tpu.memory_space<semaphore_mem>>)
      %dma_start3A_298 = arith.constant 1 : i32
      %dma_start3A_299 = arith.constant 240 : i32
      %dma_start3A_300 = arith.constant 0 : i32
      %dma_start3A_301 = tpu.memref_slice %arg7[%dma_start3A_298, %dma_start3A_299, %dma_start3A_300] : memref<2x320x128xf32, #tpu.memory_space<vmem>> -> memref<1x80x128xf32, #tpu.memory_space<vmem>>
      %dma_start3A_302 = tpu.memref_squeeze %dma_start3A_301 : memref<1x80x128xf32, #tpu.memory_space<vmem>> -> memref<80x128xf32, #tpu.memory_space<vmem>>
      %dma_start3A_303 = tpu.memref_slice %arg6[%add3A_270] : memref<4160xi32, #tpu.memory_space<vmem>> -> memref<80xi32, #tpu.memory_space<vmem>>
      %dma_start3A_304 = arith.constant 0 : i32
      %dma_start3A_305 = arith.constant 0 : i32
      %dma_start3A_306 = tpu.memref_slice %arg2[%dma_start3A_304, %dma_start3A_305] : memref<31200x128xf32, #tpu.memory_space<hbm>> -> memref<31200x128xf32, #tpu.memory_space<hbm>>
      tpu.enqueue_indirect_dma source(%dma_start3A_306 : memref<31200x128xf32, #tpu.memory_space<hbm>>) target(%dma_start3A_302 : memref<80x128xf32, #tpu.memory_space<vmem>>) offsets(%dma_start3A_303 : memref<80xi32, #tpu.memory_space<vmem>>) semaphore(%arg10 : memref<!tpu.dma_semaphore, #tpu.memory_space<semaphore_mem>>)
      %mul3A_307 = arith.constant 320 : i32
      %mul3A_308 = arith.muli %mul3A_252, %mul3A_307 : i32
      %add3A_309 = arith.constant 0 : i32
      %add3A_310 = arith.addi %mul3A_308, %add3A_309 : i32
      %mul3A_311 = arith.constant 320 : i32
      %mul3A_312 = arith.muli %mul3A_252, %mul3A_311 : i32
      %add3A_313 = arith.constant 80 : i32
      %add3A_314 = arith.addi %mul3A_312, %add3A_313 : i32
      %mul3A_315 = arith.constant 320 : i32
      %mul3A_316 = arith.muli %mul3A_252, %mul3A_315 : i32
      %add3A_317 = arith.constant 160 : i32
      %add3A_318 = arith.addi %mul3A_316, %add3A_317 : i32
      %mul3A_319 = arith.constant 320 : i32
      %mul3A_320 = arith.muli %mul3A_252, %mul3A_319 : i32
      %add3A_321 = arith.constant 240 : i32
      %add3A_322 = arith.addi %mul3A_320, %add3A_321 : i32
      %dma_wait3A_323 = arith.constant 0 : i32
      %dma_wait3A_324 = arith.constant 0 : i32
      %dma_wait3A_325 = arith.constant 0 : i32
      %dma_wait3A_326 = tpu.memref_slice %arg7[%dma_wait3A_323, %dma_wait3A_324, %dma_wait3A_325] : memref<2x320x128xf32, #tpu.memory_space<vmem>> -> memref<1x80x128xf32, #tpu.memory_space<vmem>>
      %dma_wait3A_327 = tpu.memref_squeeze %dma_wait3A_326 : memref<1x80x128xf32, #tpu.memory_space<vmem>> -> memref<80x128xf32, #tpu.memory_space<vmem>>
      %dma_wait3A_328 = tpu.memref_slice %arg6[%add3A_310] : memref<4160xi32, #tpu.memory_space<vmem>> -> memref<80xi32, #tpu.memory_space<vmem>>
      %dma_wait3A_329 = arith.constant 0 : i32
      %dma_wait3A_330 = arith.constant 0 : i32
      %dma_wait3A_331 = tpu.memref_slice %arg2[%dma_wait3A_329, %dma_wait3A_330] : memref<31200x128xf32, #tpu.memory_space<hbm>> -> memref<31200x128xf32, #tpu.memory_space<hbm>>
      tpu.wait_indirect_dma semaphore(%arg9 : memref<!tpu.dma_semaphore, #tpu.memory_space<semaphore_mem>>) src(%dma_wait3A_331 : memref<31200x128xf32, #tpu.memory_space<hbm>>) dst(%dma_wait3A_327 : memref<80x128xf32, #tpu.memory_space<vmem>>)
      %dma_wait3A_332 = arith.constant 0 : i32
      %dma_wait3A_333 = arith.constant 80 : i32
      %dma_wait3A_334 = arith.constant 0 : i32
      %dma_wait3A_335 = tpu.memref_slice %arg7[%dma_wait3A_332, %dma_wait3A_333, %dma_wait3A_334] : memref<2x320x128xf32, #tpu.memory_space<vmem>> -> memref<1x80x128xf32, #tpu.memory_space<vmem>>
      %dma_wait3A_336 = tpu.memref_squeeze %dma_wait3A_335 : memref<1x80x128xf32, #tpu.memory_space<vmem>> -> memref<80x128xf32, #tpu.memory_space<vmem>>
      %dma_wait3A_337 = tpu.memref_slice %arg6[%add3A_314] : memref<4160xi32, #tpu.memory_space<vmem>> -> memref<80xi32, #tpu.memory_space<vmem>>
      %dma_wait3A_338 = arith.constant 0 : i32
      %dma_wait3A_339 = arith.constant 0 : i32
      %dma_wait3A_340 = tpu.memref_slice %arg2[%dma_wait3A_338, %dma_wait3A_339] : memref<31200x128xf32, #tpu.memory_space<hbm>> -> memref<31200x128xf32, #tpu.memory_space<hbm>>
      tpu.wait_indirect_dma semaphore(%arg9 : memref<!tpu.dma_semaphore, #tpu.memory_space<semaphore_mem>>) src(%dma_wait3A_340 : memref<31200x128xf32, #tpu.memory_space<hbm>>) dst(%dma_wait3A_336 : memref<80x128xf32, #tpu.memory_space<vmem>>)
      %dma_wait3A_341 = arith.constant 0 : i32
      %dma_wait3A_342 = arith.constant 160 : i32
      %dma_wait3A_343 = arith.constant 0 : i32
      %dma_wait3A_344 = tpu.memref_slice %arg7[%dma_wait3A_341, %dma_wait3A_342, %dma_wait3A_343] : memref<2x320x128xf32, #tpu.memory_space<vmem>> -> memref<1x80x128xf32, #tpu.memory_space<vmem>>
      %dma_wait3A_345 = tpu.memref_squeeze %dma_wait3A_344 : memref<1x80x128xf32, #tpu.memory_space<vmem>> -> memref<80x128xf32, #tpu.memory_space<vmem>>
      %dma_wait3A_346 = tpu.memref_slice %arg6[%add3A_318] : memref<4160xi32, #tpu.memory_space<vmem>> -> memref<80xi32, #tpu.memory_space<vmem>>
      %dma_wait3A_347 = arith.constant 0 : i32
      %dma_wait3A_348 = arith.constant 0 : i32
      %dma_wait3A_349 = tpu.memref_slice %arg2[%dma_wait3A_347, %dma_wait3A_348] : memref<31200x128xf32, #tpu.memory_space<hbm>> -> memref<31200x128xf32, #tpu.memory_space<hbm>>
      tpu.wait_indirect_dma semaphore(%arg9 : memref<!tpu.dma_semaphore, #tpu.memory_space<semaphore_mem>>) src(%dma_wait3A_349 : memref<31200x128xf32, #tpu.memory_space<hbm>>) dst(%dma_wait3A_345 : memref<80x128xf32, #tpu.memory_space<vmem>>)
      %dma_wait3A_350 = arith.constant 0 : i32
      %dma_wait3A_351 = arith.constant 240 : i32
      %dma_wait3A_352 = arith.constant 0 : i32
      %dma_wait3A_353 = tpu.memref_slice %arg7[%dma_wait3A_350, %dma_wait3A_351, %dma_wait3A_352] : memref<2x320x128xf32, #tpu.memory_space<vmem>> -> memref<1x80x128xf32, #tpu.memory_space<vmem>>
      %dma_wait3A_354 = tpu.memref_squeeze %dma_wait3A_353 : memref<1x80x128xf32, #tpu.memory_space<vmem>> -> memref<80x128xf32, #tpu.memory_space<vmem>>
      %dma_wait3A_355 = tpu.memref_slice %arg6[%add3A_322] : memref<4160xi32, #tpu.memory_space<vmem>> -> memref<80xi32, #tpu.memory_space<vmem>>
      %dma_wait3A_356 = arith.constant 0 : i32
      %dma_wait3A_357 = arith.constant 0 : i32
      %dma_wait3A_358 = tpu.memref_slice %arg2[%dma_wait3A_356, %dma_wait3A_357] : memref<31200x128xf32, #tpu.memory_space<hbm>> -> memref<31200x128xf32, #tpu.memory_space<hbm>>
      tpu.wait_indirect_dma semaphore(%arg9 : memref<!tpu.dma_semaphore, #tpu.memory_space<semaphore_mem>>) src(%dma_wait3A_358 : memref<31200x128xf32, #tpu.memory_space<hbm>>) dst(%dma_wait3A_354 : memref<80x128xf32, #tpu.memory_space<vmem>>)
      %ge3A = arith.constant 2 : i32
      %ge3A_359 = arith.cmpi sge, %mul3A_252, %ge3A : i32
      %convert_element_type3A = arith.extui %ge3A_359 : i1 to i32
      %cond3A = arith.constant 0 : i32
      %cond3A_360 = arith.cmpi ne, %convert_element_type3A, %cond3A : i32
      scf.if %cond3A_360 {
        %sub3A = arith.constant 2 : i32
        %sub3A_471 = arith.subi %mul3A_252, %sub3A : i32
        %mul3A_472 = arith.constant 64 : i32
        %mul3A_473 = arith.muli %sub3A_471, %mul3A_472 : i32
        %add3A_474 = arith.addi %mul3A_2, %mul3A_473 : i32
        %dma_wait3A_475 = arith.constant 0 : i32
        %dma_wait3A_476 = arith.constant 0 : i32
        %dma_wait3A_477 = arith.constant 0 : i32
        %dma_wait3A_478 = tpu.memref_slice %arg8[%dma_wait3A_475, %dma_wait3A_476, %dma_wait3A_477] : memref<2x64x128xf32, #tpu.memory_space<vmem>> -> memref<1x64x128xf32, #tpu.memory_space<vmem>>
        %dma_wait3A_479 = tpu.memref_squeeze %dma_wait3A_478 : memref<1x64x128xf32, #tpu.memory_space<vmem>> -> memref<64x128xf32, #tpu.memory_space<vmem>>
        %dma_wait3A_480 = arith.constant 0 : i32
        %dma_wait3A_481 = tpu.memref_slice %arg5[%add3A_474, %dma_wait3A_480] : memref<28672x128xf32, #tpu.memory_space<hbm>> -> memref<64x128xf32, #tpu.memory_space<hbm>>
        %dma_wait3A_482 = arith.constant 0 : i32
        %dma_wait3A_483 = tpu.memref_slice %arg5[%add3A_474, %dma_wait3A_482] : memref<28672x128xf32, #tpu.memory_space<hbm>> -> memref<64x128xf32, #tpu.memory_space<hbm>>
        %dma_wait3A_484 = arith.constant 0 : i32
        %dma_wait3A_485 = arith.constant 0 : i32
        %dma_wait3A_486 = tpu.memref_slice %arg8[%dma_wait3A_475, %dma_wait3A_484, %dma_wait3A_485] : memref<2x64x128xf32, #tpu.memory_space<vmem>> -> memref<1x64x128xf32, #tpu.memory_space<vmem>>
        %dma_wait3A_487 = tpu.memref_squeeze %dma_wait3A_486 : memref<1x64x128xf32, #tpu.memory_space<vmem>> -> memref<64x128xf32, #tpu.memory_space<vmem>>
        tpu.wait_dma2 semaphore(%arg11 : memref<!tpu.dma_semaphore, #tpu.memory_space<semaphore_mem>>) src(%dma_wait3A_487 : memref<64x128xf32, #tpu.memory_space<vmem>>) dst(%dma_wait3A_483 : memref<64x128xf32, #tpu.memory_space<hbm>>)
      } else {
      }
      %scan3A_361 = arith.constant 0 : i32
      %scan3A_362 = arith.constant 0 : i32
      %scan3A_363 = arith.constant 64 : i32
      %scan3A_364 = arith.addi %scan3A_362, %scan3A_363 : i32
      %scan3A_365 = arith.constant 1 : i32
      %scan3A_366 = scf.for %scan3A_471 = %scan3A_362 to %scan3A_364 step %scan3A_365 iter_args(%scan3A_472 = %scan3A_361) -> (i32)  : i32 {
        %mul3A_473 = arith.constant 5 : i32
        %mul3A_474 = arith.muli %scan3A_471, %mul3A_473 : i32
        %get3A = arith.constant 0 : i32
        %get3A_475 = arith.index_cast %get3A : i32 to index
        %get3A_476 = arith.index_cast %mul3A_474 : i32 to index
        %get3A_477 = arith.constant 0 : index
        %get3A_478 = tpu.vector_load %arg7[%get3A_475, %get3A_476, %get3A_477] {strides = array<i32>} : memref<2x320x128xf32, #tpu.memory_space<vmem>>, vector<1x1x16xf32>,
        %get3A_479 = vector.shape_cast %get3A_478 : vector<1x1x16xf32> to vector<16xf32>
        %add3A_480 = arith.constant 1 : i32
        %add3A_481 = arith.addi %mul3A_474, %add3A_480 : i32
        %get3A_482 = arith.constant 0 : i32
        %get3A_483 = arith.index_cast %get3A_482 : i32 to index
        %get3A_484 = arith.index_cast %add3A_481 : i32 to index
        %get3A_485 = arith.constant 0 : index
        %get3A_486 = tpu.vector_load %arg7[%get3A_483, %get3A_484, %get3A_485] {strides = array<i32>} : memref<2x320x128xf32, #tpu.memory_space<vmem>>, vector<1x1x16xf32>,
        %get3A_487 = vector.shape_cast %get3A_486 : vector<1x1x16xf32> to vector<16xf32>
        %add3A_488 = arith.addf %get3A_479, %get3A_487 : vector<16xf32>
        %add3A_489 = arith.constant 2 : i32
        %add3A_490 = arith.addi %mul3A_474, %add3A_489 : i32
        %get3A_491 = arith.constant 0 : i32
        %get3A_492 = arith.index_cast %get3A_491 : i32 to index
        %get3A_493 = arith.index_cast %add3A_490 : i32 to index
        %get3A_494 = arith.constant 0 : index
        %get3A_495 = tpu.vector_load %arg7[%get3A_492, %get3A_493, %get3A_494] {strides = array<i32>} : memref<2x320x128xf32, #tpu.memory_space<vmem>>, vector<1x1x16xf32>,
        %get3A_496 = vector.shape_cast %get3A_495 : vector<1x1x16xf32> to vector<16xf32>
        %add3A_497 = arith.addf %add3A_488, %get3A_496 : vector<16xf32>
        %add3A_498 = arith.constant 3 : i32
        %add3A_499 = arith.addi %mul3A_474, %add3A_498 : i32
        %get3A_500 = arith.constant 0 : i32
        %get3A_501 = arith.index_cast %get3A_500 : i32 to index
        %get3A_502 = arith.index_cast %add3A_499 : i32 to index
        %get3A_503 = arith.constant 0 : index
        %get3A_504 = tpu.vector_load %arg7[%get3A_501, %get3A_502, %get3A_503] {strides = array<i32>} : memref<2x320x128xf32, #tpu.memory_space<vmem>>, vector<1x1x16xf32>,
        %get3A_505 = vector.shape_cast %get3A_504 : vector<1x1x16xf32> to vector<16xf32>
        %add3A_506 = arith.addf %add3A_497, %get3A_505 : vector<16xf32>
        %add3A_507 = arith.constant 4 : i32
        %add3A_508 = arith.addi %mul3A_474, %add3A_507 : i32
        %get3A_509 = arith.constant 0 : i32
        %get3A_510 = arith.index_cast %get3A_509 : i32 to index
        %get3A_511 = arith.index_cast %add3A_508 : i32 to index
        %get3A_512 = arith.constant 0 : index
        %get3A_513 = tpu.vector_load %arg7[%get3A_510, %get3A_511, %get3A_512] {strides = array<i32>} : memref<2x320x128xf32, #tpu.memory_space<vmem>>, vector<1x1x16xf32>,
        %get3A_514 = vector.shape_cast %get3A_513 : vector<1x1x16xf32> to vector<16xf32>
        %add3A_515 = arith.addf %add3A_506, %get3A_514 : vector<16xf32>
        %swap3A = arith.constant 0 : i32
        %swap3A_516 = arith.index_cast %swap3A : i32 to index
        %swap3A_517 = arith.index_cast %scan3A_471 : i32 to index
        %swap3A_518 = arith.constant 0 : index
        %swap3A_519 = tpu.vector_load %arg8[%swap3A_516, %swap3A_517, %swap3A_518] {strides = array<i32>} : memref<2x64x128xf32, #tpu.memory_space<vmem>>, vector<1x1x16xf32>,
        %swap3A_520 = vector.shape_cast %swap3A_519 : vector<1x1x16xf32> to vector<16xf32>
        %swap3A_521 = vector.shape_cast %add3A_515 : vector<16xf32> to vector<1x1x16xf32>
        tpu.vector_store %arg8[%swap3A_516, %swap3A_517, %swap3A_518], %swap3A_521 {strides = array<i32>} : memref<2x64x128xf32, #tpu.memory_space<vmem>>, vector<1x1x16xf32>,
        %get3A_522 = arith.constant 0 : i32
        %get3A_523 = arith.index_cast %get3A_522 : i32 to index
        %get3A_524 = arith.index_cast %mul3A_474 : i32 to index
        %get3A_525 = arith.constant 16 : index
        %get3A_526 = tpu.vector_load %arg7[%get3A_523, %get3A_524, %get3A_525] {strides = array<i32>} : memref<2x320x128xf32, #tpu.memory_space<vmem>>, vector<1x1x16xf32>,
        %get3A_527 = vector.shape_cast %get3A_526 : vector<1x1x16xf32> to vector<16xf32>
        %add3A_528 = arith.constant 1 : i32
        %add3A_529 = arith.addi %mul3A_474, %add3A_528 : i32
        %get3A_530 = arith.constant 0 : i32
        %get3A_531 = arith.index_cast %get3A_530 : i32 to index
        %get3A_532 = arith.index_cast %add3A_529 : i32 to index
        %get3A_533 = arith.constant 16 : index
        %get3A_534 = tpu.vector_load %arg7[%get3A_531, %get3A_532, %get3A_533] {strides = array<i32>} : memref<2x320x128xf32, #tpu.memory_space<vmem>>, vector<1x1x16xf32>,
        %get3A_535 = vector.shape_cast %get3A_534 : vector<1x1x16xf32> to vector<16xf32>
        %add3A_536 = arith.addf %get3A_527, %get3A_535 : vector<16xf32>
        %add3A_537 = arith.constant 2 : i32
        %add3A_538 = arith.addi %mul3A_474, %add3A_537 : i32
        %get3A_539 = arith.constant 0 : i32
        %get3A_540 = arith.index_cast %get3A_539 : i32 to index
        %get3A_541 = arith.index_cast %add3A_538 : i32 to index
        %get3A_542 = arith.constant 16 : index
        %get3A_543 = tpu.vector_load %arg7[%get3A_540, %get3A_541, %get3A_542] {strides = array<i32>} : memref<2x320x128xf32, #tpu.memory_space<vmem>>, vector<1x1x16xf32>,
        %get3A_544 = vector.shape_cast %get3A_543 : vector<1x1x16xf32> to vector<16xf32>
        %add3A_545 = arith.addf %add3A_536, %get3A_544 : vector<16xf32>
        %add3A_546 = arith.constant 3 : i32
        %add3A_547 = arith.addi %mul3A_474, %add3A_546 : i32
        %get3A_548 = arith.constant 0 : i32
        %get3A_549 = arith.index_cast %get3A_548 : i32 to index
        %get3A_550 = arith.index_cast %add3A_547 : i32 to index
        %get3A_551 = arith.constant 16 : index
        %get3A_552 = tpu.vector_load %arg7[%get3A_549, %get3A_550, %get3A_551] {strides = array<i32>} : memref<2x320x128xf32, #tpu.memory_space<vmem>>, vector<1x1x16xf32>,
        %get3A_553 = vector.shape_cast %get3A_552 : vector<1x1x16xf32> to vector<16xf32>
        %add3A_554 = arith.addf %add3A_545, %get3A_553 : vector<16xf32>
        %add3A_555 = arith.constant 4 : i32
        %add3A_556 = arith.addi %mul3A_474, %add3A_555 : i32
        %get3A_557 = arith.constant 0 : i32
        %get3A_558 = arith.index_cast %get3A_557 : i32 to index
        %get3A_559 = arith.index_cast %add3A_556 : i32 to index
        %get3A_560 = arith.constant 16 : index
        %get3A_561 = tpu.vector_load %arg7[%get3A_558, %get3A_559, %get3A_560] {strides = array<i32>} : memref<2x320x128xf32, #tpu.memory_space<vmem>>, vector<1x1x16xf32>,
        %get3A_562 = vector.shape_cast %get3A_561 : vector<1x1x16xf32> to vector<16xf32>
        %add3A_563 = arith.addf %add3A_554, %get3A_562 : vector<16xf32>
        %swap3A_564 = arith.constant 0 : i32
        %swap3A_565 = arith.index_cast %swap3A_564 : i32 to index
        %swap3A_566 = arith.index_cast %scan3A_471 : i32 to index
        %swap3A_567 = arith.constant 16 : index
        %swap3A_568 = tpu.vector_load %arg8[%swap3A_565, %swap3A_566, %swap3A_567] {strides = array<i32>} : memref<2x64x128xf32, #tpu.memory_space<vmem>>, vector<1x1x16xf32>,
        %swap3A_569 = vector.shape_cast %swap3A_568 : vector<1x1x16xf32> to vector<16xf32>
        %swap3A_570 = vector.shape_cast %add3A_563 : vector<16xf32> to vector<1x1x16xf32>
        tpu.vector_store %arg8[%swap3A_565, %swap3A_566, %swap3A_567], %swap3A_570 {strides = array<i32>} : memref<2x64x128xf32, #tpu.memory_space<vmem>>, vector<1x1x16xf32>,
        %get3A_571 = arith.constant 0 : i32
        %get3A_572 = arith.index_cast %get3A_571 : i32 to index
        %get3A_573 = arith.index_cast %mul3A_474 : i32 to index
        %get3A_574 = arith.constant 32 : index
        %get3A_575 = tpu.vector_load %arg7[%get3A_572, %get3A_573, %get3A_574] {strides = array<i32>} : memref<2x320x128xf32, #tpu.memory_space<vmem>>, vector<1x1x16xf32>,
        %get3A_576 = vector.shape_cast %get3A_575 : vector<1x1x16xf32> to vector<16xf32>
        %add3A_577 = arith.constant 1 : i32
        %add3A_578 = arith.addi %mul3A_474, %add3A_577 : i32
        %get3A_579 = arith.constant 0 : i32
        %get3A_580 = arith.index_cast %get3A_579 : i32 to index
        %get3A_581 = arith.index_cast %add3A_578 : i32 to index
        %get3A_582 = arith.constant 32 : index
        %get3A_583 = tpu.vector_load %arg7[%get3A_580, %get3A_581, %get3A_582] {strides = array<i32>} : memref<2x320x128xf32, #tpu.memory_space<vmem>>, vector<1x1x16xf32>,
        %get3A_584 = vector.shape_cast %get3A_583 : vector<1x1x16xf32> to vector<16xf32>
        %add3A_585 = arith.addf %get3A_576, %get3A_584 : vector<16xf32>
        %add3A_586 = arith.constant 2 : i32
        %add3A_587 = arith.addi %mul3A_474, %add3A_586 : i32
        %get3A_588 = arith.constant 0 : i32
        %get3A_589 = arith.index_cast %get3A_588 : i32 to index
        %get3A_590 = arith.index_cast %add3A_587 : i32 to index
        %get3A_591 = arith.constant 32 : index
        %get3A_592 = tpu.vector_load %arg7[%get3A_589, %get3A_590, %get3A_591] {strides = array<i32>} : memref<2x320x128xf32, #tpu.memory_space<vmem>>, vector<1x1x16xf32>,
        %get3A_593 = vector.shape_cast %get3A_592 : vector<1x1x16xf32> to vector<16xf32>
        %add3A_594 = arith.addf %add3A_585, %get3A_593 : vector<16xf32>
        %add3A_595 = arith.constant 3 : i32
        %add3A_596 = arith.addi %mul3A_474, %add3A_595 : i32
        %get3A_597 = arith.constant 0 : i32
        %get3A_598 = arith.index_cast %get3A_597 : i32 to index
        %get3A_599 = arith.index_cast %add3A_596 : i32 to index
        %get3A_600 = arith.constant 32 : index
        %get3A_601 = tpu.vector_load %arg7[%get3A_598, %get3A_599, %get3A_600] {strides = array<i32>} : memref<2x320x128xf32, #tpu.memory_space<vmem>>, vector<1x1x16xf32>,
        %get3A_602 = vector.shape_cast %get3A_601 : vector<1x1x16xf32> to vector<16xf32>
        %add3A_603 = arith.addf %add3A_594, %get3A_602 : vector<16xf32>
        %add3A_604 = arith.constant 4 : i32
        %add3A_605 = arith.addi %mul3A_474, %add3A_604 : i32
        %get3A_606 = arith.constant 0 : i32
        %get3A_607 = arith.index_cast %get3A_606 : i32 to index
        %get3A_608 = arith.index_cast %add3A_605 : i32 to index
        %get3A_609 = arith.constant 32 : index
        %get3A_610 = tpu.vector_load %arg7[%get3A_607, %get3A_608, %get3A_609] {strides = array<i32>} : memref<2x320x128xf32, #tpu.memory_space<vmem>>, vector<1x1x16xf32>,
        %get3A_611 = vector.shape_cast %get3A_610 : vector<1x1x16xf32> to vector<16xf32>
        %add3A_612 = arith.addf %add3A_603, %get3A_611 : vector<16xf32>
        %swap3A_613 = arith.constant 0 : i32
        %swap3A_614 = arith.index_cast %swap3A_613 : i32 to index
        %swap3A_615 = arith.index_cast %scan3A_471 : i32 to index
        %swap3A_616 = arith.constant 32 : index
        %swap3A_617 = tpu.vector_load %arg8[%swap3A_614, %swap3A_615, %swap3A_616] {strides = array<i32>} : memref<2x64x128xf32, #tpu.memory_space<vmem>>, vector<1x1x16xf32>,
        %swap3A_618 = vector.shape_cast %swap3A_617 : vector<1x1x16xf32> to vector<16xf32>
        %swap3A_619 = vector.shape_cast %add3A_612 : vector<16xf32> to vector<1x1x16xf32>
        tpu.vector_store %arg8[%swap3A_614, %swap3A_615, %swap3A_616], %swap3A_619 {strides = array<i32>} : memref<2x64x128xf32, #tpu.memory_space<vmem>>, vector<1x1x16xf32>,
        %get3A_620 = arith.constant 0 : i32
        %get3A_621 = arith.index_cast %get3A_620 : i32 to index
        %get3A_622 = arith.index_cast %mul3A_474 : i32 to index
        %get3A_623 = arith.constant 48 : index
        %get3A_624 = tpu.vector_load %arg7[%get3A_621, %get3A_622, %get3A_623] {strides = array<i32>} : memref<2x320x128xf32, #tpu.memory_space<vmem>>, vector<1x1x16xf32>,
        %get3A_625 = vector.shape_cast %get3A_624 : vector<1x1x16xf32> to vector<16xf32>
        %add3A_626 = arith.constant 1 : i32
        %add3A_627 = arith.addi %mul3A_474, %add3A_626 : i32
        %get3A_628 = arith.constant 0 : i32
        %get3A_629 = arith.index_cast %get3A_628 : i32 to index
        %get3A_630 = arith.index_cast %add3A_627 : i32 to index
        %get3A_631 = arith.constant 48 : index
        %get3A_632 = tpu.vector_load %arg7[%get3A_629, %get3A_630, %get3A_631] {strides = array<i32>} : memref<2x320x128xf32, #tpu.memory_space<vmem>>, vector<1x1x16xf32>,
        %get3A_633 = vector.shape_cast %get3A_632 : vector<1x1x16xf32> to vector<16xf32>
        %add3A_634 = arith.addf %get3A_625, %get3A_633 : vector<16xf32>
        %add3A_635 = arith.constant 2 : i32
        %add3A_636 = arith.addi %mul3A_474, %add3A_635 : i32
        %get3A_637 = arith.constant 0 : i32
        %get3A_638 = arith.index_cast %get3A_637 : i32 to index
        %get3A_639 = arith.index_cast %add3A_636 : i32 to index
        %get3A_640 = arith.constant 48 : index
        %get3A_641 = tpu.vector_load %arg7[%get3A_638, %get3A_639, %get3A_640] {strides = array<i32>} : memref<2x320x128xf32, #tpu.memory_space<vmem>>, vector<1x1x16xf32>,
        %get3A_642 = vector.shape_cast %get3A_641 : vector<1x1x16xf32> to vector<16xf32>
        %add3A_643 = arith.addf %add3A_634, %get3A_642 : vector<16xf32>
        %add3A_644 = arith.constant 3 : i32
        %add3A_645 = arith.addi %mul3A_474, %add3A_644 : i32
        %get3A_646 = arith.constant 0 : i32
        %get3A_647 = arith.index_cast %get3A_646 : i32 to index
        %get3A_648 = arith.index_cast %add3A_645 : i32 to index
        %get3A_649 = arith.constant 48 : index
        %get3A_650 = tpu.vector_load %arg7[%get3A_647, %get3A_648, %get3A_649] {strides = array<i32>} : memref<2x320x128xf32, #tpu.memory_space<vmem>>, vector<1x1x16xf32>,
        %get3A_651 = vector.shape_cast %get3A_650 : vector<1x1x16xf32> to vector<16xf32>
        %add3A_652 = arith.addf %add3A_643, %get3A_651 : vector<16xf32>
        %add3A_653 = arith.constant 4 : i32
        %add3A_654 = arith.addi %mul3A_474, %add3A_653 : i32
        %get3A_655 = arith.constant 0 : i32
        %get3A_656 = arith.index_cast %get3A_655 : i32 to index
        %get3A_657 = arith.index_cast %add3A_654 : i32 to index
        %get3A_658 = arith.constant 48 : index
        %get3A_659 = tpu.vector_load %arg7[%get3A_656, %get3A_657, %get3A_658] {strides = array<i32>} : memref<2x320x128xf32, #tpu.memory_space<vmem>>, vector<1x1x16xf32>,
        %get3A_660 = vector.shape_cast %get3A_659 : vector<1x1x16xf32> to vector<16xf32>
        %add3A_661 = arith.addf %add3A_652, %get3A_660 : vector<16xf32>
        %swap3A_662 = arith.constant 0 : i32
        %swap3A_663 = arith.index_cast %swap3A_662 : i32 to index
        %swap3A_664 = arith.index_cast %scan3A_471 : i32 to index
        %swap3A_665 = arith.constant 48 : index
        %swap3A_666 = tpu.vector_load %arg8[%swap3A_663, %swap3A_664, %swap3A_665] {strides = array<i32>} : memref<2x64x128xf32, #tpu.memory_space<vmem>>, vector<1x1x16xf32>,
        %swap3A_667 = vector.shape_cast %swap3A_666 : vector<1x1x16xf32> to vector<16xf32>
        %swap3A_668 = vector.shape_cast %add3A_661 : vector<16xf32> to vector<1x1x16xf32>
        tpu.vector_store %arg8[%swap3A_663, %swap3A_664, %swap3A_665], %swap3A_668 {strides = array<i32>} : memref<2x64x128xf32, #tpu.memory_space<vmem>>, vector<1x1x16xf32>,
        %get3A_669 = arith.constant 0 : i32
        %get3A_670 = arith.index_cast %get3A_669 : i32 to index
        %get3A_671 = arith.index_cast %mul3A_474 : i32 to index
        %get3A_672 = arith.constant 64 : index
        %get3A_673 = tpu.vector_load %arg7[%get3A_670, %get3A_671, %get3A_672] {strides = array<i32>} : memref<2x320x128xf32, #tpu.memory_space<vmem>>, vector<1x1x16xf32>,
        %get3A_674 = vector.shape_cast %get3A_673 : vector<1x1x16xf32> to vector<16xf32>
        %add3A_675 = arith.constant 1 : i32
        %add3A_676 = arith.addi %mul3A_474, %add3A_675 : i32
        %get3A_677 = arith.constant 0 : i32
        %get3A_678 = arith.index_cast %get3A_677 : i32 to index
        %get3A_679 = arith.index_cast %add3A_676 : i32 to index
        %get3A_680 = arith.constant 64 : index
        %get3A_681 = tpu.vector_load %arg7[%get3A_678, %get3A_679, %get3A_680] {strides = array<i32>} : memref<2x320x128xf32, #tpu.memory_space<vmem>>, vector<1x1x16xf32>,
        %get3A_682 = vector.shape_cast %get3A_681 : vector<1x1x16xf32> to vector<16xf32>
        %add3A_683 = arith.addf %get3A_674, %get3A_682 : vector<16xf32>
        %add3A_684 = arith.constant 2 : i32
        %add3A_685 = arith.addi %mul3A_474, %add3A_684 : i32
        %get3A_686 = arith.constant 0 : i32
        %get3A_687 = arith.index_cast %get3A_686 : i32 to index
        %get3A_688 = arith.index_cast %add3A_685 : i32 to index
        %get3A_689 = arith.constant 64 : index
        %get3A_690 = tpu.vector_load %arg7[%get3A_687, %get3A_688, %get3A_689] {strides = array<i32>} : memref<2x320x128xf32, #tpu.memory_space<vmem>>, vector<1x1x16xf32>,
        %get3A_691 = vector.shape_cast %get3A_690 : vector<1x1x16xf32> to vector<16xf32>
        %add3A_692 = arith.addf %add3A_683, %get3A_691 : vector<16xf32>
        %add3A_693 = arith.constant 3 : i32
        %add3A_694 = arith.addi %mul3A_474, %add3A_693 : i32
        %get3A_695 = arith.constant 0 : i32
        %get3A_696 = arith.index_cast %get3A_695 : i32 to index
        %get3A_697 = arith.index_cast %add3A_694 : i32 to index
        %get3A_698 = arith.constant 64 : index
        %get3A_699 = tpu.vector_load %arg7[%get3A_696, %get3A_697, %get3A_698] {strides = array<i32>} : memref<2x320x128xf32, #tpu.memory_space<vmem>>, vector<1x1x16xf32>,
        %get3A_700 = vector.shape_cast %get3A_699 : vector<1x1x16xf32> to vector<16xf32>
        %add3A_701 = arith.addf %add3A_692, %get3A_700 : vector<16xf32>
        %add3A_702 = arith.constant 4 : i32
        %add3A_703 = arith.addi %mul3A_474, %add3A_702 : i32
        %get3A_704 = arith.constant 0 : i32
        %get3A_705 = arith.index_cast %get3A_704 : i32 to index
        %get3A_706 = arith.index_cast %add3A_703 : i32 to index
        %get3A_707 = arith.constant 64 : index
        %get3A_708 = tpu.vector_load %arg7[%get3A_705, %get3A_706, %get3A_707] {strides = array<i32>} : memref<2x320x128xf32, #tpu.memory_space<vmem>>, vector<1x1x16xf32>,
        %get3A_709 = vector.shape_cast %get3A_708 : vector<1x1x16xf32> to vector<16xf32>
        %add3A_710 = arith.addf %add3A_701, %get3A_709 : vector<16xf32>
        %swap3A_711 = arith.constant 0 : i32
        %swap3A_712 = arith.index_cast %swap3A_711 : i32 to index
        %swap3A_713 = arith.index_cast %scan3A_471 : i32 to index
        %swap3A_714 = arith.constant 64 : index
        %swap3A_715 = tpu.vector_load %arg8[%swap3A_712, %swap3A_713, %swap3A_714] {strides = array<i32>} : memref<2x64x128xf32, #tpu.memory_space<vmem>>, vector<1x1x16xf32>,
        %swap3A_716 = vector.shape_cast %swap3A_715 : vector<1x1x16xf32> to vector<16xf32>
        %swap3A_717 = vector.shape_cast %add3A_710 : vector<16xf32> to vector<1x1x16xf32>
        tpu.vector_store %arg8[%swap3A_712, %swap3A_713, %swap3A_714], %swap3A_717 {strides = array<i32>} : memref<2x64x128xf32, #tpu.memory_space<vmem>>, vector<1x1x16xf32>,
        %get3A_718 = arith.constant 0 : i32
        %get3A_719 = arith.index_cast %get3A_718 : i32 to index
        %get3A_720 = arith.index_cast %mul3A_474 : i32 to index
        %get3A_721 = arith.constant 80 : index
        %get3A_722 = tpu.vector_load %arg7[%get3A_719, %get3A_720, %get3A_721] {strides = array<i32>} : memref<2x320x128xf32, #tpu.memory_space<vmem>>, vector<1x1x16xf32>,
        %get3A_723 = vector.shape_cast %get3A_722 : vector<1x1x16xf32> to vector<16xf32>
        %add3A_724 = arith.constant 1 : i32
        %add3A_725 = arith.addi %mul3A_474, %add3A_724 : i32
        %get3A_726 = arith.constant 0 : i32
        %get3A_727 = arith.index_cast %get3A_726 : i32 to index
        %get3A_728 = arith.index_cast %add3A_725 : i32 to index
        %get3A_729 = arith.constant 80 : index
        %get3A_730 = tpu.vector_load %arg7[%get3A_727, %get3A_728, %get3A_729] {strides = array<i32>} : memref<2x320x128xf32, #tpu.memory_space<vmem>>, vector<1x1x16xf32>,
        %get3A_731 = vector.shape_cast %get3A_730 : vector<1x1x16xf32> to vector<16xf32>
        %add3A_732 = arith.addf %get3A_723, %get3A_731 : vector<16xf32>
        %add3A_733 = arith.constant 2 : i32
        %add3A_734 = arith.addi %mul3A_474, %add3A_733 : i32
        %get3A_735 = arith.constant 0 : i32
        %get3A_736 = arith.index_cast %get3A_735 : i32 to index
        %get3A_737 = arith.index_cast %add3A_734 : i32 to index
        %get3A_738 = arith.constant 80 : index
        %get3A_739 = tpu.vector_load %arg7[%get3A_736, %get3A_737, %get3A_738] {strides = array<i32>} : memref<2x320x128xf32, #tpu.memory_space<vmem>>, vector<1x1x16xf32>,
        %get3A_740 = vector.shape_cast %get3A_739 : vector<1x1x16xf32> to vector<16xf32>
        %add3A_741 = arith.addf %add3A_732, %get3A_740 : vector<16xf32>
        %add3A_742 = arith.constant 3 : i32
        %add3A_743 = arith.addi %mul3A_474, %add3A_742 : i32
        %get3A_744 = arith.constant 0 : i32
        %get3A_745 = arith.index_cast %get3A_744 : i32 to index
        %get3A_746 = arith.index_cast %add3A_743 : i32 to index
        %get3A_747 = arith.constant 80 : index
        %get3A_748 = tpu.vector_load %arg7[%get3A_745, %get3A_746, %get3A_747] {strides = array<i32>} : memref<2x320x128xf32, #tpu.memory_space<vmem>>, vector<1x1x16xf32>,
        %get3A_749 = vector.shape_cast %get3A_748 : vector<1x1x16xf32> to vector<16xf32>
        %add3A_750 = arith.addf %add3A_741, %get3A_749 : vector<16xf32>
        %add3A_751 = arith.constant 4 : i32
        %add3A_752 = arith.addi %mul3A_474, %add3A_751 : i32
        %get3A_753 = arith.constant 0 : i32
        %get3A_754 = arith.index_cast %get3A_753 : i32 to index
        %get3A_755 = arith.index_cast %add3A_752 : i32 to index
        %get3A_756 = arith.constant 80 : index
        %get3A_757 = tpu.vector_load %arg7[%get3A_754, %get3A_755, %get3A_756] {strides = array<i32>} : memref<2x320x128xf32, #tpu.memory_space<vmem>>, vector<1x1x16xf32>,
        %get3A_758 = vector.shape_cast %get3A_757 : vector<1x1x16xf32> to vector<16xf32>
        %add3A_759 = arith.addf %add3A_750, %get3A_758 : vector<16xf32>
        %swap3A_760 = arith.constant 0 : i32
        %swap3A_761 = arith.index_cast %swap3A_760 : i32 to index
        %swap3A_762 = arith.index_cast %scan3A_471 : i32 to index
        %swap3A_763 = arith.constant 80 : index
        %swap3A_764 = tpu.vector_load %arg8[%swap3A_761, %swap3A_762, %swap3A_763] {strides = array<i32>} : memref<2x64x128xf32, #tpu.memory_space<vmem>>, vector<1x1x16xf32>,
        %swap3A_765 = vector.shape_cast %swap3A_764 : vector<1x1x16xf32> to vector<16xf32>
        %swap3A_766 = vector.shape_cast %add3A_759 : vector<16xf32> to vector<1x1x16xf32>
        tpu.vector_store %arg8[%swap3A_761, %swap3A_762, %swap3A_763], %swap3A_766 {strides = array<i32>} : memref<2x64x128xf32, #tpu.memory_space<vmem>>, vector<1x1x16xf32>,
        %get3A_767 = arith.constant 0 : i32
        %get3A_768 = arith.index_cast %get3A_767 : i32 to index
        %get3A_769 = arith.index_cast %mul3A_474 : i32 to index
        %get3A_770 = arith.constant 96 : index
        %get3A_771 = tpu.vector_load %arg7[%get3A_768, %get3A_769, %get3A_770] {strides = array<i32>} : memref<2x320x128xf32, #tpu.memory_space<vmem>>, vector<1x1x16xf32>,
        %get3A_772 = vector.shape_cast %get3A_771 : vector<1x1x16xf32> to vector<16xf32>
        %add3A_773 = arith.constant 1 : i32
        %add3A_774 = arith.addi %mul3A_474, %add3A_773 : i32
        %get3A_775 = arith.constant 0 : i32
        %get3A_776 = arith.index_cast %get3A_775 : i32 to index
        %get3A_777 = arith.index_cast %add3A_774 : i32 to index
        %get3A_778 = arith.constant 96 : index
        %get3A_779 = tpu.vector_load %arg7[%get3A_776, %get3A_777, %get3A_778] {strides = array<i32>} : memref<2x320x128xf32, #tpu.memory_space<vmem>>, vector<1x1x16xf32>,
        %get3A_780 = vector.shape_cast %get3A_779 : vector<1x1x16xf32> to vector<16xf32>
        %add3A_781 = arith.addf %get3A_772, %get3A_780 : vector<16xf32>
        %add3A_782 = arith.constant 2 : i32
        %add3A_783 = arith.addi %mul3A_474, %add3A_782 : i32
        %get3A_784 = arith.constant 0 : i32
        %get3A_785 = arith.index_cast %get3A_784 : i32 to index
        %get3A_786 = arith.index_cast %add3A_783 : i32 to index
        %get3A_787 = arith.constant 96 : index
        %get3A_788 = tpu.vector_load %arg7[%get3A_785, %get3A_786, %get3A_787] {strides = array<i32>} : memref<2x320x128xf32, #tpu.memory_space<vmem>>, vector<1x1x16xf32>,
        %get3A_789 = vector.shape_cast %get3A_788 : vector<1x1x16xf32> to vector<16xf32>
        %add3A_790 = arith.addf %add3A_781, %get3A_789 : vector<16xf32>
        %add3A_791 = arith.constant 3 : i32
        %add3A_792 = arith.addi %mul3A_474, %add3A_791 : i32
        %get3A_793 = arith.constant 0 : i32
        %get3A_794 = arith.index_cast %get3A_793 : i32 to index
        %get3A_795 = arith.index_cast %add3A_792 : i32 to index
        %get3A_796 = arith.constant 96 : index
        %get3A_797 = tpu.vector_load %arg7[%get3A_794, %get3A_795, %get3A_796] {strides = array<i32>} : memref<2x320x128xf32, #tpu.memory_space<vmem>>, vector<1x1x16xf32>,
        %get3A_798 = vector.shape_cast %get3A_797 : vector<1x1x16xf32> to vector<16xf32>
        %add3A_799 = arith.addf %add3A_790, %get3A_798 : vector<16xf32>
        %add3A_800 = arith.constant 4 : i32
        %add3A_801 = arith.addi %mul3A_474, %add3A_800 : i32
        %get3A_802 = arith.constant 0 : i32
        %get3A_803 = arith.index_cast %get3A_802 : i32 to index
        %get3A_804 = arith.index_cast %add3A_801 : i32 to index
        %get3A_805 = arith.constant 96 : index
        %get3A_806 = tpu.vector_load %arg7[%get3A_803, %get3A_804, %get3A_805] {strides = array<i32>} : memref<2x320x128xf32, #tpu.memory_space<vmem>>, vector<1x1x16xf32>,
        %get3A_807 = vector.shape_cast %get3A_806 : vector<1x1x16xf32> to vector<16xf32>
        %add3A_808 = arith.addf %add3A_799, %get3A_807 : vector<16xf32>
        %swap3A_809 = arith.constant 0 : i32
        %swap3A_810 = arith.index_cast %swap3A_809 : i32 to index
        %swap3A_811 = arith.index_cast %scan3A_471 : i32 to index
        %swap3A_812 = arith.constant 96 : index
        %swap3A_813 = tpu.vector_load %arg8[%swap3A_810, %swap3A_811, %swap3A_812] {strides = array<i32>} : memref<2x64x128xf32, #tpu.memory_space<vmem>>, vector<1x1x16xf32>,
        %swap3A_814 = vector.shape_cast %swap3A_813 : vector<1x1x16xf32> to vector<16xf32>
        %swap3A_815 = vector.shape_cast %add3A_808 : vector<16xf32> to vector<1x1x16xf32>
        tpu.vector_store %arg8[%swap3A_810, %swap3A_811, %swap3A_812], %swap3A_815 {strides = array<i32>} : memref<2x64x128xf32, #tpu.memory_space<vmem>>, vector<1x1x16xf32>,
        %get3A_816 = arith.constant 0 : i32
        %get3A_817 = arith.index_cast %get3A_816 : i32 to index
        %get3A_818 = arith.index_cast %mul3A_474 : i32 to index
        %get3A_819 = arith.constant 112 : index
        %get3A_820 = tpu.vector_load %arg7[%get3A_817, %get3A_818, %get3A_819] {strides = array<i32>} : memref<2x320x128xf32, #tpu.memory_space<vmem>>, vector<1x1x16xf32>,
        %get3A_821 = vector.shape_cast %get3A_820 : vector<1x1x16xf32> to vector<16xf32>
        %add3A_822 = arith.constant 1 : i32
        %add3A_823 = arith.addi %mul3A_474, %add3A_822 : i32
        %get3A_824 = arith.constant 0 : i32
        %get3A_825 = arith.index_cast %get3A_824 : i32 to index
        %get3A_826 = arith.index_cast %add3A_823 : i32 to index
        %get3A_827 = arith.constant 112 : index
        %get3A_828 = tpu.vector_load %arg7[%get3A_825, %get3A_826, %get3A_827] {strides = array<i32>} : memref<2x320x128xf32, #tpu.memory_space<vmem>>, vector<1x1x16xf32>,
        %get3A_829 = vector.shape_cast %get3A_828 : vector<1x1x16xf32> to vector<16xf32>
        %add3A_830 = arith.addf %get3A_821, %get3A_829 : vector<16xf32>
        %add3A_831 = arith.constant 2 : i32
        %add3A_832 = arith.addi %mul3A_474, %add3A_831 : i32
        %get3A_833 = arith.constant 0 : i32
        %get3A_834 = arith.index_cast %get3A_833 : i32 to index
        %get3A_835 = arith.index_cast %add3A_832 : i32 to index
        %get3A_836 = arith.constant 112 : index
        %get3A_837 = tpu.vector_load %arg7[%get3A_834, %get3A_835, %get3A_836] {strides = array<i32>} : memref<2x320x128xf32, #tpu.memory_space<vmem>>, vector<1x1x16xf32>,
        %get3A_838 = vector.shape_cast %get3A_837 : vector<1x1x16xf32> to vector<16xf32>
        %add3A_839 = arith.addf %add3A_830, %get3A_838 : vector<16xf32>
        %add3A_840 = arith.constant 3 : i32
        %add3A_841 = arith.addi %mul3A_474, %add3A_840 : i32
        %get3A_842 = arith.constant 0 : i32
        %get3A_843 = arith.index_cast %get3A_842 : i32 to index
        %get3A_844 = arith.index_cast %add3A_841 : i32 to index
        %get3A_845 = arith.constant 112 : index
        %get3A_846 = tpu.vector_load %arg7[%get3A_843, %get3A_844, %get3A_845] {strides = array<i32>} : memref<2x320x128xf32, #tpu.memory_space<vmem>>, vector<1x1x16xf32>,
        %get3A_847 = vector.shape_cast %get3A_846 : vector<1x1x16xf32> to vector<16xf32>
        %add3A_848 = arith.addf %add3A_839, %get3A_847 : vector<16xf32>
        %add3A_849 = arith.constant 4 : i32
        %add3A_850 = arith.addi %mul3A_474, %add3A_849 : i32
        %get3A_851 = arith.constant 0 : i32
        %get3A_852 = arith.index_cast %get3A_851 : i32 to index
        %get3A_853 = arith.index_cast %add3A_850 : i32 to index
        %get3A_854 = arith.constant 112 : index
        %get3A_855 = tpu.vector_load %arg7[%get3A_852, %get3A_853, %get3A_854] {strides = array<i32>} : memref<2x320x128xf32, #tpu.memory_space<vmem>>, vector<1x1x16xf32>,
        %get3A_856 = vector.shape_cast %get3A_855 : vector<1x1x16xf32> to vector<16xf32>
        %add3A_857 = arith.addf %add3A_848, %get3A_856 : vector<16xf32>
        %swap3A_858 = arith.constant 0 : i32
        %swap3A_859 = arith.index_cast %swap3A_858 : i32 to index
        %swap3A_860 = arith.index_cast %scan3A_471 : i32 to index
        %swap3A_861 = arith.constant 112 : index
        %swap3A_862 = tpu.vector_load %arg8[%swap3A_859, %swap3A_860, %swap3A_861] {strides = array<i32>} : memref<2x64x128xf32, #tpu.memory_space<vmem>>, vector<1x1x16xf32>,
        %swap3A_863 = vector.shape_cast %swap3A_862 : vector<1x1x16xf32> to vector<16xf32>
        %swap3A_864 = vector.shape_cast %add3A_857 : vector<16xf32> to vector<1x1x16xf32>
        tpu.vector_store %arg8[%swap3A_859, %swap3A_860, %swap3A_861], %swap3A_864 {strides = array<i32>} : memref<2x64x128xf32, #tpu.memory_space<vmem>>, vector<1x1x16xf32>,
        %scan3A_865 = arith.constant 0 : i32
        scf.yield %scan3A_865 : i32
      }
      %scan3A_367 = arith.constant 64 : i32
      %mul3A_368 = arith.constant 64 : i32
      %mul3A_369 = arith.muli %mul3A_252, %mul3A_368 : i32
      %add3A_370 = arith.addi %mul3A_2, %mul3A_369 : i32
      %dma_start3A_371 = arith.constant 0 : i32
      %dma_start3A_372 = arith.constant 0 : i32
      %dma_start3A_373 = arith.constant 0 : i32
      %dma_start3A_374 = tpu.memref_slice %arg8[%dma_start3A_371, %dma_start3A_372, %dma_start3A_373] : memref<2x64x128xf32, #tpu.memory_space<vmem>> -> memref<1x64x128xf32, #tpu.memory_space<vmem>>
      %dma_start3A_375 = tpu.memref_squeeze %dma_start3A_374 : memref<1x64x128xf32, #tpu.memory_space<vmem>> -> memref<64x128xf32, #tpu.memory_space<vmem>>
      %dma_start3A_376 = arith.constant 0 : i32
      %dma_start3A_377 = tpu.memref_slice %arg5[%add3A_370, %dma_start3A_376] : memref<28672x128xf32, #tpu.memory_space<hbm>> -> memref<64x128xf32, #tpu.memory_space<hbm>>
      %dma_start3A_378 = arith.constant 0 : i32
      %dma_start3A_379 = tpu.memref_slice %arg5[%add3A_370, %dma_start3A_378] : memref<28672x128xf32, #tpu.memory_space<hbm>> -> memref<64x128xf32, #tpu.memory_space<hbm>>
      %dma_start3A_380 = arith.constant 0 : i32
      %dma_start3A_381 = arith.constant 0 : i32
      %dma_start3A_382 = tpu.memref_slice %arg8[%dma_start3A_371, %dma_start3A_380, %dma_start3A_381] : memref<2x64x128xf32, #tpu.memory_space<vmem>> -> memref<1x64x128xf32, #tpu.memory_space<vmem>>
      %dma_start3A_383 = tpu.memref_squeeze %dma_start3A_382 : memref<1x64x128xf32, #tpu.memory_space<vmem>> -> memref<64x128xf32, #tpu.memory_space<vmem>>
      tpu.enqueue_dma source(%dma_start3A_383 : memref<64x128xf32, #tpu.memory_space<vmem>>) target(%dma_start3A_379 : memref<64x128xf32, #tpu.memory_space<hbm>>) target_semaphore(%arg11 : memref<!tpu.dma_semaphore, #tpu.memory_space<semaphore_mem>>)
      %add3A_384 = arith.constant 1 : i32
      %add3A_385 = arith.addi %add3A_254, %add3A_384 : i32
      %lt3A = arith.constant 13 : i32
      %lt3A_386 = arith.cmpi slt, %add3A_385, %lt3A : i32
      %convert_element_type3A_387 = arith.extui %lt3A_386 : i1 to i32
      %cond3A_388 = arith.constant 0 : i32
      %cond3A_389 = arith.cmpi ne, %convert_element_type3A_387, %cond3A_388 : i32
      scf.if %cond3A_389 {
        %add3A_471 = arith.constant 1 : i32
        %add3A_472 = arith.addi %add3A_254, %add3A_471 : i32
        %mul3A_473 = arith.constant 320 : i32
        %mul3A_474 = arith.muli %add3A_472, %mul3A_473 : i32
        %add3A_475 = arith.constant 0 : i32
        %add3A_476 = arith.addi %mul3A_474, %add3A_475 : i32
        %mul3A_477 = arith.constant 320 : i32
        %mul3A_478 = arith.muli %add3A_472, %mul3A_477 : i32
        %add3A_479 = arith.constant 80 : i32
        %add3A_480 = arith.addi %mul3A_478, %add3A_479 : i32
        %mul3A_481 = arith.constant 320 : i32
        %mul3A_482 = arith.muli %add3A_472, %mul3A_481 : i32
        %add3A_483 = arith.constant 160 : i32
        %add3A_484 = arith.addi %mul3A_482, %add3A_483 : i32
        %mul3A_485 = arith.constant 320 : i32
        %mul3A_486 = arith.muli %add3A_472, %mul3A_485 : i32
        %add3A_487 = arith.constant 240 : i32
        %add3A_488 = arith.addi %mul3A_486, %add3A_487 : i32
        %dma_start3A_489 = arith.constant 0 : i32
        %dma_start3A_490 = arith.constant 0 : i32
        %dma_start3A_491 = arith.constant 0 : i32
        %dma_start3A_492 = tpu.memref_slice %arg7[%dma_start3A_489, %dma_start3A_490, %dma_start3A_491] : memref<2x320x128xf32, #tpu.memory_space<vmem>> -> memref<1x80x128xf32, #tpu.memory_space<vmem>>
        %dma_start3A_493 = tpu.memref_squeeze %dma_start3A_492 : memref<1x80x128xf32, #tpu.memory_space<vmem>> -> memref<80x128xf32, #tpu.memory_space<vmem>>
        %dma_start3A_494 = tpu.memref_slice %arg6[%add3A_476] : memref<4160xi32, #tpu.memory_space<vmem>> -> memref<80xi32, #tpu.memory_space<vmem>>
        %dma_start3A_495 = arith.constant 0 : i32
        %dma_start3A_496 = arith.constant 0 : i32
        %dma_start3A_497 = tpu.memref_slice %arg2[%dma_start3A_495, %dma_start3A_496] : memref<31200x128xf32, #tpu.memory_space<hbm>> -> memref<31200x128xf32, #tpu.memory_space<hbm>>
        tpu.enqueue_indirect_dma source(%dma_start3A_497 : memref<31200x128xf32, #tpu.memory_space<hbm>>) target(%dma_start3A_493 : memref<80x128xf32, #tpu.memory_space<vmem>>) offsets(%dma_start3A_494 : memref<80xi32, #tpu.memory_space<vmem>>) semaphore(%arg9 : memref<!tpu.dma_semaphore, #tpu.memory_space<semaphore_mem>>)
        %dma_start3A_498 = arith.constant 0 : i32
        %dma_start3A_499 = arith.constant 80 : i32
        %dma_start3A_500 = arith.constant 0 : i32
        %dma_start3A_501 = tpu.memref_slice %arg7[%dma_start3A_498, %dma_start3A_499, %dma_start3A_500] : memref<2x320x128xf32, #tpu.memory_space<vmem>> -> memref<1x80x128xf32, #tpu.memory_space<vmem>>
        %dma_start3A_502 = tpu.memref_squeeze %dma_start3A_501 : memref<1x80x128xf32, #tpu.memory_space<vmem>> -> memref<80x128xf32, #tpu.memory_space<vmem>>
        %dma_start3A_503 = tpu.memref_slice %arg6[%add3A_480] : memref<4160xi32, #tpu.memory_space<vmem>> -> memref<80xi32, #tpu.memory_space<vmem>>
        %dma_start3A_504 = arith.constant 0 : i32
        %dma_start3A_505 = arith.constant 0 : i32
        %dma_start3A_506 = tpu.memref_slice %arg2[%dma_start3A_504, %dma_start3A_505] : memref<31200x128xf32, #tpu.memory_space<hbm>> -> memref<31200x128xf32, #tpu.memory_space<hbm>>
        tpu.enqueue_indirect_dma source(%dma_start3A_506 : memref<31200x128xf32, #tpu.memory_space<hbm>>) target(%dma_start3A_502 : memref<80x128xf32, #tpu.memory_space<vmem>>) offsets(%dma_start3A_503 : memref<80xi32, #tpu.memory_space<vmem>>) semaphore(%arg9 : memref<!tpu.dma_semaphore, #tpu.memory_space<semaphore_mem>>)
        %dma_start3A_507 = arith.constant 0 : i32
        %dma_start3A_508 = arith.constant 160 : i32
        %dma_start3A_509 = arith.constant 0 : i32
        %dma_start3A_510 = tpu.memref_slice %arg7[%dma_start3A_507, %dma_start3A_508, %dma_start3A_509] : memref<2x320x128xf32, #tpu.memory_space<vmem>> -> memref<1x80x128xf32, #tpu.memory_space<vmem>>
        %dma_start3A_511 = tpu.memref_squeeze %dma_start3A_510 : memref<1x80x128xf32, #tpu.memory_space<vmem>> -> memref<80x128xf32, #tpu.memory_space<vmem>>
        %dma_start3A_512 = tpu.memref_slice %arg6[%add3A_484] : memref<4160xi32, #tpu.memory_space<vmem>> -> memref<80xi32, #tpu.memory_space<vmem>>
        %dma_start3A_513 = arith.constant 0 : i32
        %dma_start3A_514 = arith.constant 0 : i32
        %dma_start3A_515 = tpu.memref_slice %arg2[%dma_start3A_513, %dma_start3A_514] : memref<31200x128xf32, #tpu.memory_space<hbm>> -> memref<31200x128xf32, #tpu.memory_space<hbm>>
        tpu.enqueue_indirect_dma source(%dma_start3A_515 : memref<31200x128xf32, #tpu.memory_space<hbm>>) target(%dma_start3A_511 : memref<80x128xf32, #tpu.memory_space<vmem>>) offsets(%dma_start3A_512 : memref<80xi32, #tpu.memory_space<vmem>>) semaphore(%arg9 : memref<!tpu.dma_semaphore, #tpu.memory_space<semaphore_mem>>)
        %dma_start3A_516 = arith.constant 0 : i32
        %dma_start3A_517 = arith.constant 240 : i32
        %dma_start3A_518 = arith.constant 0 : i32
        %dma_start3A_519 = tpu.memref_slice %arg7[%dma_start3A_516, %dma_start3A_517, %dma_start3A_518] : memref<2x320x128xf32, #tpu.memory_space<vmem>> -> memref<1x80x128xf32, #tpu.memory_space<vmem>>
        %dma_start3A_520 = tpu.memref_squeeze %dma_start3A_519 : memref<1x80x128xf32, #tpu.memory_space<vmem>> -> memref<80x128xf32, #tpu.memory_space<vmem>>
        %dma_start3A_521 = tpu.memref_slice %arg6[%add3A_488] : memref<4160xi32, #tpu.memory_space<vmem>> -> memref<80xi32, #tpu.memory_space<vmem>>
        %dma_start3A_522 = arith.constant 0 : i32
        %dma_start3A_523 = arith.constant 0 : i32
        %dma_start3A_524 = tpu.memref_slice %arg2[%dma_start3A_522, %dma_start3A_523] : memref<31200x128xf32, #tpu.memory_space<hbm>> -> memref<31200x128xf32, #tpu.memory_space<hbm>>
        tpu.enqueue_indirect_dma source(%dma_start3A_524 : memref<31200x128xf32, #tpu.memory_space<hbm>>) target(%dma_start3A_520 : memref<80x128xf32, #tpu.memory_space<vmem>>) offsets(%dma_start3A_521 : memref<80xi32, #tpu.memory_space<vmem>>) semaphore(%arg9 : memref<!tpu.dma_semaphore, #tpu.memory_space<semaphore_mem>>)
      } else {
      }
      %mul3A_390 = arith.constant 320 : i32
      %mul3A_391 = arith.muli %add3A_254, %mul3A_390 : i32
      %add3A_392 = arith.constant 0 : i32
      %add3A_393 = arith.addi %mul3A_391, %add3A_392 : i32
      %mul3A_394 = arith.constant 320 : i32
      %mul3A_395 = arith.muli %add3A_254, %mul3A_394 : i32
      %add3A_396 = arith.constant 80 : i32
      %add3A_397 = arith.addi %mul3A_395, %add3A_396 : i32
      %mul3A_398 = arith.constant 320 : i32
      %mul3A_399 = arith.muli %add3A_254, %mul3A_398 : i32
      %add3A_400 = arith.constant 160 : i32
      %add3A_401 = arith.addi %mul3A_399, %add3A_400 : i32
      %mul3A_402 = arith.constant 320 : i32
      %mul3A_403 = arith.muli %add3A_254, %mul3A_402 : i32
      %add3A_404 = arith.constant 240 : i32
      %add3A_405 = arith.addi %mul3A_403, %add3A_404 : i32
      %dma_wait3A_406 = arith.constant 1 : i32
      %dma_wait3A_407 = arith.constant 0 : i32
      %dma_wait3A_408 = arith.constant 0 : i32
      %dma_wait3A_409 = tpu.memref_slice %arg7[%dma_wait3A_406, %dma_wait3A_407, %dma_wait3A_408] : memref<2x320x128xf32, #tpu.memory_space<vmem>> -> memref<1x80x128xf32, #tpu.memory_space<vmem>>
      %dma_wait3A_410 = tpu.memref_squeeze %dma_wait3A_409 : memref<1x80x128xf32, #tpu.memory_space<vmem>> -> memref<80x128xf32, #tpu.memory_space<vmem>>
      %dma_wait3A_411 = tpu.memref_slice %arg6[%add3A_393] : memref<4160xi32, #tpu.memory_space<vmem>> -> memref<80xi32, #tpu.memory_space<vmem>>
      %dma_wait3A_412 = arith.constant 0 : i32
      %dma_wait3A_413 = arith.constant 0 : i32
      %dma_wait3A_414 = tpu.memref_slice %arg2[%dma_wait3A_412, %dma_wait3A_413] : memref<31200x128xf32, #tpu.memory_space<hbm>> -> memref<31200x128xf32, #tpu.memory_space<hbm>>
      tpu.wait_indirect_dma semaphore(%arg10 : memref<!tpu.dma_semaphore, #tpu.memory_space<semaphore_mem>>) src(%dma_wait3A_414 : memref<31200x128xf32, #tpu.memory_space<hbm>>) dst(%dma_wait3A_410 : memref<80x128xf32, #tpu.memory_space<vmem>>)
      %dma_wait3A_415 = arith.constant 1 : i32
      %dma_wait3A_416 = arith.constant 80 : i32
      %dma_wait3A_417 = arith.constant 0 : i32
      %dma_wait3A_418 = tpu.memref_slice %arg7[%dma_wait3A_415, %dma_wait3A_416, %dma_wait3A_417] : memref<2x320x128xf32, #tpu.memory_space<vmem>> -> memref<1x80x128xf32, #tpu.memory_space<vmem>>
      %dma_wait3A_419 = tpu.memref_squeeze %dma_wait3A_418 : memref<1x80x128xf32, #tpu.memory_space<vmem>> -> memref<80x128xf32, #tpu.memory_space<vmem>>
      %dma_wait3A_420 = tpu.memref_slice %arg6[%add3A_397] : memref<4160xi32, #tpu.memory_space<vmem>> -> memref<80xi32, #tpu.memory_space<vmem>>
      %dma_wait3A_421 = arith.constant 0 : i32
      %dma_wait3A_422 = arith.constant 0 : i32
      %dma_wait3A_423 = tpu.memref_slice %arg2[%dma_wait3A_421, %dma_wait3A_422] : memref<31200x128xf32, #tpu.memory_space<hbm>> -> memref<31200x128xf32, #tpu.memory_space<hbm>>
      tpu.wait_indirect_dma semaphore(%arg10 : memref<!tpu.dma_semaphore, #tpu.memory_space<semaphore_mem>>) src(%dma_wait3A_423 : memref<31200x128xf32, #tpu.memory_space<hbm>>) dst(%dma_wait3A_419 : memref<80x128xf32, #tpu.memory_space<vmem>>)
      %dma_wait3A_424 = arith.constant 1 : i32
      %dma_wait3A_425 = arith.constant 160 : i32
      %dma_wait3A_426 = arith.constant 0 : i32
      %dma_wait3A_427 = tpu.memref_slice %arg7[%dma_wait3A_424, %dma_wait3A_425, %dma_wait3A_426] : memref<2x320x128xf32, #tpu.memory_space<vmem>> -> memref<1x80x128xf32, #tpu.memory_space<vmem>>
      %dma_wait3A_428 = tpu.memref_squeeze %dma_wait3A_427 : memref<1x80x128xf32, #tpu.memory_space<vmem>> -> memref<80x128xf32, #tpu.memory_space<vmem>>
      %dma_wait3A_429 = tpu.memref_slice %arg6[%add3A_401] : memref<4160xi32, #tpu.memory_space<vmem>> -> memref<80xi32, #tpu.memory_space<vmem>>
      %dma_wait3A_430 = arith.constant 0 : i32
      %dma_wait3A_431 = arith.constant 0 : i32
      %dma_wait3A_432 = tpu.memref_slice %arg2[%dma_wait3A_430, %dma_wait3A_431] : memref<31200x128xf32, #tpu.memory_space<hbm>> -> memref<31200x128xf32, #tpu.memory_space<hbm>>
      tpu.wait_indirect_dma semaphore(%arg10 : memref<!tpu.dma_semaphore, #tpu.memory_space<semaphore_mem>>) src(%dma_wait3A_432 : memref<31200x128xf32, #tpu.memory_space<hbm>>) dst(%dma_wait3A_428 : memref<80x128xf32, #tpu.memory_space<vmem>>)
      %dma_wait3A_433 = arith.constant 1 : i32
      %dma_wait3A_434 = arith.constant 240 : i32
      %dma_wait3A_435 = arith.constant 0 : i32
      %dma_wait3A_436 = tpu.memref_slice %arg7[%dma_wait3A_433, %dma_wait3A_434, %dma_wait3A_435] : memref<2x320x128xf32, #tpu.memory_space<vmem>> -> memref<1x80x128xf32, #tpu.memory_space<vmem>>
      %dma_wait3A_437 = tpu.memref_squeeze %dma_wait3A_436 : memref<1x80x128xf32, #tpu.memory_space<vmem>> -> memref<80x128xf32, #tpu.memory_space<vmem>>
      %dma_wait3A_438 = tpu.memref_slice %arg6[%add3A_405] : memref<4160xi32, #tpu.memory_space<vmem>> -> memref<80xi32, #tpu.memory_space<vmem>>
      %dma_wait3A_439 = arith.constant 0 : i32
      %dma_wait3A_440 = arith.constant 0 : i32
      %dma_wait3A_441 = tpu.memref_slice %arg2[%dma_wait3A_439, %dma_wait3A_440] : memref<31200x128xf32, #tpu.memory_space<hbm>> -> memref<31200x128xf32, #tpu.memory_space<hbm>>
      tpu.wait_indirect_dma semaphore(%arg10 : memref<!tpu.dma_semaphore, #tpu.memory_space<semaphore_mem>>) src(%dma_wait3A_441 : memref<31200x128xf32, #tpu.memory_space<hbm>>) dst(%dma_wait3A_437 : memref<80x128xf32, #tpu.memory_space<vmem>>)
      %ge3A_442 = arith.constant 2 : i32
      %ge3A_443 = arith.cmpi sge, %add3A_254, %ge3A_442 : i32
      %convert_element_type3A_444 = arith.extui %ge3A_443 : i1 to i32
      %cond3A_445 = arith.constant 0 : i32
      %cond3A_446 = arith.cmpi ne, %convert_element_type3A_444, %cond3A_445 : i32
      scf.if %cond3A_446 {
        %sub3A = arith.constant 2 : i32
        %sub3A_471 = arith.subi %add3A_254, %sub3A : i32
        %mul3A_472 = arith.constant 64 : i32
        %mul3A_473 = arith.muli %sub3A_471, %mul3A_472 : i32
        %add3A_474 = arith.addi %mul3A_2, %mul3A_473 : i32
        %dma_wait3A_475 = arith.constant 1 : i32
        %dma_wait3A_476 = arith.constant 0 : i32
        %dma_wait3A_477 = arith.constant 0 : i32
        %dma_wait3A_478 = tpu.memref_slice %arg8[%dma_wait3A_475, %dma_wait3A_476, %dma_wait3A_477] : memref<2x64x128xf32, #tpu.memory_space<vmem>> -> memref<1x64x128xf32, #tpu.memory_space<vmem>>
        %dma_wait3A_479 = tpu.memref_squeeze %dma_wait3A_478 : memref<1x64x128xf32, #tpu.memory_space<vmem>> -> memref<64x128xf32, #tpu.memory_space<vmem>>
        %dma_wait3A_480 = arith.constant 0 : i32
        %dma_wait3A_481 = tpu.memref_slice %arg5[%add3A_474, %dma_wait3A_480] : memref<28672x128xf32, #tpu.memory_space<hbm>> -> memref<64x128xf32, #tpu.memory_space<hbm>>
        %dma_wait3A_482 = arith.constant 0 : i32
        %dma_wait3A_483 = tpu.memref_slice %arg5[%add3A_474, %dma_wait3A_482] : memref<28672x128xf32, #tpu.memory_space<hbm>> -> memref<64x128xf32, #tpu.memory_space<hbm>>
        %dma_wait3A_484 = arith.constant 0 : i32
        %dma_wait3A_485 = arith.constant 0 : i32
        %dma_wait3A_486 = tpu.memref_slice %arg8[%dma_wait3A_475, %dma_wait3A_484, %dma_wait3A_485] : memref<2x64x128xf32, #tpu.memory_space<vmem>> -> memref<1x64x128xf32, #tpu.memory_space<vmem>>
        %dma_wait3A_487 = tpu.memref_squeeze %dma_wait3A_486 : memref<1x64x128xf32, #tpu.memory_space<vmem>> -> memref<64x128xf32, #tpu.memory_space<vmem>>
        tpu.wait_dma2 semaphore(%arg12 : memref<!tpu.dma_semaphore, #tpu.memory_space<semaphore_mem>>) src(%dma_wait3A_487 : memref<64x128xf32, #tpu.memory_space<vmem>>) dst(%dma_wait3A_483 : memref<64x128xf32, #tpu.memory_space<hbm>>)
      } else {
      }
      %scan3A_447 = arith.constant 0 : i32
      %scan3A_448 = arith.constant 0 : i32
      %scan3A_449 = arith.constant 64 : i32
      %scan3A_450 = arith.addi %scan3A_448, %scan3A_449 : i32
      %scan3A_451 = arith.constant 1 : i32
      %scan3A_452 = scf.for %scan3A_471 = %scan3A_448 to %scan3A_450 step %scan3A_451 iter_args(%scan3A_472 = %scan3A_447) -> (i32)  : i32 {
        %mul3A_473 = arith.constant 5 : i32
        %mul3A_474 = arith.muli %scan3A_471, %mul3A_473 : i32
        %get3A = arith.constant 1 : i32
        %get3A_475 = arith.index_cast %get3A : i32 to index
        %get3A_476 = arith.index_cast %mul3A_474 : i32 to index
        %get3A_477 = arith.constant 0 : index
        %get3A_478 = tpu.vector_load %arg7[%get3A_475, %get3A_476, %get3A_477] {strides = array<i32>} : memref<2x320x128xf32, #tpu.memory_space<vmem>>, vector<1x1x16xf32>,
        %get3A_479 = vector.shape_cast %get3A_478 : vector<1x1x16xf32> to vector<16xf32>
        %add3A_480 = arith.constant 1 : i32
        %add3A_481 = arith.addi %mul3A_474, %add3A_480 : i32
        %get3A_482 = arith.constant 1 : i32
        %get3A_483 = arith.index_cast %get3A_482 : i32 to index
        %get3A_484 = arith.index_cast %add3A_481 : i32 to index
        %get3A_485 = arith.constant 0 : index
        %get3A_486 = tpu.vector_load %arg7[%get3A_483, %get3A_484, %get3A_485] {strides = array<i32>} : memref<2x320x128xf32, #tpu.memory_space<vmem>>, vector<1x1x16xf32>,
        %get3A_487 = vector.shape_cast %get3A_486 : vector<1x1x16xf32> to vector<16xf32>
        %add3A_488 = arith.addf %get3A_479, %get3A_487 : vector<16xf32>
        %add3A_489 = arith.constant 2 : i32
        %add3A_490 = arith.addi %mul3A_474, %add3A_489 : i32
        %get3A_491 = arith.constant 1 : i32
        %get3A_492 = arith.index_cast %get3A_491 : i32 to index
        %get3A_493 = arith.index_cast %add3A_490 : i32 to index
        %get3A_494 = arith.constant 0 : index
        %get3A_495 = tpu.vector_load %arg7[%get3A_492, %get3A_493, %get3A_494] {strides = array<i32>} : memref<2x320x128xf32, #tpu.memory_space<vmem>>, vector<1x1x16xf32>,
        %get3A_496 = vector.shape_cast %get3A_495 : vector<1x1x16xf32> to vector<16xf32>
        %add3A_497 = arith.addf %add3A_488, %get3A_496 : vector<16xf32>
        %add3A_498 = arith.constant 3 : i32
        %add3A_499 = arith.addi %mul3A_474, %add3A_498 : i32
        %get3A_500 = arith.constant 1 : i32
        %get3A_501 = arith.index_cast %get3A_500 : i32 to index
        %get3A_502 = arith.index_cast %add3A_499 : i32 to index
        %get3A_503 = arith.constant 0 : index
        %get3A_504 = tpu.vector_load %arg7[%get3A_501, %get3A_502, %get3A_503] {strides = array<i32>} : memref<2x320x128xf32, #tpu.memory_space<vmem>>, vector<1x1x16xf32>,
        %get3A_505 = vector.shape_cast %get3A_504 : vector<1x1x16xf32> to vector<16xf32>
        %add3A_506 = arith.addf %add3A_497, %get3A_505 : vector<16xf32>
        %add3A_507 = arith.constant 4 : i32
        %add3A_508 = arith.addi %mul3A_474, %add3A_507 : i32
        %get3A_509 = arith.constant 1 : i32
        %get3A_510 = arith.index_cast %get3A_509 : i32 to index
        %get3A_511 = arith.index_cast %add3A_508 : i32 to index
        %get3A_512 = arith.constant 0 : index
        %get3A_513 = tpu.vector_load %arg7[%get3A_510, %get3A_511, %get3A_512] {strides = array<i32>} : memref<2x320x128xf32, #tpu.memory_space<vmem>>, vector<1x1x16xf32>,
        %get3A_514 = vector.shape_cast %get3A_513 : vector<1x1x16xf32> to vector<16xf32>
        %add3A_515 = arith.addf %add3A_506, %get3A_514 : vector<16xf32>
        %swap3A = arith.constant 1 : i32
        %swap3A_516 = arith.index_cast %swap3A : i32 to index
        %swap3A_517 = arith.index_cast %scan3A_471 : i32 to index
        %swap3A_518 = arith.constant 0 : index
        %swap3A_519 = tpu.vector_load %arg8[%swap3A_516, %swap3A_517, %swap3A_518] {strides = array<i32>} : memref<2x64x128xf32, #tpu.memory_space<vmem>>, vector<1x1x16xf32>,
        %swap3A_520 = vector.shape_cast %swap3A_519 : vector<1x1x16xf32> to vector<16xf32>
        %swap3A_521 = vector.shape_cast %add3A_515 : vector<16xf32> to vector<1x1x16xf32>
        tpu.vector_store %arg8[%swap3A_516, %swap3A_517, %swap3A_518], %swap3A_521 {strides = array<i32>} : memref<2x64x128xf32, #tpu.memory_space<vmem>>, vector<1x1x16xf32>,
        %get3A_522 = arith.constant 1 : i32
        %get3A_523 = arith.index_cast %get3A_522 : i32 to index
        %get3A_524 = arith.index_cast %mul3A_474 : i32 to index
        %get3A_525 = arith.constant 16 : index
        %get3A_526 = tpu.vector_load %arg7[%get3A_523, %get3A_524, %get3A_525] {strides = array<i32>} : memref<2x320x128xf32, #tpu.memory_space<vmem>>, vector<1x1x16xf32>,
        %get3A_527 = vector.shape_cast %get3A_526 : vector<1x1x16xf32> to vector<16xf32>
        %add3A_528 = arith.constant 1 : i32
        %add3A_529 = arith.addi %mul3A_474, %add3A_528 : i32
        %get3A_530 = arith.constant 1 : i32
        %get3A_531 = arith.index_cast %get3A_530 : i32 to index
        %get3A_532 = arith.index_cast %add3A_529 : i32 to index
        %get3A_533 = arith.constant 16 : index
        %get3A_534 = tpu.vector_load %arg7[%get3A_531, %get3A_532, %get3A_533] {strides = array<i32>} : memref<2x320x128xf32, #tpu.memory_space<vmem>>, vector<1x1x16xf32>,
        %get3A_535 = vector.shape_cast %get3A_534 : vector<1x1x16xf32> to vector<16xf32>
        %add3A_536 = arith.addf %get3A_527, %get3A_535 : vector<16xf32>
        %add3A_537 = arith.constant 2 : i32
        %add3A_538 = arith.addi %mul3A_474, %add3A_537 : i32
        %get3A_539 = arith.constant 1 : i32
        %get3A_540 = arith.index_cast %get3A_539 : i32 to index
        %get3A_541 = arith.index_cast %add3A_538 : i32 to index
        %get3A_542 = arith.constant 16 : index
        %get3A_543 = tpu.vector_load %arg7[%get3A_540, %get3A_541, %get3A_542] {strides = array<i32>} : memref<2x320x128xf32, #tpu.memory_space<vmem>>, vector<1x1x16xf32>,
        %get3A_544 = vector.shape_cast %get3A_543 : vector<1x1x16xf32> to vector<16xf32>
        %add3A_545 = arith.addf %add3A_536, %get3A_544 : vector<16xf32>
        %add3A_546 = arith.constant 3 : i32
        %add3A_547 = arith.addi %mul3A_474, %add3A_546 : i32
        %get3A_548 = arith.constant 1 : i32
        %get3A_549 = arith.index_cast %get3A_548 : i32 to index
        %get3A_550 = arith.index_cast %add3A_547 : i32 to index
        %get3A_551 = arith.constant 16 : index
        %get3A_552 = tpu.vector_load %arg7[%get3A_549, %get3A_550, %get3A_551] {strides = array<i32>} : memref<2x320x128xf32, #tpu.memory_space<vmem>>, vector<1x1x16xf32>,
        %get3A_553 = vector.shape_cast %get3A_552 : vector<1x1x16xf32> to vector<16xf32>
        %add3A_554 = arith.addf %add3A_545, %get3A_553 : vector<16xf32>
        %add3A_555 = arith.constant 4 : i32
        %add3A_556 = arith.addi %mul3A_474, %add3A_555 : i32
        %get3A_557 = arith.constant 1 : i32
        %get3A_558 = arith.index_cast %get3A_557 : i32 to index
        %get3A_559 = arith.index_cast %add3A_556 : i32 to index
        %get3A_560 = arith.constant 16 : index
        %get3A_561 = tpu.vector_load %arg7[%get3A_558, %get3A_559, %get3A_560] {strides = array<i32>} : memref<2x320x128xf32, #tpu.memory_space<vmem>>, vector<1x1x16xf32>,
        %get3A_562 = vector.shape_cast %get3A_561 : vector<1x1x16xf32> to vector<16xf32>
        %add3A_563 = arith.addf %add3A_554, %get3A_562 : vector<16xf32>
        %swap3A_564 = arith.constant 1 : i32
        %swap3A_565 = arith.index_cast %swap3A_564 : i32 to index
        %swap3A_566 = arith.index_cast %scan3A_471 : i32 to index
        %swap3A_567 = arith.constant 16 : index
        %swap3A_568 = tpu.vector_load %arg8[%swap3A_565, %swap3A_566, %swap3A_567] {strides = array<i32>} : memref<2x64x128xf32, #tpu.memory_space<vmem>>, vector<1x1x16xf32>,
        %swap3A_569 = vector.shape_cast %swap3A_568 : vector<1x1x16xf32> to vector<16xf32>
        %swap3A_570 = vector.shape_cast %add3A_563 : vector<16xf32> to vector<1x1x16xf32>
        tpu.vector_store %arg8[%swap3A_565, %swap3A_566, %swap3A_567], %swap3A_570 {strides = array<i32>} : memref<2x64x128xf32, #tpu.memory_space<vmem>>, vector<1x1x16xf32>,
        %get3A_571 = arith.constant 1 : i32
        %get3A_572 = arith.index_cast %get3A_571 : i32 to index
        %get3A_573 = arith.index_cast %mul3A_474 : i32 to index
        %get3A_574 = arith.constant 32 : index
        %get3A_575 = tpu.vector_load %arg7[%get3A_572, %get3A_573, %get3A_574] {strides = array<i32>} : memref<2x320x128xf32, #tpu.memory_space<vmem>>, vector<1x1x16xf32>,
        %get3A_576 = vector.shape_cast %get3A_575 : vector<1x1x16xf32> to vector<16xf32>
        %add3A_577 = arith.constant 1 : i32
        %add3A_578 = arith.addi %mul3A_474, %add3A_577 : i32
        %get3A_579 = arith.constant 1 : i32
        %get3A_580 = arith.index_cast %get3A_579 : i32 to index
        %get3A_581 = arith.index_cast %add3A_578 : i32 to index
        %get3A_582 = arith.constant 32 : index
        %get3A_583 = tpu.vector_load %arg7[%get3A_580, %get3A_581, %get3A_582] {strides = array<i32>} : memref<2x320x128xf32, #tpu.memory_space<vmem>>, vector<1x1x16xf32>,
        %get3A_584 = vector.shape_cast %get3A_583 : vector<1x1x16xf32> to vector<16xf32>
        %add3A_585 = arith.addf %get3A_576, %get3A_584 : vector<16xf32>
        %add3A_586 = arith.constant 2 : i32
        %add3A_587 = arith.addi %mul3A_474, %add3A_586 : i32
        %get3A_588 = arith.constant 1 : i32
        %get3A_589 = arith.index_cast %get3A_588 : i32 to index
        %get3A_590 = arith.index_cast %add3A_587 : i32 to index
        %get3A_591 = arith.constant 32 : index
        %get3A_592 = tpu.vector_load %arg7[%get3A_589, %get3A_590, %get3A_591] {strides = array<i32>} : memref<2x320x128xf32, #tpu.memory_space<vmem>>, vector<1x1x16xf32>,
        %get3A_593 = vector.shape_cast %get3A_592 : vector<1x1x16xf32> to vector<16xf32>
        %add3A_594 = arith.addf %add3A_585, %get3A_593 : vector<16xf32>
        %add3A_595 = arith.constant 3 : i32
        %add3A_596 = arith.addi %mul3A_474, %add3A_595 : i32
        %get3A_597 = arith.constant 1 : i32
        %get3A_598 = arith.index_cast %get3A_597 : i32 to index
        %get3A_599 = arith.index_cast %add3A_596 : i32 to index
        %get3A_600 = arith.constant 32 : index
        %get3A_601 = tpu.vector_load %arg7[%get3A_598, %get3A_599, %get3A_600] {strides = array<i32>} : memref<2x320x128xf32, #tpu.memory_space<vmem>>, vector<1x1x16xf32>,
        %get3A_602 = vector.shape_cast %get3A_601 : vector<1x1x16xf32> to vector<16xf32>
        %add3A_603 = arith.addf %add3A_594, %get3A_602 : vector<16xf32>
        %add3A_604 = arith.constant 4 : i32
        %add3A_605 = arith.addi %mul3A_474, %add3A_604 : i32
        %get3A_606 = arith.constant 1 : i32
        %get3A_607 = arith.index_cast %get3A_606 : i32 to index
        %get3A_608 = arith.index_cast %add3A_605 : i32 to index
        %get3A_609 = arith.constant 32 : index
        %get3A_610 = tpu.vector_load %arg7[%get3A_607, %get3A_608, %get3A_609] {strides = array<i32>} : memref<2x320x128xf32, #tpu.memory_space<vmem>>, vector<1x1x16xf32>,
        %get3A_611 = vector.shape_cast %get3A_610 : vector<1x1x16xf32> to vector<16xf32>
        %add3A_612 = arith.addf %add3A_603, %get3A_611 : vector<16xf32>
        %swap3A_613 = arith.constant 1 : i32
        %swap3A_614 = arith.index_cast %swap3A_613 : i32 to index
        %swap3A_615 = arith.index_cast %scan3A_471 : i32 to index
        %swap3A_616 = arith.constant 32 : index
        %swap3A_617 = tpu.vector_load %arg8[%swap3A_614, %swap3A_615, %swap3A_616] {strides = array<i32>} : memref<2x64x128xf32, #tpu.memory_space<vmem>>, vector<1x1x16xf32>,
        %swap3A_618 = vector.shape_cast %swap3A_617 : vector<1x1x16xf32> to vector<16xf32>
        %swap3A_619 = vector.shape_cast %add3A_612 : vector<16xf32> to vector<1x1x16xf32>
        tpu.vector_store %arg8[%swap3A_614, %swap3A_615, %swap3A_616], %swap3A_619 {strides = array<i32>} : memref<2x64x128xf32, #tpu.memory_space<vmem>>, vector<1x1x16xf32>,
        %get3A_620 = arith.constant 1 : i32
        %get3A_621 = arith.index_cast %get3A_620 : i32 to index
        %get3A_622 = arith.index_cast %mul3A_474 : i32 to index
        %get3A_623 = arith.constant 48 : index
        %get3A_624 = tpu.vector_load %arg7[%get3A_621, %get3A_622, %get3A_623] {strides = array<i32>} : memref<2x320x128xf32, #tpu.memory_space<vmem>>, vector<1x1x16xf32>,
        %get3A_625 = vector.shape_cast %get3A_624 : vector<1x1x16xf32> to vector<16xf32>
        %add3A_626 = arith.constant 1 : i32
        %add3A_627 = arith.addi %mul3A_474, %add3A_626 : i32
        %get3A_628 = arith.constant 1 : i32
        %get3A_629 = arith.index_cast %get3A_628 : i32 to index
        %get3A_630 = arith.index_cast %add3A_627 : i32 to index
        %get3A_631 = arith.constant 48 : index
        %get3A_632 = tpu.vector_load %arg7[%get3A_629, %get3A_630, %get3A_631] {strides = array<i32>} : memref<2x320x128xf32, #tpu.memory_space<vmem>>, vector<1x1x16xf32>,
        %get3A_633 = vector.shape_cast %get3A_632 : vector<1x1x16xf32> to vector<16xf32>
        %add3A_634 = arith.addf %get3A_625, %get3A_633 : vector<16xf32>
        %add3A_635 = arith.constant 2 : i32
        %add3A_636 = arith.addi %mul3A_474, %add3A_635 : i32
        %get3A_637 = arith.constant 1 : i32
        %get3A_638 = arith.index_cast %get3A_637 : i32 to index
        %get3A_639 = arith.index_cast %add3A_636 : i32 to index
        %get3A_640 = arith.constant 48 : index
        %get3A_641 = tpu.vector_load %arg7[%get3A_638, %get3A_639, %get3A_640] {strides = array<i32>} : memref<2x320x128xf32, #tpu.memory_space<vmem>>, vector<1x1x16xf32>,
        %get3A_642 = vector.shape_cast %get3A_641 : vector<1x1x16xf32> to vector<16xf32>
        %add3A_643 = arith.addf %add3A_634, %get3A_642 : vector<16xf32>
        %add3A_644 = arith.constant 3 : i32
        %add3A_645 = arith.addi %mul3A_474, %add3A_644 : i32
        %get3A_646 = arith.constant 1 : i32
        %get3A_647 = arith.index_cast %get3A_646 : i32 to index
        %get3A_648 = arith.index_cast %add3A_645 : i32 to index
        %get3A_649 = arith.constant 48 : index
        %get3A_650 = tpu.vector_load %arg7[%get3A_647, %get3A_648, %get3A_649] {strides = array<i32>} : memref<2x320x128xf32, #tpu.memory_space<vmem>>, vector<1x1x16xf32>,
        %get3A_651 = vector.shape_cast %get3A_650 : vector<1x1x16xf32> to vector<16xf32>
        %add3A_652 = arith.addf %add3A_643, %get3A_651 : vector<16xf32>
        %add3A_653 = arith.constant 4 : i32
        %add3A_654 = arith.addi %mul3A_474, %add3A_653 : i32
        %get3A_655 = arith.constant 1 : i32
        %get3A_656 = arith.index_cast %get3A_655 : i32 to index
        %get3A_657 = arith.index_cast %add3A_654 : i32 to index
        %get3A_658 = arith.constant 48 : index
        %get3A_659 = tpu.vector_load %arg7[%get3A_656, %get3A_657, %get3A_658] {strides = array<i32>} : memref<2x320x128xf32, #tpu.memory_space<vmem>>, vector<1x1x16xf32>,
        %get3A_660 = vector.shape_cast %get3A_659 : vector<1x1x16xf32> to vector<16xf32>
        %add3A_661 = arith.addf %add3A_652, %get3A_660 : vector<16xf32>
        %swap3A_662 = arith.constant 1 : i32
        %swap3A_663 = arith.index_cast %swap3A_662 : i32 to index
        %swap3A_664 = arith.index_cast %scan3A_471 : i32 to index
        %swap3A_665 = arith.constant 48 : index
        %swap3A_666 = tpu.vector_load %arg8[%swap3A_663, %swap3A_664, %swap3A_665] {strides = array<i32>} : memref<2x64x128xf32, #tpu.memory_space<vmem>>, vector<1x1x16xf32>,
        %swap3A_667 = vector.shape_cast %swap3A_666 : vector<1x1x16xf32> to vector<16xf32>
        %swap3A_668 = vector.shape_cast %add3A_661 : vector<16xf32> to vector<1x1x16xf32>
        tpu.vector_store %arg8[%swap3A_663, %swap3A_664, %swap3A_665], %swap3A_668 {strides = array<i32>} : memref<2x64x128xf32, #tpu.memory_space<vmem>>, vector<1x1x16xf32>,
        %get3A_669 = arith.constant 1 : i32
        %get3A_670 = arith.index_cast %get3A_669 : i32 to index
        %get3A_671 = arith.index_cast %mul3A_474 : i32 to index
        %get3A_672 = arith.constant 64 : index
        %get3A_673 = tpu.vector_load %arg7[%get3A_670, %get3A_671, %get3A_672] {strides = array<i32>} : memref<2x320x128xf32, #tpu.memory_space<vmem>>, vector<1x1x16xf32>,
        %get3A_674 = vector.shape_cast %get3A_673 : vector<1x1x16xf32> to vector<16xf32>
        %add3A_675 = arith.constant 1 : i32
        %add3A_676 = arith.addi %mul3A_474, %add3A_675 : i32
        %get3A_677 = arith.constant 1 : i32
        %get3A_678 = arith.index_cast %get3A_677 : i32 to index
        %get3A_679 = arith.index_cast %add3A_676 : i32 to index
        %get3A_680 = arith.constant 64 : index
        %get3A_681 = tpu.vector_load %arg7[%get3A_678, %get3A_679, %get3A_680] {strides = array<i32>} : memref<2x320x128xf32, #tpu.memory_space<vmem>>, vector<1x1x16xf32>,
        %get3A_682 = vector.shape_cast %get3A_681 : vector<1x1x16xf32> to vector<16xf32>
        %add3A_683 = arith.addf %get3A_674, %get3A_682 : vector<16xf32>
        %add3A_684 = arith.constant 2 : i32
        %add3A_685 = arith.addi %mul3A_474, %add3A_684 : i32
        %get3A_686 = arith.constant 1 : i32
        %get3A_687 = arith.index_cast %get3A_686 : i32 to index
        %get3A_688 = arith.index_cast %add3A_685 : i32 to index
        %get3A_689 = arith.constant 64 : index
        %get3A_690 = tpu.vector_load %arg7[%get3A_687, %get3A_688, %get3A_689] {strides = array<i32>} : memref<2x320x128xf32, #tpu.memory_space<vmem>>, vector<1x1x16xf32>,
        %get3A_691 = vector.shape_cast %get3A_690 : vector<1x1x16xf32> to vector<16xf32>
        %add3A_692 = arith.addf %add3A_683, %get3A_691 : vector<16xf32>
        %add3A_693 = arith.constant 3 : i32
        %add3A_694 = arith.addi %mul3A_474, %add3A_693 : i32
        %get3A_695 = arith.constant 1 : i32
        %get3A_696 = arith.index_cast %get3A_695 : i32 to index
        %get3A_697 = arith.index_cast %add3A_694 : i32 to index
        %get3A_698 = arith.constant 64 : index
        %get3A_699 = tpu.vector_load %arg7[%get3A_696, %get3A_697, %get3A_698] {strides = array<i32>} : memref<2x320x128xf32, #tpu.memory_space<vmem>>, vector<1x1x16xf32>,
        %get3A_700 = vector.shape_cast %get3A_699 : vector<1x1x16xf32> to vector<16xf32>
        %add3A_701 = arith.addf %add3A_692, %get3A_700 : vector<16xf32>
        %add3A_702 = arith.constant 4 : i32
        %add3A_703 = arith.addi %mul3A_474, %add3A_702 : i32
        %get3A_704 = arith.constant 1 : i32
        %get3A_705 = arith.index_cast %get3A_704 : i32 to index
        %get3A_706 = arith.index_cast %add3A_703 : i32 to index
        %get3A_707 = arith.constant 64 : index
        %get3A_708 = tpu.vector_load %arg7[%get3A_705, %get3A_706, %get3A_707] {strides = array<i32>} : memref<2x320x128xf32, #tpu.memory_space<vmem>>, vector<1x1x16xf32>,
        %get3A_709 = vector.shape_cast %get3A_708 : vector<1x1x16xf32> to vector<16xf32>
        %add3A_710 = arith.addf %add3A_701, %get3A_709 : vector<16xf32>
        %swap3A_711 = arith.constant 1 : i32
        %swap3A_712 = arith.index_cast %swap3A_711 : i32 to index
        %swap3A_713 = arith.index_cast %scan3A_471 : i32 to index
        %swap3A_714 = arith.constant 64 : index
        %swap3A_715 = tpu.vector_load %arg8[%swap3A_712, %swap3A_713, %swap3A_714] {strides = array<i32>} : memref<2x64x128xf32, #tpu.memory_space<vmem>>, vector<1x1x16xf32>,
        %swap3A_716 = vector.shape_cast %swap3A_715 : vector<1x1x16xf32> to vector<16xf32>
        %swap3A_717 = vector.shape_cast %add3A_710 : vector<16xf32> to vector<1x1x16xf32>
        tpu.vector_store %arg8[%swap3A_712, %swap3A_713, %swap3A_714], %swap3A_717 {strides = array<i32>} : memref<2x64x128xf32, #tpu.memory_space<vmem>>, vector<1x1x16xf32>,
        %get3A_718 = arith.constant 1 : i32
        %get3A_719 = arith.index_cast %get3A_718 : i32 to index
        %get3A_720 = arith.index_cast %mul3A_474 : i32 to index
        %get3A_721 = arith.constant 80 : index
        %get3A_722 = tpu.vector_load %arg7[%get3A_719, %get3A_720, %get3A_721] {strides = array<i32>} : memref<2x320x128xf32, #tpu.memory_space<vmem>>, vector<1x1x16xf32>,
        %get3A_723 = vector.shape_cast %get3A_722 : vector<1x1x16xf32> to vector<16xf32>
        %add3A_724 = arith.constant 1 : i32
        %add3A_725 = arith.addi %mul3A_474, %add3A_724 : i32
        %get3A_726 = arith.constant 1 : i32
        %get3A_727 = arith.index_cast %get3A_726 : i32 to index
        %get3A_728 = arith.index_cast %add3A_725 : i32 to index
        %get3A_729 = arith.constant 80 : index
        %get3A_730 = tpu.vector_load %arg7[%get3A_727, %get3A_728, %get3A_729] {strides = array<i32>} : memref<2x320x128xf32, #tpu.memory_space<vmem>>, vector<1x1x16xf32>,
        %get3A_731 = vector.shape_cast %get3A_730 : vector<1x1x16xf32> to vector<16xf32>
        %add3A_732 = arith.addf %get3A_723, %get3A_731 : vector<16xf32>
        %add3A_733 = arith.constant 2 : i32
        %add3A_734 = arith.addi %mul3A_474, %add3A_733 : i32
        %get3A_735 = arith.constant 1 : i32
        %get3A_736 = arith.index_cast %get3A_735 : i32 to index
        %get3A_737 = arith.index_cast %add3A_734 : i32 to index
        %get3A_738 = arith.constant 80 : index
        %get3A_739 = tpu.vector_load %arg7[%get3A_736, %get3A_737, %get3A_738] {strides = array<i32>} : memref<2x320x128xf32, #tpu.memory_space<vmem>>, vector<1x1x16xf32>,
        %get3A_740 = vector.shape_cast %get3A_739 : vector<1x1x16xf32> to vector<16xf32>
        %add3A_741 = arith.addf %add3A_732, %get3A_740 : vector<16xf32>
        %add3A_742 = arith.constant 3 : i32
        %add3A_743 = arith.addi %mul3A_474, %add3A_742 : i32
        %get3A_744 = arith.constant 1 : i32
        %get3A_745 = arith.index_cast %get3A_744 : i32 to index
        %get3A_746 = arith.index_cast %add3A_743 : i32 to index
        %get3A_747 = arith.constant 80 : index
        %get3A_748 = tpu.vector_load %arg7[%get3A_745, %get3A_746, %get3A_747] {strides = array<i32>} : memref<2x320x128xf32, #tpu.memory_space<vmem>>, vector<1x1x16xf32>,
        %get3A_749 = vector.shape_cast %get3A_748 : vector<1x1x16xf32> to vector<16xf32>
        %add3A_750 = arith.addf %add3A_741, %get3A_749 : vector<16xf32>
        %add3A_751 = arith.constant 4 : i32
        %add3A_752 = arith.addi %mul3A_474, %add3A_751 : i32
        %get3A_753 = arith.constant 1 : i32
        %get3A_754 = arith.index_cast %get3A_753 : i32 to index
        %get3A_755 = arith.index_cast %add3A_752 : i32 to index
        %get3A_756 = arith.constant 80 : index
        %get3A_757 = tpu.vector_load %arg7[%get3A_754, %get3A_755, %get3A_756] {strides = array<i32>} : memref<2x320x128xf32, #tpu.memory_space<vmem>>, vector<1x1x16xf32>,
        %get3A_758 = vector.shape_cast %get3A_757 : vector<1x1x16xf32> to vector<16xf32>
        %add3A_759 = arith.addf %add3A_750, %get3A_758 : vector<16xf32>
        %swap3A_760 = arith.constant 1 : i32
        %swap3A_761 = arith.index_cast %swap3A_760 : i32 to index
        %swap3A_762 = arith.index_cast %scan3A_471 : i32 to index
        %swap3A_763 = arith.constant 80 : index
        %swap3A_764 = tpu.vector_load %arg8[%swap3A_761, %swap3A_762, %swap3A_763] {strides = array<i32>} : memref<2x64x128xf32, #tpu.memory_space<vmem>>, vector<1x1x16xf32>,
        %swap3A_765 = vector.shape_cast %swap3A_764 : vector<1x1x16xf32> to vector<16xf32>
        %swap3A_766 = vector.shape_cast %add3A_759 : vector<16xf32> to vector<1x1x16xf32>
        tpu.vector_store %arg8[%swap3A_761, %swap3A_762, %swap3A_763], %swap3A_766 {strides = array<i32>} : memref<2x64x128xf32, #tpu.memory_space<vmem>>, vector<1x1x16xf32>,
        %get3A_767 = arith.constant 1 : i32
        %get3A_768 = arith.index_cast %get3A_767 : i32 to index
        %get3A_769 = arith.index_cast %mul3A_474 : i32 to index
        %get3A_770 = arith.constant 96 : index
        %get3A_771 = tpu.vector_load %arg7[%get3A_768, %get3A_769, %get3A_770] {strides = array<i32>} : memref<2x320x128xf32, #tpu.memory_space<vmem>>, vector<1x1x16xf32>,
        %get3A_772 = vector.shape_cast %get3A_771 : vector<1x1x16xf32> to vector<16xf32>
        %add3A_773 = arith.constant 1 : i32
        %add3A_774 = arith.addi %mul3A_474, %add3A_773 : i32
        %get3A_775 = arith.constant 1 : i32
        %get3A_776 = arith.index_cast %get3A_775 : i32 to index
        %get3A_777 = arith.index_cast %add3A_774 : i32 to index
        %get3A_778 = arith.constant 96 : index
        %get3A_779 = tpu.vector_load %arg7[%get3A_776, %get3A_777, %get3A_778] {strides = array<i32>} : memref<2x320x128xf32, #tpu.memory_space<vmem>>, vector<1x1x16xf32>,
        %get3A_780 = vector.shape_cast %get3A_779 : vector<1x1x16xf32> to vector<16xf32>
        %add3A_781 = arith.addf %get3A_772, %get3A_780 : vector<16xf32>
        %add3A_782 = arith.constant 2 : i32
        %add3A_783 = arith.addi %mul3A_474, %add3A_782 : i32
        %get3A_784 = arith.constant 1 : i32
        %get3A_785 = arith.index_cast %get3A_784 : i32 to index
        %get3A_786 = arith.index_cast %add3A_783 : i32 to index
        %get3A_787 = arith.constant 96 : index
        %get3A_788 = tpu.vector_load %arg7[%get3A_785, %get3A_786, %get3A_787] {strides = array<i32>} : memref<2x320x128xf32, #tpu.memory_space<vmem>>, vector<1x1x16xf32>,
        %get3A_789 = vector.shape_cast %get3A_788 : vector<1x1x16xf32> to vector<16xf32>
        %add3A_790 = arith.addf %add3A_781, %get3A_789 : vector<16xf32>
        %add3A_791 = arith.constant 3 : i32
        %add3A_792 = arith.addi %mul3A_474, %add3A_791 : i32
        %get3A_793 = arith.constant 1 : i32
        %get3A_794 = arith.index_cast %get3A_793 : i32 to index
        %get3A_795 = arith.index_cast %add3A_792 : i32 to index
        %get3A_796 = arith.constant 96 : index
        %get3A_797 = tpu.vector_load %arg7[%get3A_794, %get3A_795, %get3A_796] {strides = array<i32>} : memref<2x320x128xf32, #tpu.memory_space<vmem>>, vector<1x1x16xf32>,
        %get3A_798 = vector.shape_cast %get3A_797 : vector<1x1x16xf32> to vector<16xf32>
        %add3A_799 = arith.addf %add3A_790, %get3A_798 : vector<16xf32>
        %add3A_800 = arith.constant 4 : i32
        %add3A_801 = arith.addi %mul3A_474, %add3A_800 : i32
        %get3A_802 = arith.constant 1 : i32
        %get3A_803 = arith.index_cast %get3A_802 : i32 to index
        %get3A_804 = arith.index_cast %add3A_801 : i32 to index
        %get3A_805 = arith.constant 96 : index
        %get3A_806 = tpu.vector_load %arg7[%get3A_803, %get3A_804, %get3A_805] {strides = array<i32>} : memref<2x320x128xf32, #tpu.memory_space<vmem>>, vector<1x1x16xf32>,
        %get3A_807 = vector.shape_cast %get3A_806 : vector<1x1x16xf32> to vector<16xf32>
        %add3A_808 = arith.addf %add3A_799, %get3A_807 : vector<16xf32>
        %swap3A_809 = arith.constant 1 : i32
        %swap3A_810 = arith.index_cast %swap3A_809 : i32 to index
        %swap3A_811 = arith.index_cast %scan3A_471 : i32 to index
        %swap3A_812 = arith.constant 96 : index
        %swap3A_813 = tpu.vector_load %arg8[%swap3A_810, %swap3A_811, %swap3A_812] {strides = array<i32>} : memref<2x64x128xf32, #tpu.memory_space<vmem>>, vector<1x1x16xf32>,
        %swap3A_814 = vector.shape_cast %swap3A_813 : vector<1x1x16xf32> to vector<16xf32>
        %swap3A_815 = vector.shape_cast %add3A_808 : vector<16xf32> to vector<1x1x16xf32>
        tpu.vector_store %arg8[%swap3A_810, %swap3A_811, %swap3A_812], %swap3A_815 {strides = array<i32>} : memref<2x64x128xf32, #tpu.memory_space<vmem>>, vector<1x1x16xf32>,
        %get3A_816 = arith.constant 1 : i32
        %get3A_817 = arith.index_cast %get3A_816 : i32 to index
        %get3A_818 = arith.index_cast %mul3A_474 : i32 to index
        %get3A_819 = arith.constant 112 : index
        %get3A_820 = tpu.vector_load %arg7[%get3A_817, %get3A_818, %get3A_819] {strides = array<i32>} : memref<2x320x128xf32, #tpu.memory_space<vmem>>, vector<1x1x16xf32>,
        %get3A_821 = vector.shape_cast %get3A_820 : vector<1x1x16xf32> to vector<16xf32>
        %add3A_822 = arith.constant 1 : i32
        %add3A_823 = arith.addi %mul3A_474, %add3A_822 : i32
        %get3A_824 = arith.constant 1 : i32
        %get3A_825 = arith.index_cast %get3A_824 : i32 to index
        %get3A_826 = arith.index_cast %add3A_823 : i32 to index
        %get3A_827 = arith.constant 112 : index
        %get3A_828 = tpu.vector_load %arg7[%get3A_825, %get3A_826, %get3A_827] {strides = array<i32>} : memref<2x320x128xf32, #tpu.memory_space<vmem>>, vector<1x1x16xf32>,
        %get3A_829 = vector.shape_cast %get3A_828 : vector<1x1x16xf32> to vector<16xf32>
        %add3A_830 = arith.addf %get3A_821, %get3A_829 : vector<16xf32>
        %add3A_831 = arith.constant 2 : i32
        %add3A_832 = arith.addi %mul3A_474, %add3A_831 : i32
        %get3A_833 = arith.constant 1 : i32
        %get3A_834 = arith.index_cast %get3A_833 : i32 to index
        %get3A_835 = arith.index_cast %add3A_832 : i32 to index
        %get3A_836 = arith.constant 112 : index
        %get3A_837 = tpu.vector_load %arg7[%get3A_834, %get3A_835, %get3A_836] {strides = array<i32>} : memref<2x320x128xf32, #tpu.memory_space<vmem>>, vector<1x1x16xf32>,
        %get3A_838 = vector.shape_cast %get3A_837 : vector<1x1x16xf32> to vector<16xf32>
        %add3A_839 = arith.addf %add3A_830, %get3A_838 : vector<16xf32>
        %add3A_840 = arith.constant 3 : i32
        %add3A_841 = arith.addi %mul3A_474, %add3A_840 : i32
        %get3A_842 = arith.constant 1 : i32
        %get3A_843 = arith.index_cast %get3A_842 : i32 to index
        %get3A_844 = arith.index_cast %add3A_841 : i32 to index
        %get3A_845 = arith.constant 112 : index
        %get3A_846 = tpu.vector_load %arg7[%get3A_843, %get3A_844, %get3A_845] {strides = array<i32>} : memref<2x320x128xf32, #tpu.memory_space<vmem>>, vector<1x1x16xf32>,
        %get3A_847 = vector.shape_cast %get3A_846 : vector<1x1x16xf32> to vector<16xf32>
        %add3A_848 = arith.addf %add3A_839, %get3A_847 : vector<16xf32>
        %add3A_849 = arith.constant 4 : i32
        %add3A_850 = arith.addi %mul3A_474, %add3A_849 : i32
        %get3A_851 = arith.constant 1 : i32
        %get3A_852 = arith.index_cast %get3A_851 : i32 to index
        %get3A_853 = arith.index_cast %add3A_850 : i32 to index
        %get3A_854 = arith.constant 112 : index
        %get3A_855 = tpu.vector_load %arg7[%get3A_852, %get3A_853, %get3A_854] {strides = array<i32>} : memref<2x320x128xf32, #tpu.memory_space<vmem>>, vector<1x1x16xf32>,
        %get3A_856 = vector.shape_cast %get3A_855 : vector<1x1x16xf32> to vector<16xf32>
        %add3A_857 = arith.addf %add3A_848, %get3A_856 : vector<16xf32>
        %swap3A_858 = arith.constant 1 : i32
        %swap3A_859 = arith.index_cast %swap3A_858 : i32 to index
        %swap3A_860 = arith.index_cast %scan3A_471 : i32 to index
        %swap3A_861 = arith.constant 112 : index
        %swap3A_862 = tpu.vector_load %arg8[%swap3A_859, %swap3A_860, %swap3A_861] {strides = array<i32>} : memref<2x64x128xf32, #tpu.memory_space<vmem>>, vector<1x1x16xf32>,
        %swap3A_863 = vector.shape_cast %swap3A_862 : vector<1x1x16xf32> to vector<16xf32>
        %swap3A_864 = vector.shape_cast %add3A_857 : vector<16xf32> to vector<1x1x16xf32>
        tpu.vector_store %arg8[%swap3A_859, %swap3A_860, %swap3A_861], %swap3A_864 {strides = array<i32>} : memref<2x64x128xf32, #tpu.memory_space<vmem>>, vector<1x1x16xf32>,
        %scan3A_865 = arith.constant 0 : i32
        scf.yield %scan3A_865 : i32
      }
      %scan3A_453 = arith.constant 64 : i32
      %mul3A_454 = arith.constant 64 : i32
      %mul3A_455 = arith.muli %add3A_254, %mul3A_454 : i32
      %add3A_456 = arith.addi %mul3A_2, %mul3A_455 : i32
      %dma_start3A_457 = arith.constant 1 : i32
      %dma_start3A_458 = arith.constant 0 : i32
      %dma_start3A_459 = arith.constant 0 : i32
      %dma_start3A_460 = tpu.memref_slice %arg8[%dma_start3A_457, %dma_start3A_458, %dma_start3A_459] : memref<2x64x128xf32, #tpu.memory_space<vmem>> -> memref<1x64x128xf32, #tpu.memory_space<vmem>>
      %dma_start3A_461 = tpu.memref_squeeze %dma_start3A_460 : memref<1x64x128xf32, #tpu.memory_space<vmem>> -> memref<64x128xf32, #tpu.memory_space<vmem>>
      %dma_start3A_462 = arith.constant 0 : i32
      %dma_start3A_463 = tpu.memref_slice %arg5[%add3A_456, %dma_start3A_462] : memref<28672x128xf32, #tpu.memory_space<hbm>> -> memref<64x128xf32, #tpu.memory_space<hbm>>
      %dma_start3A_464 = arith.constant 0 : i32
      %dma_start3A_465 = tpu.memref_slice %arg5[%add3A_456, %dma_start3A_464] : memref<28672x128xf32, #tpu.memory_space<hbm>> -> memref<64x128xf32, #tpu.memory_space<hbm>>
      %dma_start3A_466 = arith.constant 0 : i32
      %dma_start3A_467 = arith.constant 0 : i32
      %dma_start3A_468 = tpu.memref_slice %arg8[%dma_start3A_457, %dma_start3A_466, %dma_start3A_467] : memref<2x64x128xf32, #tpu.memory_space<vmem>> -> memref<1x64x128xf32, #tpu.memory_space<vmem>>
      %dma_start3A_469 = tpu.memref_squeeze %dma_start3A_468 : memref<1x64x128xf32, #tpu.memory_space<vmem>> -> memref<64x128xf32, #tpu.memory_space<vmem>>
      tpu.enqueue_dma source(%dma_start3A_469 : memref<64x128xf32, #tpu.memory_space<vmem>>) target(%dma_start3A_465 : memref<64x128xf32, #tpu.memory_space<hbm>>) target_semaphore(%arg12 : memref<!tpu.dma_semaphore, #tpu.memory_space<semaphore_mem>>)
      %scan3A_470 = arith.constant 0 : i32
      scf.yield %scan3A_470 : i32
    }
    %scan3A_49 = arith.constant 6 : i32
    %dma_wait3A = arith.constant 0 : i32
    %dma_wait3A_50 = arith.constant 0 : i32
    %dma_wait3A_51 = arith.constant 0 : i32
    %dma_wait3A_52 = tpu.memref_slice %arg7[%dma_wait3A, %dma_wait3A_50, %dma_wait3A_51] : memref<2x320x128xf32, #tpu.memory_space<vmem>> -> memref<1x80x128xf32, #tpu.memory_space<vmem>>
    %dma_wait3A_53 = tpu.memref_squeeze %dma_wait3A_52 : memref<1x80x128xf32, #tpu.memory_space<vmem>> -> memref<80x128xf32, #tpu.memory_space<vmem>>
    %dma_wait3A_54 = arith.constant 3840 : i32
    %dma_wait3A_55 = tpu.memref_slice %arg6[%dma_wait3A_54] : memref<4160xi32, #tpu.memory_space<vmem>> -> memref<80xi32, #tpu.memory_space<vmem>>
    %dma_wait3A_56 = arith.constant 0 : i32
    %dma_wait3A_57 = arith.constant 0 : i32
    %dma_wait3A_58 = tpu.memref_slice %arg2[%dma_wait3A_56, %dma_wait3A_57] : memref<31200x128xf32, #tpu.memory_space<hbm>> -> memref<31200x128xf32, #tpu.memory_space<hbm>>
    tpu.wait_indirect_dma semaphore(%arg9 : memref<!tpu.dma_semaphore, #tpu.memory_space<semaphore_mem>>) src(%dma_wait3A_58 : memref<31200x128xf32, #tpu.memory_space<hbm>>) dst(%dma_wait3A_53 : memref<80x128xf32, #tpu.memory_space<vmem>>)
    %dma_wait3A_59 = arith.constant 0 : i32
    %dma_wait3A_60 = arith.constant 80 : i32
    %dma_wait3A_61 = arith.constant 0 : i32
    %dma_wait3A_62 = tpu.memref_slice %arg7[%dma_wait3A_59, %dma_wait3A_60, %dma_wait3A_61] : memref<2x320x128xf32, #tpu.memory_space<vmem>> -> memref<1x80x128xf32, #tpu.memory_space<vmem>>
    %dma_wait3A_63 = tpu.memref_squeeze %dma_wait3A_62 : memref<1x80x128xf32, #tpu.memory_space<vmem>> -> memref<80x128xf32, #tpu.memory_space<vmem>>
    %dma_wait3A_64 = arith.constant 3920 : i32
    %dma_wait3A_65 = tpu.memref_slice %arg6[%dma_wait3A_64] : memref<4160xi32, #tpu.memory_space<vmem>> -> memref<80xi32, #tpu.memory_space<vmem>>
    %dma_wait3A_66 = arith.constant 0 : i32
    %dma_wait3A_67 = arith.constant 0 : i32
    %dma_wait3A_68 = tpu.memref_slice %arg2[%dma_wait3A_66, %dma_wait3A_67] : memref<31200x128xf32, #tpu.memory_space<hbm>> -> memref<31200x128xf32, #tpu.memory_space<hbm>>
    tpu.wait_indirect_dma semaphore(%arg9 : memref<!tpu.dma_semaphore, #tpu.memory_space<semaphore_mem>>) src(%dma_wait3A_68 : memref<31200x128xf32, #tpu.memory_space<hbm>>) dst(%dma_wait3A_63 : memref<80x128xf32, #tpu.memory_space<vmem>>)
    %dma_wait3A_69 = arith.constant 0 : i32
    %dma_wait3A_70 = arith.constant 160 : i32
    %dma_wait3A_71 = arith.constant 0 : i32
    %dma_wait3A_72 = tpu.memref_slice %arg7[%dma_wait3A_69, %dma_wait3A_70, %dma_wait3A_71] : memref<2x320x128xf32, #tpu.memory_space<vmem>> -> memref<1x80x128xf32, #tpu.memory_space<vmem>>
    %dma_wait3A_73 = tpu.memref_squeeze %dma_wait3A_72 : memref<1x80x128xf32, #tpu.memory_space<vmem>> -> memref<80x128xf32, #tpu.memory_space<vmem>>
    %dma_wait3A_74 = arith.constant 4000 : i32
    %dma_wait3A_75 = tpu.memref_slice %arg6[%dma_wait3A_74] : memref<4160xi32, #tpu.memory_space<vmem>> -> memref<80xi32, #tpu.memory_space<vmem>>
    %dma_wait3A_76 = arith.constant 0 : i32
    %dma_wait3A_77 = arith.constant 0 : i32
    %dma_wait3A_78 = tpu.memref_slice %arg2[%dma_wait3A_76, %dma_wait3A_77] : memref<31200x128xf32, #tpu.memory_space<hbm>> -> memref<31200x128xf32, #tpu.memory_space<hbm>>
    tpu.wait_indirect_dma semaphore(%arg9 : memref<!tpu.dma_semaphore, #tpu.memory_space<semaphore_mem>>) src(%dma_wait3A_78 : memref<31200x128xf32, #tpu.memory_space<hbm>>) dst(%dma_wait3A_73 : memref<80x128xf32, #tpu.memory_space<vmem>>)
    %dma_wait3A_79 = arith.constant 0 : i32
    %dma_wait3A_80 = arith.constant 240 : i32
    %dma_wait3A_81 = arith.constant 0 : i32
    %dma_wait3A_82 = tpu.memref_slice %arg7[%dma_wait3A_79, %dma_wait3A_80, %dma_wait3A_81] : memref<2x320x128xf32, #tpu.memory_space<vmem>> -> memref<1x80x128xf32, #tpu.memory_space<vmem>>
    %dma_wait3A_83 = tpu.memref_squeeze %dma_wait3A_82 : memref<1x80x128xf32, #tpu.memory_space<vmem>> -> memref<80x128xf32, #tpu.memory_space<vmem>>
    %dma_wait3A_84 = arith.constant 4080 : i32
    %dma_wait3A_85 = tpu.memref_slice %arg6[%dma_wait3A_84] : memref<4160xi32, #tpu.memory_space<vmem>> -> memref<80xi32, #tpu.memory_space<vmem>>
    %dma_wait3A_86 = arith.constant 0 : i32
    %dma_wait3A_87 = arith.constant 0 : i32
    %dma_wait3A_88 = tpu.memref_slice %arg2[%dma_wait3A_86, %dma_wait3A_87] : memref<31200x128xf32, #tpu.memory_space<hbm>> -> memref<31200x128xf32, #tpu.memory_space<hbm>>
    tpu.wait_indirect_dma semaphore(%arg9 : memref<!tpu.dma_semaphore, #tpu.memory_space<semaphore_mem>>) src(%dma_wait3A_88 : memref<31200x128xf32, #tpu.memory_space<hbm>>) dst(%dma_wait3A_83 : memref<80x128xf32, #tpu.memory_space<vmem>>)
    %add3A_89 = arith.constant 640 : i32
    %add3A_90 = arith.addi %mul3A_2, %add3A_89 : i32
    %dma_wait3A_91 = arith.constant 0 : i32
    %dma_wait3A_92 = arith.constant 0 : i32
    %dma_wait3A_93 = arith.constant 0 : i32
    %dma_wait3A_94 = tpu.memref_slice %arg8[%dma_wait3A_91, %dma_wait3A_92, %dma_wait3A_93] : memref<2x64x128xf32, #tpu.memory_space<vmem>> -> memref<1x64x128xf32, #tpu.memory_space<vmem>>
    %dma_wait3A_95 = tpu.memref_squeeze %dma_wait3A_94 : memref<1x64x128xf32, #tpu.memory_space<vmem>> -> memref<64x128xf32, #tpu.memory_space<vmem>>
    %dma_wait3A_96 = arith.constant 0 : i32
    %dma_wait3A_97 = tpu.memref_slice %arg5[%add3A_90, %dma_wait3A_96] : memref<28672x128xf32, #tpu.memory_space<hbm>> -> memref<64x128xf32, #tpu.memory_space<hbm>>
    %dma_wait3A_98 = arith.constant 0 : i32
    %dma_wait3A_99 = tpu.memref_slice %arg5[%add3A_90, %dma_wait3A_98] : memref<28672x128xf32, #tpu.memory_space<hbm>> -> memref<64x128xf32, #tpu.memory_space<hbm>>
    %dma_wait3A_100 = arith.constant 0 : i32
    %dma_wait3A_101 = arith.constant 0 : i32
    %dma_wait3A_102 = tpu.memref_slice %arg8[%dma_wait3A_91, %dma_wait3A_100, %dma_wait3A_101] : memref<2x64x128xf32, #tpu.memory_space<vmem>> -> memref<1x64x128xf32, #tpu.memory_space<vmem>>
    %dma_wait3A_103 = tpu.memref_squeeze %dma_wait3A_102 : memref<1x64x128xf32, #tpu.memory_space<vmem>> -> memref<64x128xf32, #tpu.memory_space<vmem>>
    tpu.wait_dma2 semaphore(%arg11 : memref<!tpu.dma_semaphore, #tpu.memory_space<semaphore_mem>>) src(%dma_wait3A_103 : memref<64x128xf32, #tpu.memory_space<vmem>>) dst(%dma_wait3A_99 : memref<64x128xf32, #tpu.memory_space<hbm>>)
    %scan3A_104 = arith.constant 0 : i32
    %scan3A_105 = arith.constant 0 : i32
    %scan3A_106 = arith.constant 64 : i32
    %scan3A_107 = arith.addi %scan3A_105, %scan3A_106 : i32
    %scan3A_108 = arith.constant 1 : i32
    %scan3A_109 = scf.for %scan3A_249 = %scan3A_105 to %scan3A_107 step %scan3A_108 iter_args(%scan3A_250 = %scan3A_104) -> (i32)  : i32 {
      %mul3A_251 = arith.constant 5 : i32
      %mul3A_252 = arith.muli %scan3A_249, %mul3A_251 : i32
      %get3A = arith.constant 0 : i32
      %get3A_253 = arith.index_cast %get3A : i32 to index
      %get3A_254 = arith.index_cast %mul3A_252 : i32 to index
      %get3A_255 = arith.constant 0 : index
      %get3A_256 = tpu.vector_load %arg7[%get3A_253, %get3A_254, %get3A_255] {strides = array<i32>} : memref<2x320x128xf32, #tpu.memory_space<vmem>>, vector<1x1x16xf32>,
      %get3A_257 = vector.shape_cast %get3A_256 : vector<1x1x16xf32> to vector<16xf32>
      %add3A_258 = arith.constant 1 : i32
      %add3A_259 = arith.addi %mul3A_252, %add3A_258 : i32
      %get3A_260 = arith.constant 0 : i32
      %get3A_261 = arith.index_cast %get3A_260 : i32 to index
      %get3A_262 = arith.index_cast %add3A_259 : i32 to index
      %get3A_263 = arith.constant 0 : index
      %get3A_264 = tpu.vector_load %arg7[%get3A_261, %get3A_262, %get3A_263] {strides = array<i32>} : memref<2x320x128xf32, #tpu.memory_space<vmem>>, vector<1x1x16xf32>,
      %get3A_265 = vector.shape_cast %get3A_264 : vector<1x1x16xf32> to vector<16xf32>
      %add3A_266 = arith.addf %get3A_257, %get3A_265 : vector<16xf32>
      %add3A_267 = arith.constant 2 : i32
      %add3A_268 = arith.addi %mul3A_252, %add3A_267 : i32
      %get3A_269 = arith.constant 0 : i32
      %get3A_270 = arith.index_cast %get3A_269 : i32 to index
      %get3A_271 = arith.index_cast %add3A_268 : i32 to index
      %get3A_272 = arith.constant 0 : index
      %get3A_273 = tpu.vector_load %arg7[%get3A_270, %get3A_271, %get3A_272] {strides = array<i32>} : memref<2x320x128xf32, #tpu.memory_space<vmem>>, vector<1x1x16xf32>,
      %get3A_274 = vector.shape_cast %get3A_273 : vector<1x1x16xf32> to vector<16xf32>
      %add3A_275 = arith.addf %add3A_266, %get3A_274 : vector<16xf32>
      %add3A_276 = arith.constant 3 : i32
      %add3A_277 = arith.addi %mul3A_252, %add3A_276 : i32
      %get3A_278 = arith.constant 0 : i32
      %get3A_279 = arith.index_cast %get3A_278 : i32 to index
      %get3A_280 = arith.index_cast %add3A_277 : i32 to index
      %get3A_281 = arith.constant 0 : index
      %get3A_282 = tpu.vector_load %arg7[%get3A_279, %get3A_280, %get3A_281] {strides = array<i32>} : memref<2x320x128xf32, #tpu.memory_space<vmem>>, vector<1x1x16xf32>,
      %get3A_283 = vector.shape_cast %get3A_282 : vector<1x1x16xf32> to vector<16xf32>
      %add3A_284 = arith.addf %add3A_275, %get3A_283 : vector<16xf32>
      %add3A_285 = arith.constant 4 : i32
      %add3A_286 = arith.addi %mul3A_252, %add3A_285 : i32
      %get3A_287 = arith.constant 0 : i32
      %get3A_288 = arith.index_cast %get3A_287 : i32 to index
      %get3A_289 = arith.index_cast %add3A_286 : i32 to index
      %get3A_290 = arith.constant 0 : index
      %get3A_291 = tpu.vector_load %arg7[%get3A_288, %get3A_289, %get3A_290] {strides = array<i32>} : memref<2x320x128xf32, #tpu.memory_space<vmem>>, vector<1x1x16xf32>,
      %get3A_292 = vector.shape_cast %get3A_291 : vector<1x1x16xf32> to vector<16xf32>
      %add3A_293 = arith.addf %add3A_284, %get3A_292 : vector<16xf32>
      %swap3A = arith.constant 0 : i32
      %swap3A_294 = arith.index_cast %swap3A : i32 to index
      %swap3A_295 = arith.index_cast %scan3A_249 : i32 to index
      %swap3A_296 = arith.constant 0 : index
      %swap3A_297 = tpu.vector_load %arg8[%swap3A_294, %swap3A_295, %swap3A_296] {strides = array<i32>} : memref<2x64x128xf32, #tpu.memory_space<vmem>>, vector<1x1x16xf32>,
      %swap3A_298 = vector.shape_cast %swap3A_297 : vector<1x1x16xf32> to vector<16xf32>
      %swap3A_299 = vector.shape_cast %add3A_293 : vector<16xf32> to vector<1x1x16xf32>
      tpu.vector_store %arg8[%swap3A_294, %swap3A_295, %swap3A_296], %swap3A_299 {strides = array<i32>} : memref<2x64x128xf32, #tpu.memory_space<vmem>>, vector<1x1x16xf32>,
      %get3A_300 = arith.constant 0 : i32
      %get3A_301 = arith.index_cast %get3A_300 : i32 to index
      %get3A_302 = arith.index_cast %mul3A_252 : i32 to index
      %get3A_303 = arith.constant 16 : index
      %get3A_304 = tpu.vector_load %arg7[%get3A_301, %get3A_302, %get3A_303] {strides = array<i32>} : memref<2x320x128xf32, #tpu.memory_space<vmem>>, vector<1x1x16xf32>,
      %get3A_305 = vector.shape_cast %get3A_304 : vector<1x1x16xf32> to vector<16xf32>
      %add3A_306 = arith.constant 1 : i32
      %add3A_307 = arith.addi %mul3A_252, %add3A_306 : i32
      %get3A_308 = arith.constant 0 : i32
      %get3A_309 = arith.index_cast %get3A_308 : i32 to index
      %get3A_310 = arith.index_cast %add3A_307 : i32 to index
      %get3A_311 = arith.constant 16 : index
      %get3A_312 = tpu.vector_load %arg7[%get3A_309, %get3A_310, %get3A_311] {strides = array<i32>} : memref<2x320x128xf32, #tpu.memory_space<vmem>>, vector<1x1x16xf32>,
      %get3A_313 = vector.shape_cast %get3A_312 : vector<1x1x16xf32> to vector<16xf32>
      %add3A_314 = arith.addf %get3A_305, %get3A_313 : vector<16xf32>
      %add3A_315 = arith.constant 2 : i32
      %add3A_316 = arith.addi %mul3A_252, %add3A_315 : i32
      %get3A_317 = arith.constant 0 : i32
      %get3A_318 = arith.index_cast %get3A_317 : i32 to index
      %get3A_319 = arith.index_cast %add3A_316 : i32 to index
      %get3A_320 = arith.constant 16 : index
      %get3A_321 = tpu.vector_load %arg7[%get3A_318, %get3A_319, %get3A_320] {strides = array<i32>} : memref<2x320x128xf32, #tpu.memory_space<vmem>>, vector<1x1x16xf32>,
      %get3A_322 = vector.shape_cast %get3A_321 : vector<1x1x16xf32> to vector<16xf32>
      %add3A_323 = arith.addf %add3A_314, %get3A_322 : vector<16xf32>
      %add3A_324 = arith.constant 3 : i32
      %add3A_325 = arith.addi %mul3A_252, %add3A_324 : i32
      %get3A_326 = arith.constant 0 : i32
      %get3A_327 = arith.index_cast %get3A_326 : i32 to index
      %get3A_328 = arith.index_cast %add3A_325 : i32 to index
      %get3A_329 = arith.constant 16 : index
      %get3A_330 = tpu.vector_load %arg7[%get3A_327, %get3A_328, %get3A_329] {strides = array<i32>} : memref<2x320x128xf32, #tpu.memory_space<vmem>>, vector<1x1x16xf32>,
      %get3A_331 = vector.shape_cast %get3A_330 : vector<1x1x16xf32> to vector<16xf32>
      %add3A_332 = arith.addf %add3A_323, %get3A_331 : vector<16xf32>
      %add3A_333 = arith.constant 4 : i32
      %add3A_334 = arith.addi %mul3A_252, %add3A_333 : i32
      %get3A_335 = arith.constant 0 : i32
      %get3A_336 = arith.index_cast %get3A_335 : i32 to index
      %get3A_337 = arith.index_cast %add3A_334 : i32 to index
      %get3A_338 = arith.constant 16 : index
      %get3A_339 = tpu.vector_load %arg7[%get3A_336, %get3A_337, %get3A_338] {strides = array<i32>} : memref<2x320x128xf32, #tpu.memory_space<vmem>>, vector<1x1x16xf32>,
      %get3A_340 = vector.shape_cast %get3A_339 : vector<1x1x16xf32> to vector<16xf32>
      %add3A_341 = arith.addf %add3A_332, %get3A_340 : vector<16xf32>
      %swap3A_342 = arith.constant 0 : i32
      %swap3A_343 = arith.index_cast %swap3A_342 : i32 to index
      %swap3A_344 = arith.index_cast %scan3A_249 : i32 to index
      %swap3A_345 = arith.constant 16 : index
      %swap3A_346 = tpu.vector_load %arg8[%swap3A_343, %swap3A_344, %swap3A_345] {strides = array<i32>} : memref<2x64x128xf32, #tpu.memory_space<vmem>>, vector<1x1x16xf32>,
      %swap3A_347 = vector.shape_cast %swap3A_346 : vector<1x1x16xf32> to vector<16xf32>
      %swap3A_348 = vector.shape_cast %add3A_341 : vector<16xf32> to vector<1x1x16xf32>
      tpu.vector_store %arg8[%swap3A_343, %swap3A_344, %swap3A_345], %swap3A_348 {strides = array<i32>} : memref<2x64x128xf32, #tpu.memory_space<vmem>>, vector<1x1x16xf32>,
      %get3A_349 = arith.constant 0 : i32
      %get3A_350 = arith.index_cast %get3A_349 : i32 to index
      %get3A_351 = arith.index_cast %mul3A_252 : i32 to index
      %get3A_352 = arith.constant 32 : index
      %get3A_353 = tpu.vector_load %arg7[%get3A_350, %get3A_351, %get3A_352] {strides = array<i32>} : memref<2x320x128xf32, #tpu.memory_space<vmem>>, vector<1x1x16xf32>,
      %get3A_354 = vector.shape_cast %get3A_353 : vector<1x1x16xf32> to vector<16xf32>
      %add3A_355 = arith.constant 1 : i32
      %add3A_356 = arith.addi %mul3A_252, %add3A_355 : i32
      %get3A_357 = arith.constant 0 : i32
      %get3A_358 = arith.index_cast %get3A_357 : i32 to index
      %get3A_359 = arith.index_cast %add3A_356 : i32 to index
      %get3A_360 = arith.constant 32 : index
      %get3A_361 = tpu.vector_load %arg7[%get3A_358, %get3A_359, %get3A_360] {strides = array<i32>} : memref<2x320x128xf32, #tpu.memory_space<vmem>>, vector<1x1x16xf32>,
      %get3A_362 = vector.shape_cast %get3A_361 : vector<1x1x16xf32> to vector<16xf32>
      %add3A_363 = arith.addf %get3A_354, %get3A_362 : vector<16xf32>
      %add3A_364 = arith.constant 2 : i32
      %add3A_365 = arith.addi %mul3A_252, %add3A_364 : i32
      %get3A_366 = arith.constant 0 : i32
      %get3A_367 = arith.index_cast %get3A_366 : i32 to index
      %get3A_368 = arith.index_cast %add3A_365 : i32 to index
      %get3A_369 = arith.constant 32 : index
      %get3A_370 = tpu.vector_load %arg7[%get3A_367, %get3A_368, %get3A_369] {strides = array<i32>} : memref<2x320x128xf32, #tpu.memory_space<vmem>>, vector<1x1x16xf32>,
      %get3A_371 = vector.shape_cast %get3A_370 : vector<1x1x16xf32> to vector<16xf32>
      %add3A_372 = arith.addf %add3A_363, %get3A_371 : vector<16xf32>
      %add3A_373 = arith.constant 3 : i32
      %add3A_374 = arith.addi %mul3A_252, %add3A_373 : i32
      %get3A_375 = arith.constant 0 : i32
      %get3A_376 = arith.index_cast %get3A_375 : i32 to index
      %get3A_377 = arith.index_cast %add3A_374 : i32 to index
      %get3A_378 = arith.constant 32 : index
      %get3A_379 = tpu.vector_load %arg7[%get3A_376, %get3A_377, %get3A_378] {strides = array<i32>} : memref<2x320x128xf32, #tpu.memory_space<vmem>>, vector<1x1x16xf32>,
      %get3A_380 = vector.shape_cast %get3A_379 : vector<1x1x16xf32> to vector<16xf32>
      %add3A_381 = arith.addf %add3A_372, %get3A_380 : vector<16xf32>
      %add3A_382 = arith.constant 4 : i32
      %add3A_383 = arith.addi %mul3A_252, %add3A_382 : i32
      %get3A_384 = arith.constant 0 : i32
      %get3A_385 = arith.index_cast %get3A_384 : i32 to index
      %get3A_386 = arith.index_cast %add3A_383 : i32 to index
      %get3A_387 = arith.constant 32 : index
      %get3A_388 = tpu.vector_load %arg7[%get3A_385, %get3A_386, %get3A_387] {strides = array<i32>} : memref<2x320x128xf32, #tpu.memory_space<vmem>>, vector<1x1x16xf32>,
      %get3A_389 = vector.shape_cast %get3A_388 : vector<1x1x16xf32> to vector<16xf32>
      %add3A_390 = arith.addf %add3A_381, %get3A_389 : vector<16xf32>
      %swap3A_391 = arith.constant 0 : i32
      %swap3A_392 = arith.index_cast %swap3A_391 : i32 to index
      %swap3A_393 = arith.index_cast %scan3A_249 : i32 to index
      %swap3A_394 = arith.constant 32 : index
      %swap3A_395 = tpu.vector_load %arg8[%swap3A_392, %swap3A_393, %swap3A_394] {strides = array<i32>} : memref<2x64x128xf32, #tpu.memory_space<vmem>>, vector<1x1x16xf32>,
      %swap3A_396 = vector.shape_cast %swap3A_395 : vector<1x1x16xf32> to vector<16xf32>
      %swap3A_397 = vector.shape_cast %add3A_390 : vector<16xf32> to vector<1x1x16xf32>
      tpu.vector_store %arg8[%swap3A_392, %swap3A_393, %swap3A_394], %swap3A_397 {strides = array<i32>} : memref<2x64x128xf32, #tpu.memory_space<vmem>>, vector<1x1x16xf32>,
      %get3A_398 = arith.constant 0 : i32
      %get3A_399 = arith.index_cast %get3A_398 : i32 to index
      %get3A_400 = arith.index_cast %mul3A_252 : i32 to index
      %get3A_401 = arith.constant 48 : index
      %get3A_402 = tpu.vector_load %arg7[%get3A_399, %get3A_400, %get3A_401] {strides = array<i32>} : memref<2x320x128xf32, #tpu.memory_space<vmem>>, vector<1x1x16xf32>,
      %get3A_403 = vector.shape_cast %get3A_402 : vector<1x1x16xf32> to vector<16xf32>
      %add3A_404 = arith.constant 1 : i32
      %add3A_405 = arith.addi %mul3A_252, %add3A_404 : i32
      %get3A_406 = arith.constant 0 : i32
      %get3A_407 = arith.index_cast %get3A_406 : i32 to index
      %get3A_408 = arith.index_cast %add3A_405 : i32 to index
      %get3A_409 = arith.constant 48 : index
      %get3A_410 = tpu.vector_load %arg7[%get3A_407, %get3A_408, %get3A_409] {strides = array<i32>} : memref<2x320x128xf32, #tpu.memory_space<vmem>>, vector<1x1x16xf32>,
      %get3A_411 = vector.shape_cast %get3A_410 : vector<1x1x16xf32> to vector<16xf32>
      %add3A_412 = arith.addf %get3A_403, %get3A_411 : vector<16xf32>
      %add3A_413 = arith.constant 2 : i32
      %add3A_414 = arith.addi %mul3A_252, %add3A_413 : i32
      %get3A_415 = arith.constant 0 : i32
      %get3A_416 = arith.index_cast %get3A_415 : i32 to index
      %get3A_417 = arith.index_cast %add3A_414 : i32 to index
      %get3A_418 = arith.constant 48 : index
      %get3A_419 = tpu.vector_load %arg7[%get3A_416, %get3A_417, %get3A_418] {strides = array<i32>} : memref<2x320x128xf32, #tpu.memory_space<vmem>>, vector<1x1x16xf32>,
      %get3A_420 = vector.shape_cast %get3A_419 : vector<1x1x16xf32> to vector<16xf32>
      %add3A_421 = arith.addf %add3A_412, %get3A_420 : vector<16xf32>
      %add3A_422 = arith.constant 3 : i32
      %add3A_423 = arith.addi %mul3A_252, %add3A_422 : i32
      %get3A_424 = arith.constant 0 : i32
      %get3A_425 = arith.index_cast %get3A_424 : i32 to index
      %get3A_426 = arith.index_cast %add3A_423 : i32 to index
      %get3A_427 = arith.constant 48 : index
      %get3A_428 = tpu.vector_load %arg7[%get3A_425, %get3A_426, %get3A_427] {strides = array<i32>} : memref<2x320x128xf32, #tpu.memory_space<vmem>>, vector<1x1x16xf32>,
      %get3A_429 = vector.shape_cast %get3A_428 : vector<1x1x16xf32> to vector<16xf32>
      %add3A_430 = arith.addf %add3A_421, %get3A_429 : vector<16xf32>
      %add3A_431 = arith.constant 4 : i32
      %add3A_432 = arith.addi %mul3A_252, %add3A_431 : i32
      %get3A_433 = arith.constant 0 : i32
      %get3A_434 = arith.index_cast %get3A_433 : i32 to index
      %get3A_435 = arith.index_cast %add3A_432 : i32 to index
      %get3A_436 = arith.constant 48 : index
      %get3A_437 = tpu.vector_load %arg7[%get3A_434, %get3A_435, %get3A_436] {strides = array<i32>} : memref<2x320x128xf32, #tpu.memory_space<vmem>>, vector<1x1x16xf32>,
      %get3A_438 = vector.shape_cast %get3A_437 : vector<1x1x16xf32> to vector<16xf32>
      %add3A_439 = arith.addf %add3A_430, %get3A_438 : vector<16xf32>
      %swap3A_440 = arith.constant 0 : i32
      %swap3A_441 = arith.index_cast %swap3A_440 : i32 to index
      %swap3A_442 = arith.index_cast %scan3A_249 : i32 to index
      %swap3A_443 = arith.constant 48 : index
      %swap3A_444 = tpu.vector_load %arg8[%swap3A_441, %swap3A_442, %swap3A_443] {strides = array<i32>} : memref<2x64x128xf32, #tpu.memory_space<vmem>>, vector<1x1x16xf32>,
      %swap3A_445 = vector.shape_cast %swap3A_444 : vector<1x1x16xf32> to vector<16xf32>
      %swap3A_446 = vector.shape_cast %add3A_439 : vector<16xf32> to vector<1x1x16xf32>
      tpu.vector_store %arg8[%swap3A_441, %swap3A_442, %swap3A_443], %swap3A_446 {strides = array<i32>} : memref<2x64x128xf32, #tpu.memory_space<vmem>>, vector<1x1x16xf32>,
      %get3A_447 = arith.constant 0 : i32
      %get3A_448 = arith.index_cast %get3A_447 : i32 to index
      %get3A_449 = arith.index_cast %mul3A_252 : i32 to index
      %get3A_450 = arith.constant 64 : index
      %get3A_451 = tpu.vector_load %arg7[%get3A_448, %get3A_449, %get3A_450] {strides = array<i32>} : memref<2x320x128xf32, #tpu.memory_space<vmem>>, vector<1x1x16xf32>,
      %get3A_452 = vector.shape_cast %get3A_451 : vector<1x1x16xf32> to vector<16xf32>
      %add3A_453 = arith.constant 1 : i32
      %add3A_454 = arith.addi %mul3A_252, %add3A_453 : i32
      %get3A_455 = arith.constant 0 : i32
      %get3A_456 = arith.index_cast %get3A_455 : i32 to index
      %get3A_457 = arith.index_cast %add3A_454 : i32 to index
      %get3A_458 = arith.constant 64 : index
      %get3A_459 = tpu.vector_load %arg7[%get3A_456, %get3A_457, %get3A_458] {strides = array<i32>} : memref<2x320x128xf32, #tpu.memory_space<vmem>>, vector<1x1x16xf32>,
      %get3A_460 = vector.shape_cast %get3A_459 : vector<1x1x16xf32> to vector<16xf32>
      %add3A_461 = arith.addf %get3A_452, %get3A_460 : vector<16xf32>
      %add3A_462 = arith.constant 2 : i32
      %add3A_463 = arith.addi %mul3A_252, %add3A_462 : i32
      %get3A_464 = arith.constant 0 : i32
      %get3A_465 = arith.index_cast %get3A_464 : i32 to index
      %get3A_466 = arith.index_cast %add3A_463 : i32 to index
      %get3A_467 = arith.constant 64 : index
      %get3A_468 = tpu.vector_load %arg7[%get3A_465, %get3A_466, %get3A_467] {strides = array<i32>} : memref<2x320x128xf32, #tpu.memory_space<vmem>>, vector<1x1x16xf32>,
      %get3A_469 = vector.shape_cast %get3A_468 : vector<1x1x16xf32> to vector<16xf32>
      %add3A_470 = arith.addf %add3A_461, %get3A_469 : vector<16xf32>
      %add3A_471 = arith.constant 3 : i32
      %add3A_472 = arith.addi %mul3A_252, %add3A_471 : i32
      %get3A_473 = arith.constant 0 : i32
      %get3A_474 = arith.index_cast %get3A_473 : i32 to index
      %get3A_475 = arith.index_cast %add3A_472 : i32 to index
      %get3A_476 = arith.constant 64 : index
      %get3A_477 = tpu.vector_load %arg7[%get3A_474, %get3A_475, %get3A_476] {strides = array<i32>} : memref<2x320x128xf32, #tpu.memory_space<vmem>>, vector<1x1x16xf32>,
      %get3A_478 = vector.shape_cast %get3A_477 : vector<1x1x16xf32> to vector<16xf32>
      %add3A_479 = arith.addf %add3A_470, %get3A_478 : vector<16xf32>
      %add3A_480 = arith.constant 4 : i32
      %add3A_481 = arith.addi %mul3A_252, %add3A_480 : i32
      %get3A_482 = arith.constant 0 : i32
      %get3A_483 = arith.index_cast %get3A_482 : i32 to index
      %get3A_484 = arith.index_cast %add3A_481 : i32 to index
      %get3A_485 = arith.constant 64 : index
      %get3A_486 = tpu.vector_load %arg7[%get3A_483, %get3A_484, %get3A_485] {strides = array<i32>} : memref<2x320x128xf32, #tpu.memory_space<vmem>>, vector<1x1x16xf32>,
      %get3A_487 = vector.shape_cast %get3A_486 : vector<1x1x16xf32> to vector<16xf32>
      %add3A_488 = arith.addf %add3A_479, %get3A_487 : vector<16xf32>
      %swap3A_489 = arith.constant 0 : i32
      %swap3A_490 = arith.index_cast %swap3A_489 : i32 to index
      %swap3A_491 = arith.index_cast %scan3A_249 : i32 to index
      %swap3A_492 = arith.constant 64 : index
      %swap3A_493 = tpu.vector_load %arg8[%swap3A_490, %swap3A_491, %swap3A_492] {strides = array<i32>} : memref<2x64x128xf32, #tpu.memory_space<vmem>>, vector<1x1x16xf32>,
      %swap3A_494 = vector.shape_cast %swap3A_493 : vector<1x1x16xf32> to vector<16xf32>
      %swap3A_495 = vector.shape_cast %add3A_488 : vector<16xf32> to vector<1x1x16xf32>
      tpu.vector_store %arg8[%swap3A_490, %swap3A_491, %swap3A_492], %swap3A_495 {strides = array<i32>} : memref<2x64x128xf32, #tpu.memory_space<vmem>>, vector<1x1x16xf32>,
      %get3A_496 = arith.constant 0 : i32
      %get3A_497 = arith.index_cast %get3A_496 : i32 to index
      %get3A_498 = arith.index_cast %mul3A_252 : i32 to index
      %get3A_499 = arith.constant 80 : index
      %get3A_500 = tpu.vector_load %arg7[%get3A_497, %get3A_498, %get3A_499] {strides = array<i32>} : memref<2x320x128xf32, #tpu.memory_space<vmem>>, vector<1x1x16xf32>,
      %get3A_501 = vector.shape_cast %get3A_500 : vector<1x1x16xf32> to vector<16xf32>
      %add3A_502 = arith.constant 1 : i32
      %add3A_503 = arith.addi %mul3A_252, %add3A_502 : i32
      %get3A_504 = arith.constant 0 : i32
      %get3A_505 = arith.index_cast %get3A_504 : i32 to index
      %get3A_506 = arith.index_cast %add3A_503 : i32 to index
      %get3A_507 = arith.constant 80 : index
      %get3A_508 = tpu.vector_load %arg7[%get3A_505, %get3A_506, %get3A_507] {strides = array<i32>} : memref<2x320x128xf32, #tpu.memory_space<vmem>>, vector<1x1x16xf32>,
      %get3A_509 = vector.shape_cast %get3A_508 : vector<1x1x16xf32> to vector<16xf32>
      %add3A_510 = arith.addf %get3A_501, %get3A_509 : vector<16xf32>
      %add3A_511 = arith.constant 2 : i32
      %add3A_512 = arith.addi %mul3A_252, %add3A_511 : i32
      %get3A_513 = arith.constant 0 : i32
      %get3A_514 = arith.index_cast %get3A_513 : i32 to index
      %get3A_515 = arith.index_cast %add3A_512 : i32 to index
      %get3A_516 = arith.constant 80 : index
      %get3A_517 = tpu.vector_load %arg7[%get3A_514, %get3A_515, %get3A_516] {strides = array<i32>} : memref<2x320x128xf32, #tpu.memory_space<vmem>>, vector<1x1x16xf32>,
      %get3A_518 = vector.shape_cast %get3A_517 : vector<1x1x16xf32> to vector<16xf32>
      %add3A_519 = arith.addf %add3A_510, %get3A_518 : vector<16xf32>
      %add3A_520 = arith.constant 3 : i32
      %add3A_521 = arith.addi %mul3A_252, %add3A_520 : i32
      %get3A_522 = arith.constant 0 : i32
      %get3A_523 = arith.index_cast %get3A_522 : i32 to index
      %get3A_524 = arith.index_cast %add3A_521 : i32 to index
      %get3A_525 = arith.constant 80 : index
      %get3A_526 = tpu.vector_load %arg7[%get3A_523, %get3A_524, %get3A_525] {strides = array<i32>} : memref<2x320x128xf32, #tpu.memory_space<vmem>>, vector<1x1x16xf32>,
      %get3A_527 = vector.shape_cast %get3A_526 : vector<1x1x16xf32> to vector<16xf32>
      %add3A_528 = arith.addf %add3A_519, %get3A_527 : vector<16xf32>
      %add3A_529 = arith.constant 4 : i32
      %add3A_530 = arith.addi %mul3A_252, %add3A_529 : i32
      %get3A_531 = arith.constant 0 : i32
      %get3A_532 = arith.index_cast %get3A_531 : i32 to index
      %get3A_533 = arith.index_cast %add3A_530 : i32 to index
      %get3A_534 = arith.constant 80 : index
      %get3A_535 = tpu.vector_load %arg7[%get3A_532, %get3A_533, %get3A_534] {strides = array<i32>} : memref<2x320x128xf32, #tpu.memory_space<vmem>>, vector<1x1x16xf32>,
      %get3A_536 = vector.shape_cast %get3A_535 : vector<1x1x16xf32> to vector<16xf32>
      %add3A_537 = arith.addf %add3A_528, %get3A_536 : vector<16xf32>
      %swap3A_538 = arith.constant 0 : i32
      %swap3A_539 = arith.index_cast %swap3A_538 : i32 to index
      %swap3A_540 = arith.index_cast %scan3A_249 : i32 to index
      %swap3A_541 = arith.constant 80 : index
      %swap3A_542 = tpu.vector_load %arg8[%swap3A_539, %swap3A_540, %swap3A_541] {strides = array<i32>} : memref<2x64x128xf32, #tpu.memory_space<vmem>>, vector<1x1x16xf32>,
      %swap3A_543 = vector.shape_cast %swap3A_542 : vector<1x1x16xf32> to vector<16xf32>
      %swap3A_544 = vector.shape_cast %add3A_537 : vector<16xf32> to vector<1x1x16xf32>
      tpu.vector_store %arg8[%swap3A_539, %swap3A_540, %swap3A_541], %swap3A_544 {strides = array<i32>} : memref<2x64x128xf32, #tpu.memory_space<vmem>>, vector<1x1x16xf32>,
      %get3A_545 = arith.constant 0 : i32
      %get3A_546 = arith.index_cast %get3A_545 : i32 to index
      %get3A_547 = arith.index_cast %mul3A_252 : i32 to index
      %get3A_548 = arith.constant 96 : index
      %get3A_549 = tpu.vector_load %arg7[%get3A_546, %get3A_547, %get3A_548] {strides = array<i32>} : memref<2x320x128xf32, #tpu.memory_space<vmem>>, vector<1x1x16xf32>,
      %get3A_550 = vector.shape_cast %get3A_549 : vector<1x1x16xf32> to vector<16xf32>
      %add3A_551 = arith.constant 1 : i32
      %add3A_552 = arith.addi %mul3A_252, %add3A_551 : i32
      %get3A_553 = arith.constant 0 : i32
      %get3A_554 = arith.index_cast %get3A_553 : i32 to index
      %get3A_555 = arith.index_cast %add3A_552 : i32 to index
      %get3A_556 = arith.constant 96 : index
      %get3A_557 = tpu.vector_load %arg7[%get3A_554, %get3A_555, %get3A_556] {strides = array<i32>} : memref<2x320x128xf32, #tpu.memory_space<vmem>>, vector<1x1x16xf32>,
      %get3A_558 = vector.shape_cast %get3A_557 : vector<1x1x16xf32> to vector<16xf32>
      %add3A_559 = arith.addf %get3A_550, %get3A_558 : vector<16xf32>
      %add3A_560 = arith.constant 2 : i32
      %add3A_561 = arith.addi %mul3A_252, %add3A_560 : i32
      %get3A_562 = arith.constant 0 : i32
      %get3A_563 = arith.index_cast %get3A_562 : i32 to index
      %get3A_564 = arith.index_cast %add3A_561 : i32 to index
      %get3A_565 = arith.constant 96 : index
      %get3A_566 = tpu.vector_load %arg7[%get3A_563, %get3A_564, %get3A_565] {strides = array<i32>} : memref<2x320x128xf32, #tpu.memory_space<vmem>>, vector<1x1x16xf32>,
      %get3A_567 = vector.shape_cast %get3A_566 : vector<1x1x16xf32> to vector<16xf32>
      %add3A_568 = arith.addf %add3A_559, %get3A_567 : vector<16xf32>
      %add3A_569 = arith.constant 3 : i32
      %add3A_570 = arith.addi %mul3A_252, %add3A_569 : i32
      %get3A_571 = arith.constant 0 : i32
      %get3A_572 = arith.index_cast %get3A_571 : i32 to index
      %get3A_573 = arith.index_cast %add3A_570 : i32 to index
      %get3A_574 = arith.constant 96 : index
      %get3A_575 = tpu.vector_load %arg7[%get3A_572, %get3A_573, %get3A_574] {strides = array<i32>} : memref<2x320x128xf32, #tpu.memory_space<vmem>>, vector<1x1x16xf32>,
      %get3A_576 = vector.shape_cast %get3A_575 : vector<1x1x16xf32> to vector<16xf32>
      %add3A_577 = arith.addf %add3A_568, %get3A_576 : vector<16xf32>
      %add3A_578 = arith.constant 4 : i32
      %add3A_579 = arith.addi %mul3A_252, %add3A_578 : i32
      %get3A_580 = arith.constant 0 : i32
      %get3A_581 = arith.index_cast %get3A_580 : i32 to index
      %get3A_582 = arith.index_cast %add3A_579 : i32 to index
      %get3A_583 = arith.constant 96 : index
      %get3A_584 = tpu.vector_load %arg7[%get3A_581, %get3A_582, %get3A_583] {strides = array<i32>} : memref<2x320x128xf32, #tpu.memory_space<vmem>>, vector<1x1x16xf32>,
      %get3A_585 = vector.shape_cast %get3A_584 : vector<1x1x16xf32> to vector<16xf32>
      %add3A_586 = arith.addf %add3A_577, %get3A_585 : vector<16xf32>
      %swap3A_587 = arith.constant 0 : i32
      %swap3A_588 = arith.index_cast %swap3A_587 : i32 to index
      %swap3A_589 = arith.index_cast %scan3A_249 : i32 to index
      %swap3A_590 = arith.constant 96 : index
      %swap3A_591 = tpu.vector_load %arg8[%swap3A_588, %swap3A_589, %swap3A_590] {strides = array<i32>} : memref<2x64x128xf32, #tpu.memory_space<vmem>>, vector<1x1x16xf32>,
      %swap3A_592 = vector.shape_cast %swap3A_591 : vector<1x1x16xf32> to vector<16xf32>
      %swap3A_593 = vector.shape_cast %add3A_586 : vector<16xf32> to vector<1x1x16xf32>
      tpu.vector_store %arg8[%swap3A_588, %swap3A_589, %swap3A_590], %swap3A_593 {strides = array<i32>} : memref<2x64x128xf32, #tpu.memory_space<vmem>>, vector<1x1x16xf32>,
      %get3A_594 = arith.constant 0 : i32
      %get3A_595 = arith.index_cast %get3A_594 : i32 to index
      %get3A_596 = arith.index_cast %mul3A_252 : i32 to index
      %get3A_597 = arith.constant 112 : index
      %get3A_598 = tpu.vector_load %arg7[%get3A_595, %get3A_596, %get3A_597] {strides = array<i32>} : memref<2x320x128xf32, #tpu.memory_space<vmem>>, vector<1x1x16xf32>,
      %get3A_599 = vector.shape_cast %get3A_598 : vector<1x1x16xf32> to vector<16xf32>
      %add3A_600 = arith.constant 1 : i32
      %add3A_601 = arith.addi %mul3A_252, %add3A_600 : i32
      %get3A_602 = arith.constant 0 : i32
      %get3A_603 = arith.index_cast %get3A_602 : i32 to index
      %get3A_604 = arith.index_cast %add3A_601 : i32 to index
      %get3A_605 = arith.constant 112 : index
      %get3A_606 = tpu.vector_load %arg7[%get3A_603, %get3A_604, %get3A_605] {strides = array<i32>} : memref<2x320x128xf32, #tpu.memory_space<vmem>>, vector<1x1x16xf32>,
      %get3A_607 = vector.shape_cast %get3A_606 : vector<1x1x16xf32> to vector<16xf32>
      %add3A_608 = arith.addf %get3A_599, %get3A_607 : vector<16xf32>
      %add3A_609 = arith.constant 2 : i32
      %add3A_610 = arith.addi %mul3A_252, %add3A_609 : i32
      %get3A_611 = arith.constant 0 : i32
      %get3A_612 = arith.index_cast %get3A_611 : i32 to index
      %get3A_613 = arith.index_cast %add3A_610 : i32 to index
      %get3A_614 = arith.constant 112 : index
      %get3A_615 = tpu.vector_load %arg7[%get3A_612, %get3A_613, %get3A_614] {strides = array<i32>} : memref<2x320x128xf32, #tpu.memory_space<vmem>>, vector<1x1x16xf32>,
      %get3A_616 = vector.shape_cast %get3A_615 : vector<1x1x16xf32> to vector<16xf32>
      %add3A_617 = arith.addf %add3A_608, %get3A_616 : vector<16xf32>
      %add3A_618 = arith.constant 3 : i32
      %add3A_619 = arith.addi %mul3A_252, %add3A_618 : i32
      %get3A_620 = arith.constant 0 : i32
      %get3A_621 = arith.index_cast %get3A_620 : i32 to index
      %get3A_622 = arith.index_cast %add3A_619 : i32 to index
      %get3A_623 = arith.constant 112 : index
      %get3A_624 = tpu.vector_load %arg7[%get3A_621, %get3A_622, %get3A_623] {strides = array<i32>} : memref<2x320x128xf32, #tpu.memory_space<vmem>>, vector<1x1x16xf32>,
      %get3A_625 = vector.shape_cast %get3A_624 : vector<1x1x16xf32> to vector<16xf32>
      %add3A_626 = arith.addf %add3A_617, %get3A_625 : vector<16xf32>
      %add3A_627 = arith.constant 4 : i32
      %add3A_628 = arith.addi %mul3A_252, %add3A_627 : i32
      %get3A_629 = arith.constant 0 : i32
      %get3A_630 = arith.index_cast %get3A_629 : i32 to index
      %get3A_631 = arith.index_cast %add3A_628 : i32 to index
      %get3A_632 = arith.constant 112 : index
      %get3A_633 = tpu.vector_load %arg7[%get3A_630, %get3A_631, %get3A_632] {strides = array<i32>} : memref<2x320x128xf32, #tpu.memory_space<vmem>>, vector<1x1x16xf32>,
      %get3A_634 = vector.shape_cast %get3A_633 : vector<1x1x16xf32> to vector<16xf32>
      %add3A_635 = arith.addf %add3A_626, %get3A_634 : vector<16xf32>
      %swap3A_636 = arith.constant 0 : i32
      %swap3A_637 = arith.index_cast %swap3A_636 : i32 to index
      %swap3A_638 = arith.index_cast %scan3A_249 : i32 to index
      %swap3A_639 = arith.constant 112 : index
      %swap3A_640 = tpu.vector_load %arg8[%swap3A_637, %swap3A_638, %swap3A_639] {strides = array<i32>} : memref<2x64x128xf32, #tpu.memory_space<vmem>>, vector<1x1x16xf32>,
      %swap3A_641 = vector.shape_cast %swap3A_640 : vector<1x1x16xf32> to vector<16xf32>
      %swap3A_642 = vector.shape_cast %add3A_635 : vector<16xf32> to vector<1x1x16xf32>
      tpu.vector_store %arg8[%swap3A_637, %swap3A_638, %swap3A_639], %swap3A_642 {strides = array<i32>} : memref<2x64x128xf32, #tpu.memory_space<vmem>>, vector<1x1x16xf32>,
      %scan3A_643 = arith.constant 0 : i32
      scf.yield %scan3A_643 : i32
    }
    %scan3A_110 = arith.constant 64 : i32
    %add3A_111 = arith.constant 768 : i32
    %add3A_112 = arith.addi %mul3A_2, %add3A_111 : i32
    %dma_start3A_113 = arith.constant 0 : i32
    %dma_start3A_114 = arith.constant 0 : i32
    %dma_start3A_115 = arith.constant 0 : i32
    %dma_start3A_116 = tpu.memref_slice %arg8[%dma_start3A_113, %dma_start3A_114, %dma_start3A_115] : memref<2x64x128xf32, #tpu.memory_space<vmem>> -> memref<1x64x128xf32, #tpu.memory_space<vmem>>
    %dma_start3A_117 = tpu.memref_squeeze %dma_start3A_116 : memref<1x64x128xf32, #tpu.memory_space<vmem>> -> memref<64x128xf32, #tpu.memory_space<vmem>>
    %dma_start3A_118 = arith.constant 0 : i32
    %dma_start3A_119 = tpu.memref_slice %arg5[%add3A_112, %dma_start3A_118] : memref<28672x128xf32, #tpu.memory_space<hbm>> -> memref<64x128xf32, #tpu.memory_space<hbm>>
    %dma_start3A_120 = arith.constant 0 : i32
    %dma_start3A_121 = tpu.memref_slice %arg5[%add3A_112, %dma_start3A_120] : memref<28672x128xf32, #tpu.memory_space<hbm>> -> memref<64x128xf32, #tpu.memory_space<hbm>>
    %dma_start3A_122 = arith.constant 0 : i32
    %dma_start3A_123 = arith.constant 0 : i32
    %dma_start3A_124 = tpu.memref_slice %arg8[%dma_start3A_113, %dma_start3A_122, %dma_start3A_123] : memref<2x64x128xf32, #tpu.memory_space<vmem>> -> memref<1x64x128xf32, #tpu.memory_space<vmem>>
    %dma_start3A_125 = tpu.memref_squeeze %dma_start3A_124 : memref<1x64x128xf32, #tpu.memory_space<vmem>> -> memref<64x128xf32, #tpu.memory_space<vmem>>
    tpu.enqueue_dma source(%dma_start3A_125 : memref<64x128xf32, #tpu.memory_space<vmem>>) target(%dma_start3A_121 : memref<64x128xf32, #tpu.memory_space<hbm>>) target_semaphore(%arg11 : memref<!tpu.dma_semaphore, #tpu.memory_space<semaphore_mem>>)
    %add3A_126 = arith.constant 768 : i32
    %add3A_127 = arith.addi %mul3A_2, %add3A_126 : i32
    %dma_wait3A_128 = arith.constant 0 : i32
    %dma_wait3A_129 = arith.constant 0 : i32
    %dma_wait3A_130 = arith.constant 0 : i32
    %dma_wait3A_131 = tpu.memref_slice %arg8[%dma_wait3A_128, %dma_wait3A_129, %dma_wait3A_130] : memref<2x64x128xf32, #tpu.memory_space<vmem>> -> memref<1x64x128xf32, #tpu.memory_space<vmem>>
    %dma_wait3A_132 = tpu.memref_squeeze %dma_wait3A_131 : memref<1x64x128xf32, #tpu.memory_space<vmem>> -> memref<64x128xf32, #tpu.memory_space<vmem>>
    %dma_wait3A_133 = arith.constant 0 : i32
    %dma_wait3A_134 = tpu.memref_slice %arg5[%add3A_127, %dma_wait3A_133] : memref<28672x128xf32, #tpu.memory_space<hbm>> -> memref<64x128xf32, #tpu.memory_space<hbm>>
    %dma_wait3A_135 = arith.constant 0 : i32
    %dma_wait3A_136 = tpu.memref_slice %arg5[%add3A_127, %dma_wait3A_135] : memref<28672x128xf32, #tpu.memory_space<hbm>> -> memref<64x128xf32, #tpu.memory_space<hbm>>
    %dma_wait3A_137 = arith.constant 0 : i32
    %dma_wait3A_138 = arith.constant 0 : i32
    %dma_wait3A_139 = tpu.memref_slice %arg8[%dma_wait3A_128, %dma_wait3A_137, %dma_wait3A_138] : memref<2x64x128xf32, #tpu.memory_space<vmem>> -> memref<1x64x128xf32, #tpu.memory_space<vmem>>
    %dma_wait3A_140 = tpu.memref_squeeze %dma_wait3A_139 : memref<1x64x128xf32, #tpu.memory_space<vmem>> -> memref<64x128xf32, #tpu.memory_space<vmem>>
    tpu.wait_dma2 semaphore(%arg11 : memref<!tpu.dma_semaphore, #tpu.memory_space<semaphore_mem>>) src(%dma_wait3A_140 : memref<64x128xf32, #tpu.memory_space<vmem>>) dst(%dma_wait3A_136 : memref<64x128xf32, #tpu.memory_space<hbm>>)
    %add3A_141 = arith.constant 704 : i32
    %add3A_142 = arith.addi %mul3A_2, %add3A_141 : i32
    %dma_wait3A_143 = arith.constant 1 : i32
    %dma_wait3A_144 = arith.constant 0 : i32
    %dma_wait3A_145 = arith.constant 0 : i32
    %dma_wait3A_146 = tpu.memref_slice %arg8[%dma_wait3A_143, %dma_wait3A_144, %dma_wait3A_145] : memref<2x64x128xf32, #tpu.memory_space<vmem>> -> memref<1x64x128xf32, #tpu.memory_space<vmem>>
    %dma_wait3A_147 = tpu.memref_squeeze %dma_wait3A_146 : memref<1x64x128xf32, #tpu.memory_space<vmem>> -> memref<64x128xf32, #tpu.memory_space<vmem>>
    %dma_wait3A_148 = arith.constant 0 : i32
    %dma_wait3A_149 = tpu.memref_slice %arg5[%add3A_142, %dma_wait3A_148] : memref<28672x128xf32, #tpu.memory_space<hbm>> -> memref<64x128xf32, #tpu.memory_space<hbm>>
    %dma_wait3A_150 = arith.constant 0 : i32
    %dma_wait3A_151 = tpu.memref_slice %arg5[%add3A_142, %dma_wait3A_150] : memref<28672x128xf32, #tpu.memory_space<hbm>> -> memref<64x128xf32, #tpu.memory_space<hbm>>
    %dma_wait3A_152 = arith.constant 0 : i32
    %dma_wait3A_153 = arith.constant 0 : i32
    %dma_wait3A_154 = tpu.memref_slice %arg8[%dma_wait3A_143, %dma_wait3A_152, %dma_wait3A_153] : memref<2x64x128xf32, #tpu.memory_space<vmem>> -> memref<1x64x128xf32, #tpu.memory_space<vmem>>
    %dma_wait3A_155 = tpu.memref_squeeze %dma_wait3A_154 : memref<1x64x128xf32, #tpu.memory_space<vmem>> -> memref<64x128xf32, #tpu.memory_space<vmem>>
    tpu.wait_dma2 semaphore(%arg12 : memref<!tpu.dma_semaphore, #tpu.memory_space<semaphore_mem>>) src(%dma_wait3A_155 : memref<64x128xf32, #tpu.memory_space<vmem>>) dst(%dma_wait3A_151 : memref<64x128xf32, #tpu.memory_space<hbm>>)
    %mul3A_156 = arith.constant 320 : i32
    %mul3A_157 = arith.muli %add3A, %mul3A_156 : i32
    "tpu.region"() ({
      %run_scoped3A_249 = tpu.sem_alloc : memref<!tpu.dma_semaphore, #tpu.memory_space<semaphore_mem>>
      %dma_start3A_250 = arith.constant 0 : i32
      %dma_start3A_251 = tpu.memref_slice %arg6[%dma_start3A_250] : memref<4160xi32, #tpu.memory_space<vmem>> -> memref<320xi32, #tpu.memory_space<vmem>>
      %dma_start3A_252 = tpu.memref_slice %arg4[%mul3A_157] : memref<10240xi32, #tpu.memory_space<hbm>> -> memref<320xi32, #tpu.memory_space<hbm>>
      %dma_start3A_253 = arith.constant 0 : i32
      %dma_start3A_254 = tpu.memref_slice %arg6[%dma_start3A_253] : memref<4160xi32, #tpu.memory_space<vmem>> -> memref<320xi32, #tpu.memory_space<vmem>>
      %dma_start3A_255 = tpu.memref_slice %arg4[%mul3A_157] : memref<10240xi32, #tpu.memory_space<hbm>> -> memref<320xi32, #tpu.memory_space<hbm>>
      tpu.enqueue_dma source(%dma_start3A_255 : memref<320xi32, #tpu.memory_space<hbm>>) target(%dma_start3A_254 : memref<320xi32, #tpu.memory_space<vmem>>) target_semaphore(%run_scoped3A_249 : memref<!tpu.dma_semaphore, #tpu.memory_space<semaphore_mem>>)
      %dma_wait3A_256 = arith.constant 0 : i32
      %dma_wait3A_257 = tpu.memref_slice %arg6[%dma_wait3A_256] : memref<4160xi32, #tpu.memory_space<vmem>> -> memref<320xi32, #tpu.memory_space<vmem>>
      %dma_wait3A_258 = tpu.memref_slice %arg4[%mul3A_157] : memref<10240xi32, #tpu.memory_space<hbm>> -> memref<320xi32, #tpu.memory_space<hbm>>
      %dma_wait3A_259 = arith.constant 0 : i32
      %dma_wait3A_260 = tpu.memref_slice %arg6[%dma_wait3A_259] : memref<4160xi32, #tpu.memory_space<vmem>> -> memref<320xi32, #tpu.memory_space<vmem>>
      %dma_wait3A_261 = tpu.memref_slice %arg4[%mul3A_157] : memref<10240xi32, #tpu.memory_space<hbm>> -> memref<320xi32, #tpu.memory_space<hbm>>
      tpu.wait_dma2 semaphore(%run_scoped3A_249 : memref<!tpu.dma_semaphore, #tpu.memory_space<semaphore_mem>>) src(%dma_wait3A_261 : memref<320xi32, #tpu.memory_space<hbm>>) dst(%dma_wait3A_260 : memref<320xi32, #tpu.memory_space<vmem>>)
      tpu.yield
    }) : () -> ()
    %dma_start3A_158 = arith.constant 0 : i32
    %dma_start3A_159 = arith.constant 0 : i32
    %dma_start3A_160 = arith.constant 0 : i32
    %dma_start3A_161 = tpu.memref_slice %arg7[%dma_start3A_158, %dma_start3A_159, %dma_start3A_160] : memref<2x320x128xf32, #tpu.memory_space<vmem>> -> memref<1x80x128xf32, #tpu.memory_space<vmem>>
    %dma_start3A_162 = tpu.memref_squeeze %dma_start3A_161 : memref<1x80x128xf32, #tpu.memory_space<vmem>> -> memref<80x128xf32, #tpu.memory_space<vmem>>
    %dma_start3A_163 = arith.constant 0 : i32
    %dma_start3A_164 = tpu.memref_slice %arg6[%dma_start3A_163] : memref<4160xi32, #tpu.memory_space<vmem>> -> memref<80xi32, #tpu.memory_space<vmem>>
    %dma_start3A_165 = arith.constant 0 : i32
    %dma_start3A_166 = arith.constant 0 : i32
    %dma_start3A_167 = tpu.memref_slice %arg2[%dma_start3A_165, %dma_start3A_166] : memref<31200x128xf32, #tpu.memory_space<hbm>> -> memref<31200x128xf32, #tpu.memory_space<hbm>>
    tpu.enqueue_indirect_dma source(%dma_start3A_167 : memref<31200x128xf32, #tpu.memory_space<hbm>>) target(%dma_start3A_162 : memref<80x128xf32, #tpu.memory_space<vmem>>) offsets(%dma_start3A_164 : memref<80xi32, #tpu.memory_space<vmem>>) semaphore(%arg9 : memref<!tpu.dma_semaphore, #tpu.memory_space<semaphore_mem>>)
    %dma_start3A_168 = arith.constant 0 : i32
    %dma_start3A_169 = arith.constant 80 : i32
    %dma_start3A_170 = arith.constant 0 : i32
    %dma_start3A_171 = tpu.memref_slice %arg7[%dma_start3A_168, %dma_start3A_169, %dma_start3A_170] : memref<2x320x128xf32, #tpu.memory_space<vmem>> -> memref<1x80x128xf32, #tpu.memory_space<vmem>>
    %dma_start3A_172 = tpu.memref_squeeze %dma_start3A_171 : memref<1x80x128xf32, #tpu.memory_space<vmem>> -> memref<80x128xf32, #tpu.memory_space<vmem>>
    %dma_start3A_173 = arith.constant 80 : i32
    %dma_start3A_174 = tpu.memref_slice %arg6[%dma_start3A_173] : memref<4160xi32, #tpu.memory_space<vmem>> -> memref<80xi32, #tpu.memory_space<vmem>>
    %dma_start3A_175 = arith.constant 0 : i32
    %dma_start3A_176 = arith.constant 0 : i32
    %dma_start3A_177 = tpu.memref_slice %arg2[%dma_start3A_175, %dma_start3A_176] : memref<31200x128xf32, #tpu.memory_space<hbm>> -> memref<31200x128xf32, #tpu.memory_space<hbm>>
    tpu.enqueue_indirect_dma source(%dma_start3A_177 : memref<31200x128xf32, #tpu.memory_space<hbm>>) target(%dma_start3A_172 : memref<80x128xf32, #tpu.memory_space<vmem>>) offsets(%dma_start3A_174 : memref<80xi32, #tpu.memory_space<vmem>>) semaphore(%arg9 : memref<!tpu.dma_semaphore, #tpu.memory_space<semaphore_mem>>)
    %dma_start3A_178 = arith.constant 0 : i32
    %dma_start3A_179 = arith.constant 160 : i32
    %dma_start3A_180 = arith.constant 0 : i32
    %dma_start3A_181 = tpu.memref_slice %arg7[%dma_start3A_178, %dma_start3A_179, %dma_start3A_180] : memref<2x320x128xf32, #tpu.memory_space<vmem>> -> memref<1x80x128xf32, #tpu.memory_space<vmem>>
    %dma_start3A_182 = tpu.memref_squeeze %dma_start3A_181 : memref<1x80x128xf32, #tpu.memory_space<vmem>> -> memref<80x128xf32, #tpu.memory_space<vmem>>
    %dma_start3A_183 = arith.constant 160 : i32
    %dma_start3A_184 = tpu.memref_slice %arg6[%dma_start3A_183] : memref<4160xi32, #tpu.memory_space<vmem>> -> memref<80xi32, #tpu.memory_space<vmem>>
    %dma_start3A_185 = arith.constant 0 : i32
    %dma_start3A_186 = arith.constant 0 : i32
    %dma_start3A_187 = tpu.memref_slice %arg2[%dma_start3A_185, %dma_start3A_186] : memref<31200x128xf32, #tpu.memory_space<hbm>> -> memref<31200x128xf32, #tpu.memory_space<hbm>>
    tpu.enqueue_indirect_dma source(%dma_start3A_187 : memref<31200x128xf32, #tpu.memory_space<hbm>>) target(%dma_start3A_182 : memref<80x128xf32, #tpu.memory_space<vmem>>) offsets(%dma_start3A_184 : memref<80xi32, #tpu.memory_space<vmem>>) semaphore(%arg9 : memref<!tpu.dma_semaphore, #tpu.memory_space<semaphore_mem>>)
    %dma_start3A_188 = arith.constant 0 : i32
    %dma_start3A_189 = arith.constant 240 : i32
    %dma_start3A_190 = arith.constant 0 : i32
    %dma_start3A_191 = tpu.memref_slice %arg7[%dma_start3A_188, %dma_start3A_189, %dma_start3A_190] : memref<2x320x128xf32, #tpu.memory_space<vmem>> -> memref<1x80x128xf32, #tpu.memory_space<vmem>>
    %dma_start3A_192 = tpu.memref_squeeze %dma_start3A_191 : memref<1x80x128xf32, #tpu.memory_space<vmem>> -> memref<80x128xf32, #tpu.memory_space<vmem>>
    %dma_start3A_193 = arith.constant 240 : i32
    %dma_start3A_194 = tpu.memref_slice %arg6[%dma_start3A_193] : memref<4160xi32, #tpu.memory_space<vmem>> -> memref<80xi32, #tpu.memory_space<vmem>>
    %dma_start3A_195 = arith.constant 0 : i32
    %dma_start3A_196 = arith.constant 0 : i32
    %dma_start3A_197 = tpu.memref_slice %arg2[%dma_start3A_195, %dma_start3A_196] : memref<31200x128xf32, #tpu.memory_space<hbm>> -> memref<31200x128xf32, #tpu.memory_space<hbm>>
    tpu.enqueue_indirect_dma source(%dma_start3A_197 : memref<31200x128xf32, #tpu.memory_space<hbm>>) target(%dma_start3A_192 : memref<80x128xf32, #tpu.memory_space<vmem>>) offsets(%dma_start3A_194 : memref<80xi32, #tpu.memory_space<vmem>>) semaphore(%arg9 : memref<!tpu.dma_semaphore, #tpu.memory_space<semaphore_mem>>)
    %dma_wait3A_198 = arith.constant 0 : i32
    %dma_wait3A_199 = arith.constant 0 : i32
    %dma_wait3A_200 = arith.constant 0 : i32
    %dma_wait3A_201 = tpu.memref_slice %arg7[%dma_wait3A_198, %dma_wait3A_199, %dma_wait3A_200] : memref<2x320x128xf32, #tpu.memory_space<vmem>> -> memref<1x80x128xf32, #tpu.memory_space<vmem>>
    %dma_wait3A_202 = tpu.memref_squeeze %dma_wait3A_201 : memref<1x80x128xf32, #tpu.memory_space<vmem>> -> memref<80x128xf32, #tpu.memory_space<vmem>>
    %dma_wait3A_203 = arith.constant 0 : i32
    %dma_wait3A_204 = tpu.memref_slice %arg6[%dma_wait3A_203] : memref<4160xi32, #tpu.memory_space<vmem>> -> memref<80xi32, #tpu.memory_space<vmem>>
    %dma_wait3A_205 = arith.constant 0 : i32
    %dma_wait3A_206 = arith.constant 0 : i32
    %dma_wait3A_207 = tpu.memref_slice %arg2[%dma_wait3A_205, %dma_wait3A_206] : memref<31200x128xf32, #tpu.memory_space<hbm>> -> memref<31200x128xf32, #tpu.memory_space<hbm>>
    tpu.wait_indirect_dma semaphore(%arg9 : memref<!tpu.dma_semaphore, #tpu.memory_space<semaphore_mem>>) src(%dma_wait3A_207 : memref<31200x128xf32, #tpu.memory_space<hbm>>) dst(%dma_wait3A_202 : memref<80x128xf32, #tpu.memory_space<vmem>>)
    %dma_wait3A_208 = arith.constant 0 : i32
    %dma_wait3A_209 = arith.constant 80 : i32
    %dma_wait3A_210 = arith.constant 0 : i32
    %dma_wait3A_211 = tpu.memref_slice %arg7[%dma_wait3A_208, %dma_wait3A_209, %dma_wait3A_210] : memref<2x320x128xf32, #tpu.memory_space<vmem>> -> memref<1x80x128xf32, #tpu.memory_space<vmem>>
    %dma_wait3A_212 = tpu.memref_squeeze %dma_wait3A_211 : memref<1x80x128xf32, #tpu.memory_space<vmem>> -> memref<80x128xf32, #tpu.memory_space<vmem>>
    %dma_wait3A_213 = arith.constant 80 : i32
    %dma_wait3A_214 = tpu.memref_slice %arg6[%dma_wait3A_213] : memref<4160xi32, #tpu.memory_space<vmem>> -> memref<80xi32, #tpu.memory_space<vmem>>
    %dma_wait3A_215 = arith.constant 0 : i32
    %dma_wait3A_216 = arith.constant 0 : i32
    %dma_wait3A_217 = tpu.memref_slice %arg2[%dma_wait3A_215, %dma_wait3A_216] : memref<31200x128xf32, #tpu.memory_space<hbm>> -> memref<31200x128xf32, #tpu.memory_space<hbm>>
    tpu.wait_indirect_dma semaphore(%arg9 : memref<!tpu.dma_semaphore, #tpu.memory_space<semaphore_mem>>) src(%dma_wait3A_217 : memref<31200x128xf32, #tpu.memory_space<hbm>>) dst(%dma_wait3A_212 : memref<80x128xf32, #tpu.memory_space<vmem>>)
    %dma_wait3A_218 = arith.constant 0 : i32
    %dma_wait3A_219 = arith.constant 160 : i32
    %dma_wait3A_220 = arith.constant 0 : i32
    %dma_wait3A_221 = tpu.memref_slice %arg7[%dma_wait3A_218, %dma_wait3A_219, %dma_wait3A_220] : memref<2x320x128xf32, #tpu.memory_space<vmem>> -> memref<1x80x128xf32, #tpu.memory_space<vmem>>
    %dma_wait3A_222 = tpu.memref_squeeze %dma_wait3A_221 : memref<1x80x128xf32, #tpu.memory_space<vmem>> -> memref<80x128xf32, #tpu.memory_space<vmem>>
    %dma_wait3A_223 = arith.constant 160 : i32
    %dma_wait3A_224 = tpu.memref_slice %arg6[%dma_wait3A_223] : memref<4160xi32, #tpu.memory_space<vmem>> -> memref<80xi32, #tpu.memory_space<vmem>>
    %dma_wait3A_225 = arith.constant 0 : i32
    %dma_wait3A_226 = arith.constant 0 : i32
    %dma_wait3A_227 = tpu.memref_slice %arg2[%dma_wait3A_225, %dma_wait3A_226] : memref<31200x128xf32, #tpu.memory_space<hbm>> -> memref<31200x128xf32, #tpu.memory_space<hbm>>
    tpu.wait_indirect_dma semaphore(%arg9 : memref<!tpu.dma_semaphore, #tpu.memory_space<semaphore_mem>>) src(%dma_wait3A_227 : memref<31200x128xf32, #tpu.memory_space<hbm>>) dst(%dma_wait3A_222 : memref<80x128xf32, #tpu.memory_space<vmem>>)
    %dma_wait3A_228 = arith.constant 0 : i32
    %dma_wait3A_229 = arith.constant 240 : i32
    %dma_wait3A_230 = arith.constant 0 : i32
    %dma_wait3A_231 = tpu.memref_slice %arg7[%dma_wait3A_228, %dma_wait3A_229, %dma_wait3A_230] : memref<2x320x128xf32, #tpu.memory_space<vmem>> -> memref<1x80x128xf32, #tpu.memory_space<vmem>>
    %dma_wait3A_232 = tpu.memref_squeeze %dma_wait3A_231 : memref<1x80x128xf32, #tpu.memory_space<vmem>> -> memref<80x128xf32, #tpu.memory_space<vmem>>
    %dma_wait3A_233 = arith.constant 240 : i32
    %dma_wait3A_234 = tpu.memref_slice %arg6[%dma_wait3A_233] : memref<4160xi32, #tpu.memory_space<vmem>> -> memref<80xi32, #tpu.memory_space<vmem>>
    %dma_wait3A_235 = arith.constant 0 : i32
    %dma_wait3A_236 = arith.constant 0 : i32
    %dma_wait3A_237 = tpu.memref_slice %arg2[%dma_wait3A_235, %dma_wait3A_236] : memref<31200x128xf32, #tpu.memory_space<hbm>> -> memref<31200x128xf32, #tpu.memory_space<hbm>>
    tpu.wait_indirect_dma semaphore(%arg9 : memref<!tpu.dma_semaphore, #tpu.memory_space<semaphore_mem>>) src(%dma_wait3A_237 : memref<31200x128xf32, #tpu.memory_space<hbm>>) dst(%dma_wait3A_232 : memref<80x128xf32, #tpu.memory_space<vmem>>)
    %scan3A_238 = arith.constant 0 : i32
    %scan3A_239 = arith.constant 0 : i32
    %scan3A_240 = arith.constant 64 : i32
    %scan3A_241 = arith.addi %scan3A_239, %scan3A_240 : i32
    %scan3A_242 = arith.constant 1 : i32
    %scan3A_243 = scf.for %scan3A_249 = %scan3A_239 to %scan3A_241 step %scan3A_242 iter_args(%scan3A_250 = %scan3A_238) -> (i32)  : i32 {
      %mul3A_251 = arith.constant 5 : i32
      %mul3A_252 = arith.muli %scan3A_249, %mul3A_251 : i32
      %get3A = arith.constant 0 : i32
      %get3A_253 = arith.index_cast %get3A : i32 to index
      %get3A_254 = arith.index_cast %mul3A_252 : i32 to index
      %get3A_255 = arith.constant 0 : index
      %get3A_256 = tpu.vector_load %arg7[%get3A_253, %get3A_254, %get3A_255] {strides = array<i32>} : memref<2x320x128xf32, #tpu.memory_space<vmem>>, vector<1x1x16xf32>,
      %get3A_257 = vector.shape_cast %get3A_256 : vector<1x1x16xf32> to vector<16xf32>
      %add3A_258 = arith.constant 1 : i32
      %add3A_259 = arith.addi %mul3A_252, %add3A_258 : i32
      %get3A_260 = arith.constant 0 : i32
      %get3A_261 = arith.index_cast %get3A_260 : i32 to index
      %get3A_262 = arith.index_cast %add3A_259 : i32 to index
      %get3A_263 = arith.constant 0 : index
      %get3A_264 = tpu.vector_load %arg7[%get3A_261, %get3A_262, %get3A_263] {strides = array<i32>} : memref<2x320x128xf32, #tpu.memory_space<vmem>>, vector<1x1x16xf32>,
      %get3A_265 = vector.shape_cast %get3A_264 : vector<1x1x16xf32> to vector<16xf32>
      %add3A_266 = arith.addf %get3A_257, %get3A_265 : vector<16xf32>
      %add3A_267 = arith.constant 2 : i32
      %add3A_268 = arith.addi %mul3A_252, %add3A_267 : i32
      %get3A_269 = arith.constant 0 : i32
      %get3A_270 = arith.index_cast %get3A_269 : i32 to index
      %get3A_271 = arith.index_cast %add3A_268 : i32 to index
      %get3A_272 = arith.constant 0 : index
      %get3A_273 = tpu.vector_load %arg7[%get3A_270, %get3A_271, %get3A_272] {strides = array<i32>} : memref<2x320x128xf32, #tpu.memory_space<vmem>>, vector<1x1x16xf32>,
      %get3A_274 = vector.shape_cast %get3A_273 : vector<1x1x16xf32> to vector<16xf32>
      %add3A_275 = arith.addf %add3A_266, %get3A_274 : vector<16xf32>
      %add3A_276 = arith.constant 3 : i32
      %add3A_277 = arith.addi %mul3A_252, %add3A_276 : i32
      %get3A_278 = arith.constant 0 : i32
      %get3A_279 = arith.index_cast %get3A_278 : i32 to index
      %get3A_280 = arith.index_cast %add3A_277 : i32 to index
      %get3A_281 = arith.constant 0 : index
      %get3A_282 = tpu.vector_load %arg7[%get3A_279, %get3A_280, %get3A_281] {strides = array<i32>} : memref<2x320x128xf32, #tpu.memory_space<vmem>>, vector<1x1x16xf32>,
      %get3A_283 = vector.shape_cast %get3A_282 : vector<1x1x16xf32> to vector<16xf32>
      %add3A_284 = arith.addf %add3A_275, %get3A_283 : vector<16xf32>
      %add3A_285 = arith.constant 4 : i32
      %add3A_286 = arith.addi %mul3A_252, %add3A_285 : i32
      %get3A_287 = arith.constant 0 : i32
      %get3A_288 = arith.index_cast %get3A_287 : i32 to index
      %get3A_289 = arith.index_cast %add3A_286 : i32 to index
      %get3A_290 = arith.constant 0 : index
      %get3A_291 = tpu.vector_load %arg7[%get3A_288, %get3A_289, %get3A_290] {strides = array<i32>} : memref<2x320x128xf32, #tpu.memory_space<vmem>>, vector<1x1x16xf32>,
      %get3A_292 = vector.shape_cast %get3A_291 : vector<1x1x16xf32> to vector<16xf32>
      %add3A_293 = arith.addf %add3A_284, %get3A_292 : vector<16xf32>
      %swap3A = arith.constant 0 : i32
      %swap3A_294 = arith.index_cast %swap3A : i32 to index
      %swap3A_295 = arith.index_cast %scan3A_249 : i32 to index
      %swap3A_296 = arith.constant 0 : index
      %swap3A_297 = tpu.vector_load %arg8[%swap3A_294, %swap3A_295, %swap3A_296] {strides = array<i32>} : memref<2x64x128xf32, #tpu.memory_space<vmem>>, vector<1x1x16xf32>,
      %swap3A_298 = vector.shape_cast %swap3A_297 : vector<1x1x16xf32> to vector<16xf32>
      %swap3A_299 = vector.shape_cast %add3A_293 : vector<16xf32> to vector<1x1x16xf32>
      tpu.vector_store %arg8[%swap3A_294, %swap3A_295, %swap3A_296], %swap3A_299 {strides = array<i32>} : memref<2x64x128xf32, #tpu.memory_space<vmem>>, vector<1x1x16xf32>,
      %get3A_300 = arith.constant 0 : i32
      %get3A_301 = arith.index_cast %get3A_300 : i32 to index
      %get3A_302 = arith.index_cast %mul3A_252 : i32 to index
      %get3A_303 = arith.constant 16 : index
      %get3A_304 = tpu.vector_load %arg7[%get3A_301, %get3A_302, %get3A_303] {strides = array<i32>} : memref<2x320x128xf32, #tpu.memory_space<vmem>>, vector<1x1x16xf32>,
      %get3A_305 = vector.shape_cast %get3A_304 : vector<1x1x16xf32> to vector<16xf32>
      %add3A_306 = arith.constant 1 : i32
      %add3A_307 = arith.addi %mul3A_252, %add3A_306 : i32
      %get3A_308 = arith.constant 0 : i32
      %get3A_309 = arith.index_cast %get3A_308 : i32 to index
      %get3A_310 = arith.index_cast %add3A_307 : i32 to index
      %get3A_311 = arith.constant 16 : index
      %get3A_312 = tpu.vector_load %arg7[%get3A_309, %get3A_310, %get3A_311] {strides = array<i32>} : memref<2x320x128xf32, #tpu.memory_space<vmem>>, vector<1x1x16xf32>,
      %get3A_313 = vector.shape_cast %get3A_312 : vector<1x1x16xf32> to vector<16xf32>
      %add3A_314 = arith.addf %get3A_305, %get3A_313 : vector<16xf32>
      %add3A_315 = arith.constant 2 : i32
      %add3A_316 = arith.addi %mul3A_252, %add3A_315 : i32
      %get3A_317 = arith.constant 0 : i32
      %get3A_318 = arith.index_cast %get3A_317 : i32 to index
      %get3A_319 = arith.index_cast %add3A_316 : i32 to index
      %get3A_320 = arith.constant 16 : index
      %get3A_321 = tpu.vector_load %arg7[%get3A_318, %get3A_319, %get3A_320] {strides = array<i32>} : memref<2x320x128xf32, #tpu.memory_space<vmem>>, vector<1x1x16xf32>,
      %get3A_322 = vector.shape_cast %get3A_321 : vector<1x1x16xf32> to vector<16xf32>
      %add3A_323 = arith.addf %add3A_314, %get3A_322 : vector<16xf32>
      %add3A_324 = arith.constant 3 : i32
      %add3A_325 = arith.addi %mul3A_252, %add3A_324 : i32
      %get3A_326 = arith.constant 0 : i32
      %get3A_327 = arith.index_cast %get3A_326 : i32 to index
      %get3A_328 = arith.index_cast %add3A_325 : i32 to index
      %get3A_329 = arith.constant 16 : index
      %get3A_330 = tpu.vector_load %arg7[%get3A_327, %get3A_328, %get3A_329] {strides = array<i32>} : memref<2x320x128xf32, #tpu.memory_space<vmem>>, vector<1x1x16xf32>,
      %get3A_331 = vector.shape_cast %get3A_330 : vector<1x1x16xf32> to vector<16xf32>
      %add3A_332 = arith.addf %add3A_323, %get3A_331 : vector<16xf32>
      %add3A_333 = arith.constant 4 : i32
      %add3A_334 = arith.addi %mul3A_252, %add3A_333 : i32
      %get3A_335 = arith.constant 0 : i32
      %get3A_336 = arith.index_cast %get3A_335 : i32 to index
      %get3A_337 = arith.index_cast %add3A_334 : i32 to index
      %get3A_338 = arith.constant 16 : index
      %get3A_339 = tpu.vector_load %arg7[%get3A_336, %get3A_337, %get3A_338] {strides = array<i32>} : memref<2x320x128xf32, #tpu.memory_space<vmem>>, vector<1x1x16xf32>,
      %get3A_340 = vector.shape_cast %get3A_339 : vector<1x1x16xf32> to vector<16xf32>
      %add3A_341 = arith.addf %add3A_332, %get3A_340 : vector<16xf32>
      %swap3A_342 = arith.constant 0 : i32
      %swap3A_343 = arith.index_cast %swap3A_342 : i32 to index
      %swap3A_344 = arith.index_cast %scan3A_249 : i32 to index
      %swap3A_345 = arith.constant 16 : index
      %swap3A_346 = tpu.vector_load %arg8[%swap3A_343, %swap3A_344, %swap3A_345] {strides = array<i32>} : memref<2x64x128xf32, #tpu.memory_space<vmem>>, vector<1x1x16xf32>,
      %swap3A_347 = vector.shape_cast %swap3A_346 : vector<1x1x16xf32> to vector<16xf32>
      %swap3A_348 = vector.shape_cast %add3A_341 : vector<16xf32> to vector<1x1x16xf32>
      tpu.vector_store %arg8[%swap3A_343, %swap3A_344, %swap3A_345], %swap3A_348 {strides = array<i32>} : memref<2x64x128xf32, #tpu.memory_space<vmem>>, vector<1x1x16xf32>,
      %get3A_349 = arith.constant 0 : i32
      %get3A_350 = arith.index_cast %get3A_349 : i32 to index
      %get3A_351 = arith.index_cast %mul3A_252 : i32 to index
      %get3A_352 = arith.constant 32 : index
      %get3A_353 = tpu.vector_load %arg7[%get3A_350, %get3A_351, %get3A_352] {strides = array<i32>} : memref<2x320x128xf32, #tpu.memory_space<vmem>>, vector<1x1x16xf32>,
      %get3A_354 = vector.shape_cast %get3A_353 : vector<1x1x16xf32> to vector<16xf32>
      %add3A_355 = arith.constant 1 : i32
      %add3A_356 = arith.addi %mul3A_252, %add3A_355 : i32
      %get3A_357 = arith.constant 0 : i32
      %get3A_358 = arith.index_cast %get3A_357 : i32 to index
      %get3A_359 = arith.index_cast %add3A_356 : i32 to index
      %get3A_360 = arith.constant 32 : index
      %get3A_361 = tpu.vector_load %arg7[%get3A_358, %get3A_359, %get3A_360] {strides = array<i32>} : memref<2x320x128xf32, #tpu.memory_space<vmem>>, vector<1x1x16xf32>,
      %get3A_362 = vector.shape_cast %get3A_361 : vector<1x1x16xf32> to vector<16xf32>
      %add3A_363 = arith.addf %get3A_354, %get3A_362 : vector<16xf32>
      %add3A_364 = arith.constant 2 : i32
      %add3A_365 = arith.addi %mul3A_252, %add3A_364 : i32
      %get3A_366 = arith.constant 0 : i32
      %get3A_367 = arith.index_cast %get3A_366 : i32 to index
      %get3A_368 = arith.index_cast %add3A_365 : i32 to index
      %get3A_369 = arith.constant 32 : index
      %get3A_370 = tpu.vector_load %arg7[%get3A_367, %get3A_368, %get3A_369] {strides = array<i32>} : memref<2x320x128xf32, #tpu.memory_space<vmem>>, vector<1x1x16xf32>,
      %get3A_371 = vector.shape_cast %get3A_370 : vector<1x1x16xf32> to vector<16xf32>
      %add3A_372 = arith.addf %add3A_363, %get3A_371 : vector<16xf32>
      %add3A_373 = arith.constant 3 : i32
      %add3A_374 = arith.addi %mul3A_252, %add3A_373 : i32
      %get3A_375 = arith.constant 0 : i32
      %get3A_376 = arith.index_cast %get3A_375 : i32 to index
      %get3A_377 = arith.index_cast %add3A_374 : i32 to index
      %get3A_378 = arith.constant 32 : index
      %get3A_379 = tpu.vector_load %arg7[%get3A_376, %get3A_377, %get3A_378] {strides = array<i32>} : memref<2x320x128xf32, #tpu.memory_space<vmem>>, vector<1x1x16xf32>,
      %get3A_380 = vector.shape_cast %get3A_379 : vector<1x1x16xf32> to vector<16xf32>
      %add3A_381 = arith.addf %add3A_372, %get3A_380 : vector<16xf32>
      %add3A_382 = arith.constant 4 : i32
      %add3A_383 = arith.addi %mul3A_252, %add3A_382 : i32
      %get3A_384 = arith.constant 0 : i32
      %get3A_385 = arith.index_cast %get3A_384 : i32 to index
      %get3A_386 = arith.index_cast %add3A_383 : i32 to index
      %get3A_387 = arith.constant 32 : index
      %get3A_388 = tpu.vector_load %arg7[%get3A_385, %get3A_386, %get3A_387] {strides = array<i32>} : memref<2x320x128xf32, #tpu.memory_space<vmem>>, vector<1x1x16xf32>,
      %get3A_389 = vector.shape_cast %get3A_388 : vector<1x1x16xf32> to vector<16xf32>
      %add3A_390 = arith.addf %add3A_381, %get3A_389 : vector<16xf32>
      %swap3A_391 = arith.constant 0 : i32
      %swap3A_392 = arith.index_cast %swap3A_391 : i32 to index
      %swap3A_393 = arith.index_cast %scan3A_249 : i32 to index
      %swap3A_394 = arith.constant 32 : index
      %swap3A_395 = tpu.vector_load %arg8[%swap3A_392, %swap3A_393, %swap3A_394] {strides = array<i32>} : memref<2x64x128xf32, #tpu.memory_space<vmem>>, vector<1x1x16xf32>,
      %swap3A_396 = vector.shape_cast %swap3A_395 : vector<1x1x16xf32> to vector<16xf32>
      %swap3A_397 = vector.shape_cast %add3A_390 : vector<16xf32> to vector<1x1x16xf32>
      tpu.vector_store %arg8[%swap3A_392, %swap3A_393, %swap3A_394], %swap3A_397 {strides = array<i32>} : memref<2x64x128xf32, #tpu.memory_space<vmem>>, vector<1x1x16xf32>,
      %get3A_398 = arith.constant 0 : i32
      %get3A_399 = arith.index_cast %get3A_398 : i32 to index
      %get3A_400 = arith.index_cast %mul3A_252 : i32 to index
      %get3A_401 = arith.constant 48 : index
      %get3A_402 = tpu.vector_load %arg7[%get3A_399, %get3A_400, %get3A_401] {strides = array<i32>} : memref<2x320x128xf32, #tpu.memory_space<vmem>>, vector<1x1x16xf32>,
      %get3A_403 = vector.shape_cast %get3A_402 : vector<1x1x16xf32> to vector<16xf32>
      %add3A_404 = arith.constant 1 : i32
      %add3A_405 = arith.addi %mul3A_252, %add3A_404 : i32
      %get3A_406 = arith.constant 0 : i32
      %get3A_407 = arith.index_cast %get3A_406 : i32 to index
      %get3A_408 = arith.index_cast %add3A_405 : i32 to index
      %get3A_409 = arith.constant 48 : index
      %get3A_410 = tpu.vector_load %arg7[%get3A_407, %get3A_408, %get3A_409] {strides = array<i32>} : memref<2x320x128xf32, #tpu.memory_space<vmem>>, vector<1x1x16xf32>,
      %get3A_411 = vector.shape_cast %get3A_410 : vector<1x1x16xf32> to vector<16xf32>
      %add3A_412 = arith.addf %get3A_403, %get3A_411 : vector<16xf32>
      %add3A_413 = arith.constant 2 : i32
      %add3A_414 = arith.addi %mul3A_252, %add3A_413 : i32
      %get3A_415 = arith.constant 0 : i32
      %get3A_416 = arith.index_cast %get3A_415 : i32 to index
      %get3A_417 = arith.index_cast %add3A_414 : i32 to index
      %get3A_418 = arith.constant 48 : index
      %get3A_419 = tpu.vector_load %arg7[%get3A_416, %get3A_417, %get3A_418] {strides = array<i32>} : memref<2x320x128xf32, #tpu.memory_space<vmem>>, vector<1x1x16xf32>,
      %get3A_420 = vector.shape_cast %get3A_419 : vector<1x1x16xf32> to vector<16xf32>
      %add3A_421 = arith.addf %add3A_412, %get3A_420 : vector<16xf32>
      %add3A_422 = arith.constant 3 : i32
      %add3A_423 = arith.addi %mul3A_252, %add3A_422 : i32
      %get3A_424 = arith.constant 0 : i32
      %get3A_425 = arith.index_cast %get3A_424 : i32 to index
      %get3A_426 = arith.index_cast %add3A_423 : i32 to index
      %get3A_427 = arith.constant 48 : index
      %get3A_428 = tpu.vector_load %arg7[%get3A_425, %get3A_426, %get3A_427] {strides = array<i32>} : memref<2x320x128xf32, #tpu.memory_space<vmem>>, vector<1x1x16xf32>,
      %get3A_429 = vector.shape_cast %get3A_428 : vector<1x1x16xf32> to vector<16xf32>
      %add3A_430 = arith.addf %add3A_421, %get3A_429 : vector<16xf32>
      %add3A_431 = arith.constant 4 : i32
      %add3A_432 = arith.addi %mul3A_252, %add3A_431 : i32
      %get3A_433 = arith.constant 0 : i32
      %get3A_434 = arith.index_cast %get3A_433 : i32 to index
      %get3A_435 = arith.index_cast %add3A_432 : i32 to index
      %get3A_436 = arith.constant 48 : index
      %get3A_437 = tpu.vector_load %arg7[%get3A_434, %get3A_435, %get3A_436] {strides = array<i32>} : memref<2x320x128xf32, #tpu.memory_space<vmem>>, vector<1x1x16xf32>,
      %get3A_438 = vector.shape_cast %get3A_437 : vector<1x1x16xf32> to vector<16xf32>
      %add3A_439 = arith.addf %add3A_430, %get3A_438 : vector<16xf32>
      %swap3A_440 = arith.constant 0 : i32
      %swap3A_441 = arith.index_cast %swap3A_440 : i32 to index
      %swap3A_442 = arith.index_cast %scan3A_249 : i32 to index
      %swap3A_443 = arith.constant 48 : index
      %swap3A_444 = tpu.vector_load %arg8[%swap3A_441, %swap3A_442, %swap3A_443] {strides = array<i32>} : memref<2x64x128xf32, #tpu.memory_space<vmem>>, vector<1x1x16xf32>,
      %swap3A_445 = vector.shape_cast %swap3A_444 : vector<1x1x16xf32> to vector<16xf32>
      %swap3A_446 = vector.shape_cast %add3A_439 : vector<16xf32> to vector<1x1x16xf32>
      tpu.vector_store %arg8[%swap3A_441, %swap3A_442, %swap3A_443], %swap3A_446 {strides = array<i32>} : memref<2x64x128xf32, #tpu.memory_space<vmem>>, vector<1x1x16xf32>,
      %get3A_447 = arith.constant 0 : i32
      %get3A_448 = arith.index_cast %get3A_447 : i32 to index
      %get3A_449 = arith.index_cast %mul3A_252 : i32 to index
      %get3A_450 = arith.constant 64 : index
      %get3A_451 = tpu.vector_load %arg7[%get3A_448, %get3A_449, %get3A_450] {strides = array<i32>} : memref<2x320x128xf32, #tpu.memory_space<vmem>>, vector<1x1x16xf32>,
      %get3A_452 = vector.shape_cast %get3A_451 : vector<1x1x16xf32> to vector<16xf32>
      %add3A_453 = arith.constant 1 : i32
      %add3A_454 = arith.addi %mul3A_252, %add3A_453 : i32
      %get3A_455 = arith.constant 0 : i32
      %get3A_456 = arith.index_cast %get3A_455 : i32 to index
      %get3A_457 = arith.index_cast %add3A_454 : i32 to index
      %get3A_458 = arith.constant 64 : index
      %get3A_459 = tpu.vector_load %arg7[%get3A_456, %get3A_457, %get3A_458] {strides = array<i32>} : memref<2x320x128xf32, #tpu.memory_space<vmem>>, vector<1x1x16xf32>,
      %get3A_460 = vector.shape_cast %get3A_459 : vector<1x1x16xf32> to vector<16xf32>
      %add3A_461 = arith.addf %get3A_452, %get3A_460 : vector<16xf32>
      %add3A_462 = arith.constant 2 : i32
      %add3A_463 = arith.addi %mul3A_252, %add3A_462 : i32
      %get3A_464 = arith.constant 0 : i32
      %get3A_465 = arith.index_cast %get3A_464 : i32 to index
      %get3A_466 = arith.index_cast %add3A_463 : i32 to index
      %get3A_467 = arith.constant 64 : index
      %get3A_468 = tpu.vector_load %arg7[%get3A_465, %get3A_466, %get3A_467] {strides = array<i32>} : memref<2x320x128xf32, #tpu.memory_space<vmem>>, vector<1x1x16xf32>,
      %get3A_469 = vector.shape_cast %get3A_468 : vector<1x1x16xf32> to vector<16xf32>
      %add3A_470 = arith.addf %add3A_461, %get3A_469 : vector<16xf32>
      %add3A_471 = arith.constant 3 : i32
      %add3A_472 = arith.addi %mul3A_252, %add3A_471 : i32
      %get3A_473 = arith.constant 0 : i32
      %get3A_474 = arith.index_cast %get3A_473 : i32 to index
      %get3A_475 = arith.index_cast %add3A_472 : i32 to index
      %get3A_476 = arith.constant 64 : index
      %get3A_477 = tpu.vector_load %arg7[%get3A_474, %get3A_475, %get3A_476] {strides = array<i32>} : memref<2x320x128xf32, #tpu.memory_space<vmem>>, vector<1x1x16xf32>,
      %get3A_478 = vector.shape_cast %get3A_477 : vector<1x1x16xf32> to vector<16xf32>
      %add3A_479 = arith.addf %add3A_470, %get3A_478 : vector<16xf32>
      %add3A_480 = arith.constant 4 : i32
      %add3A_481 = arith.addi %mul3A_252, %add3A_480 : i32
      %get3A_482 = arith.constant 0 : i32
      %get3A_483 = arith.index_cast %get3A_482 : i32 to index
      %get3A_484 = arith.index_cast %add3A_481 : i32 to index
      %get3A_485 = arith.constant 64 : index
      %get3A_486 = tpu.vector_load %arg7[%get3A_483, %get3A_484, %get3A_485] {strides = array<i32>} : memref<2x320x128xf32, #tpu.memory_space<vmem>>, vector<1x1x16xf32>,
      %get3A_487 = vector.shape_cast %get3A_486 : vector<1x1x16xf32> to vector<16xf32>
      %add3A_488 = arith.addf %add3A_479, %get3A_487 : vector<16xf32>
      %swap3A_489 = arith.constant 0 : i32
      %swap3A_490 = arith.index_cast %swap3A_489 : i32 to index
      %swap3A_491 = arith.index_cast %scan3A_249 : i32 to index
      %swap3A_492 = arith.constant 64 : index
      %swap3A_493 = tpu.vector_load %arg8[%swap3A_490, %swap3A_491, %swap3A_492] {strides = array<i32>} : memref<2x64x128xf32, #tpu.memory_space<vmem>>, vector<1x1x16xf32>,
      %swap3A_494 = vector.shape_cast %swap3A_493 : vector<1x1x16xf32> to vector<16xf32>
      %swap3A_495 = vector.shape_cast %add3A_488 : vector<16xf32> to vector<1x1x16xf32>
      tpu.vector_store %arg8[%swap3A_490, %swap3A_491, %swap3A_492], %swap3A_495 {strides = array<i32>} : memref<2x64x128xf32, #tpu.memory_space<vmem>>, vector<1x1x16xf32>,
      %get3A_496 = arith.constant 0 : i32
      %get3A_497 = arith.index_cast %get3A_496 : i32 to index
      %get3A_498 = arith.index_cast %mul3A_252 : i32 to index
      %get3A_499 = arith.constant 80 : index
      %get3A_500 = tpu.vector_load %arg7[%get3A_497, %get3A_498, %get3A_499] {strides = array<i32>} : memref<2x320x128xf32, #tpu.memory_space<vmem>>, vector<1x1x16xf32>,
      %get3A_501 = vector.shape_cast %get3A_500 : vector<1x1x16xf32> to vector<16xf32>
      %add3A_502 = arith.constant 1 : i32
      %add3A_503 = arith.addi %mul3A_252, %add3A_502 : i32
      %get3A_504 = arith.constant 0 : i32
      %get3A_505 = arith.index_cast %get3A_504 : i32 to index
      %get3A_506 = arith.index_cast %add3A_503 : i32 to index
      %get3A_507 = arith.constant 80 : index
      %get3A_508 = tpu.vector_load %arg7[%get3A_505, %get3A_506, %get3A_507] {strides = array<i32>} : memref<2x320x128xf32, #tpu.memory_space<vmem>>, vector<1x1x16xf32>,
      %get3A_509 = vector.shape_cast %get3A_508 : vector<1x1x16xf32> to vector<16xf32>
      %add3A_510 = arith.addf %get3A_501, %get3A_509 : vector<16xf32>
      %add3A_511 = arith.constant 2 : i32
      %add3A_512 = arith.addi %mul3A_252, %add3A_511 : i32
      %get3A_513 = arith.constant 0 : i32
      %get3A_514 = arith.index_cast %get3A_513 : i32 to index
      %get3A_515 = arith.index_cast %add3A_512 : i32 to index
      %get3A_516 = arith.constant 80 : index
      %get3A_517 = tpu.vector_load %arg7[%get3A_514, %get3A_515, %get3A_516] {strides = array<i32>} : memref<2x320x128xf32, #tpu.memory_space<vmem>>, vector<1x1x16xf32>,
      %get3A_518 = vector.shape_cast %get3A_517 : vector<1x1x16xf32> to vector<16xf32>
      %add3A_519 = arith.addf %add3A_510, %get3A_518 : vector<16xf32>
      %add3A_520 = arith.constant 3 : i32
      %add3A_521 = arith.addi %mul3A_252, %add3A_520 : i32
      %get3A_522 = arith.constant 0 : i32
      %get3A_523 = arith.index_cast %get3A_522 : i32 to index
      %get3A_524 = arith.index_cast %add3A_521 : i32 to index
      %get3A_525 = arith.constant 80 : index
      %get3A_526 = tpu.vector_load %arg7[%get3A_523, %get3A_524, %get3A_525] {strides = array<i32>} : memref<2x320x128xf32, #tpu.memory_space<vmem>>, vector<1x1x16xf32>,
      %get3A_527 = vector.shape_cast %get3A_526 : vector<1x1x16xf32> to vector<16xf32>
      %add3A_528 = arith.addf %add3A_519, %get3A_527 : vector<16xf32>
      %add3A_529 = arith.constant 4 : i32
      %add3A_530 = arith.addi %mul3A_252, %add3A_529 : i32
      %get3A_531 = arith.constant 0 : i32
      %get3A_532 = arith.index_cast %get3A_531 : i32 to index
      %get3A_533 = arith.index_cast %add3A_530 : i32 to index
      %get3A_534 = arith.constant 80 : index
      %get3A_535 = tpu.vector_load %arg7[%get3A_532, %get3A_533, %get3A_534] {strides = array<i32>} : memref<2x320x128xf32, #tpu.memory_space<vmem>>, vector<1x1x16xf32>,
      %get3A_536 = vector.shape_cast %get3A_535 : vector<1x1x16xf32> to vector<16xf32>
      %add3A_537 = arith.addf %add3A_528, %get3A_536 : vector<16xf32>
      %swap3A_538 = arith.constant 0 : i32
      %swap3A_539 = arith.index_cast %swap3A_538 : i32 to index
      %swap3A_540 = arith.index_cast %scan3A_249 : i32 to index
      %swap3A_541 = arith.constant 80 : index
      %swap3A_542 = tpu.vector_load %arg8[%swap3A_539, %swap3A_540, %swap3A_541] {strides = array<i32>} : memref<2x64x128xf32, #tpu.memory_space<vmem>>, vector<1x1x16xf32>,
      %swap3A_543 = vector.shape_cast %swap3A_542 : vector<1x1x16xf32> to vector<16xf32>
      %swap3A_544 = vector.shape_cast %add3A_537 : vector<16xf32> to vector<1x1x16xf32>
      tpu.vector_store %arg8[%swap3A_539, %swap3A_540, %swap3A_541], %swap3A_544 {strides = array<i32>} : memref<2x64x128xf32, #tpu.memory_space<vmem>>, vector<1x1x16xf32>,
      %get3A_545 = arith.constant 0 : i32
      %get3A_546 = arith.index_cast %get3A_545 : i32 to index
      %get3A_547 = arith.index_cast %mul3A_252 : i32 to index
      %get3A_548 = arith.constant 96 : index
      %get3A_549 = tpu.vector_load %arg7[%get3A_546, %get3A_547, %get3A_548] {strides = array<i32>} : memref<2x320x128xf32, #tpu.memory_space<vmem>>, vector<1x1x16xf32>,
      %get3A_550 = vector.shape_cast %get3A_549 : vector<1x1x16xf32> to vector<16xf32>
      %add3A_551 = arith.constant 1 : i32
      %add3A_552 = arith.addi %mul3A_252, %add3A_551 : i32
      %get3A_553 = arith.constant 0 : i32
      %get3A_554 = arith.index_cast %get3A_553 : i32 to index
      %get3A_555 = arith.index_cast %add3A_552 : i32 to index
      %get3A_556 = arith.constant 96 : index
      %get3A_557 = tpu.vector_load %arg7[%get3A_554, %get3A_555, %get3A_556] {strides = array<i32>} : memref<2x320x128xf32, #tpu.memory_space<vmem>>, vector<1x1x16xf32>,
      %get3A_558 = vector.shape_cast %get3A_557 : vector<1x1x16xf32> to vector<16xf32>
      %add3A_559 = arith.addf %get3A_550, %get3A_558 : vector<16xf32>
      %add3A_560 = arith.constant 2 : i32
      %add3A_561 = arith.addi %mul3A_252, %add3A_560 : i32
      %get3A_562 = arith.constant 0 : i32
      %get3A_563 = arith.index_cast %get3A_562 : i32 to index
      %get3A_564 = arith.index_cast %add3A_561 : i32 to index
      %get3A_565 = arith.constant 96 : index
      %get3A_566 = tpu.vector_load %arg7[%get3A_563, %get3A_564, %get3A_565] {strides = array<i32>} : memref<2x320x128xf32, #tpu.memory_space<vmem>>, vector<1x1x16xf32>,
      %get3A_567 = vector.shape_cast %get3A_566 : vector<1x1x16xf32> to vector<16xf32>
      %add3A_568 = arith.addf %add3A_559, %get3A_567 : vector<16xf32>
      %add3A_569 = arith.constant 3 : i32
      %add3A_570 = arith.addi %mul3A_252, %add3A_569 : i32
      %get3A_571 = arith.constant 0 : i32
      %get3A_572 = arith.index_cast %get3A_571 : i32 to index
      %get3A_573 = arith.index_cast %add3A_570 : i32 to index
      %get3A_574 = arith.constant 96 : index
      %get3A_575 = tpu.vector_load %arg7[%get3A_572, %get3A_573, %get3A_574] {strides = array<i32>} : memref<2x320x128xf32, #tpu.memory_space<vmem>>, vector<1x1x16xf32>,
      %get3A_576 = vector.shape_cast %get3A_575 : vector<1x1x16xf32> to vector<16xf32>
      %add3A_577 = arith.addf %add3A_568, %get3A_576 : vector<16xf32>
      %add3A_578 = arith.constant 4 : i32
      %add3A_579 = arith.addi %mul3A_252, %add3A_578 : i32
      %get3A_580 = arith.constant 0 : i32
      %get3A_581 = arith.index_cast %get3A_580 : i32 to index
      %get3A_582 = arith.index_cast %add3A_579 : i32 to index
      %get3A_583 = arith.constant 96 : index
      %get3A_584 = tpu.vector_load %arg7[%get3A_581, %get3A_582, %get3A_583] {strides = array<i32>} : memref<2x320x128xf32, #tpu.memory_space<vmem>>, vector<1x1x16xf32>,
      %get3A_585 = vector.shape_cast %get3A_584 : vector<1x1x16xf32> to vector<16xf32>
      %add3A_586 = arith.addf %add3A_577, %get3A_585 : vector<16xf32>
      %swap3A_587 = arith.constant 0 : i32
      %swap3A_588 = arith.index_cast %swap3A_587 : i32 to index
      %swap3A_589 = arith.index_cast %scan3A_249 : i32 to index
      %swap3A_590 = arith.constant 96 : index
      %swap3A_591 = tpu.vector_load %arg8[%swap3A_588, %swap3A_589, %swap3A_590] {strides = array<i32>} : memref<2x64x128xf32, #tpu.memory_space<vmem>>, vector<1x1x16xf32>,
      %swap3A_592 = vector.shape_cast %swap3A_591 : vector<1x1x16xf32> to vector<16xf32>
      %swap3A_593 = vector.shape_cast %add3A_586 : vector<16xf32> to vector<1x1x16xf32>
      tpu.vector_store %arg8[%swap3A_588, %swap3A_589, %swap3A_590], %swap3A_593 {strides = array<i32>} : memref<2x64x128xf32, #tpu.memory_space<vmem>>, vector<1x1x16xf32>,
      %get3A_594 = arith.constant 0 : i32
      %get3A_595 = arith.index_cast %get3A_594 : i32 to index
      %get3A_596 = arith.index_cast %mul3A_252 : i32 to index
      %get3A_597 = arith.constant 112 : index
      %get3A_598 = tpu.vector_load %arg7[%get3A_595, %get3A_596, %get3A_597] {strides = array<i32>} : memref<2x320x128xf32, #tpu.memory_space<vmem>>, vector<1x1x16xf32>,
      %get3A_599 = vector.shape_cast %get3A_598 : vector<1x1x16xf32> to vector<16xf32>
      %add3A_600 = arith.constant 1 : i32
      %add3A_601 = arith.addi %mul3A_252, %add3A_600 : i32
      %get3A_602 = arith.constant 0 : i32
      %get3A_603 = arith.index_cast %get3A_602 : i32 to index
      %get3A_604 = arith.index_cast %add3A_601 : i32 to index
      %get3A_605 = arith.constant 112 : index
      %get3A_606 = tpu.vector_load %arg7[%get3A_603, %get3A_604, %get3A_605] {strides = array<i32>} : memref<2x320x128xf32, #tpu.memory_space<vmem>>, vector<1x1x16xf32>,
      %get3A_607 = vector.shape_cast %get3A_606 : vector<1x1x16xf32> to vector<16xf32>
      %add3A_608 = arith.addf %get3A_599, %get3A_607 : vector<16xf32>
      %add3A_609 = arith.constant 2 : i32
      %add3A_610 = arith.addi %mul3A_252, %add3A_609 : i32
      %get3A_611 = arith.constant 0 : i32
      %get3A_612 = arith.index_cast %get3A_611 : i32 to index
      %get3A_613 = arith.index_cast %add3A_610 : i32 to index
      %get3A_614 = arith.constant 112 : index
      %get3A_615 = tpu.vector_load %arg7[%get3A_612, %get3A_613, %get3A_614] {strides = array<i32>} : memref<2x320x128xf32, #tpu.memory_space<vmem>>, vector<1x1x16xf32>,
      %get3A_616 = vector.shape_cast %get3A_615 : vector<1x1x16xf32> to vector<16xf32>
      %add3A_617 = arith.addf %add3A_608, %get3A_616 : vector<16xf32>
      %add3A_618 = arith.constant 3 : i32
      %add3A_619 = arith.addi %mul3A_252, %add3A_618 : i32
      %get3A_620 = arith.constant 0 : i32
      %get3A_621 = arith.index_cast %get3A_620 : i32 to index
      %get3A_622 = arith.index_cast %add3A_619 : i32 to index
      %get3A_623 = arith.constant 112 : index
      %get3A_624 = tpu.vector_load %arg7[%get3A_621, %get3A_622, %get3A_623] {strides = array<i32>} : memref<2x320x128xf32, #tpu.memory_space<vmem>>, vector<1x1x16xf32>,
      %get3A_625 = vector.shape_cast %get3A_624 : vector<1x1x16xf32> to vector<16xf32>
      %add3A_626 = arith.addf %add3A_617, %get3A_625 : vector<16xf32>
      %add3A_627 = arith.constant 4 : i32
      %add3A_628 = arith.addi %mul3A_252, %add3A_627 : i32
      %get3A_629 = arith.constant 0 : i32
      %get3A_630 = arith.index_cast %get3A_629 : i32 to index
      %get3A_631 = arith.index_cast %add3A_628 : i32 to index
      %get3A_632 = arith.constant 112 : index
      %get3A_633 = tpu.vector_load %arg7[%get3A_630, %get3A_631, %get3A_632] {strides = array<i32>} : memref<2x320x128xf32, #tpu.memory_space<vmem>>, vector<1x1x16xf32>,
      %get3A_634 = vector.shape_cast %get3A_633 : vector<1x1x16xf32> to vector<16xf32>
      %add3A_635 = arith.addf %add3A_626, %get3A_634 : vector<16xf32>
      %swap3A_636 = arith.constant 0 : i32
      %swap3A_637 = arith.index_cast %swap3A_636 : i32 to index
      %swap3A_638 = arith.index_cast %scan3A_249 : i32 to index
      %swap3A_639 = arith.constant 112 : index
      %swap3A_640 = tpu.vector_load %arg8[%swap3A_637, %swap3A_638, %swap3A_639] {strides = array<i32>} : memref<2x64x128xf32, #tpu.memory_space<vmem>>, vector<1x1x16xf32>,
      %swap3A_641 = vector.shape_cast %swap3A_640 : vector<1x1x16xf32> to vector<16xf32>
      %swap3A_642 = vector.shape_cast %add3A_635 : vector<16xf32> to vector<1x1x16xf32>
      tpu.vector_store %arg8[%swap3A_637, %swap3A_638, %swap3A_639], %swap3A_642 {strides = array<i32>} : memref<2x64x128xf32, #tpu.memory_space<vmem>>, vector<1x1x16xf32>,
      %scan3A_643 = arith.constant 0 : i32
      scf.yield %scan3A_643 : i32
    }
    %scan3A_244 = arith.constant 64 : i32
    %mul3A_245 = arith.constant 64 : i32
    %mul3A_246 = arith.muli %add3A, %mul3A_245 : i32
    %add3A_247 = arith.constant 26624 : i32
    %add3A_248 = arith.addi %add3A_247, %mul3A_246 : i32
    %run_scoped3A = arith.constant 0 : i32
    "tpu.region"() ({
      %run_scoped3A_249 = tpu.sem_alloc : memref<!tpu.dma_semaphore, #tpu.memory_space<semaphore_mem>>
      %dma_start3A_250 = arith.constant 0 : i32
      %dma_start3A_251 = arith.constant 0 : i32
      %dma_start3A_252 = tpu.memref_slice %arg8[%run_scoped3A, %dma_start3A_250, %dma_start3A_251] : memref<2x64x128xf32, #tpu.memory_space<vmem>> -> memref<1x64x128xf32, #tpu.memory_space<vmem>>
      %dma_start3A_253 = tpu.memref_squeeze %dma_start3A_252 : memref<1x64x128xf32, #tpu.memory_space<vmem>> -> memref<64x128xf32, #tpu.memory_space<vmem>>
      %dma_start3A_254 = arith.constant 0 : i32
      %dma_start3A_255 = tpu.memref_slice %arg5[%add3A_248, %dma_start3A_254] : memref<28672x128xf32, #tpu.memory_space<hbm>> -> memref<64x128xf32, #tpu.memory_space<hbm>>
      %dma_start3A_256 = arith.constant 0 : i32
      %dma_start3A_257 = tpu.memref_slice %arg5[%add3A_248, %dma_start3A_256] : memref<28672x128xf32, #tpu.memory_space<hbm>> -> memref<64x128xf32, #tpu.memory_space<hbm>>
      %dma_start3A_258 = arith.constant 0 : i32
      %dma_start3A_259 = arith.constant 0 : i32
      %dma_start3A_260 = tpu.memref_slice %arg8[%run_scoped3A, %dma_start3A_258, %dma_start3A_259] : memref<2x64x128xf32, #tpu.memory_space<vmem>> -> memref<1x64x128xf32, #tpu.memory_space<vmem>>
      %dma_start3A_261 = tpu.memref_squeeze %dma_start3A_260 : memref<1x64x128xf32, #tpu.memory_space<vmem>> -> memref<64x128xf32, #tpu.memory_space<vmem>>
      tpu.enqueue_dma source(%dma_start3A_261 : memref<64x128xf32, #tpu.memory_space<vmem>>) target(%dma_start3A_257 : memref<64x128xf32, #tpu.memory_space<hbm>>) target_semaphore(%run_scoped3A_249 : memref<!tpu.dma_semaphore, #tpu.memory_space<semaphore_mem>>)
      %dma_wait3A_262 = arith.constant 0 : i32
      %dma_wait3A_263 = arith.constant 0 : i32
      %dma_wait3A_264 = tpu.memref_slice %arg8[%run_scoped3A, %dma_wait3A_262, %dma_wait3A_263] : memref<2x64x128xf32, #tpu.memory_space<vmem>> -> memref<1x64x128xf32, #tpu.memory_space<vmem>>
      %dma_wait3A_265 = tpu.memref_squeeze %dma_wait3A_264 : memref<1x64x128xf32, #tpu.memory_space<vmem>> -> memref<64x128xf32, #tpu.memory_space<vmem>>
      %dma_wait3A_266 = arith.constant 0 : i32
      %dma_wait3A_267 = tpu.memref_slice %arg5[%add3A_248, %dma_wait3A_266] : memref<28672x128xf32, #tpu.memory_space<hbm>> -> memref<64x128xf32, #tpu.memory_space<hbm>>
      %dma_wait3A_268 = arith.constant 0 : i32
      %dma_wait3A_269 = tpu.memref_slice %arg5[%add3A_248, %dma_wait3A_268] : memref<28672x128xf32, #tpu.memory_space<hbm>> -> memref<64x128xf32, #tpu.memory_space<hbm>>
      %dma_wait3A_270 = arith.constant 0 : i32
      %dma_wait3A_271 = arith.constant 0 : i32
      %dma_wait3A_272 = tpu.memref_slice %arg8[%run_scoped3A, %dma_wait3A_270, %dma_wait3A_271] : memref<2x64x128xf32, #tpu.memory_space<vmem>> -> memref<1x64x128xf32, #tpu.memory_space<vmem>>
      %dma_wait3A_273 = tpu.memref_squeeze %dma_wait3A_272 : memref<1x64x128xf32, #tpu.memory_space<vmem>> -> memref<64x128xf32, #tpu.memory_space<vmem>>
      tpu.wait_dma2 semaphore(%run_scoped3A_249 : memref<!tpu.dma_semaphore, #tpu.memory_space<semaphore_mem>>) src(%dma_wait3A_273 : memref<64x128xf32, #tpu.memory_space<vmem>>) dst(%dma_wait3A_269 : memref<64x128xf32, #tpu.memory_space<hbm>>)
      tpu.yield
    }) : () -> ()
    return
  }
}

#map = affine_map<(d0, d1) -> (0, 0)>
#map1 = affine_map<(d0, d1) -> (0)>
module attributes {stable_mosaic.version = 14 : i64} {
  func.func @_sc_pool_side_body(%arg0: i32, %arg1: i32, %arg2: memref<100800x128xf32, #tpu.memory_space<hbm>>, %arg3: memref<133120xi32, #tpu.memory_space<hbm>>, %arg4: memref<26624x128xf32, #tpu.memory_space<hbm>>, %arg5: memref<4160xi32, #tpu.memory_space<vmem>>, %arg6: memref<2x320x128xf32, #tpu.memory_space<vmem>>, %arg7: memref<2x64x128xf32, #tpu.memory_space<vmem>>, %arg8: memref<!tpu.dma_semaphore, #tpu.memory_space<semaphore_mem>>, %arg9: memref<!tpu.dma_semaphore, #tpu.memory_space<semaphore_mem>>, %arg10: memref<!tpu.dma_semaphore, #tpu.memory_space<semaphore_mem>>, %arg11: memref<!tpu.dma_semaphore, #tpu.memory_space<semaphore_mem>>) attributes {dimension_semantics = [#tpu.dimension_semantics<core_parallel>, #tpu.dimension_semantics<subcore_parallel>], iteration_bounds = array<i64: 2, 16>, scalar_prefetch = 0 : i64, scratch_operands = 7 : i64, tpu.core_type = #tpu.core_type<sc_vector_subcore>, window_params = [{transform_indices = #map}, {transform_indices = #map1}, {transform_indices = #map}]} {
    %mul3A = arith.constant 2 : i32
    %mul3A_0 = arith.muli %arg1, %mul3A : i32
    %add3A = arith.addi %mul3A_0, %arg0 : i32
    %mul3A_1 = arith.constant 832 : i32
    %mul3A_2 = arith.muli %add3A, %mul3A_1 : i32
    %mul3A_3 = arith.constant 5 : i32
    %mul3A_4 = arith.muli %mul3A_2, %mul3A_3 : i32
    "tpu.region"() ({
      %run_scoped3A = tpu.sem_alloc : memref<!tpu.dma_semaphore, #tpu.memory_space<semaphore_mem>>
      %dma_start3A_156 = tpu.memref_slice %arg3[%mul3A_4] : memref<133120xi32, #tpu.memory_space<hbm>> -> memref<4160xi32, #tpu.memory_space<hbm>>
      %dma_start3A_157 = tpu.memref_slice %arg3[%mul3A_4] : memref<133120xi32, #tpu.memory_space<hbm>> -> memref<4160xi32, #tpu.memory_space<hbm>>
      tpu.enqueue_dma source(%dma_start3A_157 : memref<4160xi32, #tpu.memory_space<hbm>>) target(%arg5 : memref<4160xi32, #tpu.memory_space<vmem>>) target_semaphore(%run_scoped3A : memref<!tpu.dma_semaphore, #tpu.memory_space<semaphore_mem>>)
      %dma_wait3A_158 = tpu.memref_slice %arg3[%mul3A_4] : memref<133120xi32, #tpu.memory_space<hbm>> -> memref<4160xi32, #tpu.memory_space<hbm>>
      %dma_wait3A_159 = tpu.memref_slice %arg3[%mul3A_4] : memref<133120xi32, #tpu.memory_space<hbm>> -> memref<4160xi32, #tpu.memory_space<hbm>>
      tpu.wait_dma2 semaphore(%run_scoped3A : memref<!tpu.dma_semaphore, #tpu.memory_space<semaphore_mem>>) src(%dma_wait3A_159 : memref<4160xi32, #tpu.memory_space<hbm>>) dst(%arg5 : memref<4160xi32, #tpu.memory_space<vmem>>)
      tpu.yield
    }) : () -> ()
    %dma_start3A = arith.constant 0 : i32
    %dma_start3A_5 = arith.constant 0 : i32
    %dma_start3A_6 = arith.constant 0 : i32
    %dma_start3A_7 = tpu.memref_slice %arg6[%dma_start3A, %dma_start3A_5, %dma_start3A_6] : memref<2x320x128xf32, #tpu.memory_space<vmem>> -> memref<1x80x128xf32, #tpu.memory_space<vmem>>
    %dma_start3A_8 = tpu.memref_squeeze %dma_start3A_7 : memref<1x80x128xf32, #tpu.memory_space<vmem>> -> memref<80x128xf32, #tpu.memory_space<vmem>>
    %dma_start3A_9 = arith.constant 0 : i32
    %dma_start3A_10 = tpu.memref_slice %arg5[%dma_start3A_9] : memref<4160xi32, #tpu.memory_space<vmem>> -> memref<80xi32, #tpu.memory_space<vmem>>
    %dma_start3A_11 = arith.constant 0 : i32
    %dma_start3A_12 = arith.constant 0 : i32
    %dma_start3A_13 = tpu.memref_slice %arg2[%dma_start3A_11, %dma_start3A_12] : memref<100800x128xf32, #tpu.memory_space<hbm>> -> memref<100800x128xf32, #tpu.memory_space<hbm>>
    tpu.enqueue_indirect_dma source(%dma_start3A_13 : memref<100800x128xf32, #tpu.memory_space<hbm>>) target(%dma_start3A_8 : memref<80x128xf32, #tpu.memory_space<vmem>>) offsets(%dma_start3A_10 : memref<80xi32, #tpu.memory_space<vmem>>) semaphore(%arg8 : memref<!tpu.dma_semaphore, #tpu.memory_space<semaphore_mem>>)
    %dma_start3A_14 = arith.constant 0 : i32
    %dma_start3A_15 = arith.constant 80 : i32
    %dma_start3A_16 = arith.constant 0 : i32
    %dma_start3A_17 = tpu.memref_slice %arg6[%dma_start3A_14, %dma_start3A_15, %dma_start3A_16] : memref<2x320x128xf32, #tpu.memory_space<vmem>> -> memref<1x80x128xf32, #tpu.memory_space<vmem>>
    %dma_start3A_18 = tpu.memref_squeeze %dma_start3A_17 : memref<1x80x128xf32, #tpu.memory_space<vmem>> -> memref<80x128xf32, #tpu.memory_space<vmem>>
    %dma_start3A_19 = arith.constant 80 : i32
    %dma_start3A_20 = tpu.memref_slice %arg5[%dma_start3A_19] : memref<4160xi32, #tpu.memory_space<vmem>> -> memref<80xi32, #tpu.memory_space<vmem>>
    %dma_start3A_21 = arith.constant 0 : i32
    %dma_start3A_22 = arith.constant 0 : i32
    %dma_start3A_23 = tpu.memref_slice %arg2[%dma_start3A_21, %dma_start3A_22] : memref<100800x128xf32, #tpu.memory_space<hbm>> -> memref<100800x128xf32, #tpu.memory_space<hbm>>
    tpu.enqueue_indirect_dma source(%dma_start3A_23 : memref<100800x128xf32, #tpu.memory_space<hbm>>) target(%dma_start3A_18 : memref<80x128xf32, #tpu.memory_space<vmem>>) offsets(%dma_start3A_20 : memref<80xi32, #tpu.memory_space<vmem>>) semaphore(%arg8 : memref<!tpu.dma_semaphore, #tpu.memory_space<semaphore_mem>>)
    %dma_start3A_24 = arith.constant 0 : i32
    %dma_start3A_25 = arith.constant 160 : i32
    %dma_start3A_26 = arith.constant 0 : i32
    %dma_start3A_27 = tpu.memref_slice %arg6[%dma_start3A_24, %dma_start3A_25, %dma_start3A_26] : memref<2x320x128xf32, #tpu.memory_space<vmem>> -> memref<1x80x128xf32, #tpu.memory_space<vmem>>
    %dma_start3A_28 = tpu.memref_squeeze %dma_start3A_27 : memref<1x80x128xf32, #tpu.memory_space<vmem>> -> memref<80x128xf32, #tpu.memory_space<vmem>>
    %dma_start3A_29 = arith.constant 160 : i32
    %dma_start3A_30 = tpu.memref_slice %arg5[%dma_start3A_29] : memref<4160xi32, #tpu.memory_space<vmem>> -> memref<80xi32, #tpu.memory_space<vmem>>
    %dma_start3A_31 = arith.constant 0 : i32
    %dma_start3A_32 = arith.constant 0 : i32
    %dma_start3A_33 = tpu.memref_slice %arg2[%dma_start3A_31, %dma_start3A_32] : memref<100800x128xf32, #tpu.memory_space<hbm>> -> memref<100800x128xf32, #tpu.memory_space<hbm>>
    tpu.enqueue_indirect_dma source(%dma_start3A_33 : memref<100800x128xf32, #tpu.memory_space<hbm>>) target(%dma_start3A_28 : memref<80x128xf32, #tpu.memory_space<vmem>>) offsets(%dma_start3A_30 : memref<80xi32, #tpu.memory_space<vmem>>) semaphore(%arg8 : memref<!tpu.dma_semaphore, #tpu.memory_space<semaphore_mem>>)
    %dma_start3A_34 = arith.constant 0 : i32
    %dma_start3A_35 = arith.constant 240 : i32
    %dma_start3A_36 = arith.constant 0 : i32
    %dma_start3A_37 = tpu.memref_slice %arg6[%dma_start3A_34, %dma_start3A_35, %dma_start3A_36] : memref<2x320x128xf32, #tpu.memory_space<vmem>> -> memref<1x80x128xf32, #tpu.memory_space<vmem>>
    %dma_start3A_38 = tpu.memref_squeeze %dma_start3A_37 : memref<1x80x128xf32, #tpu.memory_space<vmem>> -> memref<80x128xf32, #tpu.memory_space<vmem>>
    %dma_start3A_39 = arith.constant 240 : i32
    %dma_start3A_40 = tpu.memref_slice %arg5[%dma_start3A_39] : memref<4160xi32, #tpu.memory_space<vmem>> -> memref<80xi32, #tpu.memory_space<vmem>>
    %dma_start3A_41 = arith.constant 0 : i32
    %dma_start3A_42 = arith.constant 0 : i32
    %dma_start3A_43 = tpu.memref_slice %arg2[%dma_start3A_41, %dma_start3A_42] : memref<100800x128xf32, #tpu.memory_space<hbm>> -> memref<100800x128xf32, #tpu.memory_space<hbm>>
    tpu.enqueue_indirect_dma source(%dma_start3A_43 : memref<100800x128xf32, #tpu.memory_space<hbm>>) target(%dma_start3A_38 : memref<80x128xf32, #tpu.memory_space<vmem>>) offsets(%dma_start3A_40 : memref<80xi32, #tpu.memory_space<vmem>>) semaphore(%arg8 : memref<!tpu.dma_semaphore, #tpu.memory_space<semaphore_mem>>)
    %scan3A = arith.constant 0 : i32
    %scan3A_44 = arith.constant 0 : i32
    %scan3A_45 = arith.constant 6 : i32
    %scan3A_46 = arith.addi %scan3A_44, %scan3A_45 : i32
    %scan3A_47 = arith.constant 1 : i32
    %scan3A_48 = scf.for %scan3A_156 = %scan3A_44 to %scan3A_46 step %scan3A_47 iter_args(%scan3A_157 = %scan3A) -> (i32)  : i32 {
      %mul3A_158 = arith.constant 2 : i32
      %mul3A_159 = arith.muli %mul3A_158, %scan3A_156 : i32
      %add3A_160 = arith.constant 1 : i32
      %add3A_161 = arith.addi %mul3A_159, %add3A_160 : i32
      %mul3A_162 = arith.constant 320 : i32
      %mul3A_163 = arith.muli %add3A_161, %mul3A_162 : i32
      %add3A_164 = arith.constant 0 : i32
      %add3A_165 = arith.addi %mul3A_163, %add3A_164 : i32
      %mul3A_166 = arith.constant 320 : i32
      %mul3A_167 = arith.muli %add3A_161, %mul3A_166 : i32
      %add3A_168 = arith.constant 80 : i32
      %add3A_169 = arith.addi %mul3A_167, %add3A_168 : i32
      %mul3A_170 = arith.constant 320 : i32
      %mul3A_171 = arith.muli %add3A_161, %mul3A_170 : i32
      %add3A_172 = arith.constant 160 : i32
      %add3A_173 = arith.addi %mul3A_171, %add3A_172 : i32
      %mul3A_174 = arith.constant 320 : i32
      %mul3A_175 = arith.muli %add3A_161, %mul3A_174 : i32
      %add3A_176 = arith.constant 240 : i32
      %add3A_177 = arith.addi %mul3A_175, %add3A_176 : i32
      %dma_start3A_178 = arith.constant 1 : i32
      %dma_start3A_179 = arith.constant 0 : i32
      %dma_start3A_180 = arith.constant 0 : i32
      %dma_start3A_181 = tpu.memref_slice %arg6[%dma_start3A_178, %dma_start3A_179, %dma_start3A_180] : memref<2x320x128xf32, #tpu.memory_space<vmem>> -> memref<1x80x128xf32, #tpu.memory_space<vmem>>
      %dma_start3A_182 = tpu.memref_squeeze %dma_start3A_181 : memref<1x80x128xf32, #tpu.memory_space<vmem>> -> memref<80x128xf32, #tpu.memory_space<vmem>>
      %dma_start3A_183 = tpu.memref_slice %arg5[%add3A_165] : memref<4160xi32, #tpu.memory_space<vmem>> -> memref<80xi32, #tpu.memory_space<vmem>>
      %dma_start3A_184 = arith.constant 0 : i32
      %dma_start3A_185 = arith.constant 0 : i32
      %dma_start3A_186 = tpu.memref_slice %arg2[%dma_start3A_184, %dma_start3A_185] : memref<100800x128xf32, #tpu.memory_space<hbm>> -> memref<100800x128xf32, #tpu.memory_space<hbm>>
      tpu.enqueue_indirect_dma source(%dma_start3A_186 : memref<100800x128xf32, #tpu.memory_space<hbm>>) target(%dma_start3A_182 : memref<80x128xf32, #tpu.memory_space<vmem>>) offsets(%dma_start3A_183 : memref<80xi32, #tpu.memory_space<vmem>>) semaphore(%arg9 : memref<!tpu.dma_semaphore, #tpu.memory_space<semaphore_mem>>)
      %dma_start3A_187 = arith.constant 1 : i32
      %dma_start3A_188 = arith.constant 80 : i32
      %dma_start3A_189 = arith.constant 0 : i32
      %dma_start3A_190 = tpu.memref_slice %arg6[%dma_start3A_187, %dma_start3A_188, %dma_start3A_189] : memref<2x320x128xf32, #tpu.memory_space<vmem>> -> memref<1x80x128xf32, #tpu.memory_space<vmem>>
      %dma_start3A_191 = tpu.memref_squeeze %dma_start3A_190 : memref<1x80x128xf32, #tpu.memory_space<vmem>> -> memref<80x128xf32, #tpu.memory_space<vmem>>
      %dma_start3A_192 = tpu.memref_slice %arg5[%add3A_169] : memref<4160xi32, #tpu.memory_space<vmem>> -> memref<80xi32, #tpu.memory_space<vmem>>
      %dma_start3A_193 = arith.constant 0 : i32
      %dma_start3A_194 = arith.constant 0 : i32
      %dma_start3A_195 = tpu.memref_slice %arg2[%dma_start3A_193, %dma_start3A_194] : memref<100800x128xf32, #tpu.memory_space<hbm>> -> memref<100800x128xf32, #tpu.memory_space<hbm>>
      tpu.enqueue_indirect_dma source(%dma_start3A_195 : memref<100800x128xf32, #tpu.memory_space<hbm>>) target(%dma_start3A_191 : memref<80x128xf32, #tpu.memory_space<vmem>>) offsets(%dma_start3A_192 : memref<80xi32, #tpu.memory_space<vmem>>) semaphore(%arg9 : memref<!tpu.dma_semaphore, #tpu.memory_space<semaphore_mem>>)
      %dma_start3A_196 = arith.constant 1 : i32
      %dma_start3A_197 = arith.constant 160 : i32
      %dma_start3A_198 = arith.constant 0 : i32
      %dma_start3A_199 = tpu.memref_slice %arg6[%dma_start3A_196, %dma_start3A_197, %dma_start3A_198] : memref<2x320x128xf32, #tpu.memory_space<vmem>> -> memref<1x80x128xf32, #tpu.memory_space<vmem>>
      %dma_start3A_200 = tpu.memref_squeeze %dma_start3A_199 : memref<1x80x128xf32, #tpu.memory_space<vmem>> -> memref<80x128xf32, #tpu.memory_space<vmem>>
      %dma_start3A_201 = tpu.memref_slice %arg5[%add3A_173] : memref<4160xi32, #tpu.memory_space<vmem>> -> memref<80xi32, #tpu.memory_space<vmem>>
      %dma_start3A_202 = arith.constant 0 : i32
      %dma_start3A_203 = arith.constant 0 : i32
      %dma_start3A_204 = tpu.memref_slice %arg2[%dma_start3A_202, %dma_start3A_203] : memref<100800x128xf32, #tpu.memory_space<hbm>> -> memref<100800x128xf32, #tpu.memory_space<hbm>>
      tpu.enqueue_indirect_dma source(%dma_start3A_204 : memref<100800x128xf32, #tpu.memory_space<hbm>>) target(%dma_start3A_200 : memref<80x128xf32, #tpu.memory_space<vmem>>) offsets(%dma_start3A_201 : memref<80xi32, #tpu.memory_space<vmem>>) semaphore(%arg9 : memref<!tpu.dma_semaphore, #tpu.memory_space<semaphore_mem>>)
      %dma_start3A_205 = arith.constant 1 : i32
      %dma_start3A_206 = arith.constant 240 : i32
      %dma_start3A_207 = arith.constant 0 : i32
      %dma_start3A_208 = tpu.memref_slice %arg6[%dma_start3A_205, %dma_start3A_206, %dma_start3A_207] : memref<2x320x128xf32, #tpu.memory_space<vmem>> -> memref<1x80x128xf32, #tpu.memory_space<vmem>>
      %dma_start3A_209 = tpu.memref_squeeze %dma_start3A_208 : memref<1x80x128xf32, #tpu.memory_space<vmem>> -> memref<80x128xf32, #tpu.memory_space<vmem>>
      %dma_start3A_210 = tpu.memref_slice %arg5[%add3A_177] : memref<4160xi32, #tpu.memory_space<vmem>> -> memref<80xi32, #tpu.memory_space<vmem>>
      %dma_start3A_211 = arith.constant 0 : i32
      %dma_start3A_212 = arith.constant 0 : i32
      %dma_start3A_213 = tpu.memref_slice %arg2[%dma_start3A_211, %dma_start3A_212] : memref<100800x128xf32, #tpu.memory_space<hbm>> -> memref<100800x128xf32, #tpu.memory_space<hbm>>
      tpu.enqueue_indirect_dma source(%dma_start3A_213 : memref<100800x128xf32, #tpu.memory_space<hbm>>) target(%dma_start3A_209 : memref<80x128xf32, #tpu.memory_space<vmem>>) offsets(%dma_start3A_210 : memref<80xi32, #tpu.memory_space<vmem>>) semaphore(%arg9 : memref<!tpu.dma_semaphore, #tpu.memory_space<semaphore_mem>>)
      %mul3A_214 = arith.constant 320 : i32
      %mul3A_215 = arith.muli %mul3A_159, %mul3A_214 : i32
      %add3A_216 = arith.constant 0 : i32
      %add3A_217 = arith.addi %mul3A_215, %add3A_216 : i32
      %mul3A_218 = arith.constant 320 : i32
      %mul3A_219 = arith.muli %mul3A_159, %mul3A_218 : i32
      %add3A_220 = arith.constant 80 : i32
      %add3A_221 = arith.addi %mul3A_219, %add3A_220 : i32
      %mul3A_222 = arith.constant 320 : i32
      %mul3A_223 = arith.muli %mul3A_159, %mul3A_222 : i32
      %add3A_224 = arith.constant 160 : i32
      %add3A_225 = arith.addi %mul3A_223, %add3A_224 : i32
      %mul3A_226 = arith.constant 320 : i32
      %mul3A_227 = arith.muli %mul3A_159, %mul3A_226 : i32
      %add3A_228 = arith.constant 240 : i32
      %add3A_229 = arith.addi %mul3A_227, %add3A_228 : i32
      %dma_wait3A_230 = arith.constant 0 : i32
      %dma_wait3A_231 = arith.constant 0 : i32
      %dma_wait3A_232 = arith.constant 0 : i32
      %dma_wait3A_233 = tpu.memref_slice %arg6[%dma_wait3A_230, %dma_wait3A_231, %dma_wait3A_232] : memref<2x320x128xf32, #tpu.memory_space<vmem>> -> memref<1x80x128xf32, #tpu.memory_space<vmem>>
      %dma_wait3A_234 = tpu.memref_squeeze %dma_wait3A_233 : memref<1x80x128xf32, #tpu.memory_space<vmem>> -> memref<80x128xf32, #tpu.memory_space<vmem>>
      %dma_wait3A_235 = tpu.memref_slice %arg5[%add3A_217] : memref<4160xi32, #tpu.memory_space<vmem>> -> memref<80xi32, #tpu.memory_space<vmem>>
      %dma_wait3A_236 = arith.constant 0 : i32
      %dma_wait3A_237 = arith.constant 0 : i32
      %dma_wait3A_238 = tpu.memref_slice %arg2[%dma_wait3A_236, %dma_wait3A_237] : memref<100800x128xf32, #tpu.memory_space<hbm>> -> memref<100800x128xf32, #tpu.memory_space<hbm>>
      tpu.wait_indirect_dma semaphore(%arg8 : memref<!tpu.dma_semaphore, #tpu.memory_space<semaphore_mem>>) src(%dma_wait3A_238 : memref<100800x128xf32, #tpu.memory_space<hbm>>) dst(%dma_wait3A_234 : memref<80x128xf32, #tpu.memory_space<vmem>>)
      %dma_wait3A_239 = arith.constant 0 : i32
      %dma_wait3A_240 = arith.constant 80 : i32
      %dma_wait3A_241 = arith.constant 0 : i32
      %dma_wait3A_242 = tpu.memref_slice %arg6[%dma_wait3A_239, %dma_wait3A_240, %dma_wait3A_241] : memref<2x320x128xf32, #tpu.memory_space<vmem>> -> memref<1x80x128xf32, #tpu.memory_space<vmem>>
      %dma_wait3A_243 = tpu.memref_squeeze %dma_wait3A_242 : memref<1x80x128xf32, #tpu.memory_space<vmem>> -> memref<80x128xf32, #tpu.memory_space<vmem>>
      %dma_wait3A_244 = tpu.memref_slice %arg5[%add3A_221] : memref<4160xi32, #tpu.memory_space<vmem>> -> memref<80xi32, #tpu.memory_space<vmem>>
      %dma_wait3A_245 = arith.constant 0 : i32
      %dma_wait3A_246 = arith.constant 0 : i32
      %dma_wait3A_247 = tpu.memref_slice %arg2[%dma_wait3A_245, %dma_wait3A_246] : memref<100800x128xf32, #tpu.memory_space<hbm>> -> memref<100800x128xf32, #tpu.memory_space<hbm>>
      tpu.wait_indirect_dma semaphore(%arg8 : memref<!tpu.dma_semaphore, #tpu.memory_space<semaphore_mem>>) src(%dma_wait3A_247 : memref<100800x128xf32, #tpu.memory_space<hbm>>) dst(%dma_wait3A_243 : memref<80x128xf32, #tpu.memory_space<vmem>>)
      %dma_wait3A_248 = arith.constant 0 : i32
      %dma_wait3A_249 = arith.constant 160 : i32
      %dma_wait3A_250 = arith.constant 0 : i32
      %dma_wait3A_251 = tpu.memref_slice %arg6[%dma_wait3A_248, %dma_wait3A_249, %dma_wait3A_250] : memref<2x320x128xf32, #tpu.memory_space<vmem>> -> memref<1x80x128xf32, #tpu.memory_space<vmem>>
      %dma_wait3A_252 = tpu.memref_squeeze %dma_wait3A_251 : memref<1x80x128xf32, #tpu.memory_space<vmem>> -> memref<80x128xf32, #tpu.memory_space<vmem>>
      %dma_wait3A_253 = tpu.memref_slice %arg5[%add3A_225] : memref<4160xi32, #tpu.memory_space<vmem>> -> memref<80xi32, #tpu.memory_space<vmem>>
      %dma_wait3A_254 = arith.constant 0 : i32
      %dma_wait3A_255 = arith.constant 0 : i32
      %dma_wait3A_256 = tpu.memref_slice %arg2[%dma_wait3A_254, %dma_wait3A_255] : memref<100800x128xf32, #tpu.memory_space<hbm>> -> memref<100800x128xf32, #tpu.memory_space<hbm>>
      tpu.wait_indirect_dma semaphore(%arg8 : memref<!tpu.dma_semaphore, #tpu.memory_space<semaphore_mem>>) src(%dma_wait3A_256 : memref<100800x128xf32, #tpu.memory_space<hbm>>) dst(%dma_wait3A_252 : memref<80x128xf32, #tpu.memory_space<vmem>>)
      %dma_wait3A_257 = arith.constant 0 : i32
      %dma_wait3A_258 = arith.constant 240 : i32
      %dma_wait3A_259 = arith.constant 0 : i32
      %dma_wait3A_260 = tpu.memref_slice %arg6[%dma_wait3A_257, %dma_wait3A_258, %dma_wait3A_259] : memref<2x320x128xf32, #tpu.memory_space<vmem>> -> memref<1x80x128xf32, #tpu.memory_space<vmem>>
      %dma_wait3A_261 = tpu.memref_squeeze %dma_wait3A_260 : memref<1x80x128xf32, #tpu.memory_space<vmem>> -> memref<80x128xf32, #tpu.memory_space<vmem>>
      %dma_wait3A_262 = tpu.memref_slice %arg5[%add3A_229] : memref<4160xi32, #tpu.memory_space<vmem>> -> memref<80xi32, #tpu.memory_space<vmem>>
      %dma_wait3A_263 = arith.constant 0 : i32
      %dma_wait3A_264 = arith.constant 0 : i32
      %dma_wait3A_265 = tpu.memref_slice %arg2[%dma_wait3A_263, %dma_wait3A_264] : memref<100800x128xf32, #tpu.memory_space<hbm>> -> memref<100800x128xf32, #tpu.memory_space<hbm>>
      tpu.wait_indirect_dma semaphore(%arg8 : memref<!tpu.dma_semaphore, #tpu.memory_space<semaphore_mem>>) src(%dma_wait3A_265 : memref<100800x128xf32, #tpu.memory_space<hbm>>) dst(%dma_wait3A_261 : memref<80x128xf32, #tpu.memory_space<vmem>>)
      %ge3A = arith.constant 2 : i32
      %ge3A_266 = arith.cmpi sge, %mul3A_159, %ge3A : i32
      %convert_element_type3A = arith.extui %ge3A_266 : i1 to i32
      %cond3A = arith.constant 0 : i32
      %cond3A_267 = arith.cmpi ne, %convert_element_type3A, %cond3A : i32
      scf.if %cond3A_267 {
        %sub3A = arith.constant 2 : i32
        %sub3A_378 = arith.subi %mul3A_159, %sub3A : i32
        %mul3A_379 = arith.constant 64 : i32
        %mul3A_380 = arith.muli %sub3A_378, %mul3A_379 : i32
        %add3A_381 = arith.addi %mul3A_2, %mul3A_380 : i32
        %dma_wait3A_382 = arith.constant 0 : i32
        %dma_wait3A_383 = arith.constant 0 : i32
        %dma_wait3A_384 = arith.constant 0 : i32
        %dma_wait3A_385 = tpu.memref_slice %arg7[%dma_wait3A_382, %dma_wait3A_383, %dma_wait3A_384] : memref<2x64x128xf32, #tpu.memory_space<vmem>> -> memref<1x64x128xf32, #tpu.memory_space<vmem>>
        %dma_wait3A_386 = tpu.memref_squeeze %dma_wait3A_385 : memref<1x64x128xf32, #tpu.memory_space<vmem>> -> memref<64x128xf32, #tpu.memory_space<vmem>>
        %dma_wait3A_387 = arith.constant 0 : i32
        %dma_wait3A_388 = tpu.memref_slice %arg4[%add3A_381, %dma_wait3A_387] : memref<26624x128xf32, #tpu.memory_space<hbm>> -> memref<64x128xf32, #tpu.memory_space<hbm>>
        %dma_wait3A_389 = arith.constant 0 : i32
        %dma_wait3A_390 = tpu.memref_slice %arg4[%add3A_381, %dma_wait3A_389] : memref<26624x128xf32, #tpu.memory_space<hbm>> -> memref<64x128xf32, #tpu.memory_space<hbm>>
        %dma_wait3A_391 = arith.constant 0 : i32
        %dma_wait3A_392 = arith.constant 0 : i32
        %dma_wait3A_393 = tpu.memref_slice %arg7[%dma_wait3A_382, %dma_wait3A_391, %dma_wait3A_392] : memref<2x64x128xf32, #tpu.memory_space<vmem>> -> memref<1x64x128xf32, #tpu.memory_space<vmem>>
        %dma_wait3A_394 = tpu.memref_squeeze %dma_wait3A_393 : memref<1x64x128xf32, #tpu.memory_space<vmem>> -> memref<64x128xf32, #tpu.memory_space<vmem>>
        tpu.wait_dma2 semaphore(%arg10 : memref<!tpu.dma_semaphore, #tpu.memory_space<semaphore_mem>>) src(%dma_wait3A_394 : memref<64x128xf32, #tpu.memory_space<vmem>>) dst(%dma_wait3A_390 : memref<64x128xf32, #tpu.memory_space<hbm>>)
      } else {
      }
      %scan3A_268 = arith.constant 0 : i32
      %scan3A_269 = arith.constant 0 : i32
      %scan3A_270 = arith.constant 64 : i32
      %scan3A_271 = arith.addi %scan3A_269, %scan3A_270 : i32
      %scan3A_272 = arith.constant 1 : i32
      %scan3A_273 = scf.for %scan3A_378 = %scan3A_269 to %scan3A_271 step %scan3A_272 iter_args(%scan3A_379 = %scan3A_268) -> (i32)  : i32 {
        %mul3A_380 = arith.constant 5 : i32
        %mul3A_381 = arith.muli %scan3A_378, %mul3A_380 : i32
        %get3A = arith.constant 0 : i32
        %get3A_382 = arith.index_cast %get3A : i32 to index
        %get3A_383 = arith.index_cast %mul3A_381 : i32 to index
        %get3A_384 = arith.constant 0 : index
        %get3A_385 = tpu.vector_load %arg6[%get3A_382, %get3A_383, %get3A_384] {strides = array<i32>} : memref<2x320x128xf32, #tpu.memory_space<vmem>>, vector<1x1x16xf32>,
        %get3A_386 = vector.shape_cast %get3A_385 : vector<1x1x16xf32> to vector<16xf32>
        %add3A_387 = arith.constant 1 : i32
        %add3A_388 = arith.addi %mul3A_381, %add3A_387 : i32
        %get3A_389 = arith.constant 0 : i32
        %get3A_390 = arith.index_cast %get3A_389 : i32 to index
        %get3A_391 = arith.index_cast %add3A_388 : i32 to index
        %get3A_392 = arith.constant 0 : index
        %get3A_393 = tpu.vector_load %arg6[%get3A_390, %get3A_391, %get3A_392] {strides = array<i32>} : memref<2x320x128xf32, #tpu.memory_space<vmem>>, vector<1x1x16xf32>,
        %get3A_394 = vector.shape_cast %get3A_393 : vector<1x1x16xf32> to vector<16xf32>
        %add3A_395 = arith.addf %get3A_386, %get3A_394 : vector<16xf32>
        %add3A_396 = arith.constant 2 : i32
        %add3A_397 = arith.addi %mul3A_381, %add3A_396 : i32
        %get3A_398 = arith.constant 0 : i32
        %get3A_399 = arith.index_cast %get3A_398 : i32 to index
        %get3A_400 = arith.index_cast %add3A_397 : i32 to index
        %get3A_401 = arith.constant 0 : index
        %get3A_402 = tpu.vector_load %arg6[%get3A_399, %get3A_400, %get3A_401] {strides = array<i32>} : memref<2x320x128xf32, #tpu.memory_space<vmem>>, vector<1x1x16xf32>,
        %get3A_403 = vector.shape_cast %get3A_402 : vector<1x1x16xf32> to vector<16xf32>
        %add3A_404 = arith.addf %add3A_395, %get3A_403 : vector<16xf32>
        %add3A_405 = arith.constant 3 : i32
        %add3A_406 = arith.addi %mul3A_381, %add3A_405 : i32
        %get3A_407 = arith.constant 0 : i32
        %get3A_408 = arith.index_cast %get3A_407 : i32 to index
        %get3A_409 = arith.index_cast %add3A_406 : i32 to index
        %get3A_410 = arith.constant 0 : index
        %get3A_411 = tpu.vector_load %arg6[%get3A_408, %get3A_409, %get3A_410] {strides = array<i32>} : memref<2x320x128xf32, #tpu.memory_space<vmem>>, vector<1x1x16xf32>,
        %get3A_412 = vector.shape_cast %get3A_411 : vector<1x1x16xf32> to vector<16xf32>
        %add3A_413 = arith.addf %add3A_404, %get3A_412 : vector<16xf32>
        %add3A_414 = arith.constant 4 : i32
        %add3A_415 = arith.addi %mul3A_381, %add3A_414 : i32
        %get3A_416 = arith.constant 0 : i32
        %get3A_417 = arith.index_cast %get3A_416 : i32 to index
        %get3A_418 = arith.index_cast %add3A_415 : i32 to index
        %get3A_419 = arith.constant 0 : index
        %get3A_420 = tpu.vector_load %arg6[%get3A_417, %get3A_418, %get3A_419] {strides = array<i32>} : memref<2x320x128xf32, #tpu.memory_space<vmem>>, vector<1x1x16xf32>,
        %get3A_421 = vector.shape_cast %get3A_420 : vector<1x1x16xf32> to vector<16xf32>
        %add3A_422 = arith.addf %add3A_413, %get3A_421 : vector<16xf32>
        %swap3A = arith.constant 0 : i32
        %swap3A_423 = arith.index_cast %swap3A : i32 to index
        %swap3A_424 = arith.index_cast %scan3A_378 : i32 to index
        %swap3A_425 = arith.constant 0 : index
        %swap3A_426 = tpu.vector_load %arg7[%swap3A_423, %swap3A_424, %swap3A_425] {strides = array<i32>} : memref<2x64x128xf32, #tpu.memory_space<vmem>>, vector<1x1x16xf32>,
        %swap3A_427 = vector.shape_cast %swap3A_426 : vector<1x1x16xf32> to vector<16xf32>
        %swap3A_428 = vector.shape_cast %add3A_422 : vector<16xf32> to vector<1x1x16xf32>
        tpu.vector_store %arg7[%swap3A_423, %swap3A_424, %swap3A_425], %swap3A_428 {strides = array<i32>} : memref<2x64x128xf32, #tpu.memory_space<vmem>>, vector<1x1x16xf32>,
        %get3A_429 = arith.constant 0 : i32
        %get3A_430 = arith.index_cast %get3A_429 : i32 to index
        %get3A_431 = arith.index_cast %mul3A_381 : i32 to index
        %get3A_432 = arith.constant 16 : index
        %get3A_433 = tpu.vector_load %arg6[%get3A_430, %get3A_431, %get3A_432] {strides = array<i32>} : memref<2x320x128xf32, #tpu.memory_space<vmem>>, vector<1x1x16xf32>,
        %get3A_434 = vector.shape_cast %get3A_433 : vector<1x1x16xf32> to vector<16xf32>
        %add3A_435 = arith.constant 1 : i32
        %add3A_436 = arith.addi %mul3A_381, %add3A_435 : i32
        %get3A_437 = arith.constant 0 : i32
        %get3A_438 = arith.index_cast %get3A_437 : i32 to index
        %get3A_439 = arith.index_cast %add3A_436 : i32 to index
        %get3A_440 = arith.constant 16 : index
        %get3A_441 = tpu.vector_load %arg6[%get3A_438, %get3A_439, %get3A_440] {strides = array<i32>} : memref<2x320x128xf32, #tpu.memory_space<vmem>>, vector<1x1x16xf32>,
        %get3A_442 = vector.shape_cast %get3A_441 : vector<1x1x16xf32> to vector<16xf32>
        %add3A_443 = arith.addf %get3A_434, %get3A_442 : vector<16xf32>
        %add3A_444 = arith.constant 2 : i32
        %add3A_445 = arith.addi %mul3A_381, %add3A_444 : i32
        %get3A_446 = arith.constant 0 : i32
        %get3A_447 = arith.index_cast %get3A_446 : i32 to index
        %get3A_448 = arith.index_cast %add3A_445 : i32 to index
        %get3A_449 = arith.constant 16 : index
        %get3A_450 = tpu.vector_load %arg6[%get3A_447, %get3A_448, %get3A_449] {strides = array<i32>} : memref<2x320x128xf32, #tpu.memory_space<vmem>>, vector<1x1x16xf32>,
        %get3A_451 = vector.shape_cast %get3A_450 : vector<1x1x16xf32> to vector<16xf32>
        %add3A_452 = arith.addf %add3A_443, %get3A_451 : vector<16xf32>
        %add3A_453 = arith.constant 3 : i32
        %add3A_454 = arith.addi %mul3A_381, %add3A_453 : i32
        %get3A_455 = arith.constant 0 : i32
        %get3A_456 = arith.index_cast %get3A_455 : i32 to index
        %get3A_457 = arith.index_cast %add3A_454 : i32 to index
        %get3A_458 = arith.constant 16 : index
        %get3A_459 = tpu.vector_load %arg6[%get3A_456, %get3A_457, %get3A_458] {strides = array<i32>} : memref<2x320x128xf32, #tpu.memory_space<vmem>>, vector<1x1x16xf32>,
        %get3A_460 = vector.shape_cast %get3A_459 : vector<1x1x16xf32> to vector<16xf32>
        %add3A_461 = arith.addf %add3A_452, %get3A_460 : vector<16xf32>
        %add3A_462 = arith.constant 4 : i32
        %add3A_463 = arith.addi %mul3A_381, %add3A_462 : i32
        %get3A_464 = arith.constant 0 : i32
        %get3A_465 = arith.index_cast %get3A_464 : i32 to index
        %get3A_466 = arith.index_cast %add3A_463 : i32 to index
        %get3A_467 = arith.constant 16 : index
        %get3A_468 = tpu.vector_load %arg6[%get3A_465, %get3A_466, %get3A_467] {strides = array<i32>} : memref<2x320x128xf32, #tpu.memory_space<vmem>>, vector<1x1x16xf32>,
        %get3A_469 = vector.shape_cast %get3A_468 : vector<1x1x16xf32> to vector<16xf32>
        %add3A_470 = arith.addf %add3A_461, %get3A_469 : vector<16xf32>
        %swap3A_471 = arith.constant 0 : i32
        %swap3A_472 = arith.index_cast %swap3A_471 : i32 to index
        %swap3A_473 = arith.index_cast %scan3A_378 : i32 to index
        %swap3A_474 = arith.constant 16 : index
        %swap3A_475 = tpu.vector_load %arg7[%swap3A_472, %swap3A_473, %swap3A_474] {strides = array<i32>} : memref<2x64x128xf32, #tpu.memory_space<vmem>>, vector<1x1x16xf32>,
        %swap3A_476 = vector.shape_cast %swap3A_475 : vector<1x1x16xf32> to vector<16xf32>
        %swap3A_477 = vector.shape_cast %add3A_470 : vector<16xf32> to vector<1x1x16xf32>
        tpu.vector_store %arg7[%swap3A_472, %swap3A_473, %swap3A_474], %swap3A_477 {strides = array<i32>} : memref<2x64x128xf32, #tpu.memory_space<vmem>>, vector<1x1x16xf32>,
        %get3A_478 = arith.constant 0 : i32
        %get3A_479 = arith.index_cast %get3A_478 : i32 to index
        %get3A_480 = arith.index_cast %mul3A_381 : i32 to index
        %get3A_481 = arith.constant 32 : index
        %get3A_482 = tpu.vector_load %arg6[%get3A_479, %get3A_480, %get3A_481] {strides = array<i32>} : memref<2x320x128xf32, #tpu.memory_space<vmem>>, vector<1x1x16xf32>,
        %get3A_483 = vector.shape_cast %get3A_482 : vector<1x1x16xf32> to vector<16xf32>
        %add3A_484 = arith.constant 1 : i32
        %add3A_485 = arith.addi %mul3A_381, %add3A_484 : i32
        %get3A_486 = arith.constant 0 : i32
        %get3A_487 = arith.index_cast %get3A_486 : i32 to index
        %get3A_488 = arith.index_cast %add3A_485 : i32 to index
        %get3A_489 = arith.constant 32 : index
        %get3A_490 = tpu.vector_load %arg6[%get3A_487, %get3A_488, %get3A_489] {strides = array<i32>} : memref<2x320x128xf32, #tpu.memory_space<vmem>>, vector<1x1x16xf32>,
        %get3A_491 = vector.shape_cast %get3A_490 : vector<1x1x16xf32> to vector<16xf32>
        %add3A_492 = arith.addf %get3A_483, %get3A_491 : vector<16xf32>
        %add3A_493 = arith.constant 2 : i32
        %add3A_494 = arith.addi %mul3A_381, %add3A_493 : i32
        %get3A_495 = arith.constant 0 : i32
        %get3A_496 = arith.index_cast %get3A_495 : i32 to index
        %get3A_497 = arith.index_cast %add3A_494 : i32 to index
        %get3A_498 = arith.constant 32 : index
        %get3A_499 = tpu.vector_load %arg6[%get3A_496, %get3A_497, %get3A_498] {strides = array<i32>} : memref<2x320x128xf32, #tpu.memory_space<vmem>>, vector<1x1x16xf32>,
        %get3A_500 = vector.shape_cast %get3A_499 : vector<1x1x16xf32> to vector<16xf32>
        %add3A_501 = arith.addf %add3A_492, %get3A_500 : vector<16xf32>
        %add3A_502 = arith.constant 3 : i32
        %add3A_503 = arith.addi %mul3A_381, %add3A_502 : i32
        %get3A_504 = arith.constant 0 : i32
        %get3A_505 = arith.index_cast %get3A_504 : i32 to index
        %get3A_506 = arith.index_cast %add3A_503 : i32 to index
        %get3A_507 = arith.constant 32 : index
        %get3A_508 = tpu.vector_load %arg6[%get3A_505, %get3A_506, %get3A_507] {strides = array<i32>} : memref<2x320x128xf32, #tpu.memory_space<vmem>>, vector<1x1x16xf32>,
        %get3A_509 = vector.shape_cast %get3A_508 : vector<1x1x16xf32> to vector<16xf32>
        %add3A_510 = arith.addf %add3A_501, %get3A_509 : vector<16xf32>
        %add3A_511 = arith.constant 4 : i32
        %add3A_512 = arith.addi %mul3A_381, %add3A_511 : i32
        %get3A_513 = arith.constant 0 : i32
        %get3A_514 = arith.index_cast %get3A_513 : i32 to index
        %get3A_515 = arith.index_cast %add3A_512 : i32 to index
        %get3A_516 = arith.constant 32 : index
        %get3A_517 = tpu.vector_load %arg6[%get3A_514, %get3A_515, %get3A_516] {strides = array<i32>} : memref<2x320x128xf32, #tpu.memory_space<vmem>>, vector<1x1x16xf32>,
        %get3A_518 = vector.shape_cast %get3A_517 : vector<1x1x16xf32> to vector<16xf32>
        %add3A_519 = arith.addf %add3A_510, %get3A_518 : vector<16xf32>
        %swap3A_520 = arith.constant 0 : i32
        %swap3A_521 = arith.index_cast %swap3A_520 : i32 to index
        %swap3A_522 = arith.index_cast %scan3A_378 : i32 to index
        %swap3A_523 = arith.constant 32 : index
        %swap3A_524 = tpu.vector_load %arg7[%swap3A_521, %swap3A_522, %swap3A_523] {strides = array<i32>} : memref<2x64x128xf32, #tpu.memory_space<vmem>>, vector<1x1x16xf32>,
        %swap3A_525 = vector.shape_cast %swap3A_524 : vector<1x1x16xf32> to vector<16xf32>
        %swap3A_526 = vector.shape_cast %add3A_519 : vector<16xf32> to vector<1x1x16xf32>
        tpu.vector_store %arg7[%swap3A_521, %swap3A_522, %swap3A_523], %swap3A_526 {strides = array<i32>} : memref<2x64x128xf32, #tpu.memory_space<vmem>>, vector<1x1x16xf32>,
        %get3A_527 = arith.constant 0 : i32
        %get3A_528 = arith.index_cast %get3A_527 : i32 to index
        %get3A_529 = arith.index_cast %mul3A_381 : i32 to index
        %get3A_530 = arith.constant 48 : index
        %get3A_531 = tpu.vector_load %arg6[%get3A_528, %get3A_529, %get3A_530] {strides = array<i32>} : memref<2x320x128xf32, #tpu.memory_space<vmem>>, vector<1x1x16xf32>,
        %get3A_532 = vector.shape_cast %get3A_531 : vector<1x1x16xf32> to vector<16xf32>
        %add3A_533 = arith.constant 1 : i32
        %add3A_534 = arith.addi %mul3A_381, %add3A_533 : i32
        %get3A_535 = arith.constant 0 : i32
        %get3A_536 = arith.index_cast %get3A_535 : i32 to index
        %get3A_537 = arith.index_cast %add3A_534 : i32 to index
        %get3A_538 = arith.constant 48 : index
        %get3A_539 = tpu.vector_load %arg6[%get3A_536, %get3A_537, %get3A_538] {strides = array<i32>} : memref<2x320x128xf32, #tpu.memory_space<vmem>>, vector<1x1x16xf32>,
        %get3A_540 = vector.shape_cast %get3A_539 : vector<1x1x16xf32> to vector<16xf32>
        %add3A_541 = arith.addf %get3A_532, %get3A_540 : vector<16xf32>
        %add3A_542 = arith.constant 2 : i32
        %add3A_543 = arith.addi %mul3A_381, %add3A_542 : i32
        %get3A_544 = arith.constant 0 : i32
        %get3A_545 = arith.index_cast %get3A_544 : i32 to index
        %get3A_546 = arith.index_cast %add3A_543 : i32 to index
        %get3A_547 = arith.constant 48 : index
        %get3A_548 = tpu.vector_load %arg6[%get3A_545, %get3A_546, %get3A_547] {strides = array<i32>} : memref<2x320x128xf32, #tpu.memory_space<vmem>>, vector<1x1x16xf32>,
        %get3A_549 = vector.shape_cast %get3A_548 : vector<1x1x16xf32> to vector<16xf32>
        %add3A_550 = arith.addf %add3A_541, %get3A_549 : vector<16xf32>
        %add3A_551 = arith.constant 3 : i32
        %add3A_552 = arith.addi %mul3A_381, %add3A_551 : i32
        %get3A_553 = arith.constant 0 : i32
        %get3A_554 = arith.index_cast %get3A_553 : i32 to index
        %get3A_555 = arith.index_cast %add3A_552 : i32 to index
        %get3A_556 = arith.constant 48 : index
        %get3A_557 = tpu.vector_load %arg6[%get3A_554, %get3A_555, %get3A_556] {strides = array<i32>} : memref<2x320x128xf32, #tpu.memory_space<vmem>>, vector<1x1x16xf32>,
        %get3A_558 = vector.shape_cast %get3A_557 : vector<1x1x16xf32> to vector<16xf32>
        %add3A_559 = arith.addf %add3A_550, %get3A_558 : vector<16xf32>
        %add3A_560 = arith.constant 4 : i32
        %add3A_561 = arith.addi %mul3A_381, %add3A_560 : i32
        %get3A_562 = arith.constant 0 : i32
        %get3A_563 = arith.index_cast %get3A_562 : i32 to index
        %get3A_564 = arith.index_cast %add3A_561 : i32 to index
        %get3A_565 = arith.constant 48 : index
        %get3A_566 = tpu.vector_load %arg6[%get3A_563, %get3A_564, %get3A_565] {strides = array<i32>} : memref<2x320x128xf32, #tpu.memory_space<vmem>>, vector<1x1x16xf32>,
        %get3A_567 = vector.shape_cast %get3A_566 : vector<1x1x16xf32> to vector<16xf32>
        %add3A_568 = arith.addf %add3A_559, %get3A_567 : vector<16xf32>
        %swap3A_569 = arith.constant 0 : i32
        %swap3A_570 = arith.index_cast %swap3A_569 : i32 to index
        %swap3A_571 = arith.index_cast %scan3A_378 : i32 to index
        %swap3A_572 = arith.constant 48 : index
        %swap3A_573 = tpu.vector_load %arg7[%swap3A_570, %swap3A_571, %swap3A_572] {strides = array<i32>} : memref<2x64x128xf32, #tpu.memory_space<vmem>>, vector<1x1x16xf32>,
        %swap3A_574 = vector.shape_cast %swap3A_573 : vector<1x1x16xf32> to vector<16xf32>
        %swap3A_575 = vector.shape_cast %add3A_568 : vector<16xf32> to vector<1x1x16xf32>
        tpu.vector_store %arg7[%swap3A_570, %swap3A_571, %swap3A_572], %swap3A_575 {strides = array<i32>} : memref<2x64x128xf32, #tpu.memory_space<vmem>>, vector<1x1x16xf32>,
        %get3A_576 = arith.constant 0 : i32
        %get3A_577 = arith.index_cast %get3A_576 : i32 to index
        %get3A_578 = arith.index_cast %mul3A_381 : i32 to index
        %get3A_579 = arith.constant 64 : index
        %get3A_580 = tpu.vector_load %arg6[%get3A_577, %get3A_578, %get3A_579] {strides = array<i32>} : memref<2x320x128xf32, #tpu.memory_space<vmem>>, vector<1x1x16xf32>,
        %get3A_581 = vector.shape_cast %get3A_580 : vector<1x1x16xf32> to vector<16xf32>
        %add3A_582 = arith.constant 1 : i32
        %add3A_583 = arith.addi %mul3A_381, %add3A_582 : i32
        %get3A_584 = arith.constant 0 : i32
        %get3A_585 = arith.index_cast %get3A_584 : i32 to index
        %get3A_586 = arith.index_cast %add3A_583 : i32 to index
        %get3A_587 = arith.constant 64 : index
        %get3A_588 = tpu.vector_load %arg6[%get3A_585, %get3A_586, %get3A_587] {strides = array<i32>} : memref<2x320x128xf32, #tpu.memory_space<vmem>>, vector<1x1x16xf32>,
        %get3A_589 = vector.shape_cast %get3A_588 : vector<1x1x16xf32> to vector<16xf32>
        %add3A_590 = arith.addf %get3A_581, %get3A_589 : vector<16xf32>
        %add3A_591 = arith.constant 2 : i32
        %add3A_592 = arith.addi %mul3A_381, %add3A_591 : i32
        %get3A_593 = arith.constant 0 : i32
        %get3A_594 = arith.index_cast %get3A_593 : i32 to index
        %get3A_595 = arith.index_cast %add3A_592 : i32 to index
        %get3A_596 = arith.constant 64 : index
        %get3A_597 = tpu.vector_load %arg6[%get3A_594, %get3A_595, %get3A_596] {strides = array<i32>} : memref<2x320x128xf32, #tpu.memory_space<vmem>>, vector<1x1x16xf32>,
        %get3A_598 = vector.shape_cast %get3A_597 : vector<1x1x16xf32> to vector<16xf32>
        %add3A_599 = arith.addf %add3A_590, %get3A_598 : vector<16xf32>
        %add3A_600 = arith.constant 3 : i32
        %add3A_601 = arith.addi %mul3A_381, %add3A_600 : i32
        %get3A_602 = arith.constant 0 : i32
        %get3A_603 = arith.index_cast %get3A_602 : i32 to index
        %get3A_604 = arith.index_cast %add3A_601 : i32 to index
        %get3A_605 = arith.constant 64 : index
        %get3A_606 = tpu.vector_load %arg6[%get3A_603, %get3A_604, %get3A_605] {strides = array<i32>} : memref<2x320x128xf32, #tpu.memory_space<vmem>>, vector<1x1x16xf32>,
        %get3A_607 = vector.shape_cast %get3A_606 : vector<1x1x16xf32> to vector<16xf32>
        %add3A_608 = arith.addf %add3A_599, %get3A_607 : vector<16xf32>
        %add3A_609 = arith.constant 4 : i32
        %add3A_610 = arith.addi %mul3A_381, %add3A_609 : i32
        %get3A_611 = arith.constant 0 : i32
        %get3A_612 = arith.index_cast %get3A_611 : i32 to index
        %get3A_613 = arith.index_cast %add3A_610 : i32 to index
        %get3A_614 = arith.constant 64 : index
        %get3A_615 = tpu.vector_load %arg6[%get3A_612, %get3A_613, %get3A_614] {strides = array<i32>} : memref<2x320x128xf32, #tpu.memory_space<vmem>>, vector<1x1x16xf32>,
        %get3A_616 = vector.shape_cast %get3A_615 : vector<1x1x16xf32> to vector<16xf32>
        %add3A_617 = arith.addf %add3A_608, %get3A_616 : vector<16xf32>
        %swap3A_618 = arith.constant 0 : i32
        %swap3A_619 = arith.index_cast %swap3A_618 : i32 to index
        %swap3A_620 = arith.index_cast %scan3A_378 : i32 to index
        %swap3A_621 = arith.constant 64 : index
        %swap3A_622 = tpu.vector_load %arg7[%swap3A_619, %swap3A_620, %swap3A_621] {strides = array<i32>} : memref<2x64x128xf32, #tpu.memory_space<vmem>>, vector<1x1x16xf32>,
        %swap3A_623 = vector.shape_cast %swap3A_622 : vector<1x1x16xf32> to vector<16xf32>
        %swap3A_624 = vector.shape_cast %add3A_617 : vector<16xf32> to vector<1x1x16xf32>
        tpu.vector_store %arg7[%swap3A_619, %swap3A_620, %swap3A_621], %swap3A_624 {strides = array<i32>} : memref<2x64x128xf32, #tpu.memory_space<vmem>>, vector<1x1x16xf32>,
        %get3A_625 = arith.constant 0 : i32
        %get3A_626 = arith.index_cast %get3A_625 : i32 to index
        %get3A_627 = arith.index_cast %mul3A_381 : i32 to index
        %get3A_628 = arith.constant 80 : index
        %get3A_629 = tpu.vector_load %arg6[%get3A_626, %get3A_627, %get3A_628] {strides = array<i32>} : memref<2x320x128xf32, #tpu.memory_space<vmem>>, vector<1x1x16xf32>,
        %get3A_630 = vector.shape_cast %get3A_629 : vector<1x1x16xf32> to vector<16xf32>
        %add3A_631 = arith.constant 1 : i32
        %add3A_632 = arith.addi %mul3A_381, %add3A_631 : i32
        %get3A_633 = arith.constant 0 : i32
        %get3A_634 = arith.index_cast %get3A_633 : i32 to index
        %get3A_635 = arith.index_cast %add3A_632 : i32 to index
        %get3A_636 = arith.constant 80 : index
        %get3A_637 = tpu.vector_load %arg6[%get3A_634, %get3A_635, %get3A_636] {strides = array<i32>} : memref<2x320x128xf32, #tpu.memory_space<vmem>>, vector<1x1x16xf32>,
        %get3A_638 = vector.shape_cast %get3A_637 : vector<1x1x16xf32> to vector<16xf32>
        %add3A_639 = arith.addf %get3A_630, %get3A_638 : vector<16xf32>
        %add3A_640 = arith.constant 2 : i32
        %add3A_641 = arith.addi %mul3A_381, %add3A_640 : i32
        %get3A_642 = arith.constant 0 : i32
        %get3A_643 = arith.index_cast %get3A_642 : i32 to index
        %get3A_644 = arith.index_cast %add3A_641 : i32 to index
        %get3A_645 = arith.constant 80 : index
        %get3A_646 = tpu.vector_load %arg6[%get3A_643, %get3A_644, %get3A_645] {strides = array<i32>} : memref<2x320x128xf32, #tpu.memory_space<vmem>>, vector<1x1x16xf32>,
        %get3A_647 = vector.shape_cast %get3A_646 : vector<1x1x16xf32> to vector<16xf32>
        %add3A_648 = arith.addf %add3A_639, %get3A_647 : vector<16xf32>
        %add3A_649 = arith.constant 3 : i32
        %add3A_650 = arith.addi %mul3A_381, %add3A_649 : i32
        %get3A_651 = arith.constant 0 : i32
        %get3A_652 = arith.index_cast %get3A_651 : i32 to index
        %get3A_653 = arith.index_cast %add3A_650 : i32 to index
        %get3A_654 = arith.constant 80 : index
        %get3A_655 = tpu.vector_load %arg6[%get3A_652, %get3A_653, %get3A_654] {strides = array<i32>} : memref<2x320x128xf32, #tpu.memory_space<vmem>>, vector<1x1x16xf32>,
        %get3A_656 = vector.shape_cast %get3A_655 : vector<1x1x16xf32> to vector<16xf32>
        %add3A_657 = arith.addf %add3A_648, %get3A_656 : vector<16xf32>
        %add3A_658 = arith.constant 4 : i32
        %add3A_659 = arith.addi %mul3A_381, %add3A_658 : i32
        %get3A_660 = arith.constant 0 : i32
        %get3A_661 = arith.index_cast %get3A_660 : i32 to index
        %get3A_662 = arith.index_cast %add3A_659 : i32 to index
        %get3A_663 = arith.constant 80 : index
        %get3A_664 = tpu.vector_load %arg6[%get3A_661, %get3A_662, %get3A_663] {strides = array<i32>} : memref<2x320x128xf32, #tpu.memory_space<vmem>>, vector<1x1x16xf32>,
        %get3A_665 = vector.shape_cast %get3A_664 : vector<1x1x16xf32> to vector<16xf32>
        %add3A_666 = arith.addf %add3A_657, %get3A_665 : vector<16xf32>
        %swap3A_667 = arith.constant 0 : i32
        %swap3A_668 = arith.index_cast %swap3A_667 : i32 to index
        %swap3A_669 = arith.index_cast %scan3A_378 : i32 to index
        %swap3A_670 = arith.constant 80 : index
        %swap3A_671 = tpu.vector_load %arg7[%swap3A_668, %swap3A_669, %swap3A_670] {strides = array<i32>} : memref<2x64x128xf32, #tpu.memory_space<vmem>>, vector<1x1x16xf32>,
        %swap3A_672 = vector.shape_cast %swap3A_671 : vector<1x1x16xf32> to vector<16xf32>
        %swap3A_673 = vector.shape_cast %add3A_666 : vector<16xf32> to vector<1x1x16xf32>
        tpu.vector_store %arg7[%swap3A_668, %swap3A_669, %swap3A_670], %swap3A_673 {strides = array<i32>} : memref<2x64x128xf32, #tpu.memory_space<vmem>>, vector<1x1x16xf32>,
        %get3A_674 = arith.constant 0 : i32
        %get3A_675 = arith.index_cast %get3A_674 : i32 to index
        %get3A_676 = arith.index_cast %mul3A_381 : i32 to index
        %get3A_677 = arith.constant 96 : index
        %get3A_678 = tpu.vector_load %arg6[%get3A_675, %get3A_676, %get3A_677] {strides = array<i32>} : memref<2x320x128xf32, #tpu.memory_space<vmem>>, vector<1x1x16xf32>,
        %get3A_679 = vector.shape_cast %get3A_678 : vector<1x1x16xf32> to vector<16xf32>
        %add3A_680 = arith.constant 1 : i32
        %add3A_681 = arith.addi %mul3A_381, %add3A_680 : i32
        %get3A_682 = arith.constant 0 : i32
        %get3A_683 = arith.index_cast %get3A_682 : i32 to index
        %get3A_684 = arith.index_cast %add3A_681 : i32 to index
        %get3A_685 = arith.constant 96 : index
        %get3A_686 = tpu.vector_load %arg6[%get3A_683, %get3A_684, %get3A_685] {strides = array<i32>} : memref<2x320x128xf32, #tpu.memory_space<vmem>>, vector<1x1x16xf32>,
        %get3A_687 = vector.shape_cast %get3A_686 : vector<1x1x16xf32> to vector<16xf32>
        %add3A_688 = arith.addf %get3A_679, %get3A_687 : vector<16xf32>
        %add3A_689 = arith.constant 2 : i32
        %add3A_690 = arith.addi %mul3A_381, %add3A_689 : i32
        %get3A_691 = arith.constant 0 : i32
        %get3A_692 = arith.index_cast %get3A_691 : i32 to index
        %get3A_693 = arith.index_cast %add3A_690 : i32 to index
        %get3A_694 = arith.constant 96 : index
        %get3A_695 = tpu.vector_load %arg6[%get3A_692, %get3A_693, %get3A_694] {strides = array<i32>} : memref<2x320x128xf32, #tpu.memory_space<vmem>>, vector<1x1x16xf32>,
        %get3A_696 = vector.shape_cast %get3A_695 : vector<1x1x16xf32> to vector<16xf32>
        %add3A_697 = arith.addf %add3A_688, %get3A_696 : vector<16xf32>
        %add3A_698 = arith.constant 3 : i32
        %add3A_699 = arith.addi %mul3A_381, %add3A_698 : i32
        %get3A_700 = arith.constant 0 : i32
        %get3A_701 = arith.index_cast %get3A_700 : i32 to index
        %get3A_702 = arith.index_cast %add3A_699 : i32 to index
        %get3A_703 = arith.constant 96 : index
        %get3A_704 = tpu.vector_load %arg6[%get3A_701, %get3A_702, %get3A_703] {strides = array<i32>} : memref<2x320x128xf32, #tpu.memory_space<vmem>>, vector<1x1x16xf32>,
        %get3A_705 = vector.shape_cast %get3A_704 : vector<1x1x16xf32> to vector<16xf32>
        %add3A_706 = arith.addf %add3A_697, %get3A_705 : vector<16xf32>
        %add3A_707 = arith.constant 4 : i32
        %add3A_708 = arith.addi %mul3A_381, %add3A_707 : i32
        %get3A_709 = arith.constant 0 : i32
        %get3A_710 = arith.index_cast %get3A_709 : i32 to index
        %get3A_711 = arith.index_cast %add3A_708 : i32 to index
        %get3A_712 = arith.constant 96 : index
        %get3A_713 = tpu.vector_load %arg6[%get3A_710, %get3A_711, %get3A_712] {strides = array<i32>} : memref<2x320x128xf32, #tpu.memory_space<vmem>>, vector<1x1x16xf32>,
        %get3A_714 = vector.shape_cast %get3A_713 : vector<1x1x16xf32> to vector<16xf32>
        %add3A_715 = arith.addf %add3A_706, %get3A_714 : vector<16xf32>
        %swap3A_716 = arith.constant 0 : i32
        %swap3A_717 = arith.index_cast %swap3A_716 : i32 to index
        %swap3A_718 = arith.index_cast %scan3A_378 : i32 to index
        %swap3A_719 = arith.constant 96 : index
        %swap3A_720 = tpu.vector_load %arg7[%swap3A_717, %swap3A_718, %swap3A_719] {strides = array<i32>} : memref<2x64x128xf32, #tpu.memory_space<vmem>>, vector<1x1x16xf32>,
        %swap3A_721 = vector.shape_cast %swap3A_720 : vector<1x1x16xf32> to vector<16xf32>
        %swap3A_722 = vector.shape_cast %add3A_715 : vector<16xf32> to vector<1x1x16xf32>
        tpu.vector_store %arg7[%swap3A_717, %swap3A_718, %swap3A_719], %swap3A_722 {strides = array<i32>} : memref<2x64x128xf32, #tpu.memory_space<vmem>>, vector<1x1x16xf32>,
        %get3A_723 = arith.constant 0 : i32
        %get3A_724 = arith.index_cast %get3A_723 : i32 to index
        %get3A_725 = arith.index_cast %mul3A_381 : i32 to index
        %get3A_726 = arith.constant 112 : index
        %get3A_727 = tpu.vector_load %arg6[%get3A_724, %get3A_725, %get3A_726] {strides = array<i32>} : memref<2x320x128xf32, #tpu.memory_space<vmem>>, vector<1x1x16xf32>,
        %get3A_728 = vector.shape_cast %get3A_727 : vector<1x1x16xf32> to vector<16xf32>
        %add3A_729 = arith.constant 1 : i32
        %add3A_730 = arith.addi %mul3A_381, %add3A_729 : i32
        %get3A_731 = arith.constant 0 : i32
        %get3A_732 = arith.index_cast %get3A_731 : i32 to index
        %get3A_733 = arith.index_cast %add3A_730 : i32 to index
        %get3A_734 = arith.constant 112 : index
        %get3A_735 = tpu.vector_load %arg6[%get3A_732, %get3A_733, %get3A_734] {strides = array<i32>} : memref<2x320x128xf32, #tpu.memory_space<vmem>>, vector<1x1x16xf32>,
        %get3A_736 = vector.shape_cast %get3A_735 : vector<1x1x16xf32> to vector<16xf32>
        %add3A_737 = arith.addf %get3A_728, %get3A_736 : vector<16xf32>
        %add3A_738 = arith.constant 2 : i32
        %add3A_739 = arith.addi %mul3A_381, %add3A_738 : i32
        %get3A_740 = arith.constant 0 : i32
        %get3A_741 = arith.index_cast %get3A_740 : i32 to index
        %get3A_742 = arith.index_cast %add3A_739 : i32 to index
        %get3A_743 = arith.constant 112 : index
        %get3A_744 = tpu.vector_load %arg6[%get3A_741, %get3A_742, %get3A_743] {strides = array<i32>} : memref<2x320x128xf32, #tpu.memory_space<vmem>>, vector<1x1x16xf32>,
        %get3A_745 = vector.shape_cast %get3A_744 : vector<1x1x16xf32> to vector<16xf32>
        %add3A_746 = arith.addf %add3A_737, %get3A_745 : vector<16xf32>
        %add3A_747 = arith.constant 3 : i32
        %add3A_748 = arith.addi %mul3A_381, %add3A_747 : i32
        %get3A_749 = arith.constant 0 : i32
        %get3A_750 = arith.index_cast %get3A_749 : i32 to index
        %get3A_751 = arith.index_cast %add3A_748 : i32 to index
        %get3A_752 = arith.constant 112 : index
        %get3A_753 = tpu.vector_load %arg6[%get3A_750, %get3A_751, %get3A_752] {strides = array<i32>} : memref<2x320x128xf32, #tpu.memory_space<vmem>>, vector<1x1x16xf32>,
        %get3A_754 = vector.shape_cast %get3A_753 : vector<1x1x16xf32> to vector<16xf32>
        %add3A_755 = arith.addf %add3A_746, %get3A_754 : vector<16xf32>
        %add3A_756 = arith.constant 4 : i32
        %add3A_757 = arith.addi %mul3A_381, %add3A_756 : i32
        %get3A_758 = arith.constant 0 : i32
        %get3A_759 = arith.index_cast %get3A_758 : i32 to index
        %get3A_760 = arith.index_cast %add3A_757 : i32 to index
        %get3A_761 = arith.constant 112 : index
        %get3A_762 = tpu.vector_load %arg6[%get3A_759, %get3A_760, %get3A_761] {strides = array<i32>} : memref<2x320x128xf32, #tpu.memory_space<vmem>>, vector<1x1x16xf32>,
        %get3A_763 = vector.shape_cast %get3A_762 : vector<1x1x16xf32> to vector<16xf32>
        %add3A_764 = arith.addf %add3A_755, %get3A_763 : vector<16xf32>
        %swap3A_765 = arith.constant 0 : i32
        %swap3A_766 = arith.index_cast %swap3A_765 : i32 to index
        %swap3A_767 = arith.index_cast %scan3A_378 : i32 to index
        %swap3A_768 = arith.constant 112 : index
        %swap3A_769 = tpu.vector_load %arg7[%swap3A_766, %swap3A_767, %swap3A_768] {strides = array<i32>} : memref<2x64x128xf32, #tpu.memory_space<vmem>>, vector<1x1x16xf32>,
        %swap3A_770 = vector.shape_cast %swap3A_769 : vector<1x1x16xf32> to vector<16xf32>
        %swap3A_771 = vector.shape_cast %add3A_764 : vector<16xf32> to vector<1x1x16xf32>
        tpu.vector_store %arg7[%swap3A_766, %swap3A_767, %swap3A_768], %swap3A_771 {strides = array<i32>} : memref<2x64x128xf32, #tpu.memory_space<vmem>>, vector<1x1x16xf32>,
        %scan3A_772 = arith.constant 0 : i32
        scf.yield %scan3A_772 : i32
      }
      %scan3A_274 = arith.constant 64 : i32
      %mul3A_275 = arith.constant 64 : i32
      %mul3A_276 = arith.muli %mul3A_159, %mul3A_275 : i32
      %add3A_277 = arith.addi %mul3A_2, %mul3A_276 : i32
      %dma_start3A_278 = arith.constant 0 : i32
      %dma_start3A_279 = arith.constant 0 : i32
      %dma_start3A_280 = arith.constant 0 : i32
      %dma_start3A_281 = tpu.memref_slice %arg7[%dma_start3A_278, %dma_start3A_279, %dma_start3A_280] : memref<2x64x128xf32, #tpu.memory_space<vmem>> -> memref<1x64x128xf32, #tpu.memory_space<vmem>>
      %dma_start3A_282 = tpu.memref_squeeze %dma_start3A_281 : memref<1x64x128xf32, #tpu.memory_space<vmem>> -> memref<64x128xf32, #tpu.memory_space<vmem>>
      %dma_start3A_283 = arith.constant 0 : i32
      %dma_start3A_284 = tpu.memref_slice %arg4[%add3A_277, %dma_start3A_283] : memref<26624x128xf32, #tpu.memory_space<hbm>> -> memref<64x128xf32, #tpu.memory_space<hbm>>
      %dma_start3A_285 = arith.constant 0 : i32
      %dma_start3A_286 = tpu.memref_slice %arg4[%add3A_277, %dma_start3A_285] : memref<26624x128xf32, #tpu.memory_space<hbm>> -> memref<64x128xf32, #tpu.memory_space<hbm>>
      %dma_start3A_287 = arith.constant 0 : i32
      %dma_start3A_288 = arith.constant 0 : i32
      %dma_start3A_289 = tpu.memref_slice %arg7[%dma_start3A_278, %dma_start3A_287, %dma_start3A_288] : memref<2x64x128xf32, #tpu.memory_space<vmem>> -> memref<1x64x128xf32, #tpu.memory_space<vmem>>
      %dma_start3A_290 = tpu.memref_squeeze %dma_start3A_289 : memref<1x64x128xf32, #tpu.memory_space<vmem>> -> memref<64x128xf32, #tpu.memory_space<vmem>>
      tpu.enqueue_dma source(%dma_start3A_290 : memref<64x128xf32, #tpu.memory_space<vmem>>) target(%dma_start3A_286 : memref<64x128xf32, #tpu.memory_space<hbm>>) target_semaphore(%arg10 : memref<!tpu.dma_semaphore, #tpu.memory_space<semaphore_mem>>)
      %add3A_291 = arith.constant 1 : i32
      %add3A_292 = arith.addi %add3A_161, %add3A_291 : i32
      %lt3A = arith.constant 13 : i32
      %lt3A_293 = arith.cmpi slt, %add3A_292, %lt3A : i32
      %convert_element_type3A_294 = arith.extui %lt3A_293 : i1 to i32
      %cond3A_295 = arith.constant 0 : i32
      %cond3A_296 = arith.cmpi ne, %convert_element_type3A_294, %cond3A_295 : i32
      scf.if %cond3A_296 {
        %add3A_378 = arith.constant 1 : i32
        %add3A_379 = arith.addi %add3A_161, %add3A_378 : i32
        %mul3A_380 = arith.constant 320 : i32
        %mul3A_381 = arith.muli %add3A_379, %mul3A_380 : i32
        %add3A_382 = arith.constant 0 : i32
        %add3A_383 = arith.addi %mul3A_381, %add3A_382 : i32
        %mul3A_384 = arith.constant 320 : i32
        %mul3A_385 = arith.muli %add3A_379, %mul3A_384 : i32
        %add3A_386 = arith.constant 80 : i32
        %add3A_387 = arith.addi %mul3A_385, %add3A_386 : i32
        %mul3A_388 = arith.constant 320 : i32
        %mul3A_389 = arith.muli %add3A_379, %mul3A_388 : i32
        %add3A_390 = arith.constant 160 : i32
        %add3A_391 = arith.addi %mul3A_389, %add3A_390 : i32
        %mul3A_392 = arith.constant 320 : i32
        %mul3A_393 = arith.muli %add3A_379, %mul3A_392 : i32
        %add3A_394 = arith.constant 240 : i32
        %add3A_395 = arith.addi %mul3A_393, %add3A_394 : i32
        %dma_start3A_396 = arith.constant 0 : i32
        %dma_start3A_397 = arith.constant 0 : i32
        %dma_start3A_398 = arith.constant 0 : i32
        %dma_start3A_399 = tpu.memref_slice %arg6[%dma_start3A_396, %dma_start3A_397, %dma_start3A_398] : memref<2x320x128xf32, #tpu.memory_space<vmem>> -> memref<1x80x128xf32, #tpu.memory_space<vmem>>
        %dma_start3A_400 = tpu.memref_squeeze %dma_start3A_399 : memref<1x80x128xf32, #tpu.memory_space<vmem>> -> memref<80x128xf32, #tpu.memory_space<vmem>>
        %dma_start3A_401 = tpu.memref_slice %arg5[%add3A_383] : memref<4160xi32, #tpu.memory_space<vmem>> -> memref<80xi32, #tpu.memory_space<vmem>>
        %dma_start3A_402 = arith.constant 0 : i32
        %dma_start3A_403 = arith.constant 0 : i32
        %dma_start3A_404 = tpu.memref_slice %arg2[%dma_start3A_402, %dma_start3A_403] : memref<100800x128xf32, #tpu.memory_space<hbm>> -> memref<100800x128xf32, #tpu.memory_space<hbm>>
        tpu.enqueue_indirect_dma source(%dma_start3A_404 : memref<100800x128xf32, #tpu.memory_space<hbm>>) target(%dma_start3A_400 : memref<80x128xf32, #tpu.memory_space<vmem>>) offsets(%dma_start3A_401 : memref<80xi32, #tpu.memory_space<vmem>>) semaphore(%arg8 : memref<!tpu.dma_semaphore, #tpu.memory_space<semaphore_mem>>)
        %dma_start3A_405 = arith.constant 0 : i32
        %dma_start3A_406 = arith.constant 80 : i32
        %dma_start3A_407 = arith.constant 0 : i32
        %dma_start3A_408 = tpu.memref_slice %arg6[%dma_start3A_405, %dma_start3A_406, %dma_start3A_407] : memref<2x320x128xf32, #tpu.memory_space<vmem>> -> memref<1x80x128xf32, #tpu.memory_space<vmem>>
        %dma_start3A_409 = tpu.memref_squeeze %dma_start3A_408 : memref<1x80x128xf32, #tpu.memory_space<vmem>> -> memref<80x128xf32, #tpu.memory_space<vmem>>
        %dma_start3A_410 = tpu.memref_slice %arg5[%add3A_387] : memref<4160xi32, #tpu.memory_space<vmem>> -> memref<80xi32, #tpu.memory_space<vmem>>
        %dma_start3A_411 = arith.constant 0 : i32
        %dma_start3A_412 = arith.constant 0 : i32
        %dma_start3A_413 = tpu.memref_slice %arg2[%dma_start3A_411, %dma_start3A_412] : memref<100800x128xf32, #tpu.memory_space<hbm>> -> memref<100800x128xf32, #tpu.memory_space<hbm>>
        tpu.enqueue_indirect_dma source(%dma_start3A_413 : memref<100800x128xf32, #tpu.memory_space<hbm>>) target(%dma_start3A_409 : memref<80x128xf32, #tpu.memory_space<vmem>>) offsets(%dma_start3A_410 : memref<80xi32, #tpu.memory_space<vmem>>) semaphore(%arg8 : memref<!tpu.dma_semaphore, #tpu.memory_space<semaphore_mem>>)
        %dma_start3A_414 = arith.constant 0 : i32
        %dma_start3A_415 = arith.constant 160 : i32
        %dma_start3A_416 = arith.constant 0 : i32
        %dma_start3A_417 = tpu.memref_slice %arg6[%dma_start3A_414, %dma_start3A_415, %dma_start3A_416] : memref<2x320x128xf32, #tpu.memory_space<vmem>> -> memref<1x80x128xf32, #tpu.memory_space<vmem>>
        %dma_start3A_418 = tpu.memref_squeeze %dma_start3A_417 : memref<1x80x128xf32, #tpu.memory_space<vmem>> -> memref<80x128xf32, #tpu.memory_space<vmem>>
        %dma_start3A_419 = tpu.memref_slice %arg5[%add3A_391] : memref<4160xi32, #tpu.memory_space<vmem>> -> memref<80xi32, #tpu.memory_space<vmem>>
        %dma_start3A_420 = arith.constant 0 : i32
        %dma_start3A_421 = arith.constant 0 : i32
        %dma_start3A_422 = tpu.memref_slice %arg2[%dma_start3A_420, %dma_start3A_421] : memref<100800x128xf32, #tpu.memory_space<hbm>> -> memref<100800x128xf32, #tpu.memory_space<hbm>>
        tpu.enqueue_indirect_dma source(%dma_start3A_422 : memref<100800x128xf32, #tpu.memory_space<hbm>>) target(%dma_start3A_418 : memref<80x128xf32, #tpu.memory_space<vmem>>) offsets(%dma_start3A_419 : memref<80xi32, #tpu.memory_space<vmem>>) semaphore(%arg8 : memref<!tpu.dma_semaphore, #tpu.memory_space<semaphore_mem>>)
        %dma_start3A_423 = arith.constant 0 : i32
        %dma_start3A_424 = arith.constant 240 : i32
        %dma_start3A_425 = arith.constant 0 : i32
        %dma_start3A_426 = tpu.memref_slice %arg6[%dma_start3A_423, %dma_start3A_424, %dma_start3A_425] : memref<2x320x128xf32, #tpu.memory_space<vmem>> -> memref<1x80x128xf32, #tpu.memory_space<vmem>>
        %dma_start3A_427 = tpu.memref_squeeze %dma_start3A_426 : memref<1x80x128xf32, #tpu.memory_space<vmem>> -> memref<80x128xf32, #tpu.memory_space<vmem>>
        %dma_start3A_428 = tpu.memref_slice %arg5[%add3A_395] : memref<4160xi32, #tpu.memory_space<vmem>> -> memref<80xi32, #tpu.memory_space<vmem>>
        %dma_start3A_429 = arith.constant 0 : i32
        %dma_start3A_430 = arith.constant 0 : i32
        %dma_start3A_431 = tpu.memref_slice %arg2[%dma_start3A_429, %dma_start3A_430] : memref<100800x128xf32, #tpu.memory_space<hbm>> -> memref<100800x128xf32, #tpu.memory_space<hbm>>
        tpu.enqueue_indirect_dma source(%dma_start3A_431 : memref<100800x128xf32, #tpu.memory_space<hbm>>) target(%dma_start3A_427 : memref<80x128xf32, #tpu.memory_space<vmem>>) offsets(%dma_start3A_428 : memref<80xi32, #tpu.memory_space<vmem>>) semaphore(%arg8 : memref<!tpu.dma_semaphore, #tpu.memory_space<semaphore_mem>>)
      } else {
      }
      %mul3A_297 = arith.constant 320 : i32
      %mul3A_298 = arith.muli %add3A_161, %mul3A_297 : i32
      %add3A_299 = arith.constant 0 : i32
      %add3A_300 = arith.addi %mul3A_298, %add3A_299 : i32
      %mul3A_301 = arith.constant 320 : i32
      %mul3A_302 = arith.muli %add3A_161, %mul3A_301 : i32
      %add3A_303 = arith.constant 80 : i32
      %add3A_304 = arith.addi %mul3A_302, %add3A_303 : i32
      %mul3A_305 = arith.constant 320 : i32
      %mul3A_306 = arith.muli %add3A_161, %mul3A_305 : i32
      %add3A_307 = arith.constant 160 : i32
      %add3A_308 = arith.addi %mul3A_306, %add3A_307 : i32
      %mul3A_309 = arith.constant 320 : i32
      %mul3A_310 = arith.muli %add3A_161, %mul3A_309 : i32
      %add3A_311 = arith.constant 240 : i32
      %add3A_312 = arith.addi %mul3A_310, %add3A_311 : i32
      %dma_wait3A_313 = arith.constant 1 : i32
      %dma_wait3A_314 = arith.constant 0 : i32
      %dma_wait3A_315 = arith.constant 0 : i32
      %dma_wait3A_316 = tpu.memref_slice %arg6[%dma_wait3A_313, %dma_wait3A_314, %dma_wait3A_315] : memref<2x320x128xf32, #tpu.memory_space<vmem>> -> memref<1x80x128xf32, #tpu.memory_space<vmem>>
      %dma_wait3A_317 = tpu.memref_squeeze %dma_wait3A_316 : memref<1x80x128xf32, #tpu.memory_space<vmem>> -> memref<80x128xf32, #tpu.memory_space<vmem>>
      %dma_wait3A_318 = tpu.memref_slice %arg5[%add3A_300] : memref<4160xi32, #tpu.memory_space<vmem>> -> memref<80xi32, #tpu.memory_space<vmem>>
      %dma_wait3A_319 = arith.constant 0 : i32
      %dma_wait3A_320 = arith.constant 0 : i32
      %dma_wait3A_321 = tpu.memref_slice %arg2[%dma_wait3A_319, %dma_wait3A_320] : memref<100800x128xf32, #tpu.memory_space<hbm>> -> memref<100800x128xf32, #tpu.memory_space<hbm>>
      tpu.wait_indirect_dma semaphore(%arg9 : memref<!tpu.dma_semaphore, #tpu.memory_space<semaphore_mem>>) src(%dma_wait3A_321 : memref<100800x128xf32, #tpu.memory_space<hbm>>) dst(%dma_wait3A_317 : memref<80x128xf32, #tpu.memory_space<vmem>>)
      %dma_wait3A_322 = arith.constant 1 : i32
      %dma_wait3A_323 = arith.constant 80 : i32
      %dma_wait3A_324 = arith.constant 0 : i32
      %dma_wait3A_325 = tpu.memref_slice %arg6[%dma_wait3A_322, %dma_wait3A_323, %dma_wait3A_324] : memref<2x320x128xf32, #tpu.memory_space<vmem>> -> memref<1x80x128xf32, #tpu.memory_space<vmem>>
      %dma_wait3A_326 = tpu.memref_squeeze %dma_wait3A_325 : memref<1x80x128xf32, #tpu.memory_space<vmem>> -> memref<80x128xf32, #tpu.memory_space<vmem>>
      %dma_wait3A_327 = tpu.memref_slice %arg5[%add3A_304] : memref<4160xi32, #tpu.memory_space<vmem>> -> memref<80xi32, #tpu.memory_space<vmem>>
      %dma_wait3A_328 = arith.constant 0 : i32
      %dma_wait3A_329 = arith.constant 0 : i32
      %dma_wait3A_330 = tpu.memref_slice %arg2[%dma_wait3A_328, %dma_wait3A_329] : memref<100800x128xf32, #tpu.memory_space<hbm>> -> memref<100800x128xf32, #tpu.memory_space<hbm>>
      tpu.wait_indirect_dma semaphore(%arg9 : memref<!tpu.dma_semaphore, #tpu.memory_space<semaphore_mem>>) src(%dma_wait3A_330 : memref<100800x128xf32, #tpu.memory_space<hbm>>) dst(%dma_wait3A_326 : memref<80x128xf32, #tpu.memory_space<vmem>>)
      %dma_wait3A_331 = arith.constant 1 : i32
      %dma_wait3A_332 = arith.constant 160 : i32
      %dma_wait3A_333 = arith.constant 0 : i32
      %dma_wait3A_334 = tpu.memref_slice %arg6[%dma_wait3A_331, %dma_wait3A_332, %dma_wait3A_333] : memref<2x320x128xf32, #tpu.memory_space<vmem>> -> memref<1x80x128xf32, #tpu.memory_space<vmem>>
      %dma_wait3A_335 = tpu.memref_squeeze %dma_wait3A_334 : memref<1x80x128xf32, #tpu.memory_space<vmem>> -> memref<80x128xf32, #tpu.memory_space<vmem>>
      %dma_wait3A_336 = tpu.memref_slice %arg5[%add3A_308] : memref<4160xi32, #tpu.memory_space<vmem>> -> memref<80xi32, #tpu.memory_space<vmem>>
      %dma_wait3A_337 = arith.constant 0 : i32
      %dma_wait3A_338 = arith.constant 0 : i32
      %dma_wait3A_339 = tpu.memref_slice %arg2[%dma_wait3A_337, %dma_wait3A_338] : memref<100800x128xf32, #tpu.memory_space<hbm>> -> memref<100800x128xf32, #tpu.memory_space<hbm>>
      tpu.wait_indirect_dma semaphore(%arg9 : memref<!tpu.dma_semaphore, #tpu.memory_space<semaphore_mem>>) src(%dma_wait3A_339 : memref<100800x128xf32, #tpu.memory_space<hbm>>) dst(%dma_wait3A_335 : memref<80x128xf32, #tpu.memory_space<vmem>>)
      %dma_wait3A_340 = arith.constant 1 : i32
      %dma_wait3A_341 = arith.constant 240 : i32
      %dma_wait3A_342 = arith.constant 0 : i32
      %dma_wait3A_343 = tpu.memref_slice %arg6[%dma_wait3A_340, %dma_wait3A_341, %dma_wait3A_342] : memref<2x320x128xf32, #tpu.memory_space<vmem>> -> memref<1x80x128xf32, #tpu.memory_space<vmem>>
      %dma_wait3A_344 = tpu.memref_squeeze %dma_wait3A_343 : memref<1x80x128xf32, #tpu.memory_space<vmem>> -> memref<80x128xf32, #tpu.memory_space<vmem>>
      %dma_wait3A_345 = tpu.memref_slice %arg5[%add3A_312] : memref<4160xi32, #tpu.memory_space<vmem>> -> memref<80xi32, #tpu.memory_space<vmem>>
      %dma_wait3A_346 = arith.constant 0 : i32
      %dma_wait3A_347 = arith.constant 0 : i32
      %dma_wait3A_348 = tpu.memref_slice %arg2[%dma_wait3A_346, %dma_wait3A_347] : memref<100800x128xf32, #tpu.memory_space<hbm>> -> memref<100800x128xf32, #tpu.memory_space<hbm>>
      tpu.wait_indirect_dma semaphore(%arg9 : memref<!tpu.dma_semaphore, #tpu.memory_space<semaphore_mem>>) src(%dma_wait3A_348 : memref<100800x128xf32, #tpu.memory_space<hbm>>) dst(%dma_wait3A_344 : memref<80x128xf32, #tpu.memory_space<vmem>>)
      %ge3A_349 = arith.constant 2 : i32
      %ge3A_350 = arith.cmpi sge, %add3A_161, %ge3A_349 : i32
      %convert_element_type3A_351 = arith.extui %ge3A_350 : i1 to i32
      %cond3A_352 = arith.constant 0 : i32
      %cond3A_353 = arith.cmpi ne, %convert_element_type3A_351, %cond3A_352 : i32
      scf.if %cond3A_353 {
        %sub3A = arith.constant 2 : i32
        %sub3A_378 = arith.subi %add3A_161, %sub3A : i32
        %mul3A_379 = arith.constant 64 : i32
        %mul3A_380 = arith.muli %sub3A_378, %mul3A_379 : i32
        %add3A_381 = arith.addi %mul3A_2, %mul3A_380 : i32
        %dma_wait3A_382 = arith.constant 1 : i32
        %dma_wait3A_383 = arith.constant 0 : i32
        %dma_wait3A_384 = arith.constant 0 : i32
        %dma_wait3A_385 = tpu.memref_slice %arg7[%dma_wait3A_382, %dma_wait3A_383, %dma_wait3A_384] : memref<2x64x128xf32, #tpu.memory_space<vmem>> -> memref<1x64x128xf32, #tpu.memory_space<vmem>>
        %dma_wait3A_386 = tpu.memref_squeeze %dma_wait3A_385 : memref<1x64x128xf32, #tpu.memory_space<vmem>> -> memref<64x128xf32, #tpu.memory_space<vmem>>
        %dma_wait3A_387 = arith.constant 0 : i32
        %dma_wait3A_388 = tpu.memref_slice %arg4[%add3A_381, %dma_wait3A_387] : memref<26624x128xf32, #tpu.memory_space<hbm>> -> memref<64x128xf32, #tpu.memory_space<hbm>>
        %dma_wait3A_389 = arith.constant 0 : i32
        %dma_wait3A_390 = tpu.memref_slice %arg4[%add3A_381, %dma_wait3A_389] : memref<26624x128xf32, #tpu.memory_space<hbm>> -> memref<64x128xf32, #tpu.memory_space<hbm>>
        %dma_wait3A_391 = arith.constant 0 : i32
        %dma_wait3A_392 = arith.constant 0 : i32
        %dma_wait3A_393 = tpu.memref_slice %arg7[%dma_wait3A_382, %dma_wait3A_391, %dma_wait3A_392] : memref<2x64x128xf32, #tpu.memory_space<vmem>> -> memref<1x64x128xf32, #tpu.memory_space<vmem>>
        %dma_wait3A_394 = tpu.memref_squeeze %dma_wait3A_393 : memref<1x64x128xf32, #tpu.memory_space<vmem>> -> memref<64x128xf32, #tpu.memory_space<vmem>>
        tpu.wait_dma2 semaphore(%arg11 : memref<!tpu.dma_semaphore, #tpu.memory_space<semaphore_mem>>) src(%dma_wait3A_394 : memref<64x128xf32, #tpu.memory_space<vmem>>) dst(%dma_wait3A_390 : memref<64x128xf32, #tpu.memory_space<hbm>>)
      } else {
      }
      %scan3A_354 = arith.constant 0 : i32
      %scan3A_355 = arith.constant 0 : i32
      %scan3A_356 = arith.constant 64 : i32
      %scan3A_357 = arith.addi %scan3A_355, %scan3A_356 : i32
      %scan3A_358 = arith.constant 1 : i32
      %scan3A_359 = scf.for %scan3A_378 = %scan3A_355 to %scan3A_357 step %scan3A_358 iter_args(%scan3A_379 = %scan3A_354) -> (i32)  : i32 {
        %mul3A_380 = arith.constant 5 : i32
        %mul3A_381 = arith.muli %scan3A_378, %mul3A_380 : i32
        %get3A = arith.constant 1 : i32
        %get3A_382 = arith.index_cast %get3A : i32 to index
        %get3A_383 = arith.index_cast %mul3A_381 : i32 to index
        %get3A_384 = arith.constant 0 : index
        %get3A_385 = tpu.vector_load %arg6[%get3A_382, %get3A_383, %get3A_384] {strides = array<i32>} : memref<2x320x128xf32, #tpu.memory_space<vmem>>, vector<1x1x16xf32>,
        %get3A_386 = vector.shape_cast %get3A_385 : vector<1x1x16xf32> to vector<16xf32>
        %add3A_387 = arith.constant 1 : i32
        %add3A_388 = arith.addi %mul3A_381, %add3A_387 : i32
        %get3A_389 = arith.constant 1 : i32
        %get3A_390 = arith.index_cast %get3A_389 : i32 to index
        %get3A_391 = arith.index_cast %add3A_388 : i32 to index
        %get3A_392 = arith.constant 0 : index
        %get3A_393 = tpu.vector_load %arg6[%get3A_390, %get3A_391, %get3A_392] {strides = array<i32>} : memref<2x320x128xf32, #tpu.memory_space<vmem>>, vector<1x1x16xf32>,
        %get3A_394 = vector.shape_cast %get3A_393 : vector<1x1x16xf32> to vector<16xf32>
        %add3A_395 = arith.addf %get3A_386, %get3A_394 : vector<16xf32>
        %add3A_396 = arith.constant 2 : i32
        %add3A_397 = arith.addi %mul3A_381, %add3A_396 : i32
        %get3A_398 = arith.constant 1 : i32
        %get3A_399 = arith.index_cast %get3A_398 : i32 to index
        %get3A_400 = arith.index_cast %add3A_397 : i32 to index
        %get3A_401 = arith.constant 0 : index
        %get3A_402 = tpu.vector_load %arg6[%get3A_399, %get3A_400, %get3A_401] {strides = array<i32>} : memref<2x320x128xf32, #tpu.memory_space<vmem>>, vector<1x1x16xf32>,
        %get3A_403 = vector.shape_cast %get3A_402 : vector<1x1x16xf32> to vector<16xf32>
        %add3A_404 = arith.addf %add3A_395, %get3A_403 : vector<16xf32>
        %add3A_405 = arith.constant 3 : i32
        %add3A_406 = arith.addi %mul3A_381, %add3A_405 : i32
        %get3A_407 = arith.constant 1 : i32
        %get3A_408 = arith.index_cast %get3A_407 : i32 to index
        %get3A_409 = arith.index_cast %add3A_406 : i32 to index
        %get3A_410 = arith.constant 0 : index
        %get3A_411 = tpu.vector_load %arg6[%get3A_408, %get3A_409, %get3A_410] {strides = array<i32>} : memref<2x320x128xf32, #tpu.memory_space<vmem>>, vector<1x1x16xf32>,
        %get3A_412 = vector.shape_cast %get3A_411 : vector<1x1x16xf32> to vector<16xf32>
        %add3A_413 = arith.addf %add3A_404, %get3A_412 : vector<16xf32>
        %add3A_414 = arith.constant 4 : i32
        %add3A_415 = arith.addi %mul3A_381, %add3A_414 : i32
        %get3A_416 = arith.constant 1 : i32
        %get3A_417 = arith.index_cast %get3A_416 : i32 to index
        %get3A_418 = arith.index_cast %add3A_415 : i32 to index
        %get3A_419 = arith.constant 0 : index
        %get3A_420 = tpu.vector_load %arg6[%get3A_417, %get3A_418, %get3A_419] {strides = array<i32>} : memref<2x320x128xf32, #tpu.memory_space<vmem>>, vector<1x1x16xf32>,
        %get3A_421 = vector.shape_cast %get3A_420 : vector<1x1x16xf32> to vector<16xf32>
        %add3A_422 = arith.addf %add3A_413, %get3A_421 : vector<16xf32>
        %swap3A = arith.constant 1 : i32
        %swap3A_423 = arith.index_cast %swap3A : i32 to index
        %swap3A_424 = arith.index_cast %scan3A_378 : i32 to index
        %swap3A_425 = arith.constant 0 : index
        %swap3A_426 = tpu.vector_load %arg7[%swap3A_423, %swap3A_424, %swap3A_425] {strides = array<i32>} : memref<2x64x128xf32, #tpu.memory_space<vmem>>, vector<1x1x16xf32>,
        %swap3A_427 = vector.shape_cast %swap3A_426 : vector<1x1x16xf32> to vector<16xf32>
        %swap3A_428 = vector.shape_cast %add3A_422 : vector<16xf32> to vector<1x1x16xf32>
        tpu.vector_store %arg7[%swap3A_423, %swap3A_424, %swap3A_425], %swap3A_428 {strides = array<i32>} : memref<2x64x128xf32, #tpu.memory_space<vmem>>, vector<1x1x16xf32>,
        %get3A_429 = arith.constant 1 : i32
        %get3A_430 = arith.index_cast %get3A_429 : i32 to index
        %get3A_431 = arith.index_cast %mul3A_381 : i32 to index
        %get3A_432 = arith.constant 16 : index
        %get3A_433 = tpu.vector_load %arg6[%get3A_430, %get3A_431, %get3A_432] {strides = array<i32>} : memref<2x320x128xf32, #tpu.memory_space<vmem>>, vector<1x1x16xf32>,
        %get3A_434 = vector.shape_cast %get3A_433 : vector<1x1x16xf32> to vector<16xf32>
        %add3A_435 = arith.constant 1 : i32
        %add3A_436 = arith.addi %mul3A_381, %add3A_435 : i32
        %get3A_437 = arith.constant 1 : i32
        %get3A_438 = arith.index_cast %get3A_437 : i32 to index
        %get3A_439 = arith.index_cast %add3A_436 : i32 to index
        %get3A_440 = arith.constant 16 : index
        %get3A_441 = tpu.vector_load %arg6[%get3A_438, %get3A_439, %get3A_440] {strides = array<i32>} : memref<2x320x128xf32, #tpu.memory_space<vmem>>, vector<1x1x16xf32>,
        %get3A_442 = vector.shape_cast %get3A_441 : vector<1x1x16xf32> to vector<16xf32>
        %add3A_443 = arith.addf %get3A_434, %get3A_442 : vector<16xf32>
        %add3A_444 = arith.constant 2 : i32
        %add3A_445 = arith.addi %mul3A_381, %add3A_444 : i32
        %get3A_446 = arith.constant 1 : i32
        %get3A_447 = arith.index_cast %get3A_446 : i32 to index
        %get3A_448 = arith.index_cast %add3A_445 : i32 to index
        %get3A_449 = arith.constant 16 : index
        %get3A_450 = tpu.vector_load %arg6[%get3A_447, %get3A_448, %get3A_449] {strides = array<i32>} : memref<2x320x128xf32, #tpu.memory_space<vmem>>, vector<1x1x16xf32>,
        %get3A_451 = vector.shape_cast %get3A_450 : vector<1x1x16xf32> to vector<16xf32>
        %add3A_452 = arith.addf %add3A_443, %get3A_451 : vector<16xf32>
        %add3A_453 = arith.constant 3 : i32
        %add3A_454 = arith.addi %mul3A_381, %add3A_453 : i32
        %get3A_455 = arith.constant 1 : i32
        %get3A_456 = arith.index_cast %get3A_455 : i32 to index
        %get3A_457 = arith.index_cast %add3A_454 : i32 to index
        %get3A_458 = arith.constant 16 : index
        %get3A_459 = tpu.vector_load %arg6[%get3A_456, %get3A_457, %get3A_458] {strides = array<i32>} : memref<2x320x128xf32, #tpu.memory_space<vmem>>, vector<1x1x16xf32>,
        %get3A_460 = vector.shape_cast %get3A_459 : vector<1x1x16xf32> to vector<16xf32>
        %add3A_461 = arith.addf %add3A_452, %get3A_460 : vector<16xf32>
        %add3A_462 = arith.constant 4 : i32
        %add3A_463 = arith.addi %mul3A_381, %add3A_462 : i32
        %get3A_464 = arith.constant 1 : i32
        %get3A_465 = arith.index_cast %get3A_464 : i32 to index
        %get3A_466 = arith.index_cast %add3A_463 : i32 to index
        %get3A_467 = arith.constant 16 : index
        %get3A_468 = tpu.vector_load %arg6[%get3A_465, %get3A_466, %get3A_467] {strides = array<i32>} : memref<2x320x128xf32, #tpu.memory_space<vmem>>, vector<1x1x16xf32>,
        %get3A_469 = vector.shape_cast %get3A_468 : vector<1x1x16xf32> to vector<16xf32>
        %add3A_470 = arith.addf %add3A_461, %get3A_469 : vector<16xf32>
        %swap3A_471 = arith.constant 1 : i32
        %swap3A_472 = arith.index_cast %swap3A_471 : i32 to index
        %swap3A_473 = arith.index_cast %scan3A_378 : i32 to index
        %swap3A_474 = arith.constant 16 : index
        %swap3A_475 = tpu.vector_load %arg7[%swap3A_472, %swap3A_473, %swap3A_474] {strides = array<i32>} : memref<2x64x128xf32, #tpu.memory_space<vmem>>, vector<1x1x16xf32>,
        %swap3A_476 = vector.shape_cast %swap3A_475 : vector<1x1x16xf32> to vector<16xf32>
        %swap3A_477 = vector.shape_cast %add3A_470 : vector<16xf32> to vector<1x1x16xf32>
        tpu.vector_store %arg7[%swap3A_472, %swap3A_473, %swap3A_474], %swap3A_477 {strides = array<i32>} : memref<2x64x128xf32, #tpu.memory_space<vmem>>, vector<1x1x16xf32>,
        %get3A_478 = arith.constant 1 : i32
        %get3A_479 = arith.index_cast %get3A_478 : i32 to index
        %get3A_480 = arith.index_cast %mul3A_381 : i32 to index
        %get3A_481 = arith.constant 32 : index
        %get3A_482 = tpu.vector_load %arg6[%get3A_479, %get3A_480, %get3A_481] {strides = array<i32>} : memref<2x320x128xf32, #tpu.memory_space<vmem>>, vector<1x1x16xf32>,
        %get3A_483 = vector.shape_cast %get3A_482 : vector<1x1x16xf32> to vector<16xf32>
        %add3A_484 = arith.constant 1 : i32
        %add3A_485 = arith.addi %mul3A_381, %add3A_484 : i32
        %get3A_486 = arith.constant 1 : i32
        %get3A_487 = arith.index_cast %get3A_486 : i32 to index
        %get3A_488 = arith.index_cast %add3A_485 : i32 to index
        %get3A_489 = arith.constant 32 : index
        %get3A_490 = tpu.vector_load %arg6[%get3A_487, %get3A_488, %get3A_489] {strides = array<i32>} : memref<2x320x128xf32, #tpu.memory_space<vmem>>, vector<1x1x16xf32>,
        %get3A_491 = vector.shape_cast %get3A_490 : vector<1x1x16xf32> to vector<16xf32>
        %add3A_492 = arith.addf %get3A_483, %get3A_491 : vector<16xf32>
        %add3A_493 = arith.constant 2 : i32
        %add3A_494 = arith.addi %mul3A_381, %add3A_493 : i32
        %get3A_495 = arith.constant 1 : i32
        %get3A_496 = arith.index_cast %get3A_495 : i32 to index
        %get3A_497 = arith.index_cast %add3A_494 : i32 to index
        %get3A_498 = arith.constant 32 : index
        %get3A_499 = tpu.vector_load %arg6[%get3A_496, %get3A_497, %get3A_498] {strides = array<i32>} : memref<2x320x128xf32, #tpu.memory_space<vmem>>, vector<1x1x16xf32>,
        %get3A_500 = vector.shape_cast %get3A_499 : vector<1x1x16xf32> to vector<16xf32>
        %add3A_501 = arith.addf %add3A_492, %get3A_500 : vector<16xf32>
        %add3A_502 = arith.constant 3 : i32
        %add3A_503 = arith.addi %mul3A_381, %add3A_502 : i32
        %get3A_504 = arith.constant 1 : i32
        %get3A_505 = arith.index_cast %get3A_504 : i32 to index
        %get3A_506 = arith.index_cast %add3A_503 : i32 to index
        %get3A_507 = arith.constant 32 : index
        %get3A_508 = tpu.vector_load %arg6[%get3A_505, %get3A_506, %get3A_507] {strides = array<i32>} : memref<2x320x128xf32, #tpu.memory_space<vmem>>, vector<1x1x16xf32>,
        %get3A_509 = vector.shape_cast %get3A_508 : vector<1x1x16xf32> to vector<16xf32>
        %add3A_510 = arith.addf %add3A_501, %get3A_509 : vector<16xf32>
        %add3A_511 = arith.constant 4 : i32
        %add3A_512 = arith.addi %mul3A_381, %add3A_511 : i32
        %get3A_513 = arith.constant 1 : i32
        %get3A_514 = arith.index_cast %get3A_513 : i32 to index
        %get3A_515 = arith.index_cast %add3A_512 : i32 to index
        %get3A_516 = arith.constant 32 : index
        %get3A_517 = tpu.vector_load %arg6[%get3A_514, %get3A_515, %get3A_516] {strides = array<i32>} : memref<2x320x128xf32, #tpu.memory_space<vmem>>, vector<1x1x16xf32>,
        %get3A_518 = vector.shape_cast %get3A_517 : vector<1x1x16xf32> to vector<16xf32>
        %add3A_519 = arith.addf %add3A_510, %get3A_518 : vector<16xf32>
        %swap3A_520 = arith.constant 1 : i32
        %swap3A_521 = arith.index_cast %swap3A_520 : i32 to index
        %swap3A_522 = arith.index_cast %scan3A_378 : i32 to index
        %swap3A_523 = arith.constant 32 : index
        %swap3A_524 = tpu.vector_load %arg7[%swap3A_521, %swap3A_522, %swap3A_523] {strides = array<i32>} : memref<2x64x128xf32, #tpu.memory_space<vmem>>, vector<1x1x16xf32>,
        %swap3A_525 = vector.shape_cast %swap3A_524 : vector<1x1x16xf32> to vector<16xf32>
        %swap3A_526 = vector.shape_cast %add3A_519 : vector<16xf32> to vector<1x1x16xf32>
        tpu.vector_store %arg7[%swap3A_521, %swap3A_522, %swap3A_523], %swap3A_526 {strides = array<i32>} : memref<2x64x128xf32, #tpu.memory_space<vmem>>, vector<1x1x16xf32>,
        %get3A_527 = arith.constant 1 : i32
        %get3A_528 = arith.index_cast %get3A_527 : i32 to index
        %get3A_529 = arith.index_cast %mul3A_381 : i32 to index
        %get3A_530 = arith.constant 48 : index
        %get3A_531 = tpu.vector_load %arg6[%get3A_528, %get3A_529, %get3A_530] {strides = array<i32>} : memref<2x320x128xf32, #tpu.memory_space<vmem>>, vector<1x1x16xf32>,
        %get3A_532 = vector.shape_cast %get3A_531 : vector<1x1x16xf32> to vector<16xf32>
        %add3A_533 = arith.constant 1 : i32
        %add3A_534 = arith.addi %mul3A_381, %add3A_533 : i32
        %get3A_535 = arith.constant 1 : i32
        %get3A_536 = arith.index_cast %get3A_535 : i32 to index
        %get3A_537 = arith.index_cast %add3A_534 : i32 to index
        %get3A_538 = arith.constant 48 : index
        %get3A_539 = tpu.vector_load %arg6[%get3A_536, %get3A_537, %get3A_538] {strides = array<i32>} : memref<2x320x128xf32, #tpu.memory_space<vmem>>, vector<1x1x16xf32>,
        %get3A_540 = vector.shape_cast %get3A_539 : vector<1x1x16xf32> to vector<16xf32>
        %add3A_541 = arith.addf %get3A_532, %get3A_540 : vector<16xf32>
        %add3A_542 = arith.constant 2 : i32
        %add3A_543 = arith.addi %mul3A_381, %add3A_542 : i32
        %get3A_544 = arith.constant 1 : i32
        %get3A_545 = arith.index_cast %get3A_544 : i32 to index
        %get3A_546 = arith.index_cast %add3A_543 : i32 to index
        %get3A_547 = arith.constant 48 : index
        %get3A_548 = tpu.vector_load %arg6[%get3A_545, %get3A_546, %get3A_547] {strides = array<i32>} : memref<2x320x128xf32, #tpu.memory_space<vmem>>, vector<1x1x16xf32>,
        %get3A_549 = vector.shape_cast %get3A_548 : vector<1x1x16xf32> to vector<16xf32>
        %add3A_550 = arith.addf %add3A_541, %get3A_549 : vector<16xf32>
        %add3A_551 = arith.constant 3 : i32
        %add3A_552 = arith.addi %mul3A_381, %add3A_551 : i32
        %get3A_553 = arith.constant 1 : i32
        %get3A_554 = arith.index_cast %get3A_553 : i32 to index
        %get3A_555 = arith.index_cast %add3A_552 : i32 to index
        %get3A_556 = arith.constant 48 : index
        %get3A_557 = tpu.vector_load %arg6[%get3A_554, %get3A_555, %get3A_556] {strides = array<i32>} : memref<2x320x128xf32, #tpu.memory_space<vmem>>, vector<1x1x16xf32>,
        %get3A_558 = vector.shape_cast %get3A_557 : vector<1x1x16xf32> to vector<16xf32>
        %add3A_559 = arith.addf %add3A_550, %get3A_558 : vector<16xf32>
        %add3A_560 = arith.constant 4 : i32
        %add3A_561 = arith.addi %mul3A_381, %add3A_560 : i32
        %get3A_562 = arith.constant 1 : i32
        %get3A_563 = arith.index_cast %get3A_562 : i32 to index
        %get3A_564 = arith.index_cast %add3A_561 : i32 to index
        %get3A_565 = arith.constant 48 : index
        %get3A_566 = tpu.vector_load %arg6[%get3A_563, %get3A_564, %get3A_565] {strides = array<i32>} : memref<2x320x128xf32, #tpu.memory_space<vmem>>, vector<1x1x16xf32>,
        %get3A_567 = vector.shape_cast %get3A_566 : vector<1x1x16xf32> to vector<16xf32>
        %add3A_568 = arith.addf %add3A_559, %get3A_567 : vector<16xf32>
        %swap3A_569 = arith.constant 1 : i32
        %swap3A_570 = arith.index_cast %swap3A_569 : i32 to index
        %swap3A_571 = arith.index_cast %scan3A_378 : i32 to index
        %swap3A_572 = arith.constant 48 : index
        %swap3A_573 = tpu.vector_load %arg7[%swap3A_570, %swap3A_571, %swap3A_572] {strides = array<i32>} : memref<2x64x128xf32, #tpu.memory_space<vmem>>, vector<1x1x16xf32>,
        %swap3A_574 = vector.shape_cast %swap3A_573 : vector<1x1x16xf32> to vector<16xf32>
        %swap3A_575 = vector.shape_cast %add3A_568 : vector<16xf32> to vector<1x1x16xf32>
        tpu.vector_store %arg7[%swap3A_570, %swap3A_571, %swap3A_572], %swap3A_575 {strides = array<i32>} : memref<2x64x128xf32, #tpu.memory_space<vmem>>, vector<1x1x16xf32>,
        %get3A_576 = arith.constant 1 : i32
        %get3A_577 = arith.index_cast %get3A_576 : i32 to index
        %get3A_578 = arith.index_cast %mul3A_381 : i32 to index
        %get3A_579 = arith.constant 64 : index
        %get3A_580 = tpu.vector_load %arg6[%get3A_577, %get3A_578, %get3A_579] {strides = array<i32>} : memref<2x320x128xf32, #tpu.memory_space<vmem>>, vector<1x1x16xf32>,
        %get3A_581 = vector.shape_cast %get3A_580 : vector<1x1x16xf32> to vector<16xf32>
        %add3A_582 = arith.constant 1 : i32
        %add3A_583 = arith.addi %mul3A_381, %add3A_582 : i32
        %get3A_584 = arith.constant 1 : i32
        %get3A_585 = arith.index_cast %get3A_584 : i32 to index
        %get3A_586 = arith.index_cast %add3A_583 : i32 to index
        %get3A_587 = arith.constant 64 : index
        %get3A_588 = tpu.vector_load %arg6[%get3A_585, %get3A_586, %get3A_587] {strides = array<i32>} : memref<2x320x128xf32, #tpu.memory_space<vmem>>, vector<1x1x16xf32>,
        %get3A_589 = vector.shape_cast %get3A_588 : vector<1x1x16xf32> to vector<16xf32>
        %add3A_590 = arith.addf %get3A_581, %get3A_589 : vector<16xf32>
        %add3A_591 = arith.constant 2 : i32
        %add3A_592 = arith.addi %mul3A_381, %add3A_591 : i32
        %get3A_593 = arith.constant 1 : i32
        %get3A_594 = arith.index_cast %get3A_593 : i32 to index
        %get3A_595 = arith.index_cast %add3A_592 : i32 to index
        %get3A_596 = arith.constant 64 : index
        %get3A_597 = tpu.vector_load %arg6[%get3A_594, %get3A_595, %get3A_596] {strides = array<i32>} : memref<2x320x128xf32, #tpu.memory_space<vmem>>, vector<1x1x16xf32>,
        %get3A_598 = vector.shape_cast %get3A_597 : vector<1x1x16xf32> to vector<16xf32>
        %add3A_599 = arith.addf %add3A_590, %get3A_598 : vector<16xf32>
        %add3A_600 = arith.constant 3 : i32
        %add3A_601 = arith.addi %mul3A_381, %add3A_600 : i32
        %get3A_602 = arith.constant 1 : i32
        %get3A_603 = arith.index_cast %get3A_602 : i32 to index
        %get3A_604 = arith.index_cast %add3A_601 : i32 to index
        %get3A_605 = arith.constant 64 : index
        %get3A_606 = tpu.vector_load %arg6[%get3A_603, %get3A_604, %get3A_605] {strides = array<i32>} : memref<2x320x128xf32, #tpu.memory_space<vmem>>, vector<1x1x16xf32>,
        %get3A_607 = vector.shape_cast %get3A_606 : vector<1x1x16xf32> to vector<16xf32>
        %add3A_608 = arith.addf %add3A_599, %get3A_607 : vector<16xf32>
        %add3A_609 = arith.constant 4 : i32
        %add3A_610 = arith.addi %mul3A_381, %add3A_609 : i32
        %get3A_611 = arith.constant 1 : i32
        %get3A_612 = arith.index_cast %get3A_611 : i32 to index
        %get3A_613 = arith.index_cast %add3A_610 : i32 to index
        %get3A_614 = arith.constant 64 : index
        %get3A_615 = tpu.vector_load %arg6[%get3A_612, %get3A_613, %get3A_614] {strides = array<i32>} : memref<2x320x128xf32, #tpu.memory_space<vmem>>, vector<1x1x16xf32>,
        %get3A_616 = vector.shape_cast %get3A_615 : vector<1x1x16xf32> to vector<16xf32>
        %add3A_617 = arith.addf %add3A_608, %get3A_616 : vector<16xf32>
        %swap3A_618 = arith.constant 1 : i32
        %swap3A_619 = arith.index_cast %swap3A_618 : i32 to index
        %swap3A_620 = arith.index_cast %scan3A_378 : i32 to index
        %swap3A_621 = arith.constant 64 : index
        %swap3A_622 = tpu.vector_load %arg7[%swap3A_619, %swap3A_620, %swap3A_621] {strides = array<i32>} : memref<2x64x128xf32, #tpu.memory_space<vmem>>, vector<1x1x16xf32>,
        %swap3A_623 = vector.shape_cast %swap3A_622 : vector<1x1x16xf32> to vector<16xf32>
        %swap3A_624 = vector.shape_cast %add3A_617 : vector<16xf32> to vector<1x1x16xf32>
        tpu.vector_store %arg7[%swap3A_619, %swap3A_620, %swap3A_621], %swap3A_624 {strides = array<i32>} : memref<2x64x128xf32, #tpu.memory_space<vmem>>, vector<1x1x16xf32>,
        %get3A_625 = arith.constant 1 : i32
        %get3A_626 = arith.index_cast %get3A_625 : i32 to index
        %get3A_627 = arith.index_cast %mul3A_381 : i32 to index
        %get3A_628 = arith.constant 80 : index
        %get3A_629 = tpu.vector_load %arg6[%get3A_626, %get3A_627, %get3A_628] {strides = array<i32>} : memref<2x320x128xf32, #tpu.memory_space<vmem>>, vector<1x1x16xf32>,
        %get3A_630 = vector.shape_cast %get3A_629 : vector<1x1x16xf32> to vector<16xf32>
        %add3A_631 = arith.constant 1 : i32
        %add3A_632 = arith.addi %mul3A_381, %add3A_631 : i32
        %get3A_633 = arith.constant 1 : i32
        %get3A_634 = arith.index_cast %get3A_633 : i32 to index
        %get3A_635 = arith.index_cast %add3A_632 : i32 to index
        %get3A_636 = arith.constant 80 : index
        %get3A_637 = tpu.vector_load %arg6[%get3A_634, %get3A_635, %get3A_636] {strides = array<i32>} : memref<2x320x128xf32, #tpu.memory_space<vmem>>, vector<1x1x16xf32>,
        %get3A_638 = vector.shape_cast %get3A_637 : vector<1x1x16xf32> to vector<16xf32>
        %add3A_639 = arith.addf %get3A_630, %get3A_638 : vector<16xf32>
        %add3A_640 = arith.constant 2 : i32
        %add3A_641 = arith.addi %mul3A_381, %add3A_640 : i32
        %get3A_642 = arith.constant 1 : i32
        %get3A_643 = arith.index_cast %get3A_642 : i32 to index
        %get3A_644 = arith.index_cast %add3A_641 : i32 to index
        %get3A_645 = arith.constant 80 : index
        %get3A_646 = tpu.vector_load %arg6[%get3A_643, %get3A_644, %get3A_645] {strides = array<i32>} : memref<2x320x128xf32, #tpu.memory_space<vmem>>, vector<1x1x16xf32>,
        %get3A_647 = vector.shape_cast %get3A_646 : vector<1x1x16xf32> to vector<16xf32>
        %add3A_648 = arith.addf %add3A_639, %get3A_647 : vector<16xf32>
        %add3A_649 = arith.constant 3 : i32
        %add3A_650 = arith.addi %mul3A_381, %add3A_649 : i32
        %get3A_651 = arith.constant 1 : i32
        %get3A_652 = arith.index_cast %get3A_651 : i32 to index
        %get3A_653 = arith.index_cast %add3A_650 : i32 to index
        %get3A_654 = arith.constant 80 : index
        %get3A_655 = tpu.vector_load %arg6[%get3A_652, %get3A_653, %get3A_654] {strides = array<i32>} : memref<2x320x128xf32, #tpu.memory_space<vmem>>, vector<1x1x16xf32>,
        %get3A_656 = vector.shape_cast %get3A_655 : vector<1x1x16xf32> to vector<16xf32>
        %add3A_657 = arith.addf %add3A_648, %get3A_656 : vector<16xf32>
        %add3A_658 = arith.constant 4 : i32
        %add3A_659 = arith.addi %mul3A_381, %add3A_658 : i32
        %get3A_660 = arith.constant 1 : i32
        %get3A_661 = arith.index_cast %get3A_660 : i32 to index
        %get3A_662 = arith.index_cast %add3A_659 : i32 to index
        %get3A_663 = arith.constant 80 : index
        %get3A_664 = tpu.vector_load %arg6[%get3A_661, %get3A_662, %get3A_663] {strides = array<i32>} : memref<2x320x128xf32, #tpu.memory_space<vmem>>, vector<1x1x16xf32>,
        %get3A_665 = vector.shape_cast %get3A_664 : vector<1x1x16xf32> to vector<16xf32>
        %add3A_666 = arith.addf %add3A_657, %get3A_665 : vector<16xf32>
        %swap3A_667 = arith.constant 1 : i32
        %swap3A_668 = arith.index_cast %swap3A_667 : i32 to index
        %swap3A_669 = arith.index_cast %scan3A_378 : i32 to index
        %swap3A_670 = arith.constant 80 : index
        %swap3A_671 = tpu.vector_load %arg7[%swap3A_668, %swap3A_669, %swap3A_670] {strides = array<i32>} : memref<2x64x128xf32, #tpu.memory_space<vmem>>, vector<1x1x16xf32>,
        %swap3A_672 = vector.shape_cast %swap3A_671 : vector<1x1x16xf32> to vector<16xf32>
        %swap3A_673 = vector.shape_cast %add3A_666 : vector<16xf32> to vector<1x1x16xf32>
        tpu.vector_store %arg7[%swap3A_668, %swap3A_669, %swap3A_670], %swap3A_673 {strides = array<i32>} : memref<2x64x128xf32, #tpu.memory_space<vmem>>, vector<1x1x16xf32>,
        %get3A_674 = arith.constant 1 : i32
        %get3A_675 = arith.index_cast %get3A_674 : i32 to index
        %get3A_676 = arith.index_cast %mul3A_381 : i32 to index
        %get3A_677 = arith.constant 96 : index
        %get3A_678 = tpu.vector_load %arg6[%get3A_675, %get3A_676, %get3A_677] {strides = array<i32>} : memref<2x320x128xf32, #tpu.memory_space<vmem>>, vector<1x1x16xf32>,
        %get3A_679 = vector.shape_cast %get3A_678 : vector<1x1x16xf32> to vector<16xf32>
        %add3A_680 = arith.constant 1 : i32
        %add3A_681 = arith.addi %mul3A_381, %add3A_680 : i32
        %get3A_682 = arith.constant 1 : i32
        %get3A_683 = arith.index_cast %get3A_682 : i32 to index
        %get3A_684 = arith.index_cast %add3A_681 : i32 to index
        %get3A_685 = arith.constant 96 : index
        %get3A_686 = tpu.vector_load %arg6[%get3A_683, %get3A_684, %get3A_685] {strides = array<i32>} : memref<2x320x128xf32, #tpu.memory_space<vmem>>, vector<1x1x16xf32>,
        %get3A_687 = vector.shape_cast %get3A_686 : vector<1x1x16xf32> to vector<16xf32>
        %add3A_688 = arith.addf %get3A_679, %get3A_687 : vector<16xf32>
        %add3A_689 = arith.constant 2 : i32
        %add3A_690 = arith.addi %mul3A_381, %add3A_689 : i32
        %get3A_691 = arith.constant 1 : i32
        %get3A_692 = arith.index_cast %get3A_691 : i32 to index
        %get3A_693 = arith.index_cast %add3A_690 : i32 to index
        %get3A_694 = arith.constant 96 : index
        %get3A_695 = tpu.vector_load %arg6[%get3A_692, %get3A_693, %get3A_694] {strides = array<i32>} : memref<2x320x128xf32, #tpu.memory_space<vmem>>, vector<1x1x16xf32>,
        %get3A_696 = vector.shape_cast %get3A_695 : vector<1x1x16xf32> to vector<16xf32>
        %add3A_697 = arith.addf %add3A_688, %get3A_696 : vector<16xf32>
        %add3A_698 = arith.constant 3 : i32
        %add3A_699 = arith.addi %mul3A_381, %add3A_698 : i32
        %get3A_700 = arith.constant 1 : i32
        %get3A_701 = arith.index_cast %get3A_700 : i32 to index
        %get3A_702 = arith.index_cast %add3A_699 : i32 to index
        %get3A_703 = arith.constant 96 : index
        %get3A_704 = tpu.vector_load %arg6[%get3A_701, %get3A_702, %get3A_703] {strides = array<i32>} : memref<2x320x128xf32, #tpu.memory_space<vmem>>, vector<1x1x16xf32>,
        %get3A_705 = vector.shape_cast %get3A_704 : vector<1x1x16xf32> to vector<16xf32>
        %add3A_706 = arith.addf %add3A_697, %get3A_705 : vector<16xf32>
        %add3A_707 = arith.constant 4 : i32
        %add3A_708 = arith.addi %mul3A_381, %add3A_707 : i32
        %get3A_709 = arith.constant 1 : i32
        %get3A_710 = arith.index_cast %get3A_709 : i32 to index
        %get3A_711 = arith.index_cast %add3A_708 : i32 to index
        %get3A_712 = arith.constant 96 : index
        %get3A_713 = tpu.vector_load %arg6[%get3A_710, %get3A_711, %get3A_712] {strides = array<i32>} : memref<2x320x128xf32, #tpu.memory_space<vmem>>, vector<1x1x16xf32>,
        %get3A_714 = vector.shape_cast %get3A_713 : vector<1x1x16xf32> to vector<16xf32>
        %add3A_715 = arith.addf %add3A_706, %get3A_714 : vector<16xf32>
        %swap3A_716 = arith.constant 1 : i32
        %swap3A_717 = arith.index_cast %swap3A_716 : i32 to index
        %swap3A_718 = arith.index_cast %scan3A_378 : i32 to index
        %swap3A_719 = arith.constant 96 : index
        %swap3A_720 = tpu.vector_load %arg7[%swap3A_717, %swap3A_718, %swap3A_719] {strides = array<i32>} : memref<2x64x128xf32, #tpu.memory_space<vmem>>, vector<1x1x16xf32>,
        %swap3A_721 = vector.shape_cast %swap3A_720 : vector<1x1x16xf32> to vector<16xf32>
        %swap3A_722 = vector.shape_cast %add3A_715 : vector<16xf32> to vector<1x1x16xf32>
        tpu.vector_store %arg7[%swap3A_717, %swap3A_718, %swap3A_719], %swap3A_722 {strides = array<i32>} : memref<2x64x128xf32, #tpu.memory_space<vmem>>, vector<1x1x16xf32>,
        %get3A_723 = arith.constant 1 : i32
        %get3A_724 = arith.index_cast %get3A_723 : i32 to index
        %get3A_725 = arith.index_cast %mul3A_381 : i32 to index
        %get3A_726 = arith.constant 112 : index
        %get3A_727 = tpu.vector_load %arg6[%get3A_724, %get3A_725, %get3A_726] {strides = array<i32>} : memref<2x320x128xf32, #tpu.memory_space<vmem>>, vector<1x1x16xf32>,
        %get3A_728 = vector.shape_cast %get3A_727 : vector<1x1x16xf32> to vector<16xf32>
        %add3A_729 = arith.constant 1 : i32
        %add3A_730 = arith.addi %mul3A_381, %add3A_729 : i32
        %get3A_731 = arith.constant 1 : i32
        %get3A_732 = arith.index_cast %get3A_731 : i32 to index
        %get3A_733 = arith.index_cast %add3A_730 : i32 to index
        %get3A_734 = arith.constant 112 : index
        %get3A_735 = tpu.vector_load %arg6[%get3A_732, %get3A_733, %get3A_734] {strides = array<i32>} : memref<2x320x128xf32, #tpu.memory_space<vmem>>, vector<1x1x16xf32>,
        %get3A_736 = vector.shape_cast %get3A_735 : vector<1x1x16xf32> to vector<16xf32>
        %add3A_737 = arith.addf %get3A_728, %get3A_736 : vector<16xf32>
        %add3A_738 = arith.constant 2 : i32
        %add3A_739 = arith.addi %mul3A_381, %add3A_738 : i32
        %get3A_740 = arith.constant 1 : i32
        %get3A_741 = arith.index_cast %get3A_740 : i32 to index
        %get3A_742 = arith.index_cast %add3A_739 : i32 to index
        %get3A_743 = arith.constant 112 : index
        %get3A_744 = tpu.vector_load %arg6[%get3A_741, %get3A_742, %get3A_743] {strides = array<i32>} : memref<2x320x128xf32, #tpu.memory_space<vmem>>, vector<1x1x16xf32>,
        %get3A_745 = vector.shape_cast %get3A_744 : vector<1x1x16xf32> to vector<16xf32>
        %add3A_746 = arith.addf %add3A_737, %get3A_745 : vector<16xf32>
        %add3A_747 = arith.constant 3 : i32
        %add3A_748 = arith.addi %mul3A_381, %add3A_747 : i32
        %get3A_749 = arith.constant 1 : i32
        %get3A_750 = arith.index_cast %get3A_749 : i32 to index
        %get3A_751 = arith.index_cast %add3A_748 : i32 to index
        %get3A_752 = arith.constant 112 : index
        %get3A_753 = tpu.vector_load %arg6[%get3A_750, %get3A_751, %get3A_752] {strides = array<i32>} : memref<2x320x128xf32, #tpu.memory_space<vmem>>, vector<1x1x16xf32>,
        %get3A_754 = vector.shape_cast %get3A_753 : vector<1x1x16xf32> to vector<16xf32>
        %add3A_755 = arith.addf %add3A_746, %get3A_754 : vector<16xf32>
        %add3A_756 = arith.constant 4 : i32
        %add3A_757 = arith.addi %mul3A_381, %add3A_756 : i32
        %get3A_758 = arith.constant 1 : i32
        %get3A_759 = arith.index_cast %get3A_758 : i32 to index
        %get3A_760 = arith.index_cast %add3A_757 : i32 to index
        %get3A_761 = arith.constant 112 : index
        %get3A_762 = tpu.vector_load %arg6[%get3A_759, %get3A_760, %get3A_761] {strides = array<i32>} : memref<2x320x128xf32, #tpu.memory_space<vmem>>, vector<1x1x16xf32>,
        %get3A_763 = vector.shape_cast %get3A_762 : vector<1x1x16xf32> to vector<16xf32>
        %add3A_764 = arith.addf %add3A_755, %get3A_763 : vector<16xf32>
        %swap3A_765 = arith.constant 1 : i32
        %swap3A_766 = arith.index_cast %swap3A_765 : i32 to index
        %swap3A_767 = arith.index_cast %scan3A_378 : i32 to index
        %swap3A_768 = arith.constant 112 : index
        %swap3A_769 = tpu.vector_load %arg7[%swap3A_766, %swap3A_767, %swap3A_768] {strides = array<i32>} : memref<2x64x128xf32, #tpu.memory_space<vmem>>, vector<1x1x16xf32>,
        %swap3A_770 = vector.shape_cast %swap3A_769 : vector<1x1x16xf32> to vector<16xf32>
        %swap3A_771 = vector.shape_cast %add3A_764 : vector<16xf32> to vector<1x1x16xf32>
        tpu.vector_store %arg7[%swap3A_766, %swap3A_767, %swap3A_768], %swap3A_771 {strides = array<i32>} : memref<2x64x128xf32, #tpu.memory_space<vmem>>, vector<1x1x16xf32>,
        %scan3A_772 = arith.constant 0 : i32
        scf.yield %scan3A_772 : i32
      }
      %scan3A_360 = arith.constant 64 : i32
      %mul3A_361 = arith.constant 64 : i32
      %mul3A_362 = arith.muli %add3A_161, %mul3A_361 : i32
      %add3A_363 = arith.addi %mul3A_2, %mul3A_362 : i32
      %dma_start3A_364 = arith.constant 1 : i32
      %dma_start3A_365 = arith.constant 0 : i32
      %dma_start3A_366 = arith.constant 0 : i32
      %dma_start3A_367 = tpu.memref_slice %arg7[%dma_start3A_364, %dma_start3A_365, %dma_start3A_366] : memref<2x64x128xf32, #tpu.memory_space<vmem>> -> memref<1x64x128xf32, #tpu.memory_space<vmem>>
      %dma_start3A_368 = tpu.memref_squeeze %dma_start3A_367 : memref<1x64x128xf32, #tpu.memory_space<vmem>> -> memref<64x128xf32, #tpu.memory_space<vmem>>
      %dma_start3A_369 = arith.constant 0 : i32
      %dma_start3A_370 = tpu.memref_slice %arg4[%add3A_363, %dma_start3A_369] : memref<26624x128xf32, #tpu.memory_space<hbm>> -> memref<64x128xf32, #tpu.memory_space<hbm>>
      %dma_start3A_371 = arith.constant 0 : i32
      %dma_start3A_372 = tpu.memref_slice %arg4[%add3A_363, %dma_start3A_371] : memref<26624x128xf32, #tpu.memory_space<hbm>> -> memref<64x128xf32, #tpu.memory_space<hbm>>
      %dma_start3A_373 = arith.constant 0 : i32
      %dma_start3A_374 = arith.constant 0 : i32
      %dma_start3A_375 = tpu.memref_slice %arg7[%dma_start3A_364, %dma_start3A_373, %dma_start3A_374] : memref<2x64x128xf32, #tpu.memory_space<vmem>> -> memref<1x64x128xf32, #tpu.memory_space<vmem>>
      %dma_start3A_376 = tpu.memref_squeeze %dma_start3A_375 : memref<1x64x128xf32, #tpu.memory_space<vmem>> -> memref<64x128xf32, #tpu.memory_space<vmem>>
      tpu.enqueue_dma source(%dma_start3A_376 : memref<64x128xf32, #tpu.memory_space<vmem>>) target(%dma_start3A_372 : memref<64x128xf32, #tpu.memory_space<hbm>>) target_semaphore(%arg11 : memref<!tpu.dma_semaphore, #tpu.memory_space<semaphore_mem>>)
      %scan3A_377 = arith.constant 0 : i32
      scf.yield %scan3A_377 : i32
    }
    %scan3A_49 = arith.constant 6 : i32
    %dma_wait3A = arith.constant 0 : i32
    %dma_wait3A_50 = arith.constant 0 : i32
    %dma_wait3A_51 = arith.constant 0 : i32
    %dma_wait3A_52 = tpu.memref_slice %arg6[%dma_wait3A, %dma_wait3A_50, %dma_wait3A_51] : memref<2x320x128xf32, #tpu.memory_space<vmem>> -> memref<1x80x128xf32, #tpu.memory_space<vmem>>
    %dma_wait3A_53 = tpu.memref_squeeze %dma_wait3A_52 : memref<1x80x128xf32, #tpu.memory_space<vmem>> -> memref<80x128xf32, #tpu.memory_space<vmem>>
    %dma_wait3A_54 = arith.constant 3840 : i32
    %dma_wait3A_55 = tpu.memref_slice %arg5[%dma_wait3A_54] : memref<4160xi32, #tpu.memory_space<vmem>> -> memref<80xi32, #tpu.memory_space<vmem>>
    %dma_wait3A_56 = arith.constant 0 : i32
    %dma_wait3A_57 = arith.constant 0 : i32
    %dma_wait3A_58 = tpu.memref_slice %arg2[%dma_wait3A_56, %dma_wait3A_57] : memref<100800x128xf32, #tpu.memory_space<hbm>> -> memref<100800x128xf32, #tpu.memory_space<hbm>>
    tpu.wait_indirect_dma semaphore(%arg8 : memref<!tpu.dma_semaphore, #tpu.memory_space<semaphore_mem>>) src(%dma_wait3A_58 : memref<100800x128xf32, #tpu.memory_space<hbm>>) dst(%dma_wait3A_53 : memref<80x128xf32, #tpu.memory_space<vmem>>)
    %dma_wait3A_59 = arith.constant 0 : i32
    %dma_wait3A_60 = arith.constant 80 : i32
    %dma_wait3A_61 = arith.constant 0 : i32
    %dma_wait3A_62 = tpu.memref_slice %arg6[%dma_wait3A_59, %dma_wait3A_60, %dma_wait3A_61] : memref<2x320x128xf32, #tpu.memory_space<vmem>> -> memref<1x80x128xf32, #tpu.memory_space<vmem>>
    %dma_wait3A_63 = tpu.memref_squeeze %dma_wait3A_62 : memref<1x80x128xf32, #tpu.memory_space<vmem>> -> memref<80x128xf32, #tpu.memory_space<vmem>>
    %dma_wait3A_64 = arith.constant 3920 : i32
    %dma_wait3A_65 = tpu.memref_slice %arg5[%dma_wait3A_64] : memref<4160xi32, #tpu.memory_space<vmem>> -> memref<80xi32, #tpu.memory_space<vmem>>
    %dma_wait3A_66 = arith.constant 0 : i32
    %dma_wait3A_67 = arith.constant 0 : i32
    %dma_wait3A_68 = tpu.memref_slice %arg2[%dma_wait3A_66, %dma_wait3A_67] : memref<100800x128xf32, #tpu.memory_space<hbm>> -> memref<100800x128xf32, #tpu.memory_space<hbm>>
    tpu.wait_indirect_dma semaphore(%arg8 : memref<!tpu.dma_semaphore, #tpu.memory_space<semaphore_mem>>) src(%dma_wait3A_68 : memref<100800x128xf32, #tpu.memory_space<hbm>>) dst(%dma_wait3A_63 : memref<80x128xf32, #tpu.memory_space<vmem>>)
    %dma_wait3A_69 = arith.constant 0 : i32
    %dma_wait3A_70 = arith.constant 160 : i32
    %dma_wait3A_71 = arith.constant 0 : i32
    %dma_wait3A_72 = tpu.memref_slice %arg6[%dma_wait3A_69, %dma_wait3A_70, %dma_wait3A_71] : memref<2x320x128xf32, #tpu.memory_space<vmem>> -> memref<1x80x128xf32, #tpu.memory_space<vmem>>
    %dma_wait3A_73 = tpu.memref_squeeze %dma_wait3A_72 : memref<1x80x128xf32, #tpu.memory_space<vmem>> -> memref<80x128xf32, #tpu.memory_space<vmem>>
    %dma_wait3A_74 = arith.constant 4000 : i32
    %dma_wait3A_75 = tpu.memref_slice %arg5[%dma_wait3A_74] : memref<4160xi32, #tpu.memory_space<vmem>> -> memref<80xi32, #tpu.memory_space<vmem>>
    %dma_wait3A_76 = arith.constant 0 : i32
    %dma_wait3A_77 = arith.constant 0 : i32
    %dma_wait3A_78 = tpu.memref_slice %arg2[%dma_wait3A_76, %dma_wait3A_77] : memref<100800x128xf32, #tpu.memory_space<hbm>> -> memref<100800x128xf32, #tpu.memory_space<hbm>>
    tpu.wait_indirect_dma semaphore(%arg8 : memref<!tpu.dma_semaphore, #tpu.memory_space<semaphore_mem>>) src(%dma_wait3A_78 : memref<100800x128xf32, #tpu.memory_space<hbm>>) dst(%dma_wait3A_73 : memref<80x128xf32, #tpu.memory_space<vmem>>)
    %dma_wait3A_79 = arith.constant 0 : i32
    %dma_wait3A_80 = arith.constant 240 : i32
    %dma_wait3A_81 = arith.constant 0 : i32
    %dma_wait3A_82 = tpu.memref_slice %arg6[%dma_wait3A_79, %dma_wait3A_80, %dma_wait3A_81] : memref<2x320x128xf32, #tpu.memory_space<vmem>> -> memref<1x80x128xf32, #tpu.memory_space<vmem>>
    %dma_wait3A_83 = tpu.memref_squeeze %dma_wait3A_82 : memref<1x80x128xf32, #tpu.memory_space<vmem>> -> memref<80x128xf32, #tpu.memory_space<vmem>>
    %dma_wait3A_84 = arith.constant 4080 : i32
    %dma_wait3A_85 = tpu.memref_slice %arg5[%dma_wait3A_84] : memref<4160xi32, #tpu.memory_space<vmem>> -> memref<80xi32, #tpu.memory_space<vmem>>
    %dma_wait3A_86 = arith.constant 0 : i32
    %dma_wait3A_87 = arith.constant 0 : i32
    %dma_wait3A_88 = tpu.memref_slice %arg2[%dma_wait3A_86, %dma_wait3A_87] : memref<100800x128xf32, #tpu.memory_space<hbm>> -> memref<100800x128xf32, #tpu.memory_space<hbm>>
    tpu.wait_indirect_dma semaphore(%arg8 : memref<!tpu.dma_semaphore, #tpu.memory_space<semaphore_mem>>) src(%dma_wait3A_88 : memref<100800x128xf32, #tpu.memory_space<hbm>>) dst(%dma_wait3A_83 : memref<80x128xf32, #tpu.memory_space<vmem>>)
    %add3A_89 = arith.constant 640 : i32
    %add3A_90 = arith.addi %mul3A_2, %add3A_89 : i32
    %dma_wait3A_91 = arith.constant 0 : i32
    %dma_wait3A_92 = arith.constant 0 : i32
    %dma_wait3A_93 = arith.constant 0 : i32
    %dma_wait3A_94 = tpu.memref_slice %arg7[%dma_wait3A_91, %dma_wait3A_92, %dma_wait3A_93] : memref<2x64x128xf32, #tpu.memory_space<vmem>> -> memref<1x64x128xf32, #tpu.memory_space<vmem>>
    %dma_wait3A_95 = tpu.memref_squeeze %dma_wait3A_94 : memref<1x64x128xf32, #tpu.memory_space<vmem>> -> memref<64x128xf32, #tpu.memory_space<vmem>>
    %dma_wait3A_96 = arith.constant 0 : i32
    %dma_wait3A_97 = tpu.memref_slice %arg4[%add3A_90, %dma_wait3A_96] : memref<26624x128xf32, #tpu.memory_space<hbm>> -> memref<64x128xf32, #tpu.memory_space<hbm>>
    %dma_wait3A_98 = arith.constant 0 : i32
    %dma_wait3A_99 = tpu.memref_slice %arg4[%add3A_90, %dma_wait3A_98] : memref<26624x128xf32, #tpu.memory_space<hbm>> -> memref<64x128xf32, #tpu.memory_space<hbm>>
    %dma_wait3A_100 = arith.constant 0 : i32
    %dma_wait3A_101 = arith.constant 0 : i32
    %dma_wait3A_102 = tpu.memref_slice %arg7[%dma_wait3A_91, %dma_wait3A_100, %dma_wait3A_101] : memref<2x64x128xf32, #tpu.memory_space<vmem>> -> memref<1x64x128xf32, #tpu.memory_space<vmem>>
    %dma_wait3A_103 = tpu.memref_squeeze %dma_wait3A_102 : memref<1x64x128xf32, #tpu.memory_space<vmem>> -> memref<64x128xf32, #tpu.memory_space<vmem>>
    tpu.wait_dma2 semaphore(%arg10 : memref<!tpu.dma_semaphore, #tpu.memory_space<semaphore_mem>>) src(%dma_wait3A_103 : memref<64x128xf32, #tpu.memory_space<vmem>>) dst(%dma_wait3A_99 : memref<64x128xf32, #tpu.memory_space<hbm>>)
    %scan3A_104 = arith.constant 0 : i32
    %scan3A_105 = arith.constant 0 : i32
    %scan3A_106 = arith.constant 64 : i32
    %scan3A_107 = arith.addi %scan3A_105, %scan3A_106 : i32
    %scan3A_108 = arith.constant 1 : i32
    %scan3A_109 = scf.for %scan3A_156 = %scan3A_105 to %scan3A_107 step %scan3A_108 iter_args(%scan3A_157 = %scan3A_104) -> (i32)  : i32 {
      %mul3A_158 = arith.constant 5 : i32
      %mul3A_159 = arith.muli %scan3A_156, %mul3A_158 : i32
      %get3A = arith.constant 0 : i32
      %get3A_160 = arith.index_cast %get3A : i32 to index
      %get3A_161 = arith.index_cast %mul3A_159 : i32 to index
      %get3A_162 = arith.constant 0 : index
      %get3A_163 = tpu.vector_load %arg6[%get3A_160, %get3A_161, %get3A_162] {strides = array<i32>} : memref<2x320x128xf32, #tpu.memory_space<vmem>>, vector<1x1x16xf32>,
      %get3A_164 = vector.shape_cast %get3A_163 : vector<1x1x16xf32> to vector<16xf32>
      %add3A_165 = arith.constant 1 : i32
      %add3A_166 = arith.addi %mul3A_159, %add3A_165 : i32
      %get3A_167 = arith.constant 0 : i32
      %get3A_168 = arith.index_cast %get3A_167 : i32 to index
      %get3A_169 = arith.index_cast %add3A_166 : i32 to index
      %get3A_170 = arith.constant 0 : index
      %get3A_171 = tpu.vector_load %arg6[%get3A_168, %get3A_169, %get3A_170] {strides = array<i32>} : memref<2x320x128xf32, #tpu.memory_space<vmem>>, vector<1x1x16xf32>,
      %get3A_172 = vector.shape_cast %get3A_171 : vector<1x1x16xf32> to vector<16xf32>
      %add3A_173 = arith.addf %get3A_164, %get3A_172 : vector<16xf32>
      %add3A_174 = arith.constant 2 : i32
      %add3A_175 = arith.addi %mul3A_159, %add3A_174 : i32
      %get3A_176 = arith.constant 0 : i32
      %get3A_177 = arith.index_cast %get3A_176 : i32 to index
      %get3A_178 = arith.index_cast %add3A_175 : i32 to index
      %get3A_179 = arith.constant 0 : index
      %get3A_180 = tpu.vector_load %arg6[%get3A_177, %get3A_178, %get3A_179] {strides = array<i32>} : memref<2x320x128xf32, #tpu.memory_space<vmem>>, vector<1x1x16xf32>,
      %get3A_181 = vector.shape_cast %get3A_180 : vector<1x1x16xf32> to vector<16xf32>
      %add3A_182 = arith.addf %add3A_173, %get3A_181 : vector<16xf32>
      %add3A_183 = arith.constant 3 : i32
      %add3A_184 = arith.addi %mul3A_159, %add3A_183 : i32
      %get3A_185 = arith.constant 0 : i32
      %get3A_186 = arith.index_cast %get3A_185 : i32 to index
      %get3A_187 = arith.index_cast %add3A_184 : i32 to index
      %get3A_188 = arith.constant 0 : index
      %get3A_189 = tpu.vector_load %arg6[%get3A_186, %get3A_187, %get3A_188] {strides = array<i32>} : memref<2x320x128xf32, #tpu.memory_space<vmem>>, vector<1x1x16xf32>,
      %get3A_190 = vector.shape_cast %get3A_189 : vector<1x1x16xf32> to vector<16xf32>
      %add3A_191 = arith.addf %add3A_182, %get3A_190 : vector<16xf32>
      %add3A_192 = arith.constant 4 : i32
      %add3A_193 = arith.addi %mul3A_159, %add3A_192 : i32
      %get3A_194 = arith.constant 0 : i32
      %get3A_195 = arith.index_cast %get3A_194 : i32 to index
      %get3A_196 = arith.index_cast %add3A_193 : i32 to index
      %get3A_197 = arith.constant 0 : index
      %get3A_198 = tpu.vector_load %arg6[%get3A_195, %get3A_196, %get3A_197] {strides = array<i32>} : memref<2x320x128xf32, #tpu.memory_space<vmem>>, vector<1x1x16xf32>,
      %get3A_199 = vector.shape_cast %get3A_198 : vector<1x1x16xf32> to vector<16xf32>
      %add3A_200 = arith.addf %add3A_191, %get3A_199 : vector<16xf32>
      %swap3A = arith.constant 0 : i32
      %swap3A_201 = arith.index_cast %swap3A : i32 to index
      %swap3A_202 = arith.index_cast %scan3A_156 : i32 to index
      %swap3A_203 = arith.constant 0 : index
      %swap3A_204 = tpu.vector_load %arg7[%swap3A_201, %swap3A_202, %swap3A_203] {strides = array<i32>} : memref<2x64x128xf32, #tpu.memory_space<vmem>>, vector<1x1x16xf32>,
      %swap3A_205 = vector.shape_cast %swap3A_204 : vector<1x1x16xf32> to vector<16xf32>
      %swap3A_206 = vector.shape_cast %add3A_200 : vector<16xf32> to vector<1x1x16xf32>
      tpu.vector_store %arg7[%swap3A_201, %swap3A_202, %swap3A_203], %swap3A_206 {strides = array<i32>} : memref<2x64x128xf32, #tpu.memory_space<vmem>>, vector<1x1x16xf32>,
      %get3A_207 = arith.constant 0 : i32
      %get3A_208 = arith.index_cast %get3A_207 : i32 to index
      %get3A_209 = arith.index_cast %mul3A_159 : i32 to index
      %get3A_210 = arith.constant 16 : index
      %get3A_211 = tpu.vector_load %arg6[%get3A_208, %get3A_209, %get3A_210] {strides = array<i32>} : memref<2x320x128xf32, #tpu.memory_space<vmem>>, vector<1x1x16xf32>,
      %get3A_212 = vector.shape_cast %get3A_211 : vector<1x1x16xf32> to vector<16xf32>
      %add3A_213 = arith.constant 1 : i32
      %add3A_214 = arith.addi %mul3A_159, %add3A_213 : i32
      %get3A_215 = arith.constant 0 : i32
      %get3A_216 = arith.index_cast %get3A_215 : i32 to index
      %get3A_217 = arith.index_cast %add3A_214 : i32 to index
      %get3A_218 = arith.constant 16 : index
      %get3A_219 = tpu.vector_load %arg6[%get3A_216, %get3A_217, %get3A_218] {strides = array<i32>} : memref<2x320x128xf32, #tpu.memory_space<vmem>>, vector<1x1x16xf32>,
      %get3A_220 = vector.shape_cast %get3A_219 : vector<1x1x16xf32> to vector<16xf32>
      %add3A_221 = arith.addf %get3A_212, %get3A_220 : vector<16xf32>
      %add3A_222 = arith.constant 2 : i32
      %add3A_223 = arith.addi %mul3A_159, %add3A_222 : i32
      %get3A_224 = arith.constant 0 : i32
      %get3A_225 = arith.index_cast %get3A_224 : i32 to index
      %get3A_226 = arith.index_cast %add3A_223 : i32 to index
      %get3A_227 = arith.constant 16 : index
      %get3A_228 = tpu.vector_load %arg6[%get3A_225, %get3A_226, %get3A_227] {strides = array<i32>} : memref<2x320x128xf32, #tpu.memory_space<vmem>>, vector<1x1x16xf32>,
      %get3A_229 = vector.shape_cast %get3A_228 : vector<1x1x16xf32> to vector<16xf32>
      %add3A_230 = arith.addf %add3A_221, %get3A_229 : vector<16xf32>
      %add3A_231 = arith.constant 3 : i32
      %add3A_232 = arith.addi %mul3A_159, %add3A_231 : i32
      %get3A_233 = arith.constant 0 : i32
      %get3A_234 = arith.index_cast %get3A_233 : i32 to index
      %get3A_235 = arith.index_cast %add3A_232 : i32 to index
      %get3A_236 = arith.constant 16 : index
      %get3A_237 = tpu.vector_load %arg6[%get3A_234, %get3A_235, %get3A_236] {strides = array<i32>} : memref<2x320x128xf32, #tpu.memory_space<vmem>>, vector<1x1x16xf32>,
      %get3A_238 = vector.shape_cast %get3A_237 : vector<1x1x16xf32> to vector<16xf32>
      %add3A_239 = arith.addf %add3A_230, %get3A_238 : vector<16xf32>
      %add3A_240 = arith.constant 4 : i32
      %add3A_241 = arith.addi %mul3A_159, %add3A_240 : i32
      %get3A_242 = arith.constant 0 : i32
      %get3A_243 = arith.index_cast %get3A_242 : i32 to index
      %get3A_244 = arith.index_cast %add3A_241 : i32 to index
      %get3A_245 = arith.constant 16 : index
      %get3A_246 = tpu.vector_load %arg6[%get3A_243, %get3A_244, %get3A_245] {strides = array<i32>} : memref<2x320x128xf32, #tpu.memory_space<vmem>>, vector<1x1x16xf32>,
      %get3A_247 = vector.shape_cast %get3A_246 : vector<1x1x16xf32> to vector<16xf32>
      %add3A_248 = arith.addf %add3A_239, %get3A_247 : vector<16xf32>
      %swap3A_249 = arith.constant 0 : i32
      %swap3A_250 = arith.index_cast %swap3A_249 : i32 to index
      %swap3A_251 = arith.index_cast %scan3A_156 : i32 to index
      %swap3A_252 = arith.constant 16 : index
      %swap3A_253 = tpu.vector_load %arg7[%swap3A_250, %swap3A_251, %swap3A_252] {strides = array<i32>} : memref<2x64x128xf32, #tpu.memory_space<vmem>>, vector<1x1x16xf32>,
      %swap3A_254 = vector.shape_cast %swap3A_253 : vector<1x1x16xf32> to vector<16xf32>
      %swap3A_255 = vector.shape_cast %add3A_248 : vector<16xf32> to vector<1x1x16xf32>
      tpu.vector_store %arg7[%swap3A_250, %swap3A_251, %swap3A_252], %swap3A_255 {strides = array<i32>} : memref<2x64x128xf32, #tpu.memory_space<vmem>>, vector<1x1x16xf32>,
      %get3A_256 = arith.constant 0 : i32
      %get3A_257 = arith.index_cast %get3A_256 : i32 to index
      %get3A_258 = arith.index_cast %mul3A_159 : i32 to index
      %get3A_259 = arith.constant 32 : index
      %get3A_260 = tpu.vector_load %arg6[%get3A_257, %get3A_258, %get3A_259] {strides = array<i32>} : memref<2x320x128xf32, #tpu.memory_space<vmem>>, vector<1x1x16xf32>,
      %get3A_261 = vector.shape_cast %get3A_260 : vector<1x1x16xf32> to vector<16xf32>
      %add3A_262 = arith.constant 1 : i32
      %add3A_263 = arith.addi %mul3A_159, %add3A_262 : i32
      %get3A_264 = arith.constant 0 : i32
      %get3A_265 = arith.index_cast %get3A_264 : i32 to index
      %get3A_266 = arith.index_cast %add3A_263 : i32 to index
      %get3A_267 = arith.constant 32 : index
      %get3A_268 = tpu.vector_load %arg6[%get3A_265, %get3A_266, %get3A_267] {strides = array<i32>} : memref<2x320x128xf32, #tpu.memory_space<vmem>>, vector<1x1x16xf32>,
      %get3A_269 = vector.shape_cast %get3A_268 : vector<1x1x16xf32> to vector<16xf32>
      %add3A_270 = arith.addf %get3A_261, %get3A_269 : vector<16xf32>
      %add3A_271 = arith.constant 2 : i32
      %add3A_272 = arith.addi %mul3A_159, %add3A_271 : i32
      %get3A_273 = arith.constant 0 : i32
      %get3A_274 = arith.index_cast %get3A_273 : i32 to index
      %get3A_275 = arith.index_cast %add3A_272 : i32 to index
      %get3A_276 = arith.constant 32 : index
      %get3A_277 = tpu.vector_load %arg6[%get3A_274, %get3A_275, %get3A_276] {strides = array<i32>} : memref<2x320x128xf32, #tpu.memory_space<vmem>>, vector<1x1x16xf32>,
      %get3A_278 = vector.shape_cast %get3A_277 : vector<1x1x16xf32> to vector<16xf32>
      %add3A_279 = arith.addf %add3A_270, %get3A_278 : vector<16xf32>
      %add3A_280 = arith.constant 3 : i32
      %add3A_281 = arith.addi %mul3A_159, %add3A_280 : i32
      %get3A_282 = arith.constant 0 : i32
      %get3A_283 = arith.index_cast %get3A_282 : i32 to index
      %get3A_284 = arith.index_cast %add3A_281 : i32 to index
      %get3A_285 = arith.constant 32 : index
      %get3A_286 = tpu.vector_load %arg6[%get3A_283, %get3A_284, %get3A_285] {strides = array<i32>} : memref<2x320x128xf32, #tpu.memory_space<vmem>>, vector<1x1x16xf32>,
      %get3A_287 = vector.shape_cast %get3A_286 : vector<1x1x16xf32> to vector<16xf32>
      %add3A_288 = arith.addf %add3A_279, %get3A_287 : vector<16xf32>
      %add3A_289 = arith.constant 4 : i32
      %add3A_290 = arith.addi %mul3A_159, %add3A_289 : i32
      %get3A_291 = arith.constant 0 : i32
      %get3A_292 = arith.index_cast %get3A_291 : i32 to index
      %get3A_293 = arith.index_cast %add3A_290 : i32 to index
      %get3A_294 = arith.constant 32 : index
      %get3A_295 = tpu.vector_load %arg6[%get3A_292, %get3A_293, %get3A_294] {strides = array<i32>} : memref<2x320x128xf32, #tpu.memory_space<vmem>>, vector<1x1x16xf32>,
      %get3A_296 = vector.shape_cast %get3A_295 : vector<1x1x16xf32> to vector<16xf32>
      %add3A_297 = arith.addf %add3A_288, %get3A_296 : vector<16xf32>
      %swap3A_298 = arith.constant 0 : i32
      %swap3A_299 = arith.index_cast %swap3A_298 : i32 to index
      %swap3A_300 = arith.index_cast %scan3A_156 : i32 to index
      %swap3A_301 = arith.constant 32 : index
      %swap3A_302 = tpu.vector_load %arg7[%swap3A_299, %swap3A_300, %swap3A_301] {strides = array<i32>} : memref<2x64x128xf32, #tpu.memory_space<vmem>>, vector<1x1x16xf32>,
      %swap3A_303 = vector.shape_cast %swap3A_302 : vector<1x1x16xf32> to vector<16xf32>
      %swap3A_304 = vector.shape_cast %add3A_297 : vector<16xf32> to vector<1x1x16xf32>
      tpu.vector_store %arg7[%swap3A_299, %swap3A_300, %swap3A_301], %swap3A_304 {strides = array<i32>} : memref<2x64x128xf32, #tpu.memory_space<vmem>>, vector<1x1x16xf32>,
      %get3A_305 = arith.constant 0 : i32
      %get3A_306 = arith.index_cast %get3A_305 : i32 to index
      %get3A_307 = arith.index_cast %mul3A_159 : i32 to index
      %get3A_308 = arith.constant 48 : index
      %get3A_309 = tpu.vector_load %arg6[%get3A_306, %get3A_307, %get3A_308] {strides = array<i32>} : memref<2x320x128xf32, #tpu.memory_space<vmem>>, vector<1x1x16xf32>,
      %get3A_310 = vector.shape_cast %get3A_309 : vector<1x1x16xf32> to vector<16xf32>
      %add3A_311 = arith.constant 1 : i32
      %add3A_312 = arith.addi %mul3A_159, %add3A_311 : i32
      %get3A_313 = arith.constant 0 : i32
      %get3A_314 = arith.index_cast %get3A_313 : i32 to index
      %get3A_315 = arith.index_cast %add3A_312 : i32 to index
      %get3A_316 = arith.constant 48 : index
      %get3A_317 = tpu.vector_load %arg6[%get3A_314, %get3A_315, %get3A_316] {strides = array<i32>} : memref<2x320x128xf32, #tpu.memory_space<vmem>>, vector<1x1x16xf32>,
      %get3A_318 = vector.shape_cast %get3A_317 : vector<1x1x16xf32> to vector<16xf32>
      %add3A_319 = arith.addf %get3A_310, %get3A_318 : vector<16xf32>
      %add3A_320 = arith.constant 2 : i32
      %add3A_321 = arith.addi %mul3A_159, %add3A_320 : i32
      %get3A_322 = arith.constant 0 : i32
      %get3A_323 = arith.index_cast %get3A_322 : i32 to index
      %get3A_324 = arith.index_cast %add3A_321 : i32 to index
      %get3A_325 = arith.constant 48 : index
      %get3A_326 = tpu.vector_load %arg6[%get3A_323, %get3A_324, %get3A_325] {strides = array<i32>} : memref<2x320x128xf32, #tpu.memory_space<vmem>>, vector<1x1x16xf32>,
      %get3A_327 = vector.shape_cast %get3A_326 : vector<1x1x16xf32> to vector<16xf32>
      %add3A_328 = arith.addf %add3A_319, %get3A_327 : vector<16xf32>
      %add3A_329 = arith.constant 3 : i32
      %add3A_330 = arith.addi %mul3A_159, %add3A_329 : i32
      %get3A_331 = arith.constant 0 : i32
      %get3A_332 = arith.index_cast %get3A_331 : i32 to index
      %get3A_333 = arith.index_cast %add3A_330 : i32 to index
      %get3A_334 = arith.constant 48 : index
      %get3A_335 = tpu.vector_load %arg6[%get3A_332, %get3A_333, %get3A_334] {strides = array<i32>} : memref<2x320x128xf32, #tpu.memory_space<vmem>>, vector<1x1x16xf32>,
      %get3A_336 = vector.shape_cast %get3A_335 : vector<1x1x16xf32> to vector<16xf32>
      %add3A_337 = arith.addf %add3A_328, %get3A_336 : vector<16xf32>
      %add3A_338 = arith.constant 4 : i32
      %add3A_339 = arith.addi %mul3A_159, %add3A_338 : i32
      %get3A_340 = arith.constant 0 : i32
      %get3A_341 = arith.index_cast %get3A_340 : i32 to index
      %get3A_342 = arith.index_cast %add3A_339 : i32 to index
      %get3A_343 = arith.constant 48 : index
      %get3A_344 = tpu.vector_load %arg6[%get3A_341, %get3A_342, %get3A_343] {strides = array<i32>} : memref<2x320x128xf32, #tpu.memory_space<vmem>>, vector<1x1x16xf32>,
      %get3A_345 = vector.shape_cast %get3A_344 : vector<1x1x16xf32> to vector<16xf32>
      %add3A_346 = arith.addf %add3A_337, %get3A_345 : vector<16xf32>
      %swap3A_347 = arith.constant 0 : i32
      %swap3A_348 = arith.index_cast %swap3A_347 : i32 to index
      %swap3A_349 = arith.index_cast %scan3A_156 : i32 to index
      %swap3A_350 = arith.constant 48 : index
      %swap3A_351 = tpu.vector_load %arg7[%swap3A_348, %swap3A_349, %swap3A_350] {strides = array<i32>} : memref<2x64x128xf32, #tpu.memory_space<vmem>>, vector<1x1x16xf32>,
      %swap3A_352 = vector.shape_cast %swap3A_351 : vector<1x1x16xf32> to vector<16xf32>
      %swap3A_353 = vector.shape_cast %add3A_346 : vector<16xf32> to vector<1x1x16xf32>
      tpu.vector_store %arg7[%swap3A_348, %swap3A_349, %swap3A_350], %swap3A_353 {strides = array<i32>} : memref<2x64x128xf32, #tpu.memory_space<vmem>>, vector<1x1x16xf32>,
      %get3A_354 = arith.constant 0 : i32
      %get3A_355 = arith.index_cast %get3A_354 : i32 to index
      %get3A_356 = arith.index_cast %mul3A_159 : i32 to index
      %get3A_357 = arith.constant 64 : index
      %get3A_358 = tpu.vector_load %arg6[%get3A_355, %get3A_356, %get3A_357] {strides = array<i32>} : memref<2x320x128xf32, #tpu.memory_space<vmem>>, vector<1x1x16xf32>,
      %get3A_359 = vector.shape_cast %get3A_358 : vector<1x1x16xf32> to vector<16xf32>
      %add3A_360 = arith.constant 1 : i32
      %add3A_361 = arith.addi %mul3A_159, %add3A_360 : i32
      %get3A_362 = arith.constant 0 : i32
      %get3A_363 = arith.index_cast %get3A_362 : i32 to index
      %get3A_364 = arith.index_cast %add3A_361 : i32 to index
      %get3A_365 = arith.constant 64 : index
      %get3A_366 = tpu.vector_load %arg6[%get3A_363, %get3A_364, %get3A_365] {strides = array<i32>} : memref<2x320x128xf32, #tpu.memory_space<vmem>>, vector<1x1x16xf32>,
      %get3A_367 = vector.shape_cast %get3A_366 : vector<1x1x16xf32> to vector<16xf32>
      %add3A_368 = arith.addf %get3A_359, %get3A_367 : vector<16xf32>
      %add3A_369 = arith.constant 2 : i32
      %add3A_370 = arith.addi %mul3A_159, %add3A_369 : i32
      %get3A_371 = arith.constant 0 : i32
      %get3A_372 = arith.index_cast %get3A_371 : i32 to index
      %get3A_373 = arith.index_cast %add3A_370 : i32 to index
      %get3A_374 = arith.constant 64 : index
      %get3A_375 = tpu.vector_load %arg6[%get3A_372, %get3A_373, %get3A_374] {strides = array<i32>} : memref<2x320x128xf32, #tpu.memory_space<vmem>>, vector<1x1x16xf32>,
      %get3A_376 = vector.shape_cast %get3A_375 : vector<1x1x16xf32> to vector<16xf32>
      %add3A_377 = arith.addf %add3A_368, %get3A_376 : vector<16xf32>
      %add3A_378 = arith.constant 3 : i32
      %add3A_379 = arith.addi %mul3A_159, %add3A_378 : i32
      %get3A_380 = arith.constant 0 : i32
      %get3A_381 = arith.index_cast %get3A_380 : i32 to index
      %get3A_382 = arith.index_cast %add3A_379 : i32 to index
      %get3A_383 = arith.constant 64 : index
      %get3A_384 = tpu.vector_load %arg6[%get3A_381, %get3A_382, %get3A_383] {strides = array<i32>} : memref<2x320x128xf32, #tpu.memory_space<vmem>>, vector<1x1x16xf32>,
      %get3A_385 = vector.shape_cast %get3A_384 : vector<1x1x16xf32> to vector<16xf32>
      %add3A_386 = arith.addf %add3A_377, %get3A_385 : vector<16xf32>
      %add3A_387 = arith.constant 4 : i32
      %add3A_388 = arith.addi %mul3A_159, %add3A_387 : i32
      %get3A_389 = arith.constant 0 : i32
      %get3A_390 = arith.index_cast %get3A_389 : i32 to index
      %get3A_391 = arith.index_cast %add3A_388 : i32 to index
      %get3A_392 = arith.constant 64 : index
      %get3A_393 = tpu.vector_load %arg6[%get3A_390, %get3A_391, %get3A_392] {strides = array<i32>} : memref<2x320x128xf32, #tpu.memory_space<vmem>>, vector<1x1x16xf32>,
      %get3A_394 = vector.shape_cast %get3A_393 : vector<1x1x16xf32> to vector<16xf32>
      %add3A_395 = arith.addf %add3A_386, %get3A_394 : vector<16xf32>
      %swap3A_396 = arith.constant 0 : i32
      %swap3A_397 = arith.index_cast %swap3A_396 : i32 to index
      %swap3A_398 = arith.index_cast %scan3A_156 : i32 to index
      %swap3A_399 = arith.constant 64 : index
      %swap3A_400 = tpu.vector_load %arg7[%swap3A_397, %swap3A_398, %swap3A_399] {strides = array<i32>} : memref<2x64x128xf32, #tpu.memory_space<vmem>>, vector<1x1x16xf32>,
      %swap3A_401 = vector.shape_cast %swap3A_400 : vector<1x1x16xf32> to vector<16xf32>
      %swap3A_402 = vector.shape_cast %add3A_395 : vector<16xf32> to vector<1x1x16xf32>
      tpu.vector_store %arg7[%swap3A_397, %swap3A_398, %swap3A_399], %swap3A_402 {strides = array<i32>} : memref<2x64x128xf32, #tpu.memory_space<vmem>>, vector<1x1x16xf32>,
      %get3A_403 = arith.constant 0 : i32
      %get3A_404 = arith.index_cast %get3A_403 : i32 to index
      %get3A_405 = arith.index_cast %mul3A_159 : i32 to index
      %get3A_406 = arith.constant 80 : index
      %get3A_407 = tpu.vector_load %arg6[%get3A_404, %get3A_405, %get3A_406] {strides = array<i32>} : memref<2x320x128xf32, #tpu.memory_space<vmem>>, vector<1x1x16xf32>,
      %get3A_408 = vector.shape_cast %get3A_407 : vector<1x1x16xf32> to vector<16xf32>
      %add3A_409 = arith.constant 1 : i32
      %add3A_410 = arith.addi %mul3A_159, %add3A_409 : i32
      %get3A_411 = arith.constant 0 : i32
      %get3A_412 = arith.index_cast %get3A_411 : i32 to index
      %get3A_413 = arith.index_cast %add3A_410 : i32 to index
      %get3A_414 = arith.constant 80 : index
      %get3A_415 = tpu.vector_load %arg6[%get3A_412, %get3A_413, %get3A_414] {strides = array<i32>} : memref<2x320x128xf32, #tpu.memory_space<vmem>>, vector<1x1x16xf32>,
      %get3A_416 = vector.shape_cast %get3A_415 : vector<1x1x16xf32> to vector<16xf32>
      %add3A_417 = arith.addf %get3A_408, %get3A_416 : vector<16xf32>
      %add3A_418 = arith.constant 2 : i32
      %add3A_419 = arith.addi %mul3A_159, %add3A_418 : i32
      %get3A_420 = arith.constant 0 : i32
      %get3A_421 = arith.index_cast %get3A_420 : i32 to index
      %get3A_422 = arith.index_cast %add3A_419 : i32 to index
      %get3A_423 = arith.constant 80 : index
      %get3A_424 = tpu.vector_load %arg6[%get3A_421, %get3A_422, %get3A_423] {strides = array<i32>} : memref<2x320x128xf32, #tpu.memory_space<vmem>>, vector<1x1x16xf32>,
      %get3A_425 = vector.shape_cast %get3A_424 : vector<1x1x16xf32> to vector<16xf32>
      %add3A_426 = arith.addf %add3A_417, %get3A_425 : vector<16xf32>
      %add3A_427 = arith.constant 3 : i32
      %add3A_428 = arith.addi %mul3A_159, %add3A_427 : i32
      %get3A_429 = arith.constant 0 : i32
      %get3A_430 = arith.index_cast %get3A_429 : i32 to index
      %get3A_431 = arith.index_cast %add3A_428 : i32 to index
      %get3A_432 = arith.constant 80 : index
      %get3A_433 = tpu.vector_load %arg6[%get3A_430, %get3A_431, %get3A_432] {strides = array<i32>} : memref<2x320x128xf32, #tpu.memory_space<vmem>>, vector<1x1x16xf32>,
      %get3A_434 = vector.shape_cast %get3A_433 : vector<1x1x16xf32> to vector<16xf32>
      %add3A_435 = arith.addf %add3A_426, %get3A_434 : vector<16xf32>
      %add3A_436 = arith.constant 4 : i32
      %add3A_437 = arith.addi %mul3A_159, %add3A_436 : i32
      %get3A_438 = arith.constant 0 : i32
      %get3A_439 = arith.index_cast %get3A_438 : i32 to index
      %get3A_440 = arith.index_cast %add3A_437 : i32 to index
      %get3A_441 = arith.constant 80 : index
      %get3A_442 = tpu.vector_load %arg6[%get3A_439, %get3A_440, %get3A_441] {strides = array<i32>} : memref<2x320x128xf32, #tpu.memory_space<vmem>>, vector<1x1x16xf32>,
      %get3A_443 = vector.shape_cast %get3A_442 : vector<1x1x16xf32> to vector<16xf32>
      %add3A_444 = arith.addf %add3A_435, %get3A_443 : vector<16xf32>
      %swap3A_445 = arith.constant 0 : i32
      %swap3A_446 = arith.index_cast %swap3A_445 : i32 to index
      %swap3A_447 = arith.index_cast %scan3A_156 : i32 to index
      %swap3A_448 = arith.constant 80 : index
      %swap3A_449 = tpu.vector_load %arg7[%swap3A_446, %swap3A_447, %swap3A_448] {strides = array<i32>} : memref<2x64x128xf32, #tpu.memory_space<vmem>>, vector<1x1x16xf32>,
      %swap3A_450 = vector.shape_cast %swap3A_449 : vector<1x1x16xf32> to vector<16xf32>
      %swap3A_451 = vector.shape_cast %add3A_444 : vector<16xf32> to vector<1x1x16xf32>
      tpu.vector_store %arg7[%swap3A_446, %swap3A_447, %swap3A_448], %swap3A_451 {strides = array<i32>} : memref<2x64x128xf32, #tpu.memory_space<vmem>>, vector<1x1x16xf32>,
      %get3A_452 = arith.constant 0 : i32
      %get3A_453 = arith.index_cast %get3A_452 : i32 to index
      %get3A_454 = arith.index_cast %mul3A_159 : i32 to index
      %get3A_455 = arith.constant 96 : index
      %get3A_456 = tpu.vector_load %arg6[%get3A_453, %get3A_454, %get3A_455] {strides = array<i32>} : memref<2x320x128xf32, #tpu.memory_space<vmem>>, vector<1x1x16xf32>,
      %get3A_457 = vector.shape_cast %get3A_456 : vector<1x1x16xf32> to vector<16xf32>
      %add3A_458 = arith.constant 1 : i32
      %add3A_459 = arith.addi %mul3A_159, %add3A_458 : i32
      %get3A_460 = arith.constant 0 : i32
      %get3A_461 = arith.index_cast %get3A_460 : i32 to index
      %get3A_462 = arith.index_cast %add3A_459 : i32 to index
      %get3A_463 = arith.constant 96 : index
      %get3A_464 = tpu.vector_load %arg6[%get3A_461, %get3A_462, %get3A_463] {strides = array<i32>} : memref<2x320x128xf32, #tpu.memory_space<vmem>>, vector<1x1x16xf32>,
      %get3A_465 = vector.shape_cast %get3A_464 : vector<1x1x16xf32> to vector<16xf32>
      %add3A_466 = arith.addf %get3A_457, %get3A_465 : vector<16xf32>
      %add3A_467 = arith.constant 2 : i32
      %add3A_468 = arith.addi %mul3A_159, %add3A_467 : i32
      %get3A_469 = arith.constant 0 : i32
      %get3A_470 = arith.index_cast %get3A_469 : i32 to index
      %get3A_471 = arith.index_cast %add3A_468 : i32 to index
      %get3A_472 = arith.constant 96 : index
      %get3A_473 = tpu.vector_load %arg6[%get3A_470, %get3A_471, %get3A_472] {strides = array<i32>} : memref<2x320x128xf32, #tpu.memory_space<vmem>>, vector<1x1x16xf32>,
      %get3A_474 = vector.shape_cast %get3A_473 : vector<1x1x16xf32> to vector<16xf32>
      %add3A_475 = arith.addf %add3A_466, %get3A_474 : vector<16xf32>
      %add3A_476 = arith.constant 3 : i32
      %add3A_477 = arith.addi %mul3A_159, %add3A_476 : i32
      %get3A_478 = arith.constant 0 : i32
      %get3A_479 = arith.index_cast %get3A_478 : i32 to index
      %get3A_480 = arith.index_cast %add3A_477 : i32 to index
      %get3A_481 = arith.constant 96 : index
      %get3A_482 = tpu.vector_load %arg6[%get3A_479, %get3A_480, %get3A_481] {strides = array<i32>} : memref<2x320x128xf32, #tpu.memory_space<vmem>>, vector<1x1x16xf32>,
      %get3A_483 = vector.shape_cast %get3A_482 : vector<1x1x16xf32> to vector<16xf32>
      %add3A_484 = arith.addf %add3A_475, %get3A_483 : vector<16xf32>
      %add3A_485 = arith.constant 4 : i32
      %add3A_486 = arith.addi %mul3A_159, %add3A_485 : i32
      %get3A_487 = arith.constant 0 : i32
      %get3A_488 = arith.index_cast %get3A_487 : i32 to index
      %get3A_489 = arith.index_cast %add3A_486 : i32 to index
      %get3A_490 = arith.constant 96 : index
      %get3A_491 = tpu.vector_load %arg6[%get3A_488, %get3A_489, %get3A_490] {strides = array<i32>} : memref<2x320x128xf32, #tpu.memory_space<vmem>>, vector<1x1x16xf32>,
      %get3A_492 = vector.shape_cast %get3A_491 : vector<1x1x16xf32> to vector<16xf32>
      %add3A_493 = arith.addf %add3A_484, %get3A_492 : vector<16xf32>
      %swap3A_494 = arith.constant 0 : i32
      %swap3A_495 = arith.index_cast %swap3A_494 : i32 to index
      %swap3A_496 = arith.index_cast %scan3A_156 : i32 to index
      %swap3A_497 = arith.constant 96 : index
      %swap3A_498 = tpu.vector_load %arg7[%swap3A_495, %swap3A_496, %swap3A_497] {strides = array<i32>} : memref<2x64x128xf32, #tpu.memory_space<vmem>>, vector<1x1x16xf32>,
      %swap3A_499 = vector.shape_cast %swap3A_498 : vector<1x1x16xf32> to vector<16xf32>
      %swap3A_500 = vector.shape_cast %add3A_493 : vector<16xf32> to vector<1x1x16xf32>
      tpu.vector_store %arg7[%swap3A_495, %swap3A_496, %swap3A_497], %swap3A_500 {strides = array<i32>} : memref<2x64x128xf32, #tpu.memory_space<vmem>>, vector<1x1x16xf32>,
      %get3A_501 = arith.constant 0 : i32
      %get3A_502 = arith.index_cast %get3A_501 : i32 to index
      %get3A_503 = arith.index_cast %mul3A_159 : i32 to index
      %get3A_504 = arith.constant 112 : index
      %get3A_505 = tpu.vector_load %arg6[%get3A_502, %get3A_503, %get3A_504] {strides = array<i32>} : memref<2x320x128xf32, #tpu.memory_space<vmem>>, vector<1x1x16xf32>,
      %get3A_506 = vector.shape_cast %get3A_505 : vector<1x1x16xf32> to vector<16xf32>
      %add3A_507 = arith.constant 1 : i32
      %add3A_508 = arith.addi %mul3A_159, %add3A_507 : i32
      %get3A_509 = arith.constant 0 : i32
      %get3A_510 = arith.index_cast %get3A_509 : i32 to index
      %get3A_511 = arith.index_cast %add3A_508 : i32 to index
      %get3A_512 = arith.constant 112 : index
      %get3A_513 = tpu.vector_load %arg6[%get3A_510, %get3A_511, %get3A_512] {strides = array<i32>} : memref<2x320x128xf32, #tpu.memory_space<vmem>>, vector<1x1x16xf32>,
      %get3A_514 = vector.shape_cast %get3A_513 : vector<1x1x16xf32> to vector<16xf32>
      %add3A_515 = arith.addf %get3A_506, %get3A_514 : vector<16xf32>
      %add3A_516 = arith.constant 2 : i32
      %add3A_517 = arith.addi %mul3A_159, %add3A_516 : i32
      %get3A_518 = arith.constant 0 : i32
      %get3A_519 = arith.index_cast %get3A_518 : i32 to index
      %get3A_520 = arith.index_cast %add3A_517 : i32 to index
      %get3A_521 = arith.constant 112 : index
      %get3A_522 = tpu.vector_load %arg6[%get3A_519, %get3A_520, %get3A_521] {strides = array<i32>} : memref<2x320x128xf32, #tpu.memory_space<vmem>>, vector<1x1x16xf32>,
      %get3A_523 = vector.shape_cast %get3A_522 : vector<1x1x16xf32> to vector<16xf32>
      %add3A_524 = arith.addf %add3A_515, %get3A_523 : vector<16xf32>
      %add3A_525 = arith.constant 3 : i32
      %add3A_526 = arith.addi %mul3A_159, %add3A_525 : i32
      %get3A_527 = arith.constant 0 : i32
      %get3A_528 = arith.index_cast %get3A_527 : i32 to index
      %get3A_529 = arith.index_cast %add3A_526 : i32 to index
      %get3A_530 = arith.constant 112 : index
      %get3A_531 = tpu.vector_load %arg6[%get3A_528, %get3A_529, %get3A_530] {strides = array<i32>} : memref<2x320x128xf32, #tpu.memory_space<vmem>>, vector<1x1x16xf32>,
      %get3A_532 = vector.shape_cast %get3A_531 : vector<1x1x16xf32> to vector<16xf32>
      %add3A_533 = arith.addf %add3A_524, %get3A_532 : vector<16xf32>
      %add3A_534 = arith.constant 4 : i32
      %add3A_535 = arith.addi %mul3A_159, %add3A_534 : i32
      %get3A_536 = arith.constant 0 : i32
      %get3A_537 = arith.index_cast %get3A_536 : i32 to index
      %get3A_538 = arith.index_cast %add3A_535 : i32 to index
      %get3A_539 = arith.constant 112 : index
      %get3A_540 = tpu.vector_load %arg6[%get3A_537, %get3A_538, %get3A_539] {strides = array<i32>} : memref<2x320x128xf32, #tpu.memory_space<vmem>>, vector<1x1x16xf32>,
      %get3A_541 = vector.shape_cast %get3A_540 : vector<1x1x16xf32> to vector<16xf32>
      %add3A_542 = arith.addf %add3A_533, %get3A_541 : vector<16xf32>
      %swap3A_543 = arith.constant 0 : i32
      %swap3A_544 = arith.index_cast %swap3A_543 : i32 to index
      %swap3A_545 = arith.index_cast %scan3A_156 : i32 to index
      %swap3A_546 = arith.constant 112 : index
      %swap3A_547 = tpu.vector_load %arg7[%swap3A_544, %swap3A_545, %swap3A_546] {strides = array<i32>} : memref<2x64x128xf32, #tpu.memory_space<vmem>>, vector<1x1x16xf32>,
      %swap3A_548 = vector.shape_cast %swap3A_547 : vector<1x1x16xf32> to vector<16xf32>
      %swap3A_549 = vector.shape_cast %add3A_542 : vector<16xf32> to vector<1x1x16xf32>
      tpu.vector_store %arg7[%swap3A_544, %swap3A_545, %swap3A_546], %swap3A_549 {strides = array<i32>} : memref<2x64x128xf32, #tpu.memory_space<vmem>>, vector<1x1x16xf32>,
      %scan3A_550 = arith.constant 0 : i32
      scf.yield %scan3A_550 : i32
    }
    %scan3A_110 = arith.constant 64 : i32
    %add3A_111 = arith.constant 768 : i32
    %add3A_112 = arith.addi %mul3A_2, %add3A_111 : i32
    %dma_start3A_113 = arith.constant 0 : i32
    %dma_start3A_114 = arith.constant 0 : i32
    %dma_start3A_115 = arith.constant 0 : i32
    %dma_start3A_116 = tpu.memref_slice %arg7[%dma_start3A_113, %dma_start3A_114, %dma_start3A_115] : memref<2x64x128xf32, #tpu.memory_space<vmem>> -> memref<1x64x128xf32, #tpu.memory_space<vmem>>
    %dma_start3A_117 = tpu.memref_squeeze %dma_start3A_116 : memref<1x64x128xf32, #tpu.memory_space<vmem>> -> memref<64x128xf32, #tpu.memory_space<vmem>>
    %dma_start3A_118 = arith.constant 0 : i32
    %dma_start3A_119 = tpu.memref_slice %arg4[%add3A_112, %dma_start3A_118] : memref<26624x128xf32, #tpu.memory_space<hbm>> -> memref<64x128xf32, #tpu.memory_space<hbm>>
    %dma_start3A_120 = arith.constant 0 : i32
    %dma_start3A_121 = tpu.memref_slice %arg4[%add3A_112, %dma_start3A_120] : memref<26624x128xf32, #tpu.memory_space<hbm>> -> memref<64x128xf32, #tpu.memory_space<hbm>>
    %dma_start3A_122 = arith.constant 0 : i32
    %dma_start3A_123 = arith.constant 0 : i32
    %dma_start3A_124 = tpu.memref_slice %arg7[%dma_start3A_113, %dma_start3A_122, %dma_start3A_123] : memref<2x64x128xf32, #tpu.memory_space<vmem>> -> memref<1x64x128xf32, #tpu.memory_space<vmem>>
    %dma_start3A_125 = tpu.memref_squeeze %dma_start3A_124 : memref<1x64x128xf32, #tpu.memory_space<vmem>> -> memref<64x128xf32, #tpu.memory_space<vmem>>
    tpu.enqueue_dma source(%dma_start3A_125 : memref<64x128xf32, #tpu.memory_space<vmem>>) target(%dma_start3A_121 : memref<64x128xf32, #tpu.memory_space<hbm>>) target_semaphore(%arg10 : memref<!tpu.dma_semaphore, #tpu.memory_space<semaphore_mem>>)
    %add3A_126 = arith.constant 768 : i32
    %add3A_127 = arith.addi %mul3A_2, %add3A_126 : i32
    %dma_wait3A_128 = arith.constant 0 : i32
    %dma_wait3A_129 = arith.constant 0 : i32
    %dma_wait3A_130 = arith.constant 0 : i32
    %dma_wait3A_131 = tpu.memref_slice %arg7[%dma_wait3A_128, %dma_wait3A_129, %dma_wait3A_130] : memref<2x64x128xf32, #tpu.memory_space<vmem>> -> memref<1x64x128xf32, #tpu.memory_space<vmem>>
    %dma_wait3A_132 = tpu.memref_squeeze %dma_wait3A_131 : memref<1x64x128xf32, #tpu.memory_space<vmem>> -> memref<64x128xf32, #tpu.memory_space<vmem>>
    %dma_wait3A_133 = arith.constant 0 : i32
    %dma_wait3A_134 = tpu.memref_slice %arg4[%add3A_127, %dma_wait3A_133] : memref<26624x128xf32, #tpu.memory_space<hbm>> -> memref<64x128xf32, #tpu.memory_space<hbm>>
    %dma_wait3A_135 = arith.constant 0 : i32
    %dma_wait3A_136 = tpu.memref_slice %arg4[%add3A_127, %dma_wait3A_135] : memref<26624x128xf32, #tpu.memory_space<hbm>> -> memref<64x128xf32, #tpu.memory_space<hbm>>
    %dma_wait3A_137 = arith.constant 0 : i32
    %dma_wait3A_138 = arith.constant 0 : i32
    %dma_wait3A_139 = tpu.memref_slice %arg7[%dma_wait3A_128, %dma_wait3A_137, %dma_wait3A_138] : memref<2x64x128xf32, #tpu.memory_space<vmem>> -> memref<1x64x128xf32, #tpu.memory_space<vmem>>
    %dma_wait3A_140 = tpu.memref_squeeze %dma_wait3A_139 : memref<1x64x128xf32, #tpu.memory_space<vmem>> -> memref<64x128xf32, #tpu.memory_space<vmem>>
    tpu.wait_dma2 semaphore(%arg10 : memref<!tpu.dma_semaphore, #tpu.memory_space<semaphore_mem>>) src(%dma_wait3A_140 : memref<64x128xf32, #tpu.memory_space<vmem>>) dst(%dma_wait3A_136 : memref<64x128xf32, #tpu.memory_space<hbm>>)
    %add3A_141 = arith.constant 704 : i32
    %add3A_142 = arith.addi %mul3A_2, %add3A_141 : i32
    %dma_wait3A_143 = arith.constant 1 : i32
    %dma_wait3A_144 = arith.constant 0 : i32
    %dma_wait3A_145 = arith.constant 0 : i32
    %dma_wait3A_146 = tpu.memref_slice %arg7[%dma_wait3A_143, %dma_wait3A_144, %dma_wait3A_145] : memref<2x64x128xf32, #tpu.memory_space<vmem>> -> memref<1x64x128xf32, #tpu.memory_space<vmem>>
    %dma_wait3A_147 = tpu.memref_squeeze %dma_wait3A_146 : memref<1x64x128xf32, #tpu.memory_space<vmem>> -> memref<64x128xf32, #tpu.memory_space<vmem>>
    %dma_wait3A_148 = arith.constant 0 : i32
    %dma_wait3A_149 = tpu.memref_slice %arg4[%add3A_142, %dma_wait3A_148] : memref<26624x128xf32, #tpu.memory_space<hbm>> -> memref<64x128xf32, #tpu.memory_space<hbm>>
    %dma_wait3A_150 = arith.constant 0 : i32
    %dma_wait3A_151 = tpu.memref_slice %arg4[%add3A_142, %dma_wait3A_150] : memref<26624x128xf32, #tpu.memory_space<hbm>> -> memref<64x128xf32, #tpu.memory_space<hbm>>
    %dma_wait3A_152 = arith.constant 0 : i32
    %dma_wait3A_153 = arith.constant 0 : i32
    %dma_wait3A_154 = tpu.memref_slice %arg7[%dma_wait3A_143, %dma_wait3A_152, %dma_wait3A_153] : memref<2x64x128xf32, #tpu.memory_space<vmem>> -> memref<1x64x128xf32, #tpu.memory_space<vmem>>
    %dma_wait3A_155 = tpu.memref_squeeze %dma_wait3A_154 : memref<1x64x128xf32, #tpu.memory_space<vmem>> -> memref<64x128xf32, #tpu.memory_space<vmem>>
    tpu.wait_dma2 semaphore(%arg11 : memref<!tpu.dma_semaphore, #tpu.memory_space<semaphore_mem>>) src(%dma_wait3A_155 : memref<64x128xf32, #tpu.memory_space<vmem>>) dst(%dma_wait3A_151 : memref<64x128xf32, #tpu.memory_space<hbm>>)
    return
  }
}

module attributes {stable_mosaic.version = 14 : i64} {
  func.func @_table_proj_body(%arg0: i32, %arg1: memref<2400x768xf32, #tpu.memory_space<vmem>>, %arg2: memref<768x128xf32, #tpu.memory_space<vmem>>, %arg3: memref<1x128xf32, #tpu.memory_space<vmem>>, %arg4: memref<1x128xf32, #tpu.memory_space<vmem>>, %arg5: memref<2400x128xf32, #tpu.memory_space<vmem>>) attributes {dimension_semantics = [#tpu.dimension_semantics<arbitrary>], iteration_bounds = array<i64: 42>, scalar_prefetch = 0 : i64, scratch_operands = 0 : i64, tpu.core_type = #tpu.core_type<tc>, window_params = [{transform_indices = @transform_0, window_bounds = array<i64: 2400, 768>}, {pipeline_mode = #tpu.pipeline_mode<synchronous>, transform_indices = @transform_1, window_bounds = array<i64: 768, 128>}, {pipeline_mode = #tpu.pipeline_mode<synchronous>, transform_indices = @transform_2, window_bounds = array<i64: 1, 128>}, {pipeline_mode = #tpu.pipeline_mode<synchronous>, transform_indices = @transform_3, window_bounds = array<i64: 1, 128>}, {transform_indices = @transform_4, window_bounds = array<i64: 2400, 128>}]} {
    %get3A = arith.constant 0 : index
    %get3A_0 = arith.constant 0 : index
    %get3A_1 = vector.load %arg1[%get3A, %get3A_0] : memref<2400x768xf32, #tpu.memory_space<vmem>>, vector<2400x768xf32>
    %reduce_sum3A = arith.constant dense<0.000000e+00> : vector<2400xf32>
    %reduce_sum3A_2 = vector.multi_reduction <add>, %get3A_1, %reduce_sum3A [1] : vector<2400x768xf32> to vector<2400xf32>
    %broadcast_in_dim3A = vector.shape_cast %reduce_sum3A_2 : vector<2400xf32> to vector<2400x1xf32>
    %div3A = arith.constant 7.680000e+02 : f32
    %div3A_3 = vector.broadcast %div3A : f32 to vector<2400x1xf32>
    %div3A_4 = arith.divf %broadcast_in_dim3A, %div3A_3 : vector<2400x1xf32>
    %mul3A = arith.mulf %get3A_1, %get3A_1 : vector<2400x768xf32>
    %reduce_sum3A_5 = arith.constant dense<0.000000e+00> : vector<2400xf32>
    %reduce_sum3A_6 = vector.multi_reduction <add>, %mul3A, %reduce_sum3A_5 [1] : vector<2400x768xf32> to vector<2400xf32>
    %broadcast_in_dim3A_7 = vector.shape_cast %reduce_sum3A_6 : vector<2400xf32> to vector<2400x1xf32>
    %div3A_8 = arith.constant 7.680000e+02 : f32
    %div3A_9 = vector.broadcast %div3A_8 : f32 to vector<2400x1xf32>
    %div3A_10 = arith.divf %broadcast_in_dim3A_7, %div3A_9 : vector<2400x1xf32>
    %mul3A_11 = arith.mulf %div3A_4, %div3A_4 : vector<2400x1xf32>
    %sub3A = arith.subf %div3A_10, %mul3A_11 : vector<2400x1xf32>
    %max3A = arith.constant 0.000000e+00 : f32
    %max3A_12 = vector.broadcast %max3A : f32 to vector<2400x1xf32>
    %max3A_13 = arith.maximumf %sub3A, %max3A_12 : vector<2400x1xf32>
    %add3A = arith.constant 9.99999974E-6 : f32
    %add3A_14 = vector.broadcast %add3A : f32 to vector<2400x1xf32>
    %add3A_15 = arith.addf %max3A_13, %add3A_14 : vector<2400x1xf32>
    %rsqrt3A = math.rsqrt %add3A_15 : vector<2400x1xf32>
    %get3A_16 = arith.constant 0 : index
    %get3A_17 = arith.constant 0 : index
    %get3A_18 = vector.load %arg2[%get3A_16, %get3A_17] : memref<768x128xf32, #tpu.memory_space<vmem>>, vector<768x128xf32>
    %dot_general3A = arith.constant dense<0.000000e+00> : vector<2400x128xf32>
    %dot_general3A_19 = tpu.matmul %get3A_1, %get3A_18, %dot_general3A {dimension_numbers = #tpu.dot_dimension_numbers<[1], [0], [0], [1], [0, 0, 1, 1], [], []>, transpose_lhs_hint = false} : vector<2400x768xf32>, vector<768x128xf32>, vector<2400x128xf32> -> vector<2400x128xf32>
    %get3A_20 = arith.constant 0 : index
    %get3A_21 = arith.constant 0 : index
    %get3A_22 = vector.load %arg3[%get3A_20, %get3A_21] : memref<1x128xf32, #tpu.memory_space<vmem>>, vector<1x128xf32>
    %mul3A_23 = vector.broadcast %div3A_4 : vector<2400x1xf32> to vector<2400x128xf32>
    %mul3A_24 = vector.broadcast %get3A_22 : vector<1x128xf32> to vector<2400x128xf32>
    %mul3A_25 = arith.mulf %mul3A_23, %mul3A_24 : vector<2400x128xf32>
    %sub3A_26 = arith.subf %dot_general3A_19, %mul3A_25 : vector<2400x128xf32>
    %mul3A_27 = vector.broadcast %rsqrt3A : vector<2400x1xf32> to vector<2400x128xf32>
    %mul3A_28 = arith.mulf %sub3A_26, %mul3A_27 : vector<2400x128xf32>
    %get3A_29 = arith.constant 0 : index
    %get3A_30 = arith.constant 0 : index
    %get3A_31 = vector.load %arg4[%get3A_29, %get3A_30] : memref<1x128xf32, #tpu.memory_space<vmem>>, vector<1x128xf32>
    %add3A_32 = vector.broadcast %get3A_31 : vector<1x128xf32> to vector<2400x128xf32>
    %add3A_33 = arith.addf %mul3A_28, %add3A_32 : vector<2400x128xf32>
    %mul3A_34 = arith.constant 2400 : i32
    %mul3A_35 = arith.muli %arg0, %mul3A_34 : i32
    %iota3A = tpu.iota {dimensions = array<i32: 0>} : vector<2400x1xi32>
    %add3A_36 = vector.broadcast %mul3A_35 : i32 to vector<2400x1xi32>
    %add3A_37 = arith.addi %add3A_36, %iota3A : vector<2400x1xi32>
    %lt3A = arith.constant 100000 : i32
    %lt3A_38 = vector.broadcast %lt3A : i32 to vector<2400x1xi32>
    %lt3A_39 = arith.cmpi slt, %add3A_37, %lt3A_38 : vector<2400x1xi32>
    %jit3A = arith.constant 0.000000e+00 : f32
    %broadcast_in_dim3A_40 = vector.shape_cast %lt3A_39 : vector<2400x1xi1> to vector<2400x1xi1>
    %broadcast_in_dim3A_41 = vector.broadcast %broadcast_in_dim3A_40 : vector<2400x1xi1> to vector<2400x128xi1>
    %broadcast_in_dim3A_42 = vector.broadcast %jit3A : f32 to vector<2400x128xf32>
    %select_n3A = arith.select %broadcast_in_dim3A_41, %add3A_33, %broadcast_in_dim3A_42 : vector<2400x128xi1>, vector<2400x128xf32>
    %swap3A = arith.constant 0 : index
    %swap3A_43 = arith.constant 0 : index
    %swap3A_44 = vector.load %arg5[%swap3A, %swap3A_43] : memref<2400x128xf32, #tpu.memory_space<vmem>>, vector<2400x128xf32>
    tpu.vector_store %arg5[%swap3A, %swap3A_43], %select_n3A {strides = array<i32>} : memref<2400x128xf32, #tpu.memory_space<vmem>>, vector<2400x128xf32>,
    return
  }
  func.func @transform_0(%arg0: i32) -> (i32, i32) {
    %min3A = arith.constant 41 : i32
    %min3A_0 = arith.minsi %arg0, %min3A : i32
    %c0_i32 = arith.constant 0 : i32
    %c0_i32_1 = arith.constant 0 : i32
    return %min3A_0, %c0_i32 : i32, i32
  }
  func.func @transform_1(%arg0: i32) -> (i32, i32) {
    %c0_i32 = arith.constant 0 : i32
    %c0_i32_0 = arith.constant 0 : i32
    %c0_i32_1 = arith.constant 0 : i32
    return %c0_i32, %c0_i32_0 : i32, i32
  }
  func.func @transform_2(%arg0: i32) -> (i32, i32) {
    %c0_i32 = arith.constant 0 : i32
    %c0_i32_0 = arith.constant 0 : i32
    %c0_i32_1 = arith.constant 0 : i32
    return %c0_i32, %c0_i32_0 : i32, i32
  }
  func.func @transform_3(%arg0: i32) -> (i32, i32) {
    %c0_i32 = arith.constant 0 : i32
    %c0_i32_0 = arith.constant 0 : i32
    %c0_i32_1 = arith.constant 0 : i32
    return %c0_i32, %c0_i32_0 : i32, i32
  }
  func.func @transform_4(%arg0: i32) -> (i32, i32) {
    %c0_i32 = arith.constant 0 : i32
    %c0_i32_0 = arith.constant 0 : i32
    return %arg0, %c0_i32 : i32, i32
  }
}

module attributes {stable_mosaic.version = 14 : i64} {
  func.func @_table_proj_body(%arg0: i32, %arg1: memref<2400x768xf32, #tpu.memory_space<vmem>>, %arg2: memref<768x128xf32, #tpu.memory_space<vmem>>, %arg3: memref<1x128xf32, #tpu.memory_space<vmem>>, %arg4: memref<1x128xf32, #tpu.memory_space<vmem>>, %arg5: memref<2400x128xf32, #tpu.memory_space<vmem>>) attributes {dimension_semantics = [#tpu.dimension_semantics<arbitrary>], iteration_bounds = array<i64: 13>, scalar_prefetch = 0 : i64, scratch_operands = 0 : i64, tpu.core_type = #tpu.core_type<tc>, window_params = [{transform_indices = @transform_0, window_bounds = array<i64: 2400, 768>}, {pipeline_mode = #tpu.pipeline_mode<synchronous>, transform_indices = @transform_1, window_bounds = array<i64: 768, 128>}, {pipeline_mode = #tpu.pipeline_mode<synchronous>, transform_indices = @transform_2, window_bounds = array<i64: 1, 128>}, {pipeline_mode = #tpu.pipeline_mode<synchronous>, transform_indices = @transform_3, window_bounds = array<i64: 1, 128>}, {transform_indices = @transform_4, window_bounds = array<i64: 2400, 128>}]} {
    %get3A = arith.constant 0 : index
    %get3A_0 = arith.constant 0 : index
    %get3A_1 = vector.load %arg1[%get3A, %get3A_0] : memref<2400x768xf32, #tpu.memory_space<vmem>>, vector<2400x768xf32>
    %reduce_sum3A = arith.constant dense<0.000000e+00> : vector<2400xf32>
    %reduce_sum3A_2 = vector.multi_reduction <add>, %get3A_1, %reduce_sum3A [1] : vector<2400x768xf32> to vector<2400xf32>
    %broadcast_in_dim3A = vector.shape_cast %reduce_sum3A_2 : vector<2400xf32> to vector<2400x1xf32>
    %div3A = arith.constant 7.680000e+02 : f32
    %div3A_3 = vector.broadcast %div3A : f32 to vector<2400x1xf32>
    %div3A_4 = arith.divf %broadcast_in_dim3A, %div3A_3 : vector<2400x1xf32>
    %mul3A = arith.mulf %get3A_1, %get3A_1 : vector<2400x768xf32>
    %reduce_sum3A_5 = arith.constant dense<0.000000e+00> : vector<2400xf32>
    %reduce_sum3A_6 = vector.multi_reduction <add>, %mul3A, %reduce_sum3A_5 [1] : vector<2400x768xf32> to vector<2400xf32>
    %broadcast_in_dim3A_7 = vector.shape_cast %reduce_sum3A_6 : vector<2400xf32> to vector<2400x1xf32>
    %div3A_8 = arith.constant 7.680000e+02 : f32
    %div3A_9 = vector.broadcast %div3A_8 : f32 to vector<2400x1xf32>
    %div3A_10 = arith.divf %broadcast_in_dim3A_7, %div3A_9 : vector<2400x1xf32>
    %mul3A_11 = arith.mulf %div3A_4, %div3A_4 : vector<2400x1xf32>
    %sub3A = arith.subf %div3A_10, %mul3A_11 : vector<2400x1xf32>
    %max3A = arith.constant 0.000000e+00 : f32
    %max3A_12 = vector.broadcast %max3A : f32 to vector<2400x1xf32>
    %max3A_13 = arith.maximumf %sub3A, %max3A_12 : vector<2400x1xf32>
    %add3A = arith.constant 9.99999974E-6 : f32
    %add3A_14 = vector.broadcast %add3A : f32 to vector<2400x1xf32>
    %add3A_15 = arith.addf %max3A_13, %add3A_14 : vector<2400x1xf32>
    %rsqrt3A = math.rsqrt %add3A_15 : vector<2400x1xf32>
    %get3A_16 = arith.constant 0 : index
    %get3A_17 = arith.constant 0 : index
    %get3A_18 = vector.load %arg2[%get3A_16, %get3A_17] : memref<768x128xf32, #tpu.memory_space<vmem>>, vector<768x128xf32>
    %dot_general3A = arith.constant dense<0.000000e+00> : vector<2400x128xf32>
    %dot_general3A_19 = tpu.matmul %get3A_1, %get3A_18, %dot_general3A {dimension_numbers = #tpu.dot_dimension_numbers<[1], [0], [0], [1], [0, 0, 1, 1], [], []>, transpose_lhs_hint = false} : vector<2400x768xf32>, vector<768x128xf32>, vector<2400x128xf32> -> vector<2400x128xf32>
    %get3A_20 = arith.constant 0 : index
    %get3A_21 = arith.constant 0 : index
    %get3A_22 = vector.load %arg3[%get3A_20, %get3A_21] : memref<1x128xf32, #tpu.memory_space<vmem>>, vector<1x128xf32>
    %mul3A_23 = vector.broadcast %div3A_4 : vector<2400x1xf32> to vector<2400x128xf32>
    %mul3A_24 = vector.broadcast %get3A_22 : vector<1x128xf32> to vector<2400x128xf32>
    %mul3A_25 = arith.mulf %mul3A_23, %mul3A_24 : vector<2400x128xf32>
    %sub3A_26 = arith.subf %dot_general3A_19, %mul3A_25 : vector<2400x128xf32>
    %mul3A_27 = vector.broadcast %rsqrt3A : vector<2400x1xf32> to vector<2400x128xf32>
    %mul3A_28 = arith.mulf %sub3A_26, %mul3A_27 : vector<2400x128xf32>
    %get3A_29 = arith.constant 0 : index
    %get3A_30 = arith.constant 0 : index
    %get3A_31 = vector.load %arg4[%get3A_29, %get3A_30] : memref<1x128xf32, #tpu.memory_space<vmem>>, vector<1x128xf32>
    %add3A_32 = vector.broadcast %get3A_31 : vector<1x128xf32> to vector<2400x128xf32>
    %add3A_33 = arith.addf %mul3A_28, %add3A_32 : vector<2400x128xf32>
    %mul3A_34 = arith.constant 2400 : i32
    %mul3A_35 = arith.muli %arg0, %mul3A_34 : i32
    %iota3A = tpu.iota {dimensions = array<i32: 0>} : vector<2400x1xi32>
    %add3A_36 = vector.broadcast %mul3A_35 : i32 to vector<2400x1xi32>
    %add3A_37 = arith.addi %add3A_36, %iota3A : vector<2400x1xi32>
    %lt3A = arith.constant 30522 : i32
    %lt3A_38 = vector.broadcast %lt3A : i32 to vector<2400x1xi32>
    %lt3A_39 = arith.cmpi slt, %add3A_37, %lt3A_38 : vector<2400x1xi32>
    %jit3A = arith.constant 0.000000e+00 : f32
    %broadcast_in_dim3A_40 = vector.shape_cast %lt3A_39 : vector<2400x1xi1> to vector<2400x1xi1>
    %broadcast_in_dim3A_41 = vector.broadcast %broadcast_in_dim3A_40 : vector<2400x1xi1> to vector<2400x128xi1>
    %broadcast_in_dim3A_42 = vector.broadcast %jit3A : f32 to vector<2400x128xf32>
    %select_n3A = arith.select %broadcast_in_dim3A_41, %add3A_33, %broadcast_in_dim3A_42 : vector<2400x128xi1>, vector<2400x128xf32>
    %swap3A = arith.constant 0 : index
    %swap3A_43 = arith.constant 0 : index
    %swap3A_44 = vector.load %arg5[%swap3A, %swap3A_43] : memref<2400x128xf32, #tpu.memory_space<vmem>>, vector<2400x128xf32>
    tpu.vector_store %arg5[%swap3A, %swap3A_43], %select_n3A {strides = array<i32>} : memref<2400x128xf32, #tpu.memory_space<vmem>>, vector<2400x128xf32>,
    return
  }
  func.func @transform_0(%arg0: i32) -> (i32, i32) {
    %min3A = arith.constant 12 : i32
    %min3A_0 = arith.minsi %arg0, %min3A : i32
    %c0_i32 = arith.constant 0 : i32
    %c0_i32_1 = arith.constant 0 : i32
    return %min3A_0, %c0_i32 : i32, i32
  }
  func.func @transform_1(%arg0: i32) -> (i32, i32) {
    %c0_i32 = arith.constant 0 : i32
    %c0_i32_0 = arith.constant 0 : i32
    %c0_i32_1 = arith.constant 0 : i32
    return %c0_i32, %c0_i32_0 : i32, i32
  }
  func.func @transform_2(%arg0: i32) -> (i32, i32) {
    %c0_i32 = arith.constant 0 : i32
    %c0_i32_0 = arith.constant 0 : i32
    %c0_i32_1 = arith.constant 0 : i32
    return %c0_i32, %c0_i32_0 : i32, i32
  }
  func.func @transform_3(%arg0: i32) -> (i32, i32) {
    %c0_i32 = arith.constant 0 : i32
    %c0_i32_0 = arith.constant 0 : i32
    %c0_i32_1 = arith.constant 0 : i32
    return %c0_i32, %c0_i32_0 : i32, i32
  }
  func.func @transform_4(%arg0: i32) -> (i32, i32) {
    %c0_i32 = arith.constant 0 : i32
    %c0_i32_0 = arith.constant 0 : i32
    return %arg0, %c0_i32 : i32, i32
  }
}

module attributes {stable_mosaic.version = 14 : i64} {
  func.func @_assemble_body(%arg0: i32, %arg1: memref<128x13xf32, #tpu.memory_space<vmem>>, %arg2: memref<3328x128xf32, #tpu.memory_space<vmem>>, %arg3: memref<3328x128xf32, #tpu.memory_space<vmem>>, %arg4: memref<128x26x5xi32, #tpu.memory_space<vmem>>, %arg5: memref<13x5xi32, #tpu.memory_space<vmem>>, %arg6: memref<26x5xi32, #tpu.memory_space<vmem>>, %arg7: memref<64x128xf32, #tpu.memory_space<vmem>>, %arg8: memref<1x768xf32, #tpu.memory_space<vmem>>, %arg9: memref<768x128xf32, #tpu.memory_space<vmem>>, %arg10: memref<128x39x128xf32, #tpu.memory_space<vmem>>, %arg11: memref<128x26x128xf32, #tpu.memory_space<vmem>>) attributes {dimension_semantics = [#tpu.dimension_semantics<arbitrary>], iteration_bounds = array<i64: 8>, scalar_prefetch = 0 : i64, scratch_operands = 0 : i64, tpu.core_type = #tpu.core_type<tc>, window_params = [{transform_indices = @transform_0, window_bounds = array<i64: 128, 13>}, {transform_indices = @transform_1, window_bounds = array<i64: 3328, 128>}, {transform_indices = @transform_2, window_bounds = array<i64: 3328, 128>}, {transform_indices = @transform_3, window_bounds = array<i64: 128, 26, 5>}, {pipeline_mode = #tpu.pipeline_mode<synchronous>, transform_indices = @transform_4, window_bounds = array<i64: 13, 5>}, {pipeline_mode = #tpu.pipeline_mode<synchronous>, transform_indices = @transform_5, window_bounds = array<i64: 26, 5>}, {transform_indices = @transform_6, window_bounds = array<i64: 64, 128>}, {pipeline_mode = #tpu.pipeline_mode<synchronous>, transform_indices = @transform_7, window_bounds = array<i64: 1, 768>}, {pipeline_mode = #tpu.pipeline_mode<synchronous>, transform_indices = @transform_8, window_bounds = array<i64: 768, 128>}, {transform_indices = @transform_9, window_bounds = array<i64: 128, 39, 128>}, {transform_indices = @transform_10, window_bounds = array<i64: 128, 26, 128>}]} {
    %get3A = arith.constant 0 : index
    %get3A_0 = arith.constant 0 : index
    %get3A_1 = vector.load %arg7[%get3A, %get3A_0] : memref<64x128xf32, #tpu.memory_space<vmem>>, vector<64x128xf32>
    %get3A_2 = arith.constant 0 : index
    %get3A_3 = arith.constant 0 : index
    %get3A_4 = vector.load %arg5[%get3A_2, %get3A_3] : memref<13x5xi32, #tpu.memory_space<vmem>>, vector<13x5xi32>
    %convert_element_type3A = arith.sitofp %get3A_4 : vector<13x5xi32> to vector<13x5xf32>
    %reduce_sum3A = arith.constant dense<0.000000e+00> : vector<13xf32>
    %reduce_sum3A_5 = vector.multi_reduction <add>, %convert_element_type3A, %reduce_sum3A [1] : vector<13x5xf32> to vector<13xf32>
    %broadcast_in_dim3A = vector.shape_cast %reduce_sum3A_5 : vector<13xf32> to vector<13x1xf32>
    %add3A = arith.constant 9.99999996E-13 : f32
    %add3A_6 = vector.broadcast %add3A : f32 to vector<13x1xf32>
    %add3A_7 = arith.addf %broadcast_in_dim3A, %add3A_6 : vector<13x1xf32>
    %slice3A = vector.extract_strided_slice %get3A_1 {offsets = [26, 0], sizes = [13, 128], strides = [1, 1]} : vector<64x128xf32> to vector<13x128xf32>
    %div3A = vector.broadcast %add3A_7 : vector<13x1xf32> to vector<13x128xf32>
    %div3A_8 = arith.divf %slice3A, %div3A : vector<13x128xf32>
    %get3A_9 = arith.constant 0 : index
    %get3A_10 = arith.constant 0 : index
    %get3A_11 = vector.load %arg6[%get3A_9, %get3A_10] : memref<26x5xi32, #tpu.memory_space<vmem>>, vector<26x5xi32>
    %convert_element_type3A_12 = arith.sitofp %get3A_11 : vector<26x5xi32> to vector<26x5xf32>
    %reduce_sum3A_13 = arith.constant dense<0.000000e+00> : vector<26xf32>
    %reduce_sum3A_14 = vector.multi_reduction <add>, %convert_element_type3A_12, %reduce_sum3A_13 [1] : vector<26x5xf32> to vector<26xf32>
    %broadcast_in_dim3A_15 = vector.shape_cast %reduce_sum3A_14 : vector<26xf32> to vector<26x1xf32>
    %add3A_16 = arith.constant 9.99999996E-13 : f32
    %add3A_17 = vector.broadcast %add3A_16 : f32 to vector<26x1xf32>
    %add3A_18 = arith.addf %broadcast_in_dim3A_15, %add3A_17 : vector<26x1xf32>
    %slice3A_19 = vector.extract_strided_slice %get3A_1 {offsets = [0, 0], sizes = [26, 128], strides = [1, 1]} : vector<64x128xf32> to vector<26x128xf32>
    %div3A_20 = vector.broadcast %add3A_18 : vector<26x1xf32> to vector<26x128xf32>
    %div3A_21 = arith.divf %slice3A_19, %div3A_20 : vector<26x128xf32>
    %get3A_22 = arith.constant 0 : index
    %get3A_23 = arith.constant 0 : index
    %get3A_24 = vector.load %arg8[%get3A_22, %get3A_23] : memref<1x768xf32, #tpu.memory_space<vmem>>, vector<1x768xf32>
    %get3A_25 = arith.constant 0 : index
    %get3A_26 = arith.constant 0 : index
    %get3A_27 = vector.load %arg9[%get3A_25, %get3A_26] : memref<768x128xf32, #tpu.memory_space<vmem>>, vector<768x128xf32>
    %dot_general3A = arith.constant dense<0.000000e+00> : vector<1x128xf32>
    %dot_general3A_28 = tpu.matmul %get3A_24, %get3A_27, %dot_general3A {dimension_numbers = #tpu.dot_dimension_numbers<[1], [0], [0], [1], [0, 0, 1, 1], [], []>, transpose_lhs_hint = false} : vector<1x768xf32>, vector<768x128xf32>, vector<1x128xf32> -> vector<1x128xf32>
    %get3A_29 = arith.constant 0 : index
    %get3A_30 = arith.constant 0 : index
    %get3A_31 = arith.constant 0 : index
    %get3A_32 = vector.load %arg4[%get3A_29, %get3A_30, %get3A_31] : memref<128x26x5xi32, #tpu.memory_space<vmem>>, vector<128x26x5xi32>
    %convert_element_type3A_33 = arith.sitofp %get3A_32 : vector<128x26x5xi32> to vector<128x26x5xf32>
    %reduce_sum3A_34 = arith.constant dense<0.000000e+00> : vector<128x26xf32>
    %reduce_sum3A_35 = vector.multi_reduction <add>, %convert_element_type3A_33, %reduce_sum3A_34 [2] : vector<128x26x5xf32> to vector<128x26xf32>
    %add3A_36 = arith.constant 9.99999996E-13 : f32
    %add3A_37 = vector.broadcast %add3A_36 : f32 to vector<128x26xf32>
    %add3A_38 = arith.addf %reduce_sum3A_35, %add3A_37 : vector<128x26xf32>
    %div3A_39 = arith.constant 1.000000e+00 : f32
    %div3A_40 = vector.broadcast %div3A_39 : f32 to vector<128x26xf32>
    %div3A_41 = arith.divf %div3A_40, %add3A_38 : vector<128x26xf32>
    %get3A_42 = arith.constant 0 : index
    %get3A_43 = arith.constant 0 : index
    %get3A_44 = vector.load %arg2[%get3A_42, %get3A_43] : memref<3328x128xf32, #tpu.memory_space<vmem>>, vector<3328x128xf32>
    %reshape3A = vector.shape_cast %get3A_44 : vector<3328x128xf32> to vector<128x26x128xf32>
    %get3A_45 = arith.constant 0 : index
    %get3A_46 = arith.constant 0 : index
    %get3A_47 = vector.load %arg3[%get3A_45, %get3A_46] : memref<3328x128xf32, #tpu.memory_space<vmem>>, vector<3328x128xf32>
    %reshape3A_48 = vector.shape_cast %get3A_47 : vector<3328x128xf32> to vector<128x26x128xf32>
    %broadcast_in_dim3A_49 = vector.shape_cast %div3A_41 : vector<128x26xf32> to vector<128x26x1xf32>
    %mul3A = vector.broadcast %broadcast_in_dim3A_49 : vector<128x26x1xf32> to vector<128x26x128xf32>
    %mul3A_50 = arith.mulf %reshape3A, %mul3A : vector<128x26x128xf32>
    %broadcast_in_dim3A_51 = vector.shape_cast %div3A_41 : vector<128x26xf32> to vector<128x26x1xf32>
    %mul3A_52 = vector.broadcast %broadcast_in_dim3A_51 : vector<128x26x1xf32> to vector<128x26x128xf32>
    %mul3A_53 = arith.mulf %reshape3A_48, %mul3A_52 : vector<128x26x128xf32>
    %get3A_54 = arith.constant 0 : index
    %get3A_55 = arith.constant 0 : index
    %get3A_56 = vector.load %arg1[%get3A_54, %get3A_55] : memref<128x13xf32, #tpu.memory_space<vmem>>, vector<128x13xf32>
    %broadcast_in_dim3A_57 = vector.shape_cast %get3A_56 : vector<128x13xf32> to vector<128x13x1xf32>
    %broadcast_in_dim3A_58 = vector.shape_cast %div3A_8 : vector<13x128xf32> to vector<1x13x128xf32>
    %mul3A_59 = vector.broadcast %broadcast_in_dim3A_57 : vector<128x13x1xf32> to vector<128x13x128xf32>
    %mul3A_60 = vector.broadcast %broadcast_in_dim3A_58 : vector<1x13x128xf32> to vector<128x13x128xf32>
    %mul3A_61 = arith.mulf %mul3A_59, %mul3A_60 : vector<128x13x128xf32>
    %broadcast_in_dim3A_62 = vector.shape_cast %dot_general3A_28 : vector<1x128xf32> to vector<1x1x128xf32>
    %add3A_63 = vector.broadcast %broadcast_in_dim3A_62 : vector<1x1x128xf32> to vector<128x13x128xf32>
    %add3A_64 = arith.addf %mul3A_61, %add3A_63 : vector<128x13x128xf32>
    %broadcast_in_dim3A_65 = vector.shape_cast %div3A_21 : vector<26x128xf32> to vector<1x26x128xf32>
    %add3A_66 = vector.broadcast %broadcast_in_dim3A_65 : vector<1x26x128xf32> to vector<128x26x128xf32>
    %add3A_67 = arith.addf %add3A_66, %mul3A_50 : vector<128x26x128xf32>
    %mul3A_68 = arith.constant 5.000000e-01 : f32
    %mul3A_69 = vector.broadcast %mul3A_68 : f32 to vector<128x26x128xf32>
    %mul3A_70 = arith.mulf %add3A_67, %mul3A_69 : vector<128x26x128xf32>
    %concatenate3A = tpu.concatenate %add3A_64, %mul3A_70 in 1 : vector<128x13x128xf32>, vector<128x26x128xf32> -> vector<128x39x128xf32>
    %swap3A = arith.constant 0 : index
    %swap3A_71 = arith.constant 0 : index
    %swap3A_72 = arith.constant 0 : index
    %swap3A_73 = vector.load %arg10[%swap3A, %swap3A_71, %swap3A_72] : memref<128x39x128xf32, #tpu.memory_space<vmem>>, vector<128x39x128xf32>
    tpu.vector_store %arg10[%swap3A, %swap3A_71, %swap3A_72], %concatenate3A {strides = array<i32>} : memref<128x39x128xf32, #tpu.memory_space<vmem>>, vector<128x39x128xf32>,
    %swap3A_74 = arith.constant 0 : index
    %swap3A_75 = arith.constant 0 : index
    %swap3A_76 = arith.constant 0 : index
    %swap3A_77 = vector.load %arg11[%swap3A_74, %swap3A_75, %swap3A_76] : memref<128x26x128xf32, #tpu.memory_space<vmem>>, vector<128x26x128xf32>
    tpu.vector_store %arg11[%swap3A_74, %swap3A_75, %swap3A_76], %mul3A_53 {strides = array<i32>} : memref<128x26x128xf32, #tpu.memory_space<vmem>>, vector<128x26x128xf32>,
    return
  }
  func.func @transform_0(%arg0: i32) -> (i32, i32) {
    %c0_i32 = arith.constant 0 : i32
    %c0_i32_0 = arith.constant 0 : i32
    return %arg0, %c0_i32 : i32, i32
  }
  func.func @transform_1(%arg0: i32) -> (i32, i32) {
    %c0_i32 = arith.constant 0 : i32
    %c0_i32_0 = arith.constant 0 : i32
    return %arg0, %c0_i32 : i32, i32
  }
  func.func @transform_2(%arg0: i32) -> (i32, i32) {
    %c0_i32 = arith.constant 0 : i32
    %c0_i32_0 = arith.constant 0 : i32
    return %arg0, %c0_i32 : i32, i32
  }
  func.func @transform_3(%arg0: i32) -> (i32, i32, i32) {
    %c0_i32 = arith.constant 0 : i32
    %c0_i32_0 = arith.constant 0 : i32
    %c0_i32_1 = arith.constant 0 : i32
    return %arg0, %c0_i32, %c0_i32_0 : i32, i32, i32
  }
  func.func @transform_4(%arg0: i32) -> (i32, i32) {
    %c0_i32 = arith.constant 0 : i32
    %c0_i32_0 = arith.constant 0 : i32
    %c0_i32_1 = arith.constant 0 : i32
    return %c0_i32, %c0_i32_0 : i32, i32
  }
  func.func @transform_5(%arg0: i32) -> (i32, i32) {
    %c0_i32 = arith.constant 0 : i32
    %c0_i32_0 = arith.constant 0 : i32
    %c0_i32_1 = arith.constant 0 : i32
    return %c0_i32, %c0_i32_0 : i32, i32
  }
  func.func @transform_6(%arg0: i32) -> (i32, i32) {
    %c416_i32 = arith.constant 416 : i32
    %c0_i32 = arith.constant 0 : i32
    %c0_i32_0 = arith.constant 0 : i32
    return %c416_i32, %c0_i32 : i32, i32
  }
  func.func @transform_7(%arg0: i32) -> (i32, i32) {
    %c0_i32 = arith.constant 0 : i32
    %c0_i32_0 = arith.constant 0 : i32
    %c0_i32_1 = arith.constant 0 : i32
    return %c0_i32, %c0_i32_0 : i32, i32
  }
  func.func @transform_8(%arg0: i32) -> (i32, i32) {
    %c0_i32 = arith.constant 0 : i32
    %c0_i32_0 = arith.constant 0 : i32
    %c0_i32_1 = arith.constant 0 : i32
    return %c0_i32, %c0_i32_0 : i32, i32
  }
  func.func @transform_9(%arg0: i32) -> (i32, i32, i32) {
    %c0_i32 = arith.constant 0 : i32
    %c0_i32_0 = arith.constant 0 : i32
    %c0_i32_1 = arith.constant 0 : i32
    return %arg0, %c0_i32, %c0_i32_0 : i32, i32, i32
  }
  func.func @transform_10(%arg0: i32) -> (i32, i32, i32) {
    %c0_i32 = arith.constant 0 : i32
    %c0_i32_0 = arith.constant 0 : i32
    %c0_i32_1 = arith.constant 0 : i32
    return %arg0, %c0_i32, %c0_i32_0 : i32, i32, i32
  }
}

</mosaic_0001>

<sc_bundles>
// kernel: kernel.10.cloned.1.call-start
scs
__scs_entry_jumppad:
0x0: {  	(pc) =	sbr.rel $0x88, $3  }
0x1: {  	(tag) =	ssettag $0x0;
	lr =	simm.s32 $0x1  }
0x2: {  	[smem:$0x3F92] =	sst lr;
	_ =	strace $0xD0000000  }
0x3: {  	_ = 	snop  }
0x4: {  	_ = 	snop  }
0x5: {  	_ = 	snop  }
0x6: {  	_ = 	snop  }
0x7: {  	_ = 	snop  }
__scs_overlays_trampoline_lowered:
0x8: {  	[smem:$0x3FA1] =	sst s0  }
0x9: {  	[smem:$0x3FA2] =	sst s1  }
0xa: {  	[smem:$0x3FA3] =	sst s2  }
0xb: {  	[smem:$0x3FA4] =	sst s3  }
0xc: {  	[smem:$0x3FA5] =	sst s4  }
0xd: {  	[smem:$0x3FA6] =	sst s5  }
0xe: {  	[smem:$0x3FA7] =	sst s6  }
0xf: {  	[smem:$0x3FA8] =	sst s7  }
0x10: {  	[smem:$0x3FA9] =	sst s8  }
0x11: {  	[smem:$0x3FAA] =	sst s9;
	s0 =	simm.s32 @!p0 $0x0  }
0x12: {  	s1 =	sld [smem:$0x3F90];
	s0 =	simm.s32 @p0 $0x1  }
0x13: {  	[smem:$0x3FAB] =	sst s0;
	s0 =	simm.s32 @!p1 $0x0  }
0x14: {  	s2 =	sld [smem:$0x3F8F];
	s0 =	simm.s32 @p1 $0x1  }
0x15: {  	[smem:$0x3FAC] =	sst s0;
	s0 =	simm.s32 @!p2 $0x0  }
0x16: {  	s3 =	sld [smem:$0x3FDB];
	s0 =	simm.s32 @p2 $0x1  }
0x17: {  	s4 =	simm.s32 $0x1BF5;
	[smem:$0x3FAE] =	sst s0  }
0x18: {  	s0 =	sld [smem:$0x3F91];
	_ =	swait.ge [sflag:s4], $0x0  }
0x19: {  	s7 =	sld [smem:$0x3F92]  }
0x1a: {  	s8 =	sadd.s32 $0xFFFFE003, lr  }
0x1b: {  	s9 =	sadd.s32 $0xFFFFFEF7, lr;
	s5 =	simm.s32 $0xFFFFFFFF;
	p2 =	slt.u32 s8, $0xFFFFF086  }
0x1c: {  	p1 =	slt.u32 s9, $0xF7A;
	s5 =	simm.s32 @!p2 $0x0  }
0x1d: {  	s5 =	simm.s32 @p1 $0x1;
	p0 =	seq.s32 s7, s2  }
0x1e: {  	s7 =	smul.u32 @!p0 $0xF7A, s2;
	p2 =	seq.s32 @!p0 s5, $0x0  }
0x1f: {  	s9 =	smul.u32 $0xF7A, s1;
	s8 =	simm.s32 @!p0 $0x1BF5;
	p2 =	por !p2, p0  }
0x20: {  	[sflag:s8] =	ssyncset.s32 @!p0 $0xFFFFF086;
	s6 =	sadd.s32 @!p0 s3, s7;
	s7 =	simm.s32 @!p0 $0x108  }
0x21: {  	s3 =	sadd.s32 s3, s9;
	s6 =	sadd.s32 @!p0 $0x88, s6;
	s7 =	simm.s32 @p2 $0x1082  }
0x22: {  	[simem:s7], [sflag:s8] =	dma.local @!p0 [hbm:s6], $0xF7A  }
0x23: {  	s9 =	sor.u32 $0xD0000000, s2;
	s6 =	simm.s32 $0x108;
	_ =	swait.ge @!p0 [sflag:s8], $0x0  }
0x24: {  	s3 =	sadd.s32 $0x88, s3;
	s6 =	simm.s32 @!p1 $0x1082;
	[sflag:s4] =	ssyncset.s32 $0xFFFFF086  }
0x25: {  	[simem:s6], [sflag:s4] =	dma.local [hbm:s3], $0xF7A  }
0x26: {  	[smem:$0x3F92] =	sst s1;
	(tag) =	ssettag s2;
	_ =	strace s9  }
0x27: {  	s1 =	sld [smem:$0x3FA2]  }
0x28: {  	s2 =	sld [smem:$0x3FA3]  }
0x29: {  	s4 =	sld [smem:$0x3FA5]  }
0x2a: {  	p0 =	seq.s32 s5, $0x0;
	s5 =	sld [smem:$0x3FA6]  }
0x2b: {  	s6 =	sld [smem:$0x3FA7]  }
0x2c: {  	s7 =	sld [smem:$0x3FA8]  }
0x2d: {  	s3 =	simm.s32 $0x108;
	s8 =	sld [smem:$0x3FA9]  }
0x2e: {  	s3 =	simm.s32 @!p0 $0x1082;
	s9 =	sld [smem:$0x3FAA]  }
0x2f: {  	lr =	sadd.s32 s0, s3;
	s0 =	sld [smem:$0x3FA1]  }
0x30: {  	s3 =	sld [smem:$0x3FA4]  }
0x31: {  	[smem:$0x3FAD] =	sst s10  }
0x32: {  	s10 =	sld [smem:$0x3FAB];
	_ =	sdelay $0x3  }
0x33: {  	p0 =	seq.s32 s10, $0x1;
	s10 =	sld [smem:$0x3FAD];
	_ =	sdelay $0x3  }
0x34: {  	[smem:$0x3FAD] =	sst s10  }
0x35: {  	s10 =	sld [smem:$0x3FAC];
	_ =	sdelay $0x3  }
0x36: {  	p1 =	seq.s32 s10, $0x1;
	s10 =	sld [smem:$0x3FAD];
	_ =	sdelay $0x3  }
0x37: {  	[smem:$0x3FAD] =	sst s10  }
0x38: {  	s10 =	sld [smem:$0x3FAE]  }
0x39: {  	_ = 	snop;
	(pc) =	sbr.ind lr, $3  }
0x3a: {  	_ = 	snop  }
0x3b: {  	_ = 	snop  }
0x3c: {  	p2 =	seq.s32 s10, $0x1;
	s10 =	sld [smem:$0x3FAD]  }
0x3d: {  	_ =	shalt  }
0x3e: {  	_ =	shalt  }
0x3f: {  	_ =	shalt  }
0x40: {  	_ =	shalt  }
0x41: {  	_ =	shalt  }
0x42: {  	_ =	shalt  }
0x43: {  	_ =	shalt  }
0x44: {  	_ =	shalt  }
0x45: {  	_ =	shalt  }
0x46: {  	_ =	shalt  }
0x47: {  	_ =	shalt  }
0x48: {  	_ =	shalt  }
0x49: {  	_ =	shalt  }
0x4a: {  	_ =	shalt  }
0x4b: {  	_ =	shalt  }
0x4c: {  	_ =	shalt  }
0x4d: {  	_ =	shalt  }
0x4e: {  	_ =	shalt  }
0x4f: {  	_ =	shalt  }
0x50: {  	_ =	shalt  }
0x51: {  	_ =	shalt  }
0x52: {  	_ =	shalt  }
0x53: {  	_ =	shalt  }
0x54: {  	_ =	shalt  }
0x55: {  	_ =	shalt  }
0x56: {  	_ =	shalt  }
0x57: {  	_ =	shalt  }
0x58: {  	_ =	shalt  }
0x59: {  	_ =	shalt  }
0x5a: {  	_ =	shalt  }
0x5b: {  	_ =	shalt  }
0x5c: {  	_ =	shalt  }
0x5d: {  	_ =	shalt  }
0x5e: {  	_ =	shalt  }
0x5f: {  	_ =	shalt  }
0x60: {  	_ =	shalt  }
0x61: {  	_ =	shalt  }
0x62: {  	_ =	shalt  }
0x63: {  	_ =	shalt  }
0x64: {  	_ =	shalt  }
0x65: {  	_ =	shalt  }
0x66: {  	_ =	shalt  }
0x67: {  	_ =	shalt  }
0x68: {  	_ =	shalt  }
0x69: {  	_ =	shalt  }
0x6a: {  	_ =	shalt  }
0x6b: {  	_ =	shalt  }
0x6c: {  	_ =	shalt  }
0x6d: {  	_ =	shalt  }
0x6e: {  	_ =	shalt  }
0x6f: {  	_ =	shalt  }
0x70: {  	_ =	shalt  }
0x71: {  	_ =	shalt  }
0x72: {  	_ =	shalt  }
0x73: {  	_ =	shalt  }
0x74: {  	_ =	shalt  }
0x75: {  	_ =	shalt  }
0x76: {  	_ =	shalt  }
0x77: {  	_ =	shalt  }
0x78: {  	_ =	shalt  }
0x79: {  	_ =	shalt  }
0x7a: {  	_ =	shalt  }
0x7b: {  	_ =	shalt  }
0x7c: {  	_ =	shalt  }
0x7d: {  	_ =	shalt  }
0x7e: {  	_ =	shalt  }
0x7f: {  	_ =	shalt  }
0x80: {  	_ =	shalt  }
0x81: {  	_ =	shalt  }
0x82: {  	_ =	shalt  }
0x83: {  	_ =	shalt  }
0x84: {  	_ =	shalt  }
0x85: {  	_ =	shalt  }
0x86: {  	_ =	shalt  }
0x87: {  	_ =	shalt  }
.Lfunc_end0:
.L_simem_size_0:
called_computation.1_lowered:
.L_overlay_start_0:
0x88: {  	s2 =	sld [smem:$0x3FD9]  }
0x89: {  	s3 =	sld [smem:$0x3FFE];
	_ =	sdelay $0x1  }
0x8a: {  	s1 =	srdreg.scid  }
0x8b: {  	s0 =	sand.u32 $0x1, s1  }
0x8c: {  	s17 =	sshll.u32 s0, $0xA;
	s2 =	sadd.s32 s3, s2  }
0x8d: {  	s2 =	sadd.s32 s2, s17  }
0x8e: {  	[smem:$0x3FB9] =	sst s2  }
0x8f: {  	_ = 	snop  }
0x90: {  	(tm) =	ssettm $0x1  }
0x91: {  	s18 =	sld [smem:$0x3FFB];
	_ =	sdelay $0x3  }
0x92: {  	_ =	strace s18  }
0x93: {  	s2 =	sld [smem:$0x3FFC];
	_ =	sdelay $0x3  }
0x94: {  	_ =	strace s2  }
0x95: {  	s2 =	sld [smem:$0x3FFD];
	_ =	sdelay $0x3  }
0x96: {  	_ =	strace s2  }
0x97: {  	_ =	strace $0x8FFFFFFF  }
0x98: {  	s19 =	sld [smem:$0x3FDB];
	_ =	sdelay $0x1  }
0x99: {  	s20 =	simm.s32 $_scs_section_size  }
0x9a: {  	s4 =	simm.s32 $_size__tile_overlayer_lowered;
	s5 =	simm.s32 $_tile_overlayer_lowered  }
0x9b: {  	s6 =	simm.s32 $0x1BFF;
	s21 =	sshll.u32 s5, $0x1;
	s3 =	sadd.s32 s20, s19  }
0x9c: {  	s22 =	simm.s32 $0x0;
	s4 =	sshll.u32 s4, $0x1;
	s5 =	sadd.s32 s21, s3  }
0x9d: {  	[timem:s22], [sflag:s6] =	dma.local [hbm:s5], s4  }
0x9e: {  	_ =	swait.ge [sflag:s6], s4  }
0x9f: {  	s4 =	ssub.s32 $0x0, s4;
	[sflag:s6] =	ssyncset.done $0x0  }
0xa0: {  	[sflag:s6] =	ssyncadd.s32 s4;
	_ =	sdelay $0x1  }
0xa1: {  	s23 =	simm.s32 $0x1B8B  }
0xa2: {  	_ =	swait.ge [sflag:s23], $0x1  }
0xa3: {  	[sflag:s23] =	ssyncset.done $0x0  }
0xa4: {  	[sflag:s23] =	ssyncadd.s32 $0xFFFFFFFF  }
0xa5: {  	s4 =	sld [smem:$0x0]  }
0xa6: {  	s5 =	sand.u32 $0xFFFFFFFE, s1  }
0xa7: {  	p0 =	sne.s32 s1, s5  }
0xa8: {  	s5 =	sshll.u32 @p0 s5, $0xE  }
0xa9: {  	s5 =	sadd.s32 @p0 $0x11B8D, s5;
	s6 =	sshll.u32 @p0 s4, $0x11  }
0xaa: {  	s5 =	sor.u32 @p0 s6, s5  }
0xab: {  	[sflag:s5] =	ssyncadd.remote.s32 @p0 $0x1;
	_ =	sdelay $0x1  }
0xac: {  	s5 =	simm.s32 @p0 $0x1B8D  }
0xad: {  	_ =	swait.eq @p0 [sflag:s5], $0x1  }
0xae: {  	[sflag:s5] =	ssyncadd.s32 @p0 $0xFFFFFFFF  }
0xaf: {  	s6 =	sshll.u32 @!p0 s1, $0xE  }
0xb0: {  	s6 =	sor.u32 @!p0 $0x4000, s6;
	s5 =	simm.s32 @!p0 $0x1B8D  }
0xb1: {  	s4 =	sshll.u32 @!p0 s4, $0x11;
	s6 =	sadd.s32 @!p0 $0x11B8D, s6;
	_ =	swait.eq @!p0 [sflag:s5], $0x1  }
0xb2: {  	s4 =	sor.u32 @!p0 s4, s6;
	[sflag:s5] =	ssyncadd.s32 @!p0 $0xFFFFFFFF  }
0xb3: {  	s25 =	simm.s32 $0x1B8E;
	s24 =	sld [smem:$0x3FFE];
	[sflag:s4] =	ssyncadd.remote.s32 @!p0 $0x1  }
0xb4: {  	s26 =	simm.s32 $execute0_lowered;
	[smem:$0x3FD2] =	sst s25  }
0xb5: {  	s5 =	sshll.u32 s26, $0x1;
	_ =	strace $0x80000049;
	[dreg:$0x1] =	wrdreg $0xFFFFFFFF  }
0xb6: {  	s28 =	simm.s32 $_size_execute0_lowered;
	s3 =	sadd.s32 s3, s5;
	[dreg:$0x0] =	wrdreg $0x0  }
0xb7: {  	s5 =	sshll.u32 s28, $0x1;
	[dreg:$0x2] =	wrdreg s3  }
0xb8: {  	[dreg:$0x3] =	wrdreg s5  }
0xb9: {  	[dreg:$0x4] =	wrdreg $0xC0  }
0xba: {  	_ =	task [dreg:s22], $0x5FFFF  }
0xbb: {  	[dreg:$0x1] =	wrdreg $0xFFFFFFFF  }
0xbc: {  	[dreg:$0x0] =	wrdreg $0x60  }
0xbd: {  	[dreg:$0x2] =	wrdreg s24  }
0xbe: {  	[dreg:$0x3] =	wrdreg $0xA  }
0xbf: {  	_ =	task.clear_ibuf [dreg:s22], $0x4FFFF;
	_ =	strace $0x90000049  }
0xc0: {  	s29 =	simm.s32 $0xA;
	_ =	strace $0x8000004B  }
0xc1: {  	_ =	swait.ge [sflag:s29], $0x1  }
0xc2: {  	[sflag:s29] =	ssyncadd.s32 $0xFFFFFFFF  }
0xc3: {  	_ =	strace $0x9000004B  }
0xc4: {  	_ =	sfence  }
0xc5: {  	s30 =	sld [smem:$0x0];
	_ =	sdelay $0x2  }
0xc6: {  	s31 =	sshll.u32 s1, $0xD;
	s1 =	sshrl.u32 s1, $0x2  }
0xc7: {  	s4 =	sand.u32 $0x4000, s31;
	s1 =	sadd.s32 s1, s30  }
0xc8: {  	s0 =	sor.u32 s4, s0;
	s1 =	sshll.u32 s1, $0x11  }
0xc9: {  	s0 =	sor.u32 s1, s0  }
0xca: {  	s0 =	sadd.s32 $0x8F2B, s0  }
0xcb: {  	[sflag:s0] =	ssyncadd.remote.s32 $0x1  }
0xcc: {  	_ =	sfence.sel $0xFFFF  }
0xcd: {  	[dreg:$0x0] =	wrdreg $0xFFFFFFFF;
	(pc) =	sbr.abs _section_cstart, $3  }
0xce: {  	[dreg:$0x1] =	wrdreg $0xFFFFFFFF  }
0xcf: {  	_ =	task.clear_ibuf [dreg:s22], $0x2FFFF;
	_ =	strace $0x9FFFFFFF  }
0xd0: {  	(tm) =	ssettm $0x7FFFFFFF  }
0xd1: {  	_ =	shalt  }
tec
execute0_lowered:
.L_overlay_start_1:
0x0: {  	(tag) =	ssettag $0x1  }
0x1: {  	s0 =	srdreg.scid  }
0x2: {  	s2 =	stileid.u32;
	s1 =	rddreg [dreg:$0x0]  }
0x3: {  	s11 =	simm.s32 $0x5;
	s12 =	simm.s32 $0x50;
	s13 =	simm.s32 $0x1040  }
0x4: {  	s14 =	simm.s32 $0x3840;
	s17 =	simm.s32 $0xA0;
	s16 =	simm.s32 $0x6040  }
0x5: {  	s31 =	simm.s32 $0xF0;
	s18 =	simm.s32 $0x8840;
	s19 =	simm.s32 $0xB040  }
0x6: {  	s20 =	simm.s32 $0xD840;
	s21 =	simm.s32 $0x10040;
	s22 =	simm.s32 $0x12840  }
0x7: {  	s28 =	simm.s32 $0x3;
	s0 =	sand.u32 $0x1, s0;
	s3 =	sshll.u32 s2, $0x1  }
0x8: {  	s29 =	simm.s32 $0x4;
	s2 =	simm.s32 $0x0;
	s6 =	sor.u32 s0, s3  }
0x9: {  	s30 =	simm.s32 $0x0;
	[smem:$0x7FF] =	sst s2;
	s5 =	smul.u32 $0x208, s6  }
0xa: {  	s3 =	sadd.s32 $0x19AA00, s1;
	s0 =	ssub.s32 $0x2, s0;
	s7 =	smul.u32 $0x28, s6  }
0xb: {  	_ =	strace $0x8000004A;
	s4 =	smul.u32 $0x1A000, s6;
	s23 =	sshrl.u32 s0, $0x1  }
0xc: {  	s6 =	sshll.u32 s6, $0xA;
	s0 =	ssub.s32 s0, s23;
	s23 =	simm.s32 $0x1  }
0xd: {  	s8 =	sadd.s32 s5, s1;
	s9 =	sadd.s32 s7, s1;
	s5 =	sadd.s32 $0x214800, s1  }
0xe: {  	s24 =	sshrl.u32 s4, $0x3;
	s10 =	smax.u32 s0, $0x1;
	s25 =	sadd.s32 $0x196800, s8  }
0xf: {  	s1 =	sadd.s32 s5, s24;
	s8 =	sadd.s32 $0x2800, s9;
	s26 =	sadd.s32 s6, s5  }
0x10: {  	s24 =	simm.s32 $0x15040;
	[dreg:$0x2] =	wrdreg s25;
	s7 =	sadd.s32 $0x3000, s1  }
0x11: {  	s9 =	sadd.s32 $0x68000, s26;
	s25 =	simm.s32 $0x2;
	s26 =	simm.s32 $0x17040  }
.LBB2_1:
0x12: {  	s0 =	rddreg [dreg:$0x2]  }
0x13: {  	[tilespmem:s2], [sflag:$0x5] =	stream.linear.gather [hbm4b:s0+s2], $0x1040, $0x38;
	[tilespmem:$0x19040] =	vst v63  }
0x14: {  	_ =	swait.ge [sflag:s11], $0x1040  }
0x15: {  	[sflag:s11] =	ssyncset.done $0x0  }
0x16: {  	[sflag:s11] =	ssyncadd.s32 $0xFFFFEFC0  }
0x17: {  	[tilespmem:s13], [sflag:$0x1] =	stream.indirect.gather [hbm4b:s3+s12], $0x80, s2, s12, $0xb8;
	[tilespmem:$0x19040] =	vst v63  }
0x18: {  	_ = 	snop  }
0x19: {  	[tilespmem:s14], [sflag:$0x1] =	stream.indirect.gather [hbm4b:s3+s12], $0x80, s12, s12, $0xb8;
	[tilespmem:$0x19040] =	vst v63  }
0x1a: {  	_ = 	snop  }
0x1b: {  	[tilespmem:s16], [sflag:$0x1] =	stream.indirect.gather [hbm4b:s3+s12], $0x80, s17, s12, $0xb8;
	[tilespmem:$0x19040] =	vst v63  }
0x1c: {  	_ = 	snop  }
0x1d: {  	[tilespmem:s18], [sflag:$0x1] =	stream.indirect.gather [hbm4b:s3+s12], $0x80, s31, s12, $0xb8;
	[tilespmem:$0x19040] =	vst v63  }
0x1e: {  	s31 =	simm.s32 $0x0  }
.LBB2_2:
0x1f: {  	s1 =	sshllo.u32 s31, $0x1  }
0x20: {  	s0 =	smul.u32 $0x500, s1;
	_ =	sdelay $0x1  }
0x21: {  	s0 =	sshra.s32 s0, $0x2  }
0x22: {  	[tilespmem:s19], [sflag:$0x2] =	stream.indirect.gather [hbm4b:s3+s12], $0x80, s0, s12, $0xb8;
	[tilespmem:$0x19040] =	vst v63  }
0x23: {  	s6 =	sadd.s32 $0x50, s0  }
0x24: {  	[tilespmem:s20], [sflag:$0x2] =	stream.indirect.gather [hbm4b:s3+s12], $0x80, s6, s12, $0xb8;
	[tilespmem:$0x19040] =	vst v63  }
0x25: {  	s17 =	sadd.s32 $0xA0, s0  }
0x26: {  	[tilespmem:s21], [sflag:$0x2] =	stream.indirect.gather [hbm4b:s3+s12], $0x80, s17, s12, $0xb8;
	[tilespmem:$0x19040] =	vst v63  }
0x27: {  	s0 =	sadd.s32 $0xF0, s0  }
0x28: {  	[tilespmem:s22], [sflag:$0x2] =	stream.indirect.gather [hbm4b:s3+s12], $0x80, s0, s12, $0xb8;
	[tilespmem:$0x19040] =	vst v63  }
0x29: {  	_ =	swait.ge [sflag:s23], $0x2800  }
0x2a: {  	[sflag:s23] =	ssyncset.done $0x0  }
0x2b: {  	[sflag:s23] =	ssyncadd.s32 $0xFFFFD800  }
0x2c: {  	_ =	swait.ge [sflag:s23], $0x2800  }
0x2d: {  	[sflag:s23] =	ssyncset.done $0x0  }
0x2e: {  	[sflag:s23] =	ssyncadd.s32 $0xFFFFD800  }
0x2f: {  	_ =	swait.ge [sflag:s23], $0x2800  }
0x30: {  	[sflag:s23] =	ssyncset.done $0x0  }
0x31: {  	[sflag:s23] =	ssyncadd.s32 $0xFFFFD800  }
0x32: {  	_ =	swait.ge [sflag:s23], $0x2800  }
0x33: {  	p0 =	seq.s32 s31, $0x0;
	[sflag:s23] =	ssyncset.done $0x0  }
0x34: {  	s0 =	simm.s32 @!p0 $0x3;
	[sflag:s23] =	ssyncadd.s32 $0xFFFFD800  }
0x35: {  	_ =	swait.ge @!p0 [sflag:s0], $0x2000  }
0x36: {  	[sflag:s0] =	ssyncset.done @!p0 $0x0  }
0x37: {  	[sflag:s0] =	ssyncadd.s32 @!p0 $0xFFFFE000;
	s0 =	simm.s32 $0x1180  }
0x38: {  	v0 =	vld [tilespmem:s0+$0xFFFFFF40]  }
0x39: {  	v1 =	vld [tilespmem:s0+$0xFFFFFEC0];
	_ =	sdelay $0x1  }
0x3a: {  	v2 =	vld [tilespmem:s0+$0xFFFFFFC0];
	_ =	sdelay $0x1  }
0x3b: {  	v3 =	vld [tilespmem:s0+$0x40]  }
0x3c: {  	v0 =	vadd.f32 v0, v1  }
0x3d: {  	v1 =	vld [tilespmem:s0+$0xC0]  }
0x3e: {  	v0 =	vadd.f32 v2, v0;
	_ =	sdelay $0x1  }
0x3f: {  	v0 =	vadd.f32 v3, v0;
	_ =	sdelay $0x1  }
0x40: {  	v0 =	vadd.f32 v1, v0  }
0x41: {  	s15 =	simm.s32 $0x0  }
0x42: {  	[tilespmem:s15+$0x15040] =	vst v0  }
0x43: {  	v0 =	vld [tilespmem:s0+$0xFFFFFED0]  }
0x44: {  	v1 =	vld [tilespmem:s0+$0xFFFFFF50];
	_ =	sdelay $0x1  }
0x45: {  	v2 =	vld [tilespmem:s0+$0xFFFFFFD0];
	_ =	sdelay $0x1  }
0x46: {  	v3 =	vld [tilespmem:s0+$0x50]  }
0x47: {  	v0 =	vadd.f32 v1, v0  }
0x48: {  	v1 =	vld [tilespmem:s0+$0xD0]  }
0x49: {  	v0 =	vadd.f32 v2, v0;
	_ =	sdelay $0x1  }
0x4a: {  	v0 =	vadd.f32 v3, v0;
	_ =	sdelay $0x1  }
0x4b: {  	v0 =	vadd.f32 v1, v0;
	_ =	sdelay $0x1  }
0x4c: {  	[tilespmem:s15+$0x15050] =	vst v0  }
0x4d: {  	v0 =	vld [tilespmem:s0+$0xFFFFFEE0]  }
0x4e: {  	v1 =	vld [tilespmem:s0+$0xFFFFFF60];
	_ =	sdelay $0x1  }
0x4f: {  	v2 =	vld [tilespmem:s0+$0xFFFFFFE0];
	_ =	sdelay $0x1  }
0x50: {  	v3 =	vld [tilespmem:s0+$0x60]  }
0x51: {  	v0 =	vadd.f32 v1, v0  }
0x52: {  	v1 =	vld [tilespmem:s0+$0xE0]  }
0x53: {  	v0 =	vadd.f32 v2, v0;
	_ =	sdelay $0x1  }
0x54: {  	v0 =	vadd.f32 v3, v0;
	_ =	sdelay $0x1  }
0x55: {  	v0 =	vadd.f32 v1, v0;
	_ =	sdelay $0x1  }
0x56: {  	[tilespmem:s15+$0x15060] =	vst v0  }
0x57: {  	v0 =	vld [tilespmem:s0+$0xFFFFFEF0]  }
0x58: {  	v1 =	vld [tilespmem:s0+$0xFFFFFF70];
	_ =	sdelay $0x1  }
0x59: {  	v2 =	vld [tilespmem:s0+$0xFFFFFFF0];
	_ =	sdelay $0x1  }
0x5a: {  	v3 =	vld [tilespmem:s0+$0x70]  }
0x5b: {  	v0 =	vadd.f32 v1, v0  }
0x5c: {  	v1 =	vld [tilespmem:s0+$0xF0]  }
0x5d: {  	v0 =	vadd.f32 v2, v0;
	_ =	sdelay $0x1  }
0x5e: {  	v0 =	vadd.f32 v3, v0;
	_ =	sdelay $0x1  }
0x5f: {  	v0 =	vadd.f32 v1, v0;
	_ =	sdelay $0x1  }
0x60: {  	[tilespmem:s15+$0x15070] =	vst v0  }
0x61: {  	v0 =	vld [tilespmem:s0+$0xFFFFFF00]  }
0x62: {  	v1 =	vld [tilespmem:s0+$0xFFFFFF80];
	_ =	sdelay $0x1  }
0x63: {  	v2 =	vld [tilespmem:s0+$0x0];
	_ =	sdelay $0x1  }
0x64: {  	v3 =	vld [tilespmem:s0+$0x80]  }
0x65: {  	v0 =	vadd.f32 v1, v0  }
0x66: {  	v1 =	vld [tilespmem:s0+$0x100]  }
0x67: {  	v0 =	vadd.f32 v2, v0;
	_ =	sdelay $0x1  }
0x68: {  	v0 =	vadd.f32 v3, v0;
	_ =	sdelay $0x1  }
0x69: {  	v0 =	vadd.f32 v1, v0;
	_ =	sdelay $0x1  }
0x6a: {  	[tilespmem:s15+$0x15080] =	vst v0  }
0x6b: {  	v0 =	vld [tilespmem:s0+$0xFFFFFF10]  }
0x6c: {  	v1 =	vld [tilespmem:s0+$0xFFFFFF90];
	_ =	sdelay $0x1  }
0x6d: {  	v2 =	vld [tilespmem:s0+$0x10];
	_ =	sdelay $0x1  }
0x6e: {  	v3 =	vld [tilespmem:s0+$0x90]  }
0x6f: {  	v0 =	vadd.f32 v1, v0  }
0x70: {  	v1 =	vld [tilespmem:s0+$0x110]  }
0x71: {  	v0 =	vadd.f32 v2, v0;
	_ =	sdelay $0x1  }
0x72: {  	v0 =	vadd.f32 v3, v0;
	_ =	sdelay $0x1  }
0x73: {  	v0 =	vadd.f32 v1, v0;
	_ =	sdelay $0x1  }
0x74: {  	[tilespmem:s15+$0x15090] =	vst v0  }
0x75: {  	v0 =	vld [tilespmem:s0+$0xFFFFFF20]  }
0x76: {  	v1 =	vld [tilespmem:s0+$0xFFFFFFA0];
	_ =	sdelay $0x1  }
0x77: {  	v2 =	vld [tilespmem:s0+$0x20];
	_ =	sdelay $0x1  }
0x78: {  	v3 =	vld [tilespmem:s0+$0xA0]  }
0x79: {  	v0 =	vadd.f32 v1, v0  }
0x7a: {  	v1 =	vld [tilespmem:s0+$0x120]  }
0x7b: {  	v0 =	vadd.f32 v2, v0;
	_ =	sdelay $0x1  }
0x7c: {  	v0 =	vadd.f32 v3, v0;
	_ =	sdelay $0x1  }
0x7d: {  	v0 =	vadd.f32 v1, v0;
	_ =	sdelay $0x1  }
0x7e: {  	[tilespmem:s15+$0x150A0] =	vst v0  }
0x7f: {  	v3 =	vld [tilespmem:s0+$0xFFFFFF30]  }
0x80: {  	v4 =	vld [tilespmem:s0+$0xFFFFFFB0]  }
0x81: {  	v2 =	vld [tilespmem:s0+$0x30]  }
0x82: {  	v1 =	vld [tilespmem:s0+$0xB0]  }
0x83: {  	s17 =	simm.s32 $0x200;
	v0 =	vld [tilespmem:s0+$0x130]  }
.LBB2_3:
0x84: {  	p1 =	sne.s32 s17, $0x7E00  }
0x85: {  	s0 =	sadd.s32 $0x280, s0;
	s6 =	smov.u32 s17;
	s17 =	sadd.s32 $0x200, s17;
	v3 =	vadd.f32 v4, v3  }
0x86: {  	_ = 	snop  }
0x87: {  	v2 =	vadd.f32 v2, v3;
	_ =	sdelay $0x1  }
0x88: {  	v1 =	vadd.f32 v1, v2;
	_ =	sdelay $0x1  }
0x89: {  	v0 =	vadd.f32 v0, v1;
	_ =	sdelay $0x1  }
0x8a: {  	[tilespmem:s15+$0x150B0] =	vst v0  }
0x8b: {  	v0 =	vld [tilespmem:s0+$0xFFFFFF40]  }
0x8c: {  	v1 =	vld [tilespmem:s0+$0xFFFFFEC0]  }
0x8d: {  	v2 =	vld [tilespmem:s0+$0xFFFFFFC0];
	_ =	sdelay $0x2  }
0x8e: {  	v3 =	vld [tilespmem:s0+$0x40]  }
0x8f: {  	v0 =	vadd.f32 v0, v1  }
0x90: {  	v1 =	vld [tilespmem:s0+$0xC0]  }
0x91: {  	v0 =	vadd.f32 v2, v0;
	_ =	sdelay $0x1  }
0x92: {  	v0 =	vadd.f32 v3, v0;
	_ =	sdelay $0x1  }
0x93: {  	v0 =	vadd.f32 v1, v0  }
0x94: {  	s15 =	sshra.s32 s6, $0x2  }
0x95: {  	[tilespmem:s15+$0x15040] =	vst v0  }
0x96: {  	v0 =	vld [tilespmem:s0+$0xFFFFFED0]  }
0x97: {  	v1 =	vld [tilespmem:s0+$0xFFFFFF50];
	_ =	sdelay $0x1  }
0x98: {  	v2 =	vld [tilespmem:s0+$0xFFFFFFD0];
	_ =	sdelay $0x1  }
0x99: {  	v3 =	vld [tilespmem:s0+$0x50]  }
0x9a: {  	v0 =	vadd.f32 v1, v0  }
0x9b: {  	v1 =	vld [tilespmem:s0+$0xD0]  }
0x9c: {  	v0 =	vadd.f32 v2, v0;
	_ =	sdelay $0x1  }
0x9d: {  	v0 =	vadd.f32 v3, v0;
	_ =	sdelay $0x1  }
0x9e: {  	v0 =	vadd.f32 v1, v0;
	_ =	sdelay $0x1  }
0x9f: {  	[tilespmem:s15+$0x15050] =	vst v0  }
0xa0: {  	v0 =	vld [tilespmem:s0+$0xFFFFFEE0]  }
0xa1: {  	v1 =	vld [tilespmem:s0+$0xFFFFFF60];
	_ =	sdelay $0x1  }
0xa2: {  	v2 =	vld [tilespmem:s0+$0xFFFFFFE0];
	_ =	sdelay $0x1  }
0xa3: {  	v3 =	vld [tilespmem:s0+$0x60]  }
0xa4: {  	v0 =	vadd.f32 v1, v0  }
0xa5: {  	v1 =	vld [tilespmem:s0+$0xE0]  }
0xa6: {  	v0 =	vadd.f32 v2, v0;
	_ =	sdelay $0x1  }
0xa7: {  	v0 =	vadd.f32 v3, v0;
	_ =	sdelay $0x1  }
0xa8: {  	v0 =	vadd.f32 v1, v0;
	_ =	sdelay $0x1  }
0xa9: {  	[tilespmem:s15+$0x15060] =	vst v0  }
0xaa: {  	v0 =	vld [tilespmem:s0+$0xFFFFFEF0]  }
0xab: {  	v1 =	vld [tilespmem:s0+$0xFFFFFF70];
	_ =	sdelay $0x1  }
0xac: {  	v2 =	vld [tilespmem:s0+$0xFFFFFFF0];
	_ =	sdelay $0x1  }
0xad: {  	v3 =	vld [tilespmem:s0+$0x70]  }
0xae: {  	v0 =	vadd.f32 v1, v0  }
0xaf: {  	v1 =	vld [tilespmem:s0+$0xF0]  }
0xb0: {  	v0 =	vadd.f32 v2, v0;
	_ =	sdelay $0x1  }
0xb1: {  	v0 =	vadd.f32 v3, v0;
	_ =	sdelay $0x1  }
0xb2: {  	v0 =	vadd.f32 v1, v0;
	_ =	sdelay $0x1  }
0xb3: {  	[tilespmem:s15+$0x15070] =	vst v0  }
0xb4: {  	v0 =	vld [tilespmem:s0+$0xFFFFFF00]  }
0xb5: {  	v1 =	vld [tilespmem:s0+$0xFFFFFF80];
	_ =	sdelay $0x1  }
0xb6: {  	v2 =	vld [tilespmem:s0+$0x0];
	_ =	sdelay $0x1  }
0xb7: {  	v3 =	vld [tilespmem:s0+$0x80]  }
0xb8: {  	v0 =	vadd.f32 v1, v0  }
0xb9: {  	v1 =	vld [tilespmem:s0+$0x100]  }
0xba: {  	v0 =	vadd.f32 v2, v0;
	_ =	sdelay $0x1  }
0xbb: {  	v0 =	vadd.f32 v3, v0;
	_ =	sdelay $0x1  }
0xbc: {  	v0 =	vadd.f32 v1, v0;
	_ =	sdelay $0x1  }
0xbd: {  	[tilespmem:s15+$0x15080] =	vst v0  }
0xbe: {  	v0 =	vld [tilespmem:s0+$0xFFFFFF10]  }
0xbf: {  	v1 =	vld [tilespmem:s0+$0xFFFFFF90]  }
0xc0: {  	v2 =	vld [tilespmem:s0+$0x10]  }
0xc1: {  	v3 =	vld [tilespmem:s0+$0x90]  }
0xc2: {  	v4 =	vld [tilespmem:s0+$0x110];
	_ =	sdelay $0x1  }
0xc3: {  	v0 =	vadd.f32 v1, v0;
	_ =	sdelay $0x1  }
0xc4: {  	v0 =	vadd.f32 v2, v0;
	_ =	sdelay $0x1  }
0xc5: {  	v0 =	vadd.f32 v3, v0;
	_ =	sdelay $0x1  }
0xc6: {  	v0 =	vadd.f32 v4, v0;
	_ =	sdelay $0x1  }
0xc7: {  	[tilespmem:s15+$0x15090] =	vst v0  }
0xc8: {  	v0 =	vld [tilespmem:s0+$0xFFFFFF20]  }
0xc9: {  	v1 =	vld [tilespmem:s0+$0xFFFFFFA0]  }
0xca: {  	v2 =	vld [tilespmem:s0+$0x20]  }
0xcb: {  	v3 =	vld [tilespmem:s0+$0xA0]  }
0xcc: {  	v4 =	vld [tilespmem:s0+$0x120];
	_ =	sdelay $0x1  }
0xcd: {  	v0 =	vadd.f32 v1, v0;
	_ =	sdelay $0x1  }
0xce: {  	v0 =	vadd.f32 v2, v0;
	_ =	sdelay $0x1  }
0xcf: {  	v0 =	vadd.f32 v3, v0;
	_ =	sdelay $0x1  }
0xd0: {  	v0 =	vadd.f32 v4, v0;
	_ =	sdelay $0x1  }
0xd1: {  	[tilespmem:s15+$0x150A0] =	vst v0  }
.Ltmp0:
0xd2: {  	v3 =	vld [tilespmem:s0+$0xFFFFFF30];
	(pc) =	sbr.rel @p1 .LBB2_3-.Ltmp0, $4  }
0xd3: {  	v4 =	vld [tilespmem:s0+$0xFFFFFFB0]  }
0xd4: {  	v2 =	vld [tilespmem:s0+$0x30]  }
0xd5: {  	v1 =	vld [tilespmem:s0+$0xB0]  }
0xd6: {  	v0 =	vld [tilespmem:s0+$0x130]  }
0xd7: {  	_ = 	snop  }
0xd8: {  	v3 =	vadd.f32 v4, v3;
	_ =	sdelay $0x1  }
0xd9: {  	v2 =	vadd.f32 v2, v3;
	_ =	sdelay $0x1  }
0xda: {  	v1 =	vadd.f32 v1, v2  }
0xdb: {  	s0 =	sshll.u32 s31, $0xE  }
0xdc: {  	s0 =	sadd.s32 s4, s0;
	v0 =	vadd.f32 v0, v1  }
0xdd: {  	s0 =	sshrl.u32 s0, $0x3  }
0xde: {  	s6 =	smul.u32 $0xA00, s31;
	s0 =	sadd.s32 s5, s0;
	[tilespmem:s15+$0x150B0] =	vst v0  }
0xdf: {  	[hbm4b:s0+s2] =	stream.linear.scatter [tilespmem:s24], [sflag:$0x3], $0x2000, $0x38;
	[tilespmem:$0x19040] =	vst v63  }
0xe0: {  	s0 =	sshra.s32 s6, $0x2  }
0xe1: {  	s6 =	sadd.s32 $0x280, s0  }
0xe2: {  	[tilespmem:s13], [sflag:$0x1] =	stream.indirect.gather [hbm4b:s3+s12], $0x80, s6, s12, $0xb8;
	[tilespmem:$0x19040] =	vst v63  }
0xe3: {  	s15 =	sadd.s32 $0x2D0, s0  }
0xe4: {  	[tilespmem:s14], [sflag:$0x1] =	stream.indirect.gather [hbm4b:s3+s12], $0x80, s15, s12, $0xb8;
	[tilespmem:$0x19040] =	vst v63  }
0xe5: {  	s17 =	sadd.s32 $0x320, s0  }
0xe6: {  	[tilespmem:s16], [sflag:$0x1] =	stream.indirect.gather [hbm4b:s3+s12], $0x80, s17, s12, $0xb8;
	[tilespmem:$0x19040] =	vst v63  }
0xe7: {  	s0 =	sadd.s32 $0x370, s0  }
0xe8: {  	[tilespmem:s18], [sflag:$0x1] =	stream.indirect.gather [hbm4b:s3+s12], $0x80, s0, s12, $0xb8;
	[tilespmem:$0x19040] =	vst v63  }
0xe9: {  	_ =	swait.ge [sflag:s25], $0x2800  }
0xea: {  	[sflag:s25] =	ssyncset.done $0x0  }
0xeb: {  	[sflag:s25] =	ssyncadd.s32 $0xFFFFD800  }
0xec: {  	_ =	swait.ge [sflag:s25], $0x2800  }
0xed: {  	[sflag:s25] =	ssyncset.done $0x0  }
0xee: {  	[sflag:s25] =	ssyncadd.s32 $0xFFFFD800  }
0xef: {  	_ =	swait.ge [sflag:s25], $0x2800  }
0xf0: {  	[sflag:s25] =	ssyncset.done $0x0  }
0xf1: {  	[sflag:s25] =	ssyncadd.s32 $0xFFFFD800  }
0xf2: {  	_ =	swait.ge [sflag:s25], $0x2800  }
0xf3: {  	[sflag:s25] =	ssyncset.done $0x0  }
0xf4: {  	s0 =	simm.s32 @!p0 $0x4;
	[sflag:s25] =	ssyncadd.s32 $0xFFFFD800  }
0xf5: {  	_ =	swait.ge @!p0 [sflag:s0], $0x2000  }
0xf6: {  	[sflag:s0] =	ssyncset.done @!p0 $0x0  }
0xf7: {  	s15 =	simm.s32 $0x0;
	[sflag:s0] =	ssyncadd.s32 @!p0 $0xFFFFE000  }
0xf8: {  	v0 =	vld [tilespmem:s15+$0xB040]  }
0xf9: {  	v1 =	vld [tilespmem:s15+$0xB0C0];
	_ =	sdelay $0x1  }
0xfa: {  	v2 =	vld [tilespmem:s15+$0xB140];
	_ =	sdelay $0x1  }
0xfb: {  	v3 =	vld [tilespmem:s15+$0xB1C0]  }
0xfc: {  	v0 =	vadd.f32 v1, v0  }
0xfd: {  	v1 =	vld [tilespmem:s15+$0xB240]  }
0xfe: {  	v0 =	vadd.f32 v2, v0;
	_ =	sdelay $0x1  }
0xff: {  	v0 =	vadd.f32 v3, v0;
	_ =	sdelay $0x1  }
0x100: {  	v0 =	vadd.f32 v1, v0  }
0x101: {  	s0 =	simm.s32 $0x170B0  }
0x102: {  	[tilespmem:s0+$0xFFFFFF90] =	vst v0  }
0x103: {  	v0 =	vld [tilespmem:s15+$0xB050]  }
0x104: {  	v1 =	vld [tilespmem:s15+$0xB0D0];
	_ =	sdelay $0x1  }
0x105: {  	v2 =	vld [tilespmem:s15+$0xB150];
	_ =	sdelay $0x1  }
0x106: {  	v3 =	vld [tilespmem:s15+$0xB1D0]  }
0x107: {  	v0 =	vadd.f32 v1, v0  }
0x108: {  	v1 =	vld [tilespmem:s15+$0xB250]  }
0x109: {  	v0 =	vadd.f32 v2, v0;
	_ =	sdelay $0x1  }
0x10a: {  	v0 =	vadd.f32 v3, v0;
	_ =	sdelay $0x1  }
0x10b: {  	v0 =	vadd.f32 v1, v0;
	_ =	sdelay $0x1  }
0x10c: {  	[tilespmem:s0+$0xFFFFFFA0] =	vst v0  }
0x10d: {  	v0 =	vld [tilespmem:s15+$0xB060]  }
0x10e: {  	v1 =	vld [tilespmem:s15+$0xB0E0];
	_ =	sdelay $0x1  }
0x10f: {  	v2 =	vld [tilespmem:s15+$0xB160];
	_ =	sdelay $0x1  }
0x110: {  	v3 =	vld [tilespmem:s15+$0xB1E0]  }
0x111: {  	v0 =	vadd.f32 v1, v0  }
0x112: {  	v1 =	vld [tilespmem:s15+$0xB260]  }
0x113: {  	v0 =	vadd.f32 v2, v0;
	_ =	sdelay $0x1  }
0x114: {  	v0 =	vadd.f32 v3, v0;
	_ =	sdelay $0x1  }
0x115: {  	v0 =	vadd.f32 v1, v0;
	_ =	sdelay $0x1  }
0x116: {  	[tilespmem:s0+$0xFFFFFFB0] =	vst v0  }
0x117: {  	v0 =	vld [tilespmem:s15+$0xB070]  }
0x118: {  	v1 =	vld [tilespmem:s15+$0xB0F0];
	_ =	sdelay $0x1  }
0x119: {  	v2 =	vld [tilespmem:s15+$0xB170];
	_ =	sdelay $0x1  }
0x11a: {  	v3 =	vld [tilespmem:s15+$0xB1F0]  }
0x11b: {  	v0 =	vadd.f32 v1, v0  }
0x11c: {  	v1 =	vld [tilespmem:s15+$0xB270]  }
0x11d: {  	v0 =	vadd.f32 v2, v0;
	_ =	sdelay $0x1  }
0x11e: {  	v0 =	vadd.f32 v3, v0;
	_ =	sdelay $0x1  }
0x11f: {  	v0 =	vadd.f32 v1, v0;
	_ =	sdelay $0x1  }
0x120: {  	[tilespmem:s0+$0xFFFFFFC0] =	vst v0  }
0x121: {  	v0 =	vld [tilespmem:s15+$0xB080]  }
0x122: {  	v1 =	vld [tilespmem:s15+$0xB100];
	_ =	sdelay $0x1  }
0x123: {  	v2 =	vld [tilespmem:s15+$0xB180];
	_ =	sdelay $0x1  }
0x124: {  	v3 =	vld [tilespmem:s15+$0xB200]  }
0x125: {  	v0 =	vadd.f32 v1, v0  }
0x126: {  	v1 =	vld [tilespmem:s15+$0xB280]  }
0x127: {  	v0 =	vadd.f32 v2, v0;
	_ =	sdelay $0x1  }
0x128: {  	v0 =	vadd.f32 v3, v0;
	_ =	sdelay $0x1  }
0x129: {  	v0 =	vadd.f32 v1, v0;
	_ =	sdelay $0x1  }
0x12a: {  	[tilespmem:s0+$0xFFFFFFD0] =	vst v0  }
0x12b: {  	v0 =	vld [tilespmem:s15+$0xB090]  }
0x12c: {  	v1 =	vld [tilespmem:s15+$0xB110];
	_ =	sdelay $0x1  }
0x12d: {  	v2 =	vld [tilespmem:s15+$0xB190];
	_ =	sdelay $0x1  }
0x12e: {  	v3 =	vld [tilespmem:s15+$0xB210]  }
0x12f: {  	v0 =	vadd.f32 v1, v0  }
0x130: {  	v1 =	vld [tilespmem:s15+$0xB290]  }
0x131: {  	v0 =	vadd.f32 v2, v0;
	_ =	sdelay $0x1  }
0x132: {  	v0 =	vadd.f32 v3, v0;
	_ =	sdelay $0x1  }
0x133: {  	v0 =	vadd.f32 v1, v0;
	_ =	sdelay $0x1  }
0x134: {  	[tilespmem:s0+$0xFFFFFFE0] =	vst v0  }
0x135: {  	v0 =	vld [tilespmem:s15+$0xB0A0]  }
0x136: {  	v1 =	vld [tilespmem:s15+$0xB120];
	_ =	sdelay $0x1  }
0x137: {  	v2 =	vld [tilespmem:s15+$0xB1A0];
	_ =	sdelay $0x1  }
0x138: {  	v3 =	vld [tilespmem:s15+$0xB220]  }
0x139: {  	v0 =	vadd.f32 v1, v0  }
0x13a: {  	v1 =	vld [tilespmem:s15+$0xB2A0]  }
0x13b: {  	v0 =	vadd.f32 v2, v0;
	_ =	sdelay $0x1  }
0x13c: {  	v0 =	vadd.f32 v3, v0;
	_ =	sdelay $0x1  }
0x13d: {  	v0 =	vadd.f32 v1, v0;
	_ =	sdelay $0x1  }
0x13e: {  	[tilespmem:s0+$0xFFFFFFF0] =	vst v0  }
0x13f: {  	v0 =	vld [tilespmem:s15+$0xB0B0]  }
0x140: {  	v4 =	vld [tilespmem:s15+$0xB130]  }
0x141: {  	v3 =	vld [tilespmem:s15+$0xB1B0]  }
0x142: {  	v2 =	vld [tilespmem:s15+$0xB230]  }
0x143: {  	s17 =	simm.s32 $0xA00;
	v1 =	vld [tilespmem:s15+$0xB2B0];
	s15 =	simm.s32 $0x170B0  }
.LBB2_5:
0x144: {  	p0 =	sne.s32 s17, $0x27600  }
0x145: {  	s0 =	sadd.s32 $0x80, s0;
	s6 =	smov.u32 s17;
	s17 =	sadd.s32 $0xA00, s17  }
0x146: {  	v0 =	vadd.f32 v4, v0;
	_ =	sdelay $0x1  }
0x147: {  	v0 =	vadd.f32 v3, v0;
	_ =	sdelay $0x1  }
0x148: {  	v0 =	vadd.f32 v2, v0;
	_ =	sdelay $0x1  }
0x149: {  	v0 =	vadd.f32 v1, v0  }
0x14a: {  	s6 =	sshra.s32 s6, $0x2  }
0x14b: {  	[tilespmem:s15+$0x0] =	vst v0;
	s15 =	smov.u32 s0  }
0x14c: {  	v0 =	vld [tilespmem:s6+$0xB040]  }
0x14d: {  	v1 =	vld [tilespmem:s6+$0xB0C0]  }
0x14e: {  	v2 =	vld [tilespmem:s6+$0xB140];
	_ =	sdelay $0x1  }
0x14f: {  	v3 =	vld [tilespmem:s6+$0xB1C0];
	_ =	sdelay $0x1  }
0x150: {  	v0 =	vadd.f32 v1, v0  }
0x151: {  	v1 =	vld [tilespmem:s6+$0xB240]  }
0x152: {  	v0 =	vadd.f32 v2, v0;
	_ =	sdelay $0x1  }
0x153: {  	v0 =	vadd.f32 v3, v0;
	_ =	sdelay $0x1  }
0x154: {  	v0 =	vadd.f32 v1, v0;
	_ =	sdelay $0x1  }
0x155: {  	[tilespmem:s0+$0xFFFFFF90] =	vst v0  }
0x156: {  	v0 =	vld [tilespmem:s6+$0xB050]  }
0x157: {  	v1 =	vld [tilespmem:s6+$0xB0D0];
	_ =	sdelay $0x1  }
0x158: {  	v2 =	vld [tilespmem:s6+$0xB150];
	_ =	sdelay $0x1  }
0x159: {  	v3 =	vld [tilespmem:s6+$0xB1D0]  }
0x15a: {  	v0 =	vadd.f32 v1, v0  }
0x15b: {  	v1 =	vld [tilespmem:s6+$0xB250]  }
0x15c: {  	v0 =	vadd.f32 v2, v0;
	_ =	sdelay $0x1  }
0x15d: {  	v0 =	vadd.f32 v3, v0;
	_ =	sdelay $0x1  }
0x15e: {  	v0 =	vadd.f32 v1, v0;
	_ =	sdelay $0x1  }
0x15f: {  	[tilespmem:s0+$0xFFFFFFA0] =	vst v0  }
0x160: {  	v0 =	vld [tilespmem:s6+$0xB060]  }
0x161: {  	v1 =	vld [tilespmem:s6+$0xB0E0];
	_ =	sdelay $0x1  }
0x162: {  	v2 =	vld [tilespmem:s6+$0xB160];
	_ =	sdelay $0x1  }
0x163: {  	v3 =	vld [tilespmem:s6+$0xB1E0]  }
0x164: {  	v0 =	vadd.f32 v1, v0  }
0x165: {  	v1 =	vld [tilespmem:s6+$0xB260]  }
0x166: {  	v0 =	vadd.f32 v2, v0;
	_ =	sdelay $0x1  }
0x167: {  	v0 =	vadd.f32 v3, v0;
	_ =	sdelay $0x1  }
0x168: {  	v0 =	vadd.f32 v1, v0;
	_ =	sdelay $0x1  }
0x169: {  	[tilespmem:s0+$0xFFFFFFB0] =	vst v0  }
0x16a: {  	v0 =	vld [tilespmem:s6+$0xB070]  }
0x16b: {  	v1 =	vld [tilespmem:s6+$0xB0F0]  }
0x16c: {  	v2 =	vld [tilespmem:s6+$0xB170];
	_ =	sdelay $0x2  }
0x16d: {  	v3 =	vld [tilespmem:s6+$0xB1F0]  }
0x16e: {  	v0 =	vadd.f32 v1, v0  }
0x16f: {  	v1 =	vld [tilespmem:s6+$0xB270]  }
0x170: {  	v0 =	vadd.f32 v2, v0;
	_ =	sdelay $0x1  }
0x171: {  	v0 =	vadd.f32 v3, v0;
	_ =	sdelay $0x1  }
0x172: {  	v0 =	vadd.f32 v1, v0;
	_ =	sdelay $0x1  }
0x173: {  	[tilespmem:s0+$0xFFFFFFC0] =	vst v0  }
0x174: {  	v0 =	vld [tilespmem:s6+$0xB080]  }
0x175: {  	v1 =	vld [tilespmem:s6+$0xB100]  }
0x176: {  	v2 =	vld [tilespmem:s6+$0xB180];
	_ =	sdelay $0x2  }
0x177: {  	v3 =	vld [tilespmem:s6+$0xB200]  }
0x178: {  	v0 =	vadd.f32 v1, v0  }
0x179: {  	v1 =	vld [tilespmem:s6+$0xB280]  }
0x17a: {  	v0 =	vadd.f32 v2, v0;
	_ =	sdelay $0x1  }
0x17b: {  	v0 =	vadd.f32 v3, v0;
	_ =	sdelay $0x1  }
0x17c: {  	v0 =	vadd.f32 v1, v0;
	_ =	sdelay $0x1  }
0x17d: {  	[tilespmem:s0+$0xFFFFFFD0] =	vst v0  }
0x17e: {  	v0 =	vld [tilespmem:s6+$0xB090]  }
0x17f: {  	v1 =	vld [tilespmem:s6+$0xB110]  }
0x180: {  	v2 =	vld [tilespmem:s6+$0xB190]  }
0x181: {  	v3 =	vld [tilespmem:s6+$0xB210]  }
0x182: {  	v4 =	vld [tilespmem:s6+$0xB290];
	_ =	sdelay $0x1  }
0x183: {  	v0 =	vadd.f32 v1, v0;
	_ =	sdelay $0x1  }
0x184: {  	v0 =	vadd.f32 v2, v0;
	_ =	sdelay $0x1  }
0x185: {  	v0 =	vadd.f32 v3, v0;
	_ =	sdelay $0x1  }
0x186: {  	v0 =	vadd.f32 v4, v0;
	_ =	sdelay $0x1  }
0x187: {  	[tilespmem:s0+$0xFFFFFFE0] =	vst v0  }
0x188: {  	v0 =	vld [tilespmem:s6+$0xB0A0]  }
0x189: {  	v1 =	vld [tilespmem:s6+$0xB120]  }
0x18a: {  	v2 =	vld [tilespmem:s6+$0xB1A0]  }
0x18b: {  	v3 =	vld [tilespmem:s6+$0xB220]  }
0x18c: {  	v4 =	vld [tilespmem:s6+$0xB2A0];
	_ =	sdelay $0x1  }
0x18d: {  	v0 =	vadd.f32 v1, v0;
	_ =	sdelay $0x1  }
0x18e: {  	v0 =	vadd.f32 v2, v0;
	_ =	sdelay $0x1  }
0x18f: {  	v0 =	vadd.f32 v3, v0;
	_ =	sdelay $0x1  }
0x190: {  	v0 =	vadd.f32 v4, v0;
	_ =	sdelay $0x1  }
0x191: {  	[tilespmem:s0+$0xFFFFFFF0] =	vst v0  }
.Ltmp1:
0x192: {  	v0 =	vld [tilespmem:s6+$0xB0B0];
	(pc) =	sbr.rel @p0 .LBB2_5-.Ltmp1, $4  }
0x193: {  	v4 =	vld [tilespmem:s6+$0xB130]  }
0x194: {  	v3 =	vld [tilespmem:s6+$0xB1B0]  }
0x195: {  	v2 =	vld [tilespmem:s6+$0xB230]  }
0x196: {  	v1 =	vld [tilespmem:s6+$0xB2B0]  }
0x197: {  	_ = 	snop  }
0x198: {  	v0 =	vadd.f32 v4, v0;
	_ =	sdelay $0x1  }
0x199: {  	v0 =	vadd.f32 v3, v0  }
0x19a: {  	s31 =	sadd.s32 $0x1, s31  }
0x19b: {  	p0 =	sne.s32 s31, $0x6;
	v0 =	vadd.f32 v2, v0  }
.Ltmp2:
0x19c: {  	s0 =	sshll.u32 s1, $0xD;
	(pc) =	sbr.rel @p0 .LBB2_2-.Ltmp2, $4  }
0x19d: {  	s0 =	sadd.s32 s4, s0;
	v0 =	vadd.f32 v1, v0  }
0x19e: {  	s0 =	sshrl.u32 s0, $0x3  }
0x19f: {  	s0 =	sadd.s32 s5, s0;
	[tilespmem:s15+$0x0] =	vst v0  }
0x1a0: {  	[hbm4b:s0+s2] =	stream.linear.scatter [tilespmem:s26], [sflag:$0x4], $0x2000, $0x38;
	[tilespmem:$0x19040] =	vst v63  }
0x1a1: {  	_ =	swait.ge [sflag:s23], $0x2800  }
0x1a2: {  	[sflag:s23] =	ssyncset.done $0x0  }
0x1a3: {  	[sflag:s23] =	ssyncadd.s32 $0xFFFFD800  }
0x1a4: {  	_ =	swait.ge [sflag:s23], $0x2800  }
0x1a5: {  	[sflag:s23] =	ssyncset.done $0x0  }
0x1a6: {  	[sflag:s23] =	ssyncadd.s32 $0xFFFFD800  }
0x1a7: {  	_ =	swait.ge [sflag:s23], $0x2800  }
0x1a8: {  	[sflag:s23] =	ssyncset.done $0x0  }
0x1a9: {  	[sflag:s23] =	ssyncadd.s32 $0xFFFFD800  }
0x1aa: {  	_ =	swait.ge [sflag:s23], $0x2800  }
0x1ab: {  	[sflag:s23] =	ssyncset.done $0x0  }
0x1ac: {  	[sflag:s23] =	ssyncadd.s32 $0xFFFFD800  }
0x1ad: {  	_ =	swait.ge [sflag:s28], $0x2000  }
0x1ae: {  	[sflag:s28] =	ssyncset.done $0x0  }
0x1af: {  	s0 =	simm.s32 $0x1180;
	[sflag:s28] =	ssyncadd.s32 $0xFFFFE000  }
0x1b0: {  	v0 =	vld [tilespmem:s0+$0xFFFFFF40]  }
0x1b1: {  	v1 =	vld [tilespmem:s0+$0xFFFFFEC0];
	_ =	sdelay $0x1  }
0x1b2: {  	v2 =	vld [tilespmem:s0+$0xFFFFFFC0];
	_ =	sdelay $0x1  }
0x1b3: {  	v3 =	vld [tilespmem:s0+$0x40]  }
0x1b4: {  	v0 =	vadd.f32 v0, v1  }
0x1b5: {  	v1 =	vld [tilespmem:s0+$0xC0]  }
0x1b6: {  	v0 =	vadd.f32 v2, v0;
	_ =	sdelay $0x1  }
0x1b7: {  	v0 =	vadd.f32 v3, v0;
	_ =	sdelay $0x1  }
0x1b8: {  	v0 =	vadd.f32 v1, v0  }
0x1b9: {  	s1 =	simm.s32 $0x0  }
0x1ba: {  	[tilespmem:s1+$0x15040] =	vst v0  }
0x1bb: {  	v0 =	vld [tilespmem:s0+$0xFFFFFED0]  }
0x1bc: {  	v1 =	vld [tilespmem:s0+$0xFFFFFF50];
	_ =	sdelay $0x1  }
0x1bd: {  	v2 =	vld [tilespmem:s0+$0xFFFFFFD0];
	_ =	sdelay $0x1  }
0x1be: {  	v3 =	vld [tilespmem:s0+$0x50]  }
0x1bf: {  	v0 =	vadd.f32 v1, v0  }
0x1c0: {  	v1 =	vld [tilespmem:s0+$0xD0]  }
0x1c1: {  	v0 =	vadd.f32 v2, v0;
	_ =	sdelay $0x1  }
0x1c2: {  	v0 =	vadd.f32 v3, v0;
	_ =	sdelay $0x1  }
0x1c3: {  	v0 =	vadd.f32 v1, v0;
	_ =	sdelay $0x1  }
0x1c4: {  	[tilespmem:s1+$0x15050] =	vst v0  }
0x1c5: {  	v0 =	vld [tilespmem:s0+$0xFFFFFEE0]  }
0x1c6: {  	v1 =	vld [tilespmem:s0+$0xFFFFFF60];
	_ =	sdelay $0x1  }
0x1c7: {  	v2 =	vld [tilespmem:s0+$0xFFFFFFE0];
	_ =	sdelay $0x1  }
0x1c8: {  	v3 =	vld [tilespmem:s0+$0x60]  }
0x1c9: {  	v0 =	vadd.f32 v1, v0  }
0x1ca: {  	v1 =	vld [tilespmem:s0+$0xE0]  }
0x1cb: {  	v0 =	vadd.f32 v2, v0;
	_ =	sdelay $0x1  }
0x1cc: {  	v0 =	vadd.f32 v3, v0;
	_ =	sdelay $0x1  }
0x1cd: {  	v0 =	vadd.f32 v1, v0;
	_ =	sdelay $0x1  }
0x1ce: {  	[tilespmem:s1+$0x15060] =	vst v0  }
0x1cf: {  	v0 =	vld [tilespmem:s0+$0xFFFFFEF0]  }
0x1d0: {  	v1 =	vld [tilespmem:s0+$0xFFFFFF70];
	_ =	sdelay $0x1  }
0x1d1: {  	v2 =	vld [tilespmem:s0+$0xFFFFFFF0];
	_ =	sdelay $0x1  }
0x1d2: {  	v3 =	vld [tilespmem:s0+$0x70]  }
0x1d3: {  	v0 =	vadd.f32 v1, v0  }
0x1d4: {  	v1 =	vld [tilespmem:s0+$0xF0]  }
0x1d5: {  	v0 =	vadd.f32 v2, v0;
	_ =	sdelay $0x1  }
0x1d6: {  	v0 =	vadd.f32 v3, v0;
	_ =	sdelay $0x1  }
0x1d7: {  	v0 =	vadd.f32 v1, v0;
	_ =	sdelay $0x1  }
0x1d8: {  	[tilespmem:s1+$0x15070] =	vst v0  }
0x1d9: {  	v0 =	vld [tilespmem:s0+$0xFFFFFF00]  }
0x1da: {  	v1 =	vld [tilespmem:s0+$0xFFFFFF80];
	_ =	sdelay $0x1  }
0x1db: {  	v2 =	vld [tilespmem:s0+$0x0];
	_ =	sdelay $0x1  }
0x1dc: {  	v3 =	vld [tilespmem:s0+$0x80]  }
0x1dd: {  	v0 =	vadd.f32 v1, v0  }
0x1de: {  	v1 =	vld [tilespmem:s0+$0x100]  }
0x1df: {  	v0 =	vadd.f32 v2, v0;
	_ =	sdelay $0x1  }
0x1e0: {  	v0 =	vadd.f32 v3, v0;
	_ =	sdelay $0x1  }
0x1e1: {  	v0 =	vadd.f32 v1, v0;
	_ =	sdelay $0x1  }
0x1e2: {  	[tilespmem:s1+$0x15080] =	vst v0  }
0x1e3: {  	v0 =	vld [tilespmem:s0+$0xFFFFFF10]  }
0x1e4: {  	v1 =	vld [tilespmem:s0+$0xFFFFFF90];
	_ =	sdelay $0x1  }
0x1e5: {  	v2 =	vld [tilespmem:s0+$0x10];
	_ =	sdelay $0x1  }
0x1e6: {  	v3 =	vld [tilespmem:s0+$0x90]  }
0x1e7: {  	v0 =	vadd.f32 v1, v0  }
0x1e8: {  	v1 =	vld [tilespmem:s0+$0x110]  }
0x1e9: {  	v0 =	vadd.f32 v2, v0;
	_ =	sdelay $0x1  }
0x1ea: {  	v0 =	vadd.f32 v3, v0;
	_ =	sdelay $0x1  }
0x1eb: {  	v0 =	vadd.f32 v1, v0;
	_ =	sdelay $0x1  }
0x1ec: {  	[tilespmem:s1+$0x15090] =	vst v0  }
0x1ed: {  	v0 =	vld [tilespmem:s0+$0xFFFFFF20]  }
0x1ee: {  	v1 =	vld [tilespmem:s0+$0xFFFFFFA0];
	_ =	sdelay $0x1  }
0x1ef: {  	v2 =	vld [tilespmem:s0+$0x20];
	_ =	sdelay $0x1  }
0x1f0: {  	v3 =	vld [tilespmem:s0+$0xA0]  }
0x1f1: {  	v0 =	vadd.f32 v1, v0  }
0x1f2: {  	v1 =	vld [tilespmem:s0+$0x120]  }
0x1f3: {  	v0 =	vadd.f32 v2, v0;
	_ =	sdelay $0x1  }
0x1f4: {  	v0 =	vadd.f32 v3, v0;
	_ =	sdelay $0x1  }
0x1f5: {  	v0 =	vadd.f32 v1, v0;
	_ =	sdelay $0x1  }
0x1f6: {  	[tilespmem:s1+$0x150A0] =	vst v0  }
0x1f7: {  	v3 =	vld [tilespmem:s0+$0xFFFFFF30]  }
0x1f8: {  	v4 =	vld [tilespmem:s0+$0xFFFFFFB0]  }
0x1f9: {  	v2 =	vld [tilespmem:s0+$0x30]  }
0x1fa: {  	v0 =	vld [tilespmem:s0+$0xB0]  }
0x1fb: {  	s15 =	simm.s32 $0x200;
	v1 =	vld [tilespmem:s0+$0x130]  }
.LBB2_8:
0x1fc: {  	p0 =	sne.s32 s15, $0x7E00  }
0x1fd: {  	s0 =	sadd.s32 $0x280, s0;
	s6 =	smov.u32 s15;
	s15 =	sadd.s32 $0x200, s15;
	v3 =	vadd.f32 v4, v3  }
0x1fe: {  	_ = 	snop  }
0x1ff: {  	v2 =	vadd.f32 v2, v3;
	_ =	sdelay $0x1  }
0x200: {  	v0 =	vadd.f32 v0, v2;
	_ =	sdelay $0x1  }
0x201: {  	v0 =	vadd.f32 v1, v0;
	_ =	sdelay $0x1  }
0x202: {  	[tilespmem:s1+$0x150B0] =	vst v0  }
0x203: {  	v0 =	vld [tilespmem:s0+$0xFFFFFF40]  }
0x204: {  	v1 =	vld [tilespmem:s0+$0xFFFFFEC0]  }
0x205: {  	v2 =	vld [tilespmem:s0+$0xFFFFFFC0];
	_ =	sdelay $0x2  }
0x206: {  	v3 =	vld [tilespmem:s0+$0x40]  }
0x207: {  	v0 =	vadd.f32 v0, v1  }
0x208: {  	v1 =	vld [tilespmem:s0+$0xC0]  }
0x209: {  	v0 =	vadd.f32 v2, v0;
	_ =	sdelay $0x1  }
0x20a: {  	v0 =	vadd.f32 v3, v0;
	_ =	sdelay $0x1  }
0x20b: {  	v0 =	vadd.f32 v1, v0  }
0x20c: {  	s1 =	sshra.s32 s6, $0x2  }
0x20d: {  	[tilespmem:s1+$0x15040] =	vst v0  }
0x20e: {  	v0 =	vld [tilespmem:s0+$0xFFFFFED0]  }
0x20f: {  	v1 =	vld [tilespmem:s0+$0xFFFFFF50];
	_ =	sdelay $0x1  }
0x210: {  	v2 =	vld [tilespmem:s0+$0xFFFFFFD0];
	_ =	sdelay $0x1  }
0x211: {  	v3 =	vld [tilespmem:s0+$0x50]  }
0x212: {  	v0 =	vadd.f32 v1, v0  }
0x213: {  	v1 =	vld [tilespmem:s0+$0xD0]  }
0x214: {  	v0 =	vadd.f32 v2, v0;
	_ =	sdelay $0x1  }
0x215: {  	v0 =	vadd.f32 v3, v0;
	_ =	sdelay $0x1  }
0x216: {  	v0 =	vadd.f32 v1, v0;
	_ =	sdelay $0x1  }
0x217: {  	[tilespmem:s1+$0x15050] =	vst v0  }
0x218: {  	v0 =	vld [tilespmem:s0+$0xFFFFFEE0]  }
0x219: {  	v1 =	vld [tilespmem:s0+$0xFFFFFF60];
	_ =	sdelay $0x1  }
0x21a: {  	v2 =	vld [tilespmem:s0+$0xFFFFFFE0];
	_ =	sdelay $0x1  }
0x21b: {  	v3 =	vld [tilespmem:s0+$0x60]  }
0x21c: {  	v0 =	vadd.f32 v1, v0  }
0x21d: {  	v1 =	vld [tilespmem:s0+$0xE0]  }
0x21e: {  	v0 =	vadd.f32 v2, v0;
	_ =	sdelay $0x1  }
0x21f: {  	v0 =	vadd.f32 v3, v0;
	_ =	sdelay $0x1  }
0x220: {  	v0 =	vadd.f32 v1, v0;
	_ =	sdelay $0x1  }
0x221: {  	[tilespmem:s1+$0x15060] =	vst v0  }
0x222: {  	v0 =	vld [tilespmem:s0+$0xFFFFFEF0]  }
0x223: {  	v1 =	vld [tilespmem:s0+$0xFFFFFF70];
	_ =	sdelay $0x1  }
0x224: {  	v2 =	vld [tilespmem:s0+$0xFFFFFFF0];
	_ =	sdelay $0x1  }
0x225: {  	v3 =	vld [tilespmem:s0+$0x70]  }
0x226: {  	v0 =	vadd.f32 v1, v0  }
0x227: {  	v1 =	vld [tilespmem:s0+$0xF0]  }
0x228: {  	v0 =	vadd.f32 v2, v0;
	_ =	sdelay $0x1  }
0x229: {  	v0 =	vadd.f32 v3, v0;
	_ =	sdelay $0x1  }
0x22a: {  	v0 =	vadd.f32 v1, v0;
	_ =	sdelay $0x1  }
0x22b: {  	[tilespmem:s1+$0x15070] =	vst v0  }
0x22c: {  	v0 =	vld [tilespmem:s0+$0xFFFFFF00]  }
0x22d: {  	v1 =	vld [tilespmem:s0+$0xFFFFFF80];
	_ =	sdelay $0x1  }
0x22e: {  	v2 =	vld [tilespmem:s0+$0x0];
	_ =	sdelay $0x1  }
0x22f: {  	v3 =	vld [tilespmem:s0+$0x80]  }
0x230: {  	v0 =	vadd.f32 v1, v0  }
0x231: {  	v1 =	vld [tilespmem:s0+$0x100]  }
0x232: {  	v0 =	vadd.f32 v2, v0;
	_ =	sdelay $0x1  }
0x233: {  	v0 =	vadd.f32 v3, v0;
	_ =	sdelay $0x1  }
0x234: {  	v0 =	vadd.f32 v1, v0;
	_ =	sdelay $0x1  }
0x235: {  	[tilespmem:s1+$0x15080] =	vst v0  }
0x236: {  	v0 =	vld [tilespmem:s0+$0xFFFFFF10]  }
0x237: {  	v1 =	vld [tilespmem:s0+$0xFFFFFF90]  }
0x238: {  	v2 =	vld [tilespmem:s0+$0x10]  }
0x239: {  	v3 =	vld [tilespmem:s0+$0x90]  }
0x23a: {  	v4 =	vld [tilespmem:s0+$0x110];
	_ =	sdelay $0x1  }
0x23b: {  	v0 =	vadd.f32 v1, v0;
	_ =	sdelay $0x1  }
0x23c: {  	v0 =	vadd.f32 v2, v0;
	_ =	sdelay $0x1  }
0x23d: {  	v0 =	vadd.f32 v3, v0;
	_ =	sdelay $0x1  }
0x23e: {  	v0 =	vadd.f32 v4, v0;
	_ =	sdelay $0x1  }
0x23f: {  	[tilespmem:s1+$0x15090] =	vst v0  }
0x240: {  	v0 =	vld [tilespmem:s0+$0xFFFFFF20]  }
0x241: {  	v1 =	vld [tilespmem:s0+$0xFFFFFFA0]  }
0x242: {  	v2 =	vld [tilespmem:s0+$0x20]  }
0x243: {  	v3 =	vld [tilespmem:s0+$0xA0]  }
0x244: {  	v4 =	vld [tilespmem:s0+$0x120];
	_ =	sdelay $0x1  }
0x245: {  	v0 =	vadd.f32 v1, v0;
	_ =	sdelay $0x1  }
0x246: {  	v0 =	vadd.f32 v2, v0;
	_ =	sdelay $0x1  }
0x247: {  	v0 =	vadd.f32 v3, v0;
	_ =	sdelay $0x1  }
0x248: {  	v0 =	vadd.f32 v4, v0;
	_ =	sdelay $0x1  }
0x249: {  	[tilespmem:s1+$0x150A0] =	vst v0  }
.Ltmp3:
0x24a: {  	v3 =	vld [tilespmem:s0+$0xFFFFFF30];
	(pc) =	sbr.rel @p0 .LBB2_8-.Ltmp3, $4  }
0x24b: {  	v4 =	vld [tilespmem:s0+$0xFFFFFFB0]  }
0x24c: {  	v2 =	vld [tilespmem:s0+$0x30]  }
0x24d: {  	v0 =	vld [tilespmem:s0+$0xB0]  }
0x24e: {  	v1 =	vld [tilespmem:s0+$0x130]  }
0x24f: {  	_ = 	snop  }
0x250: {  	v3 =	vadd.f32 v4, v3;
	_ =	sdelay $0x1  }
0x251: {  	v2 =	vadd.f32 v2, v3;
	_ =	sdelay $0x1  }
0x252: {  	v0 =	vadd.f32 v0, v2;
	_ =	sdelay $0x1  }
0x253: {  	v0 =	vadd.f32 v1, v0;
	_ =	sdelay $0x1  }
0x254: {  	s0 =	simm.s32 $0x0;
	[tilespmem:s1+$0x150B0] =	vst v0  }
0x255: {  	[hbm4b:s7+s0] =	stream.linear.scatter [tilespmem:s24], [sflag:$0x3], $0x2000, $0x38;
	[tilespmem:$0x19040] =	vst v63  }
0x256: {  	_ =	swait.ge [sflag:s28], $0x2000  }
0x257: {  	[sflag:s28] =	ssyncset.done $0x0  }
0x258: {  	[sflag:s28] =	ssyncadd.s32 $0xFFFFE000  }
0x259: {  	_ =	swait.ge [sflag:s29], $0x2000  }
0x25a: {  	[sflag:s29] =	ssyncset.done $0x0  }
0x25b: {  	[sflag:s29] =	ssyncadd.s32 $0xFFFFE000  }
0x25c: {  	[tilespmem:s0], [sflag:$0x5] =	stream.linear.gather [hbm4b:s8+s0], $0x140, $0x38;
	[tilespmem:$0x19040] =	vst v63  }
0x25d: {  	_ =	swait.ge [sflag:s11], $0x140  }
0x25e: {  	[sflag:s11] =	ssyncset.done $0x0  }
0x25f: {  	[sflag:s11] =	ssyncadd.s32 $0xFFFFFEC0  }
0x260: {  	[tilespmem:s13], [sflag:$0x1] =	stream.indirect.gather [hbm4b:s3+s12], $0x80, s0, s12, $0xb8;
	[tilespmem:$0x19040] =	vst v63  }
0x261: {  	_ = 	snop  }
0x262: {  	[tilespmem:s14], [sflag:$0x1] =	stream.indirect.gather [hbm4b:s3+s12], $0x80, s12, s12, $0xb8;
	[tilespmem:$0x19040] =	vst v63  }
0x263: {  	s17 =	simm.s32 $0xA0  }
0x264: {  	[tilespmem:s16], [sflag:$0x1] =	stream.indirect.gather [hbm4b:s3+s12], $0x80, s17, s12, $0xb8;
	[tilespmem:$0x19040] =	vst v63  }
0x265: {  	s31 =	simm.s32 $0xF0  }
0x266: {  	[tilespmem:s18], [sflag:$0x1] =	stream.indirect.gather [hbm4b:s3+s12], $0x80, s31, s12, $0xb8;
	[tilespmem:$0x19040] =	vst v63  }
0x267: {  	_ =	swait.ge [sflag:s23], $0x2800  }
0x268: {  	[sflag:s23] =	ssyncset.done $0x0  }
0x269: {  	[sflag:s23] =	ssyncadd.s32 $0xFFFFD800  }
0x26a: {  	_ =	swait.ge [sflag:s23], $0x2800  }
0x26b: {  	[sflag:s23] =	ssyncset.done $0x0  }
0x26c: {  	[sflag:s23] =	ssyncadd.s32 $0xFFFFD800  }
0x26d: {  	_ =	swait.ge [sflag:s23], $0x2800  }
0x26e: {  	[sflag:s23] =	ssyncset.done $0x0  }
0x26f: {  	[sflag:s23] =	ssyncadd.s32 $0xFFFFD800  }
0x270: {  	_ =	swait.ge [sflag:s23], $0x2800  }
0x271: {  	[sflag:s23] =	ssyncset.done $0x0  }
0x272: {  	s0 =	simm.s32 $0x1180;
	[sflag:s23] =	ssyncadd.s32 $0xFFFFD800  }
0x273: {  	v0 =	vld [tilespmem:s0+$0xFFFFFF40]  }
0x274: {  	v1 =	vld [tilespmem:s0+$0xFFFFFEC0];
	_ =	sdelay $0x1  }
0x275: {  	v2 =	vld [tilespmem:s0+$0xFFFFFFC0];
	_ =	sdelay $0x1  }
0x276: {  	v3 =	vld [tilespmem:s0+$0x40]  }
0x277: {  	v0 =	vadd.f32 v0, v1  }
0x278: {  	v1 =	vld [tilespmem:s0+$0xC0]  }
0x279: {  	v0 =	vadd.f32 v2, v0;
	_ =	sdelay $0x1  }
0x27a: {  	v0 =	vadd.f32 v3, v0;
	_ =	sdelay $0x1  }
0x27b: {  	v0 =	vadd.f32 v1, v0  }
0x27c: {  	s1 =	simm.s32 $0x0  }
0x27d: {  	[tilespmem:s1+$0x15040] =	vst v0  }
0x27e: {  	v0 =	vld [tilespmem:s0+$0xFFFFFED0]  }
0x27f: {  	v1 =	vld [tilespmem:s0+$0xFFFFFF50];
	_ =	sdelay $0x1  }
0x280: {  	v2 =	vld [tilespmem:s0+$0xFFFFFFD0];
	_ =	sdelay $0x1  }
0x281: {  	v3 =	vld [tilespmem:s0+$0x50]  }
0x282: {  	v0 =	vadd.f32 v1, v0  }
0x283: {  	v1 =	vld [tilespmem:s0+$0xD0]  }
0x284: {  	v0 =	vadd.f32 v2, v0;
	_ =	sdelay $0x1  }
0x285: {  	v0 =	vadd.f32 v3, v0;
	_ =	sdelay $0x1  }
0x286: {  	v0 =	vadd.f32 v1, v0;
	_ =	sdelay $0x1  }
0x287: {  	[tilespmem:s1+$0x15050] =	vst v0  }
0x288: {  	v0 =	vld [tilespmem:s0+$0xFFFFFEE0]  }
0x289: {  	v1 =	vld [tilespmem:s0+$0xFFFFFF60];
	_ =	sdelay $0x1  }
0x28a: {  	v2 =	vld [tilespmem:s0+$0xFFFFFFE0];
	_ =	sdelay $0x1  }
0x28b: {  	v3 =	vld [tilespmem:s0+$0x60]  }
0x28c: {  	v0 =	vadd.f32 v1, v0  }
0x28d: {  	v1 =	vld [tilespmem:s0+$0xE0]  }
0x28e: {  	v0 =	vadd.f32 v2, v0;
	_ =	sdelay $0x1  }
0x28f: {  	v0 =	vadd.f32 v3, v0;
	_ =	sdelay $0x1  }
0x290: {  	v0 =	vadd.f32 v1, v0;
	_ =	sdelay $0x1  }
0x291: {  	[tilespmem:s1+$0x15060] =	vst v0  }
0x292: {  	v0 =	vld [tilespmem:s0+$0xFFFFFEF0]  }
0x293: {  	v1 =	vld [tilespmem:s0+$0xFFFFFF70];
	_ =	sdelay $0x1  }
0x294: {  	v2 =	vld [tilespmem:s0+$0xFFFFFFF0];
	_ =	sdelay $0x1  }
0x295: {  	v3 =	vld [tilespmem:s0+$0x70]  }
0x296: {  	v0 =	vadd.f32 v1, v0  }
0x297: {  	v1 =	vld [tilespmem:s0+$0xF0]  }
0x298: {  	v0 =	vadd.f32 v2, v0;
	_ =	sdelay $0x1  }
0x299: {  	v0 =	vadd.f32 v3, v0;
	_ =	sdelay $0x1  }
0x29a: {  	v0 =	vadd.f32 v1, v0;
	_ =	sdelay $0x1  }
0x29b: {  	[tilespmem:s1+$0x15070] =	vst v0  }
0x29c: {  	v0 =	vld [tilespmem:s0+$0xFFFFFF00]  }
0x29d: {  	v1 =	vld [tilespmem:s0+$0xFFFFFF80];
	_ =	sdelay $0x1  }
0x29e: {  	v2 =	vld [tilespmem:s0+$0x0];
	_ =	sdelay $0x1  }
0x29f: {  	v3 =	vld [tilespmem:s0+$0x80]  }
0x2a0: {  	v0 =	vadd.f32 v1, v0  }
0x2a1: {  	v1 =	vld [tilespmem:s0+$0x100]  }
0x2a2: {  	v0 =	vadd.f32 v2, v0;
	_ =	sdelay $0x1  }
0x2a3: {  	v0 =	vadd.f32 v3, v0;
	_ =	sdelay $0x1  }
0x2a4: {  	v0 =	vadd.f32 v1, v0;
	_ =	sdelay $0x1  }
0x2a5: {  	[tilespmem:s1+$0x15080] =	vst v0  }
0x2a6: {  	v0 =	vld [tilespmem:s0+$0xFFFFFF10]  }
0x2a7: {  	v1 =	vld [tilespmem:s0+$0xFFFFFF90];
	_ =	sdelay $0x1  }
0x2a8: {  	v2 =	vld [tilespmem:s0+$0x10];
	_ =	sdelay $0x1  }
0x2a9: {  	v3 =	vld [tilespmem:s0+$0x90]  }
0x2aa: {  	v0 =	vadd.f32 v1, v0  }
0x2ab: {  	v1 =	vld [tilespmem:s0+$0x110]  }
0x2ac: {  	v0 =	vadd.f32 v2, v0;
	_ =	sdelay $0x1  }
0x2ad: {  	v0 =	vadd.f32 v3, v0;
	_ =	sdelay $0x1  }
0x2ae: {  	v0 =	vadd.f32 v1, v0;
	_ =	sdelay $0x1  }
0x2af: {  	[tilespmem:s1+$0x15090] =	vst v0  }
0x2b0: {  	v0 =	vld [tilespmem:s0+$0xFFFFFF20]  }
0x2b1: {  	v1 =	vld [tilespmem:s0+$0xFFFFFFA0];
	_ =	sdelay $0x1  }
0x2b2: {  	v2 =	vld [tilespmem:s0+$0x20];
	_ =	sdelay $0x1  }
0x2b3: {  	v3 =	vld [tilespmem:s0+$0xA0]  }
0x2b4: {  	v0 =	vadd.f32 v1, v0  }
0x2b5: {  	v1 =	vld [tilespmem:s0+$0x120]  }
0x2b6: {  	v0 =	vadd.f32 v2, v0;
	_ =	sdelay $0x1  }
0x2b7: {  	v0 =	vadd.f32 v3, v0;
	_ =	sdelay $0x1  }
0x2b8: {  	v0 =	vadd.f32 v1, v0;
	_ =	sdelay $0x1  }
0x2b9: {  	[tilespmem:s1+$0x150A0] =	vst v0  }
0x2ba: {  	v3 =	vld [tilespmem:s0+$0xFFFFFF30]  }
0x2bb: {  	v4 =	vld [tilespmem:s0+$0xFFFFFFB0]  }
0x2bc: {  	v2 =	vld [tilespmem:s0+$0x30]  }
0x2bd: {  	v0 =	vld [tilespmem:s0+$0xB0]  }
0x2be: {  	s15 =	simm.s32 $0x200;
	v1 =	vld [tilespmem:s0+$0x130]  }
.LBB2_10:
0x2bf: {  	p0 =	sne.s32 s15, $0x7E00  }
0x2c0: {  	s0 =	sadd.s32 $0x280, s0;
	s6 =	smov.u32 s15;
	s15 =	sadd.s32 $0x200, s15;
	v3 =	vadd.f32 v4, v3  }
0x2c1: {  	_ = 	snop  }
0x2c2: {  	v2 =	vadd.f32 v2, v3;
	_ =	sdelay $0x1  }
0x2c3: {  	v0 =	vadd.f32 v0, v2;
	_ =	sdelay $0x1  }
0x2c4: {  	v0 =	vadd.f32 v1, v0;
	_ =	sdelay $0x1  }
0x2c5: {  	[tilespmem:s1+$0x150B0] =	vst v0  }
0x2c6: {  	v0 =	vld [tilespmem:s0+$0xFFFFFF40]  }
0x2c7: {  	v1 =	vld [tilespmem:s0+$0xFFFFFEC0]  }
0x2c8: {  	v2 =	vld [tilespmem:s0+$0xFFFFFFC0];
	_ =	sdelay $0x2  }
0x2c9: {  	v3 =	vld [tilespmem:s0+$0x40]  }
0x2ca: {  	v0 =	vadd.f32 v0, v1  }
0x2cb: {  	v1 =	vld [tilespmem:s0+$0xC0]  }
0x2cc: {  	v0 =	vadd.f32 v2, v0;
	_ =	sdelay $0x1  }
0x2cd: {  	v0 =	vadd.f32 v3, v0;
	_ =	sdelay $0x1  }
0x2ce: {  	v0 =	vadd.f32 v1, v0  }
0x2cf: {  	s1 =	sshra.s32 s6, $0x2  }
0x2d0: {  	[tilespmem:s1+$0x15040] =	vst v0  }
0x2d1: {  	v0 =	vld [tilespmem:s0+$0xFFFFFED0]  }
0x2d2: {  	v1 =	vld [tilespmem:s0+$0xFFFFFF50];
	_ =	sdelay $0x1  }
0x2d3: {  	v2 =	vld [tilespmem:s0+$0xFFFFFFD0];
	_ =	sdelay $0x1  }
0x2d4: {  	v3 =	vld [tilespmem:s0+$0x50]  }
0x2d5: {  	v0 =	vadd.f32 v1, v0  }
0x2d6: {  	v1 =	vld [tilespmem:s0+$0xD0]  }
0x2d7: {  	v0 =	vadd.f32 v2, v0;
	_ =	sdelay $0x1  }
0x2d8: {  	v0 =	vadd.f32 v3, v0;
	_ =	sdelay $0x1  }
0x2d9: {  	v0 =	vadd.f32 v1, v0;
	_ =	sdelay $0x1  }
0x2da: {  	[tilespmem:s1+$0x15050] =	vst v0  }
0x2db: {  	v0 =	vld [tilespmem:s0+$0xFFFFFEE0]  }
0x2dc: {  	v1 =	vld [tilespmem:s0+$0xFFFFFF60];
	_ =	sdelay $0x1  }
0x2dd: {  	v2 =	vld [tilespmem:s0+$0xFFFFFFE0];
	_ =	sdelay $0x1  }
0x2de: {  	v3 =	vld [tilespmem:s0+$0x60]  }
0x2df: {  	v0 =	vadd.f32 v1, v0  }
0x2e0: {  	v1 =	vld [tilespmem:s0+$0xE0]  }
0x2e1: {  	v0 =	vadd.f32 v2, v0;
	_ =	sdelay $0x1  }
0x2e2: {  	v0 =	vadd.f32 v3, v0;
	_ =	sdelay $0x1  }
0x2e3: {  	v0 =	vadd.f32 v1, v0;
	_ =	sdelay $0x1  }
0x2e4: {  	[tilespmem:s1+$0x15060] =	vst v0  }
0x2e5: {  	v0 =	vld [tilespmem:s0+$0xFFFFFEF0]  }
0x2e6: {  	v1 =	vld [tilespmem:s0+$0xFFFFFF70];
	_ =	sdelay $0x1  }
0x2e7: {  	v2 =	vld [tilespmem:s0+$0xFFFFFFF0];
	_ =	sdelay $0x1  }
0x2e8: {  	v3 =	vld [tilespmem:s0+$0x70]  }
0x2e9: {  	v0 =	vadd.f32 v1, v0  }
0x2ea: {  	v1 =	vld [tilespmem:s0+$0xF0]  }
0x2eb: {  	v0 =	vadd.f32 v2, v0;
	_ =	sdelay $0x1  }
0x2ec: {  	v0 =	vadd.f32 v3, v0;
	_ =	sdelay $0x1  }
0x2ed: {  	v0 =	vadd.f32 v1, v0;
	_ =	sdelay $0x1  }
0x2ee: {  	[tilespmem:s1+$0x15070] =	vst v0  }
0x2ef: {  	v0 =	vld [tilespmem:s0+$0xFFFFFF00]  }
0x2f0: {  	v1 =	vld [tilespmem:s0+$0xFFFFFF80];
	_ =	sdelay $0x1  }
0x2f1: {  	v2 =	vld [tilespmem:s0+$0x0];
	_ =	sdelay $0x1  }
0x2f2: {  	v3 =	vld [tilespmem:s0+$0x80]  }
0x2f3: {  	v0 =	vadd.f32 v1, v0  }
0x2f4: {  	v1 =	vld [tilespmem:s0+$0x100]  }
0x2f5: {  	v0 =	vadd.f32 v2, v0;
	_ =	sdelay $0x1  }
0x2f6: {  	v0 =	vadd.f32 v3, v0;
	_ =	sdelay $0x1  }
0x2f7: {  	v0 =	vadd.f32 v1, v0;
	_ =	sdelay $0x1  }
0x2f8: {  	[tilespmem:s1+$0x15080] =	vst v0  }
0x2f9: {  	v0 =	vld [tilespmem:s0+$0xFFFFFF10]  }
0x2fa: {  	v1 =	vld [tilespmem:s0+$0xFFFFFF90]  }
0x2fb: {  	v2 =	vld [tilespmem:s0+$0x10]  }
0x2fc: {  	v3 =	vld [tilespmem:s0+$0x90]  }
0x2fd: {  	v4 =	vld [tilespmem:s0+$0x110];
	_ =	sdelay $0x1  }
0x2fe: {  	v0 =	vadd.f32 v1, v0;
	_ =	sdelay $0x1  }
0x2ff: {  	v0 =	vadd.f32 v2, v0;
	_ =	sdelay $0x1  }
0x300: {  	v0 =	vadd.f32 v3, v0;
	_ =	sdelay $0x1  }
0x301: {  	v0 =	vadd.f32 v4, v0;
	_ =	sdelay $0x1  }
0x302: {  	[tilespmem:s1+$0x15090] =	vst v0  }
0x303: {  	v0 =	vld [tilespmem:s0+$0xFFFFFF20]  }
0x304: {  	v1 =	vld [tilespmem:s0+$0xFFFFFFA0]  }
0x305: {  	v2 =	vld [tilespmem:s0+$0x20]  }
0x306: {  	v3 =	vld [tilespmem:s0+$0xA0]  }
0x307: {  	v4 =	vld [tilespmem:s0+$0x120];
	_ =	sdelay $0x1  }
0x308: {  	v0 =	vadd.f32 v1, v0;
	_ =	sdelay $0x1  }
0x309: {  	v0 =	vadd.f32 v2, v0;
	_ =	sdelay $0x1  }
0x30a: {  	v0 =	vadd.f32 v3, v0;
	_ =	sdelay $0x1  }
0x30b: {  	v0 =	vadd.f32 v4, v0;
	_ =	sdelay $0x1  }
0x30c: {  	[tilespmem:s1+$0x150A0] =	vst v0  }
.Ltmp4:
0x30d: {  	v3 =	vld [tilespmem:s0+$0xFFFFFF30];
	(pc) =	sbr.rel @p0 .LBB2_10-.Ltmp4, $4  }
0x30e: {  	v4 =	vld [tilespmem:s0+$0xFFFFFFB0]  }
0x30f: {  	v2 =	vld [tilespmem:s0+$0x30]  }
0x310: {  	v0 =	vld [tilespmem:s0+$0xB0]  }
0x311: {  	v1 =	vld [tilespmem:s0+$0x130]  }
0x312: {  	_ = 	snop  }
0x313: {  	v3 =	vadd.f32 v4, v3;
	_ =	sdelay $0x1  }
0x314: {  	v2 =	vadd.f32 v2, v3;
	_ =	sdelay $0x1  }
0x315: {  	v0 =	vadd.f32 v0, v2;
	_ =	sdelay $0x1  }
0x316: {  	s30 =	sadd.s32 $0x1, s30;
	v0 =	vadd.f32 v1, v0  }
0x317: {  	p0 =	sne.s32 s30, s10  }
.Ltmp5:
0x318: {  	[tilespmem:s1+$0x150B0] =	vst v0;
	(pc) =	sbr.rel @p0 .LBB2_1-.Ltmp5, $4  }
0x319: {  	[hbm4b:s9+s2] =	stream.linear.scatter [tilespmem:s24], [sflag:$0x5], $0x2000, $0x38;
	[tilespmem:$0x19040] =	vst v63  }
0x31a: {  	_ =	swait.ge [sflag:s11], $0x2000  }
0x31b: {  	[sflag:s11] =	ssyncset.done $0x0  }
0x31c: {  	[sflag:s11] =	ssyncadd.s32 $0xFFFFE000  }
0x31d: {  	_ =	sfence.sel $0x180000  }
0x31e: {  	[bflag:$0x0] =	sbarrier.arrive $0xFFFF  }
0x31f: {  	_ =	strace $0x9000004A  }
0x320: {  	s0 =	stileid.u32;
	[bflag:$0x2] =	sbarrier.arrive $0xFFFF  }
0x321: {  	p0 =	sne.s32 s0, $0x0;
	s0 =	rddreg [dreg:$0x1]  }
0x322: {  	s0 =	sadd.s32 @!p0 $0x100000, s0  }
0x323: {  	[sflag:s0] =	ssyncadd.tile.s32 @!p0 $0x1;
	_ =	shalt  }
.Lfunc_end2:
_tile_overlayer_lowered:
.L_overlay_start_2:
0x324: {  	(tag) =	ssettag $0x2  }
0x325: {  	s0 =	rddreg [dreg:$0x0];
	s2 =	stileid.u32  }
0x326: {  	s1 =	rddreg [dreg:$0x1];
	p0 =	sne.s32 s2, $0x0  }
0x327: {  	s3 =	rddreg [dreg:$0x2];
	[bflag:$0x3] =	sbarrier.arrive $0xFFFF;
	s2 =	simm.s32 @!p0 $0x1C05  }
0x328: {  	[timem:s3], [sflag:s2] =	dma.local @!p0 [hbm:s0], s1  }
0x329: {  	s0 =	simm.s32 @!p0 $0x5  }
0x32a: {  	_ =	swait.ge @!p0 [sflag:s0], s1  }
0x32b: {  	s1 =	ssub.s32 @!p0 $0x0, s1;
	[sflag:s0] =	ssyncset.done @!p0 $0x0  }
0x32c: {  	[sflag:s0] =	ssyncadd.s32 @!p0 s1  }
0x32d: {  	[bflag:$0x3] =	sbarrier.arrive $0xFFFF  }
0x32e: {  	_ =	shalt  }

// kernel: kernel.7.cloned.1.call-start
scs
__scs_entry_jumppad:
0x0: {  	(pc) =	sbr.rel $0x88, $3  }
0x1: {  	(tag) =	ssettag $0x0;
	lr =	simm.s32 $0x1  }
0x2: {  	[smem:$0x3F92] =	sst lr;
	_ =	strace $0xD0000000  }
0x3: {  	_ = 	snop  }
0x4: {  	_ = 	snop  }
0x5: {  	_ = 	snop  }
0x6: {  	_ = 	snop  }
0x7: {  	_ = 	snop  }
__scs_overlays_trampoline_lowered:
0x8: {  	[smem:$0x3FA1] =	sst s0  }
0x9: {  	[smem:$0x3FA2] =	sst s1  }
0xa: {  	[smem:$0x3FA3] =	sst s2  }
0xb: {  	[smem:$0x3FA4] =	sst s3  }
0xc: {  	[smem:$0x3FA5] =	sst s4  }
0xd: {  	[smem:$0x3FA6] =	sst s5  }
0xe: {  	[smem:$0x3FA7] =	sst s6  }
0xf: {  	[smem:$0x3FA8] =	sst s7  }
0x10: {  	[smem:$0x3FA9] =	sst s8  }
0x11: {  	[smem:$0x3FAA] =	sst s9;
	s0 =	simm.s32 @!p0 $0x0  }
0x12: {  	s1 =	sld [smem:$0x3F90];
	s0 =	simm.s32 @p0 $0x1  }
0x13: {  	[smem:$0x3FAB] =	sst s0;
	s0 =	simm.s32 @!p1 $0x0  }
0x14: {  	s2 =	sld [smem:$0x3F8F];
	s0 =	simm.s32 @p1 $0x1  }
0x15: {  	[smem:$0x3FAC] =	sst s0;
	s0 =	simm.s32 @!p2 $0x0  }
0x16: {  	s3 =	sld [smem:$0x3FDB];
	s0 =	simm.s32 @p2 $0x1  }
0x17: {  	s4 =	simm.s32 $0x1BF5;
	[smem:$0x3FAE] =	sst s0  }
0x18: {  	s0 =	sld [smem:$0x3F91];
	_ =	swait.ge [sflag:s4], $0x0  }
0x19: {  	s7 =	sld [smem:$0x3F92]  }
0x1a: {  	s8 =	sadd.s32 $0xFFFFE003, lr  }
0x1b: {  	s9 =	sadd.s32 $0xFFFFFEF7, lr;
	s5 =	simm.s32 $0xFFFFFFFF;
	p2 =	slt.u32 s8, $0xFFFFF086  }
0x1c: {  	p1 =	slt.u32 s9, $0xF7A;
	s5 =	simm.s32 @!p2 $0x0  }
0x1d: {  	s5 =	simm.s32 @p1 $0x1;
	p0 =	seq.s32 s7, s2  }
0x1e: {  	s7 =	smul.u32 @!p0 $0xF7A, s2;
	p2 =	seq.s32 @!p0 s5, $0x0  }
0x1f: {  	s9 =	smul.u32 $0xF7A, s1;
	s8 =	simm.s32 @!p0 $0x1BF5;
	p2 =	por !p2, p0  }
0x20: {  	[sflag:s8] =	ssyncset.s32 @!p0 $0xFFFFF086;
	s6 =	sadd.s32 @!p0 s3, s7;
	s7 =	simm.s32 @!p0 $0x108  }
0x21: {  	s3 =	sadd.s32 s3, s9;
	s6 =	sadd.s32 @!p0 $0x88, s6;
	s7 =	simm.s32 @p2 $0x1082  }
0x22: {  	[simem:s7], [sflag:s8] =	dma.local @!p0 [hbm:s6], $0xF7A  }
0x23: {  	s9 =	sor.u32 $0xD0000000, s2;
	s6 =	simm.s32 $0x108;
	_ =	swait.ge @!p0 [sflag:s8], $0x0  }
0x24: {  	s3 =	sadd.s32 $0x88, s3;
	s6 =	simm.s32 @!p1 $0x1082;
	[sflag:s4] =	ssyncset.s32 $0xFFFFF086  }
0x25: {  	[simem:s6], [sflag:s4] =	dma.local [hbm:s3], $0xF7A  }
0x26: {  	[smem:$0x3F92] =	sst s1;
	(tag) =	ssettag s2;
	_ =	strace s9  }
0x27: {  	s1 =	sld [smem:$0x3FA2]  }
0x28: {  	s2 =	sld [smem:$0x3FA3]  }
0x29: {  	s4 =	sld [smem:$0x3FA5]  }
0x2a: {  	p0 =	seq.s32 s5, $0x0;
	s5 =	sld [smem:$0x3FA6]  }
0x2b: {  	s6 =	sld [smem:$0x3FA7]  }
0x2c: {  	s7 =	sld [smem:$0x3FA8]  }
0x2d: {  	s3 =	simm.s32 $0x108;
	s8 =	sld [smem:$0x3FA9]  }
0x2e: {  	s3 =	simm.s32 @!p0 $0x1082;
	s9 =	sld [smem:$0x3FAA]  }
0x2f: {  	lr =	sadd.s32 s0, s3;
	s0 =	sld [smem:$0x3FA1]  }
0x30: {  	s3 =	sld [smem:$0x3FA4]  }
0x31: {  	[smem:$0x3FAD] =	sst s10  }
0x32: {  	s10 =	sld [smem:$0x3FAB];
	_ =	sdelay $0x3  }
0x33: {  	p0 =	seq.s32 s10, $0x1;
	s10 =	sld [smem:$0x3FAD];
	_ =	sdelay $0x3  }
0x34: {  	[smem:$0x3FAD] =	sst s10  }
0x35: {  	s10 =	sld [smem:$0x3FAC];
	_ =	sdelay $0x3  }
0x36: {  	p1 =	seq.s32 s10, $0x1;
	s10 =	sld [smem:$0x3FAD];
	_ =	sdelay $0x3  }
0x37: {  	[smem:$0x3FAD] =	sst s10  }
0x38: {  	s10 =	sld [smem:$0x3FAE]  }
0x39: {  	_ = 	snop;
	(pc) =	sbr.ind lr, $3  }
0x3a: {  	_ = 	snop  }
0x3b: {  	_ = 	snop  }
0x3c: {  	p2 =	seq.s32 s10, $0x1;
	s10 =	sld [smem:$0x3FAD]  }
0x3d: {  	_ =	shalt  }
0x3e: {  	_ =	shalt  }
0x3f: {  	_ =	shalt  }
0x40: {  	_ =	shalt  }
0x41: {  	_ =	shalt  }
0x42: {  	_ =	shalt  }
0x43: {  	_ =	shalt  }
0x44: {  	_ =	shalt  }
0x45: {  	_ =	shalt  }
0x46: {  	_ =	shalt  }
0x47: {  	_ =	shalt  }
0x48: {  	_ =	shalt  }
0x49: {  	_ =	shalt  }
0x4a: {  	_ =	shalt  }
0x4b: {  	_ =	shalt  }
0x4c: {  	_ =	shalt  }
0x4d: {  	_ =	shalt  }
0x4e: {  	_ =	shalt  }
0x4f: {  	_ =	shalt  }
0x50: {  	_ =	shalt  }
0x51: {  	_ =	shalt  }
0x52: {  	_ =	shalt  }
0x53: {  	_ =	shalt  }
0x54: {  	_ =	shalt  }
0x55: {  	_ =	shalt  }
0x56: {  	_ =	shalt  }
0x57: {  	_ =	shalt  }
0x58: {  	_ =	shalt  }
0x59: {  	_ =	shalt  }
0x5a: {  	_ =	shalt  }
0x5b: {  	_ =	shalt  }
0x5c: {  	_ =	shalt  }
0x5d: {  	_ =	shalt  }
0x5e: {  	_ =	shalt  }
0x5f: {  	_ =	shalt  }
0x60: {  	_ =	shalt  }
0x61: {  	_ =	shalt  }
0x62: {  	_ =	shalt  }
0x63: {  	_ =	shalt  }
0x64: {  	_ =	shalt  }
0x65: {  	_ =	shalt  }
0x66: {  	_ =	shalt  }
0x67: {  	_ =	shalt  }
0x68: {  	_ =	shalt  }
0x69: {  	_ =	shalt  }
0x6a: {  	_ =	shalt  }
0x6b: {  	_ =	shalt  }
0x6c: {  	_ =	shalt  }
0x6d: {  	_ =	shalt  }
0x6e: {  	_ =	shalt  }
0x6f: {  	_ =	shalt  }
0x70: {  	_ =	shalt  }
0x71: {  	_ =	shalt  }
0x72: {  	_ =	shalt  }
0x73: {  	_ =	shalt  }
0x74: {  	_ =	shalt  }
0x75: {  	_ =	shalt  }
0x76: {  	_ =	shalt  }
0x77: {  	_ =	shalt  }
0x78: {  	_ =	shalt  }
0x79: {  	_ =	shalt  }
0x7a: {  	_ =	shalt  }
0x7b: {  	_ =	shalt  }
0x7c: {  	_ =	shalt  }
0x7d: {  	_ =	shalt  }
0x7e: {  	_ =	shalt  }
0x7f: {  	_ =	shalt  }
0x80: {  	_ =	shalt  }
0x81: {  	_ =	shalt  }
0x82: {  	_ =	shalt  }
0x83: {  	_ =	shalt  }
0x84: {  	_ =	shalt  }
0x85: {  	_ =	shalt  }
0x86: {  	_ =	shalt  }
0x87: {  	_ =	shalt  }
.Lfunc_end0:
.L_simem_size_0:
called_computation_lowered:
.L_overlay_start_0:
0x88: {  	s2 =	sld [smem:$0x3FD9]  }
0x89: {  	s3 =	sld [smem:$0x3FFE];
	_ =	sdelay $0x1  }
0x8a: {  	s1 =	srdreg.scid  }
0x8b: {  	s0 =	sand.u32 $0x1, s1  }
0x8c: {  	s14 =	sshll.u32 s0, $0xA;
	s2 =	sadd.s32 s3, s2  }
0x8d: {  	s2 =	sadd.s32 s2, s14  }
0x8e: {  	[smem:$0x3FB9] =	sst s2  }
0x8f: {  	_ = 	snop  }
0x90: {  	s2 =	sld [smem:$0x3FD0];
	_ =	sdelay $0x2  }
0x91: {  	s15 =	simm.s32 $0xB;
	s4 =	simm.s32 $0x10  }
0x92: {  	[smem:s4], [sflag:s15] =	dma.local [hbm:s2], $0x1  }
0x93: {  	_ =	swait.eq [sflag:s15], $0x1  }
0x94: {  	[sflag:s15] =	ssyncset.done $0x0  }
0x95: {  	[sflag:s15] =	ssyncadd.s32 $0xFFFFFFFF  }
0x96: {  	s16 =	sld [smem:$0x11];
	(tm) =	ssettm $0x1  }
0x97: {  	s17 =	sld [smem:$0x3FFB];
	_ =	sdelay $0x3  }
0x98: {  	_ =	strace s17  }
0x99: {  	s3 =	sld [smem:$0x3FFC];
	_ =	sdelay $0x3  }
0x9a: {  	_ =	strace s3  }
0x9b: {  	s3 =	sld [smem:$0x3FFD];
	_ =	sdelay $0x3  }
0x9c: {  	_ =	strace s3  }
0x9d: {  	_ =	strace $0x8FFFFFFF  }
0x9e: {  	s18 =	sld [smem:$0x3FDB];
	_ =	sdelay $0x1  }
0x9f: {  	s19 =	simm.s32 $_scs_section_size  }
0xa0: {  	s5 =	simm.s32 $_size__tile_overlayer_lowered;
	s6 =	simm.s32 $_tile_overlayer_lowered  }
0xa1: {  	s22 =	simm.s32 $0x1BFF;
	s21 =	sshll.u32 s6, $0x1;
	s3 =	sadd.s32 s19, s18  }
0xa2: {  	s7 =	simm.s32 $0x0;
	s20 =	sshll.u32 s5, $0x1;
	s5 =	sadd.s32 s21, s3  }
0xa3: {  	[timem:s7], [sflag:s22] =	dma.local [hbm:s5], s20  }
0xa4: {  	_ =	swait.ge [sflag:s22], s20  }
0xa5: {  	s4 =	ssub.s32 $0x0, s20;
	[sflag:s22] =	ssyncset.done $0x0  }
0xa6: {  	[sflag:s22] =	ssyncadd.s32 s4;
	_ =	sdelay $0x1  }
0xa7: {  	s23 =	simm.s32 $0x1B8B  }
0xa8: {  	_ =	swait.ge [sflag:s23], $0x1  }
0xa9: {  	[sflag:s23] =	ssyncset.done $0x0  }
0xaa: {  	s25 =	simm.s32 $0x1B8E;
	s24 =	sld [smem:$0x3FFE];
	[sflag:s23] =	ssyncadd.s32 $0xFFFFFFFF  }
0xab: {  	s26 =	simm.s32 $execute0_lowered;
	[smem:$0x3FD2] =	sst s25  }
0xac: {  	s5 =	sshll.u32 s26, $0x1;
	_ =	strace $0x80000046;
	[dreg:$0x1] =	wrdreg $0xFFFFFFFF  }
0xad: {  	s28 =	simm.s32 $_size_execute0_lowered;
	s3 =	sadd.s32 s3, s5;
	[dreg:$0x0] =	wrdreg $0x0  }
0xae: {  	s5 =	sshll.u32 s28, $0x1;
	[dreg:$0x2] =	wrdreg s3  }
0xaf: {  	[dreg:$0x3] =	wrdreg s5  }
0xb0: {  	[dreg:$0x4] =	wrdreg $0xC0  }
0xb1: {  	_ =	task [dreg:s7], $0x5FFFF  }
0xb2: {  	[dreg:$0x1] =	wrdreg $0xFFFFFFFF  }
0xb3: {  	[dreg:$0x0] =	wrdreg $0x60  }
0xb4: {  	[dreg:$0x2] =	wrdreg s24  }
0xb5: {  	[dreg:$0x3] =	wrdreg s16  }
0xb6: {  	[dreg:$0x4] =	wrdreg $0x9  }
0xb7: {  	_ =	task.clear_ibuf [dreg:s7], $0x5FFFF;
	_ =	strace $0x90000046  }
0xb8: {  	s29 =	simm.s32 $0x9;
	_ =	strace $0x80000048  }
0xb9: {  	_ =	swait.ge [sflag:s29], $0x1  }
0xba: {  	[sflag:s29] =	ssyncadd.s32 $0xFFFFFFFF  }
0xbb: {  	_ =	strace $0x90000048  }
0xbc: {  	_ =	sfence  }
0xbd: {  	s30 =	sld [smem:$0x0];
	_ =	sdelay $0x2  }
0xbe: {  	s31 =	sshll.u32 s1, $0xD;
	s1 =	sshrl.u32 s1, $0x2  }
0xbf: {  	s3 =	sand.u32 $0x4000, s31;
	s1 =	sadd.s32 s1, s30  }
0xc0: {  	s0 =	sor.u32 s3, s0;
	s1 =	sshll.u32 s1, $0x11  }
0xc1: {  	s0 =	sor.u32 s1, s0  }
0xc2: {  	s0 =	sadd.s32 $0x8F2B, s0  }
0xc3: {  	[sflag:s0] =	ssyncadd.remote.s32 $0x1  }
0xc4: {  	_ =	sfence.sel $0xFFFF  }
0xc5: {  	[dreg:$0x0] =	wrdreg $0xFFFFFFFF;
	(pc) =	sbr.abs _section_cstart, $3  }
0xc6: {  	[dreg:$0x1] =	wrdreg $0xFFFFFFFF  }
0xc7: {  	_ =	task.clear_ibuf [dreg:s7], $0x2FFFF;
	_ =	strace $0x9FFFFFFF  }
0xc8: {  	(tm) =	ssettm $0x7FFFFFFF  }
0xc9: {  	_ =	shalt  }
tec
execute0_lowered:
.L_overlay_start_1:
0x0: {  	(tag) =	ssettag $0x1  }
0x1: {  	s0 =	srdreg.scid  }
0x2: {  	s2 =	stileid.u32;
	s1 =	rddreg [dreg:$0x0];
	s9 =	simm.s32 $0x5  }
0x3: {  	s10 =	simm.s32 $0x50;
	s11 =	simm.s32 $0x1040;
	s12 =	simm.s32 $0x3840  }
0x4: {  	s14 =	simm.s32 $0x6040;
	s15 =	simm.s32 $0xF0;
	s16 =	simm.s32 $0x8840  }
0x5: {  	s17 =	simm.s32 $0xB040;
	s18 =	simm.s32 $0xD840;
	s19 =	simm.s32 $0x10040  }
0x6: {  	s20 =	simm.s32 $0x12840;
	s21 =	simm.s32 $0x1;
	s22 =	simm.s32 $0x15040  }
0x7: {  	s23 =	simm.s32 $0x2;
	s0 =	sand.u32 $0x1, s0;
	s3 =	sshll.u32 s2, $0x1  }
0x8: {  	s24 =	simm.s32 $0x17040;
	s25 =	simm.s32 $0x3;
	s4 =	sor.u32 s0, s3  }
0x9: {  	s26 =	simm.s32 $0x4;
	s28 =	simm.s32 $0x0;
	s6 =	smul.u32 $0x208, s4  }
0xa: {  	s2 =	rddreg [dreg:$0x1];
	s3 =	simm.s32 $0x0;
	s4 =	smul.u32 $0x1A000, s4  }
0xb: {  	s5 =	sadd.s32 $0xCC00, s1;
	s0 =	ssub.s32 $0x2, s0;
	[smem:$0x7FF] =	sst s3  }
0xc: {  	s30 =	sshrl.u32 s0, $0x1;
	_ =	strace $0x80000047;
	s7 =	sshrl.u32 s4, $0x3  }
0xd: {  	s0 =	ssub.s32 s0, s30;
	s1 =	sadd.s32 s6, s1;
	s31 =	sadd.s32 s2, s7  }
0xe: {  	s8 =	smax.u32 s0, $0x1;
	s6 =	sadd.s32 $0x5800, s1;
	s7 =	sadd.s32 $0x3000, s31  }
.LBB2_1:
0xf: {  	[tilespmem:s3], [sflag:$0x5] =	stream.linear.gather [hbm4b:s6+s3], $0x1040, $0x38;
	[tilespmem:$0x19040] =	vst v63  }
0x10: {  	_ =	swait.ge [sflag:s9], $0x1040  }
0x11: {  	[sflag:s9] =	ssyncset.done $0x0  }
0x12: {  	[sflag:s9] =	ssyncadd.s32 $0xFFFFEFC0  }
0x13: {  	[tilespmem:s11], [sflag:$0x1] =	stream.indirect.gather [hbm4b:s5+s10], $0x80, s3, s10, $0xb8;
	[tilespmem:$0x19040] =	vst v63  }
0x14: {  	_ = 	snop  }
0x15: {  	[tilespmem:s12], [sflag:$0x1] =	stream.indirect.gather [hbm4b:s5+s10], $0x80, s10, s10, $0xb8;
	[tilespmem:$0x19040] =	vst v63  }
0x16: {  	s0 =	simm.s32 $0xA0  }
0x17: {  	[tilespmem:s14], [sflag:$0x1] =	stream.indirect.gather [hbm4b:s5+s10], $0x80, s0, s10, $0xb8;
	[tilespmem:$0x19040] =	vst v63  }
0x18: {  	s29 =	simm.s32 $0x0  }
0x19: {  	[tilespmem:s16], [sflag:$0x1] =	stream.indirect.gather [hbm4b:s5+s10], $0x80, s15, s10, $0xb8;
	[tilespmem:$0x19040] =	vst v63  }
.LBB2_2:
0x1a: {  	s30 =	sshllo.u32 s29, $0x1  }
0x1b: {  	s0 =	smul.u32 $0x500, s30;
	_ =	sdelay $0x1  }
0x1c: {  	s0 =	sshra.s32 s0, $0x2  }
0x1d: {  	[tilespmem:s17], [sflag:$0x2] =	stream.indirect.gather [hbm4b:s5+s10], $0x80, s0, s10, $0xb8;
	[tilespmem:$0x19040] =	vst v63  }
0x1e: {  	s1 =	sadd.s32 $0x50, s0  }
0x1f: {  	[tilespmem:s18], [sflag:$0x2] =	stream.indirect.gather [hbm4b:s5+s10], $0x80, s1, s10, $0xb8;
	[tilespmem:$0x19040] =	vst v63  }
0x20: {  	s13 =	sadd.s32 $0xA0, s0  }
0x21: {  	[tilespmem:s19], [sflag:$0x2] =	stream.indirect.gather [hbm4b:s5+s10], $0x80, s13, s10, $0xb8;
	[tilespmem:$0x19040] =	vst v63  }
0x22: {  	s0 =	sadd.s32 $0xF0, s0  }
0x23: {  	[tilespmem:s20], [sflag:$0x2] =	stream.indirect.gather [hbm4b:s5+s10], $0x80, s0, s10, $0xb8;
	[tilespmem:$0x19040] =	vst v63  }
0x24: {  	_ =	swait.ge [sflag:s21], $0x2800  }
0x25: {  	[sflag:s21] =	ssyncset.done $0x0  }
0x26: {  	[sflag:s21] =	ssyncadd.s32 $0xFFFFD800  }
0x27: {  	_ =	swait.ge [sflag:s21], $0x2800  }
0x28: {  	[sflag:s21] =	ssyncset.done $0x0  }
0x29: {  	[sflag:s21] =	ssyncadd.s32 $0xFFFFD800  }
0x2a: {  	_ =	swait.ge [sflag:s21], $0x2800  }
0x2b: {  	[sflag:s21] =	ssyncset.done $0x0  }
0x2c: {  	[sflag:s21] =	ssyncadd.s32 $0xFFFFD800  }
0x2d: {  	_ =	swait.ge [sflag:s21], $0x2800  }
0x2e: {  	p0 =	seq.s32 s29, $0x0;
	[sflag:s21] =	ssyncset.done $0x0  }
0x2f: {  	s0 =	simm.s32 @!p0 $0x3;
	[sflag:s21] =	ssyncadd.s32 $0xFFFFD800  }
0x30: {  	_ =	swait.ge @!p0 [sflag:s0], $0x2000  }
0x31: {  	[sflag:s0] =	ssyncset.done @!p0 $0x0  }
0x32: {  	s31 =	simm.s32 $0x1180;
	[sflag:s0] =	ssyncadd.s32 @!p0 $0xFFFFE000  }
0x33: {  	v0 =	vld [tilespmem:s31+$0xFFFFFF40]  }
0x34: {  	v1 =	vld [tilespmem:s31+$0xFFFFFEC0];
	_ =	sdelay $0x1  }
0x35: {  	v2 =	vld [tilespmem:s31+$0xFFFFFFC0];
	_ =	sdelay $0x1  }
0x36: {  	v3 =	vld [tilespmem:s31+$0x40]  }
0x37: {  	v0 =	vadd.f32 v0, v1  }
0x38: {  	v1 =	vld [tilespmem:s31+$0xC0]  }
0x39: {  	v0 =	vadd.f32 v2, v0;
	_ =	sdelay $0x1  }
0x3a: {  	v0 =	vadd.f32 v3, v0;
	_ =	sdelay $0x1  }
0x3b: {  	v0 =	vadd.f32 v1, v0  }
0x3c: {  	s1 =	simm.s32 $0x0  }
0x3d: {  	[tilespmem:s1+$0x15040] =	vst v0  }
0x3e: {  	v0 =	vld [tilespmem:s31+$0xFFFFFED0]  }
0x3f: {  	v1 =	vld [tilespmem:s31+$0xFFFFFF50];
	_ =	sdelay $0x1  }
0x40: {  	v2 =	vld [tilespmem:s31+$0xFFFFFFD0];
	_ =	sdelay $0x1  }
0x41: {  	v3 =	vld [tilespmem:s31+$0x50]  }
0x42: {  	v0 =	vadd.f32 v1, v0  }
0x43: {  	v1 =	vld [tilespmem:s31+$0xD0]  }
0x44: {  	v0 =	vadd.f32 v2, v0;
	_ =	sdelay $0x1  }
0x45: {  	v0 =	vadd.f32 v3, v0;
	_ =	sdelay $0x1  }
0x46: {  	v0 =	vadd.f32 v1, v0;
	_ =	sdelay $0x1  }
0x47: {  	[tilespmem:s1+$0x15050] =	vst v0  }
0x48: {  	v0 =	vld [tilespmem:s31+$0xFFFFFEE0]  }
0x49: {  	v1 =	vld [tilespmem:s31+$0xFFFFFF60];
	_ =	sdelay $0x1  }
0x4a: {  	v2 =	vld [tilespmem:s31+$0xFFFFFFE0];
	_ =	sdelay $0x1  }
0x4b: {  	v3 =	vld [tilespmem:s31+$0x60]  }
0x4c: {  	v0 =	vadd.f32 v1, v0  }
0x4d: {  	v1 =	vld [tilespmem:s31+$0xE0]  }
0x4e: {  	v0 =	vadd.f32 v2, v0;
	_ =	sdelay $0x1  }
0x4f: {  	v0 =	vadd.f32 v3, v0;
	_ =	sdelay $0x1  }
0x50: {  	v0 =	vadd.f32 v1, v0;
	_ =	sdelay $0x1  }
0x51: {  	[tilespmem:s1+$0x15060] =	vst v0  }
0x52: {  	v0 =	vld [tilespmem:s31+$0xFFFFFEF0]  }
0x53: {  	v1 =	vld [tilespmem:s31+$0xFFFFFF70];
	_ =	sdelay $0x1  }
0x54: {  	v2 =	vld [tilespmem:s31+$0xFFFFFFF0];
	_ =	sdelay $0x1  }
0x55: {  	v3 =	vld [tilespmem:s31+$0x70]  }
0x56: {  	v0 =	vadd.f32 v1, v0  }
0x57: {  	v1 =	vld [tilespmem:s31+$0xF0]  }
0x58: {  	v0 =	vadd.f32 v2, v0;
	_ =	sdelay $0x1  }
0x59: {  	v0 =	vadd.f32 v3, v0;
	_ =	sdelay $0x1  }
0x5a: {  	v0 =	vadd.f32 v1, v0;
	_ =	sdelay $0x1  }
0x5b: {  	[tilespmem:s1+$0x15070] =	vst v0  }
0x5c: {  	v0 =	vld [tilespmem:s31+$0xFFFFFF00]  }
0x5d: {  	v1 =	vld [tilespmem:s31+$0xFFFFFF80];
	_ =	sdelay $0x1  }
0x5e: {  	v2 =	vld [tilespmem:s31+$0x0];
	_ =	sdelay $0x1  }
0x5f: {  	v3 =	vld [tilespmem:s31+$0x80]  }
0x60: {  	v0 =	vadd.f32 v1, v0  }
0x61: {  	v1 =	vld [tilespmem:s31+$0x100]  }
0x62: {  	v0 =	vadd.f32 v2, v0;
	_ =	sdelay $0x1  }
0x63: {  	v0 =	vadd.f32 v3, v0;
	_ =	sdelay $0x1  }
0x64: {  	v0 =	vadd.f32 v1, v0;
	_ =	sdelay $0x1  }
0x65: {  	[tilespmem:s1+$0x15080] =	vst v0  }
0x66: {  	v0 =	vld [tilespmem:s31+$0xFFFFFF10]  }
0x67: {  	v1 =	vld [tilespmem:s31+$0xFFFFFF90];
	_ =	sdelay $0x1  }
0x68: {  	v2 =	vld [tilespmem:s31+$0x10];
	_ =	sdelay $0x1  }
0x69: {  	v3 =	vld [tilespmem:s31+$0x90]  }
0x6a: {  	v0 =	vadd.f32 v1, v0  }
0x6b: {  	v1 =	vld [tilespmem:s31+$0x110]  }
0x6c: {  	v0 =	vadd.f32 v2, v0;
	_ =	sdelay $0x1  }
0x6d: {  	v0 =	vadd.f32 v3, v0;
	_ =	sdelay $0x1  }
0x6e: {  	v0 =	vadd.f32 v1, v0;
	_ =	sdelay $0x1  }
0x6f: {  	[tilespmem:s1+$0x15090] =	vst v0  }
0x70: {  	v0 =	vld [tilespmem:s31+$0xFFFFFF20]  }
0x71: {  	v1 =	vld [tilespmem:s31+$0xFFFFFFA0];
	_ =	sdelay $0x1  }
0x72: {  	v2 =	vld [tilespmem:s31+$0x20];
	_ =	sdelay $0x1  }
0x73: {  	v3 =	vld [tilespmem:s31+$0xA0]  }
0x74: {  	v0 =	vadd.f32 v1, v0  }
0x75: {  	v1 =	vld [tilespmem:s31+$0x120]  }
0x76: {  	v0 =	vadd.f32 v2, v0;
	_ =	sdelay $0x1  }
0x77: {  	v0 =	vadd.f32 v3, v0;
	_ =	sdelay $0x1  }
0x78: {  	v0 =	vadd.f32 v1, v0;
	_ =	sdelay $0x1  }
0x79: {  	[tilespmem:s1+$0x150A0] =	vst v0  }
0x7a: {  	v3 =	vld [tilespmem:s31+$0xFFFFFF30]  }
0x7b: {  	v4 =	vld [tilespmem:s31+$0xFFFFFFB0]  }
0x7c: {  	v2 =	vld [tilespmem:s31+$0x30]  }
0x7d: {  	v1 =	vld [tilespmem:s31+$0xB0]  }
0x7e: {  	s0 =	simm.s32 $0x200;
	v0 =	vld [tilespmem:s31+$0x130]  }
.LBB2_3:
0x7f: {  	p1 =	sne.s32 s0, $0x7E00  }
0x80: {  	s31 =	sadd.s32 $0x280, s31;
	s13 =	smov.u32 s0;
	s0 =	sadd.s32 $0x200, s0;
	v3 =	vadd.f32 v4, v3  }
0x81: {  	_ = 	snop  }
0x82: {  	v2 =	vadd.f32 v2, v3;
	_ =	sdelay $0x1  }
0x83: {  	v1 =	vadd.f32 v1, v2;
	_ =	sdelay $0x1  }
0x84: {  	v0 =	vadd.f32 v0, v1;
	_ =	sdelay $0x1  }
0x85: {  	[tilespmem:s1+$0x150B0] =	vst v0  }
0x86: {  	v0 =	vld [tilespmem:s31+$0xFFFFFF40]  }
0x87: {  	v1 =	vld [tilespmem:s31+$0xFFFFFEC0]  }
0x88: {  	v2 =	vld [tilespmem:s31+$0xFFFFFFC0];
	_ =	sdelay $0x2  }
0x89: {  	v3 =	vld [tilespmem:s31+$0x40]  }
0x8a: {  	v0 =	vadd.f32 v0, v1  }
0x8b: {  	v1 =	vld [tilespmem:s31+$0xC0]  }
0x8c: {  	v0 =	vadd.f32 v2, v0;
	_ =	sdelay $0x1  }
0x8d: {  	v0 =	vadd.f32 v3, v0;
	_ =	sdelay $0x1  }
0x8e: {  	v0 =	vadd.f32 v1, v0  }
0x8f: {  	s1 =	sshra.s32 s13, $0x2  }
0x90: {  	[tilespmem:s1+$0x15040] =	vst v0  }
0x91: {  	v0 =	vld [tilespmem:s31+$0xFFFFFED0]  }
0x92: {  	v1 =	vld [tilespmem:s31+$0xFFFFFF50];
	_ =	sdelay $0x1  }
0x93: {  	v2 =	vld [tilespmem:s31+$0xFFFFFFD0];
	_ =	sdelay $0x1  }
0x94: {  	v3 =	vld [tilespmem:s31+$0x50]  }
0x95: {  	v0 =	vadd.f32 v1, v0  }
0x96: {  	v1 =	vld [tilespmem:s31+$0xD0]  }
0x97: {  	v0 =	vadd.f32 v2, v0;
	_ =	sdelay $0x1  }
0x98: {  	v0 =	vadd.f32 v3, v0;
	_ =	sdelay $0x1  }
0x99: {  	v0 =	vadd.f32 v1, v0;
	_ =	sdelay $0x1  }
0x9a: {  	[tilespmem:s1+$0x15050] =	vst v0  }
0x9b: {  	v0 =	vld [tilespmem:s31+$0xFFFFFEE0]  }
0x9c: {  	v1 =	vld [tilespmem:s31+$0xFFFFFF60];
	_ =	sdelay $0x1  }
0x9d: {  	v2 =	vld [tilespmem:s31+$0xFFFFFFE0];
	_ =	sdelay $0x1  }
0x9e: {  	v3 =	vld [tilespmem:s31+$0x60]  }
0x9f: {  	v0 =	vadd.f32 v1, v0  }
0xa0: {  	v1 =	vld [tilespmem:s31+$0xE0]  }
0xa1: {  	v0 =	vadd.f32 v2, v0;
	_ =	sdelay $0x1  }
0xa2: {  	v0 =	vadd.f32 v3, v0;
	_ =	sdelay $0x1  }
0xa3: {  	v0 =	vadd.f32 v1, v0;
	_ =	sdelay $0x1  }
0xa4: {  	[tilespmem:s1+$0x15060] =	vst v0  }
0xa5: {  	v0 =	vld [tilespmem:s31+$0xFFFFFEF0]  }
0xa6: {  	v1 =	vld [tilespmem:s31+$0xFFFFFF70];
	_ =	sdelay $0x1  }
0xa7: {  	v2 =	vld [tilespmem:s31+$0xFFFFFFF0];
	_ =	sdelay $0x1  }
0xa8: {  	v3 =	vld [tilespmem:s31+$0x70]  }
0xa9: {  	v0 =	vadd.f32 v1, v0  }
0xaa: {  	v1 =	vld [tilespmem:s31+$0xF0]  }
0xab: {  	v0 =	vadd.f32 v2, v0;
	_ =	sdelay $0x1  }
0xac: {  	v0 =	vadd.f32 v3, v0;
	_ =	sdelay $0x1  }
0xad: {  	v0 =	vadd.f32 v1, v0;
	_ =	sdelay $0x1  }
0xae: {  	[tilespmem:s1+$0x15070] =	vst v0  }
0xaf: {  	v0 =	vld [tilespmem:s31+$0xFFFFFF00]  }
0xb0: {  	v1 =	vld [tilespmem:s31+$0xFFFFFF80];
	_ =	sdelay $0x1  }
0xb1: {  	v2 =	vld [tilespmem:s31+$0x0];
	_ =	sdelay $0x1  }
0xb2: {  	v3 =	vld [tilespmem:s31+$0x80]  }
0xb3: {  	v0 =	vadd.f32 v1, v0  }
0xb4: {  	v1 =	vld [tilespmem:s31+$0x100]  }
0xb5: {  	v0 =	vadd.f32 v2, v0;
	_ =	sdelay $0x1  }
0xb6: {  	v0 =	vadd.f32 v3, v0;
	_ =	sdelay $0x1  }
0xb7: {  	v0 =	vadd.f32 v1, v0;
	_ =	sdelay $0x1  }
0xb8: {  	[tilespmem:s1+$0x15080] =	vst v0  }
0xb9: {  	v0 =	vld [tilespmem:s31+$0xFFFFFF10]  }
0xba: {  	v1 =	vld [tilespmem:s31+$0xFFFFFF90]  }
0xbb: {  	v2 =	vld [tilespmem:s31+$0x10]  }
0xbc: {  	v3 =	vld [tilespmem:s31+$0x90]  }
0xbd: {  	v4 =	vld [tilespmem:s31+$0x110];
	_ =	sdelay $0x1  }
0xbe: {  	v0 =	vadd.f32 v1, v0;
	_ =	sdelay $0x1  }
0xbf: {  	v0 =	vadd.f32 v2, v0;
	_ =	sdelay $0x1  }
0xc0: {  	v0 =	vadd.f32 v3, v0;
	_ =	sdelay $0x1  }
0xc1: {  	v0 =	vadd.f32 v4, v0;
	_ =	sdelay $0x1  }
0xc2: {  	[tilespmem:s1+$0x15090] =	vst v0  }
0xc3: {  	v0 =	vld [tilespmem:s31+$0xFFFFFF20]  }
0xc4: {  	v1 =	vld [tilespmem:s31+$0xFFFFFFA0]  }
0xc5: {  	v2 =	vld [tilespmem:s31+$0x20]  }
0xc6: {  	v3 =	vld [tilespmem:s31+$0xA0]  }
0xc7: {  	v4 =	vld [tilespmem:s31+$0x120];
	_ =	sdelay $0x1  }
0xc8: {  	v0 =	vadd.f32 v1, v0;
	_ =	sdelay $0x1  }
0xc9: {  	v0 =	vadd.f32 v2, v0;
	_ =	sdelay $0x1  }
0xca: {  	v0 =	vadd.f32 v3, v0;
	_ =	sdelay $0x1  }
0xcb: {  	v0 =	vadd.f32 v4, v0;
	_ =	sdelay $0x1  }
0xcc: {  	[tilespmem:s1+$0x150A0] =	vst v0  }
.Ltmp0:
0xcd: {  	v3 =	vld [tilespmem:s31+$0xFFFFFF30];
	(pc) =	sbr.rel @p1 .LBB2_3-.Ltmp0, $4  }
0xce: {  	v4 =	vld [tilespmem:s31+$0xFFFFFFB0]  }
0xcf: {  	v2 =	vld [tilespmem:s31+$0x30]  }
0xd0: {  	v1 =	vld [tilespmem:s31+$0xB0]  }
0xd1: {  	v0 =	vld [tilespmem:s31+$0x130]  }
0xd2: {  	_ = 	snop  }
0xd3: {  	v3 =	vadd.f32 v4, v3;
	_ =	sdelay $0x1  }
0xd4: {  	v2 =	vadd.f32 v2, v3;
	_ =	sdelay $0x1  }
0xd5: {  	v1 =	vadd.f32 v1, v2  }
0xd6: {  	s0 =	sshll.u32 s29, $0xE  }
0xd7: {  	s0 =	sadd.s32 s4, s0;
	v0 =	vadd.f32 v0, v1  }
0xd8: {  	s0 =	sshrl.u32 s0, $0x3  }
0xd9: {  	s13 =	smul.u32 $0xA00, s29;
	s0 =	sadd.s32 s2, s0;
	[tilespmem:s1+$0x150B0] =	vst v0  }
0xda: {  	[hbm4b:s0+s3] =	stream.linear.scatter [tilespmem:s22], [sflag:$0x3], $0x2000, $0x38;
	[tilespmem:$0x19040] =	vst v63  }
0xdb: {  	s0 =	sshra.s32 s13, $0x2  }
0xdc: {  	s1 =	sadd.s32 $0x280, s0  }
0xdd: {  	[tilespmem:s11], [sflag:$0x1] =	stream.indirect.gather [hbm4b:s5+s10], $0x80, s1, s10, $0xb8;
	[tilespmem:$0x19040] =	vst v63  }
0xde: {  	s13 =	sadd.s32 $0x2D0, s0  }
0xdf: {  	[tilespmem:s12], [sflag:$0x1] =	stream.indirect.gather [hbm4b:s5+s10], $0x80, s13, s10, $0xb8;
	[tilespmem:$0x19040] =	vst v63  }
0xe0: {  	s13 =	sadd.s32 $0x320, s0  }
0xe1: {  	[tilespmem:s14], [sflag:$0x1] =	stream.indirect.gather [hbm4b:s5+s10], $0x80, s13, s10, $0xb8;
	[tilespmem:$0x19040] =	vst v63  }
0xe2: {  	s0 =	sadd.s32 $0x370, s0  }
0xe3: {  	[tilespmem:s16], [sflag:$0x1] =	stream.indirect.gather [hbm4b:s5+s10], $0x80, s0, s10, $0xb8;
	[tilespmem:$0x19040] =	vst v63  }
0xe4: {  	_ =	swait.ge [sflag:s23], $0x2800  }
0xe5: {  	[sflag:s23] =	ssyncset.done $0x0  }
0xe6: {  	[sflag:s23] =	ssyncadd.s32 $0xFFFFD800  }
0xe7: {  	_ =	swait.ge [sflag:s23], $0x2800  }
0xe8: {  	[sflag:s23] =	ssyncset.done $0x0  }
0xe9: {  	[sflag:s23] =	ssyncadd.s32 $0xFFFFD800  }
0xea: {  	_ =	swait.ge [sflag:s23], $0x2800  }
0xeb: {  	[sflag:s23] =	ssyncset.done $0x0  }
0xec: {  	[sflag:s23] =	ssyncadd.s32 $0xFFFFD800  }
0xed: {  	_ =	swait.ge [sflag:s23], $0x2800  }
0xee: {  	[sflag:s23] =	ssyncset.done $0x0  }
0xef: {  	s0 =	simm.s32 @!p0 $0x4;
	[sflag:s23] =	ssyncadd.s32 $0xFFFFD800  }
0xf0: {  	_ =	swait.ge @!p0 [sflag:s0], $0x2000  }
0xf1: {  	[sflag:s0] =	ssyncset.done @!p0 $0x0  }
0xf2: {  	s13 =	simm.s32 $0x0;
	[sflag:s0] =	ssyncadd.s32 @!p0 $0xFFFFE000  }
0xf3: {  	v0 =	vld [tilespmem:s13+$0xB040]  }
0xf4: {  	v1 =	vld [tilespmem:s13+$0xB0C0];
	_ =	sdelay $0x1  }
0xf5: {  	v2 =	vld [tilespmem:s13+$0xB140];
	_ =	sdelay $0x1  }
0xf6: {  	v3 =	vld [tilespmem:s13+$0xB1C0]  }
0xf7: {  	v0 =	vadd.f32 v1, v0  }
0xf8: {  	v1 =	vld [tilespmem:s13+$0xB240]  }
0xf9: {  	v0 =	vadd.f32 v2, v0;
	_ =	sdelay $0x1  }
0xfa: {  	v0 =	vadd.f32 v3, v0;
	_ =	sdelay $0x1  }
0xfb: {  	v0 =	vadd.f32 v1, v0  }
0xfc: {  	s31 =	simm.s32 $0x170B0  }
0xfd: {  	[tilespmem:s31+$0xFFFFFF90] =	vst v0  }
0xfe: {  	v0 =	vld [tilespmem:s13+$0xB050]  }
0xff: {  	v1 =	vld [tilespmem:s13+$0xB0D0];
	_ =	sdelay $0x1  }
0x100: {  	v2 =	vld [tilespmem:s13+$0xB150];
	_ =	sdelay $0x1  }
0x101: {  	v3 =	vld [tilespmem:s13+$0xB1D0]  }
0x102: {  	v0 =	vadd.f32 v1, v0  }
0x103: {  	v1 =	vld [tilespmem:s13+$0xB250]  }
0x104: {  	v0 =	vadd.f32 v2, v0;
	_ =	sdelay $0x1  }
0x105: {  	v0 =	vadd.f32 v3, v0;
	_ =	sdelay $0x1  }
0x106: {  	v0 =	vadd.f32 v1, v0;
	_ =	sdelay $0x1  }
0x107: {  	[tilespmem:s31+$0xFFFFFFA0] =	vst v0  }
0x108: {  	v0 =	vld [tilespmem:s13+$0xB060]  }
0x109: {  	v1 =	vld [tilespmem:s13+$0xB0E0];
	_ =	sdelay $0x1  }
0x10a: {  	v2 =	vld [tilespmem:s13+$0xB160];
	_ =	sdelay $0x1  }
0x10b: {  	v3 =	vld [tilespmem:s13+$0xB1E0]  }
0x10c: {  	v0 =	vadd.f32 v1, v0  }
0x10d: {  	v1 =	vld [tilespmem:s13+$0xB260]  }
0x10e: {  	v0 =	vadd.f32 v2, v0;
	_ =	sdelay $0x1  }
0x10f: {  	v0 =	vadd.f32 v3, v0;
	_ =	sdelay $0x1  }
0x110: {  	v0 =	vadd.f32 v1, v0;
	_ =	sdelay $0x1  }
0x111: {  	[tilespmem:s31+$0xFFFFFFB0] =	vst v0  }
0x112: {  	v0 =	vld [tilespmem:s13+$0xB070]  }
0x113: {  	v1 =	vld [tilespmem:s13+$0xB0F0];
	_ =	sdelay $0x1  }
0x114: {  	v2 =	vld [tilespmem:s13+$0xB170];
	_ =	sdelay $0x1  }
0x115: {  	v3 =	vld [tilespmem:s13+$0xB1F0]  }
0x116: {  	v0 =	vadd.f32 v1, v0  }
0x117: {  	v1 =	vld [tilespmem:s13+$0xB270]  }
0x118: {  	v0 =	vadd.f32 v2, v0;
	_ =	sdelay $0x1  }
0x119: {  	v0 =	vadd.f32 v3, v0;
	_ =	sdelay $0x1  }
0x11a: {  	v0 =	vadd.f32 v1, v0;
	_ =	sdelay $0x1  }
0x11b: {  	[tilespmem:s31+$0xFFFFFFC0] =	vst v0  }
0x11c: {  	v0 =	vld [tilespmem:s13+$0xB080]  }
0x11d: {  	v1 =	vld [tilespmem:s13+$0xB100];
	_ =	sdelay $0x1  }
0x11e: {  	v2 =	vld [tilespmem:s13+$0xB180];
	_ =	sdelay $0x1  }
0x11f: {  	v3 =	vld [tilespmem:s13+$0xB200]  }
0x120: {  	v0 =	vadd.f32 v1, v0  }
0x121: {  	v1 =	vld [tilespmem:s13+$0xB280]  }
0x122: {  	v0 =	vadd.f32 v2, v0;
	_ =	sdelay $0x1  }
0x123: {  	v0 =	vadd.f32 v3, v0;
	_ =	sdelay $0x1  }
0x124: {  	v0 =	vadd.f32 v1, v0;
	_ =	sdelay $0x1  }
0x125: {  	[tilespmem:s31+$0xFFFFFFD0] =	vst v0  }
0x126: {  	v0 =	vld [tilespmem:s13+$0xB090]  }
0x127: {  	v1 =	vld [tilespmem:s13+$0xB110];
	_ =	sdelay $0x1  }
0x128: {  	v2 =	vld [tilespmem:s13+$0xB190];
	_ =	sdelay $0x1  }
0x129: {  	v3 =	vld [tilespmem:s13+$0xB210]  }
0x12a: {  	v0 =	vadd.f32 v1, v0  }
0x12b: {  	v1 =	vld [tilespmem:s13+$0xB290]  }
0x12c: {  	v0 =	vadd.f32 v2, v0;
	_ =	sdelay $0x1  }
0x12d: {  	v0 =	vadd.f32 v3, v0;
	_ =	sdelay $0x1  }
0x12e: {  	v0 =	vadd.f32 v1, v0;
	_ =	sdelay $0x1  }
0x12f: {  	[tilespmem:s31+$0xFFFFFFE0] =	vst v0  }
0x130: {  	v0 =	vld [tilespmem:s13+$0xB0A0]  }
0x131: {  	v1 =	vld [tilespmem:s13+$0xB120];
	_ =	sdelay $0x1  }
0x132: {  	v2 =	vld [tilespmem:s13+$0xB1A0];
	_ =	sdelay $0x1  }
0x133: {  	v3 =	vld [tilespmem:s13+$0xB220]  }
0x134: {  	v0 =	vadd.f32 v1, v0  }
0x135: {  	v1 =	vld [tilespmem:s13+$0xB2A0]  }
0x136: {  	v0 =	vadd.f32 v2, v0;
	_ =	sdelay $0x1  }
0x137: {  	v0 =	vadd.f32 v3, v0;
	_ =	sdelay $0x1  }
0x138: {  	v0 =	vadd.f32 v1, v0;
	_ =	sdelay $0x1  }
0x139: {  	[tilespmem:s31+$0xFFFFFFF0] =	vst v0  }
0x13a: {  	v0 =	vld [tilespmem:s13+$0xB0B0]  }
0x13b: {  	v4 =	vld [tilespmem:s13+$0xB130]  }
0x13c: {  	v3 =	vld [tilespmem:s13+$0xB1B0]  }
0x13d: {  	v2 =	vld [tilespmem:s13+$0xB230]  }
0x13e: {  	s1 =	simm.s32 $0x170B0;
	s0 =	simm.s32 $0xA00;
	v1 =	vld [tilespmem:s13+$0xB2B0]  }
.LBB2_5:
0x13f: {  	p0 =	sne.s32 s0, $0x27600  }
0x140: {  	s31 =	sadd.s32 $0x80, s31;
	s13 =	smov.u32 s0;
	s0 =	sadd.s32 $0xA00, s0  }
0x141: {  	v0 =	vadd.f32 v4, v0;
	_ =	sdelay $0x1  }
0x142: {  	v0 =	vadd.f32 v3, v0;
	_ =	sdelay $0x1  }
0x143: {  	v0 =	vadd.f32 v2, v0;
	_ =	sdelay $0x1  }
0x144: {  	v0 =	vadd.f32 v1, v0  }
0x145: {  	s13 =	sshra.s32 s13, $0x2  }
0x146: {  	[tilespmem:s1+$0x0] =	vst v0;
	s1 =	smov.u32 s31  }
0x147: {  	v0 =	vld [tilespmem:s13+$0xB040]  }
0x148: {  	v1 =	vld [tilespmem:s13+$0xB0C0]  }
0x149: {  	v2 =	vld [tilespmem:s13+$0xB140];
	_ =	sdelay $0x1  }
0x14a: {  	v3 =	vld [tilespmem:s13+$0xB1C0];
	_ =	sdelay $0x1  }
0x14b: {  	v0 =	vadd.f32 v1, v0  }
0x14c: {  	v1 =	vld [tilespmem:s13+$0xB240]  }
0x14d: {  	v0 =	vadd.f32 v2, v0;
	_ =	sdelay $0x1  }
0x14e: {  	v0 =	vadd.f32 v3, v0;
	_ =	sdelay $0x1  }
0x14f: {  	v0 =	vadd.f32 v1, v0;
	_ =	sdelay $0x1  }
0x150: {  	[tilespmem:s31+$0xFFFFFF90] =	vst v0  }
0x151: {  	v0 =	vld [tilespmem:s13+$0xB050]  }
0x152: {  	v1 =	vld [tilespmem:s13+$0xB0D0];
	_ =	sdelay $0x1  }
0x153: {  	v2 =	vld [tilespmem:s13+$0xB150];
	_ =	sdelay $0x1  }
0x154: {  	v3 =	vld [tilespmem:s13+$0xB1D0]  }
0x155: {  	v0 =	vadd.f32 v1, v0  }
0x156: {  	v1 =	vld [tilespmem:s13+$0xB250]  }
0x157: {  	v0 =	vadd.f32 v2, v0;
	_ =	sdelay $0x1  }
0x158: {  	v0 =	vadd.f32 v3, v0;
	_ =	sdelay $0x1  }
0x159: {  	v0 =	vadd.f32 v1, v0;
	_ =	sdelay $0x1  }
0x15a: {  	[tilespmem:s31+$0xFFFFFFA0] =	vst v0  }
0x15b: {  	v0 =	vld [tilespmem:s13+$0xB060]  }
0x15c: {  	v1 =	vld [tilespmem:s13+$0xB0E0];
	_ =	sdelay $0x1  }
0x15d: {  	v2 =	vld [tilespmem:s13+$0xB160];
	_ =	sdelay $0x1  }
0x15e: {  	v3 =	vld [tilespmem:s13+$0xB1E0]  }
0x15f: {  	v0 =	vadd.f32 v1, v0  }
0x160: {  	v1 =	vld [tilespmem:s13+$0xB260]  }
0x161: {  	v0 =	vadd.f32 v2, v0;
	_ =	sdelay $0x1  }
0x162: {  	v0 =	vadd.f32 v3, v0;
	_ =	sdelay $0x1  }
0x163: {  	v0 =	vadd.f32 v1, v0;
	_ =	sdelay $0x1  }
0x164: {  	[tilespmem:s31+$0xFFFFFFB0] =	vst v0  }
0x165: {  	v0 =	vld [tilespmem:s13+$0xB070]  }
0x166: {  	v1 =	vld [tilespmem:s13+$0xB0F0]  }
0x167: {  	v2 =	vld [tilespmem:s13+$0xB170];
	_ =	sdelay $0x2  }
0x168: {  	v3 =	vld [tilespmem:s13+$0xB1F0]  }
0x169: {  	v0 =	vadd.f32 v1, v0  }
0x16a: {  	v1 =	vld [tilespmem:s13+$0xB270]  }
0x16b: {  	v0 =	vadd.f32 v2, v0;
	_ =	sdelay $0x1  }
0x16c: {  	v0 =	vadd.f32 v3, v0;
	_ =	sdelay $0x1  }
0x16d: {  	v0 =	vadd.f32 v1, v0;
	_ =	sdelay $0x1  }
0x16e: {  	[tilespmem:s31+$0xFFFFFFC0] =	vst v0  }
0x16f: {  	v0 =	vld [tilespmem:s13+$0xB080]  }
0x170: {  	v1 =	vld [tilespmem:s13+$0xB100]  }
0x171: {  	v2 =	vld [tilespmem:s13+$0xB180];
	_ =	sdelay $0x2  }
0x172: {  	v3 =	vld [tilespmem:s13+$0xB200]  }
0x173: {  	v0 =	vadd.f32 v1, v0  }
0x174: {  	v1 =	vld [tilespmem:s13+$0xB280]  }
0x175: {  	v0 =	vadd.f32 v2, v0;
	_ =	sdelay $0x1  }
0x176: {  	v0 =	vadd.f32 v3, v0;
	_ =	sdelay $0x1  }
0x177: {  	v0 =	vadd.f32 v1, v0;
	_ =	sdelay $0x1  }
0x178: {  	[tilespmem:s31+$0xFFFFFFD0] =	vst v0  }
0x179: {  	v0 =	vld [tilespmem:s13+$0xB090]  }
0x17a: {  	v1 =	vld [tilespmem:s13+$0xB110]  }
0x17b: {  	v2 =	vld [tilespmem:s13+$0xB190]  }
0x17c: {  	v3 =	vld [tilespmem:s13+$0xB210]  }
0x17d: {  	v4 =	vld [tilespmem:s13+$0xB290];
	_ =	sdelay $0x1  }
0x17e: {  	v0 =	vadd.f32 v1, v0;
	_ =	sdelay $0x1  }
0x17f: {  	v0 =	vadd.f32 v2, v0;
	_ =	sdelay $0x1  }
0x180: {  	v0 =	vadd.f32 v3, v0;
	_ =	sdelay $0x1  }
0x181: {  	v0 =	vadd.f32 v4, v0;
	_ =	sdelay $0x1  }
0x182: {  	[tilespmem:s31+$0xFFFFFFE0] =	vst v0  }
0x183: {  	v0 =	vld [tilespmem:s13+$0xB0A0]  }
0x184: {  	v1 =	vld [tilespmem:s13+$0xB120]  }
0x185: {  	v2 =	vld [tilespmem:s13+$0xB1A0]  }
0x186: {  	v3 =	vld [tilespmem:s13+$0xB220]  }
0x187: {  	v4 =	vld [tilespmem:s13+$0xB2A0];
	_ =	sdelay $0x1  }
0x188: {  	v0 =	vadd.f32 v1, v0;
	_ =	sdelay $0x1  }
0x189: {  	v0 =	vadd.f32 v2, v0;
	_ =	sdelay $0x1  }
0x18a: {  	v0 =	vadd.f32 v3, v0;
	_ =	sdelay $0x1  }
0x18b: {  	v0 =	vadd.f32 v4, v0;
	_ =	sdelay $0x1  }
0x18c: {  	[tilespmem:s31+$0xFFFFFFF0] =	vst v0  }
.Ltmp1:
0x18d: {  	v0 =	vld [tilespmem:s13+$0xB0B0];
	(pc) =	sbr.rel @p0 .LBB2_5-.Ltmp1, $4  }
0x18e: {  	v4 =	vld [tilespmem:s13+$0xB130]  }
0x18f: {  	v3 =	vld [tilespmem:s13+$0xB1B0]  }
0x190: {  	v2 =	vld [tilespmem:s13+$0xB230]  }
0x191: {  	v1 =	vld [tilespmem:s13+$0xB2B0]  }
0x192: {  	_ = 	snop  }
0x193: {  	v0 =	vadd.f32 v4, v0;
	_ =	sdelay $0x1  }
0x194: {  	v0 =	vadd.f32 v3, v0  }
0x195: {  	s29 =	sadd.s32 $0x1, s29  }
0x196: {  	p0 =	sne.s32 s29, $0x6;
	v0 =	vadd.f32 v2, v0  }
.Ltmp2:
0x197: {  	s0 =	sshll.u32 s30, $0xD;
	(pc) =	sbr.rel @p0 .LBB2_2-.Ltmp2, $4  }
0x198: {  	s0 =	sadd.s32 s4, s0;
	v0 =	vadd.f32 v1, v0  }
0x199: {  	s0 =	sshrl.u32 s0, $0x3  }
0x19a: {  	s0 =	sadd.s32 s2, s0;
	[tilespmem:s1+$0x0] =	vst v0  }
0x19b: {  	[hbm4b:s0+s3] =	stream.linear.scatter [tilespmem:s24], [sflag:$0x4], $0x2000, $0x38;
	[tilespmem:$0x19040] =	vst v63  }
0x19c: {  	_ =	swait.ge [sflag:s21], $0x2800  }
0x19d: {  	[sflag:s21] =	ssyncset.done $0x0  }
0x19e: {  	[sflag:s21] =	ssyncadd.s32 $0xFFFFD800  }
0x19f: {  	_ =	swait.ge [sflag:s21], $0x2800  }
0x1a0: {  	[sflag:s21] =	ssyncset.done $0x0  }
0x1a1: {  	[sflag:s21] =	ssyncadd.s32 $0xFFFFD800  }
0x1a2: {  	_ =	swait.ge [sflag:s21], $0x2800  }
0x1a3: {  	[sflag:s21] =	ssyncset.done $0x0  }
0x1a4: {  	[sflag:s21] =	ssyncadd.s32 $0xFFFFD800  }
0x1a5: {  	_ =	swait.ge [sflag:s21], $0x2800  }
0x1a6: {  	[sflag:s21] =	ssyncset.done $0x0  }
0x1a7: {  	[sflag:s21] =	ssyncadd.s32 $0xFFFFD800  }
0x1a8: {  	_ =	swait.ge [sflag:s25], $0x2000  }
0x1a9: {  	[sflag:s25] =	ssyncset.done $0x0  }
0x1aa: {  	s29 =	simm.s32 $0x1180;
	[sflag:s25] =	ssyncadd.s32 $0xFFFFE000  }
0x1ab: {  	v0 =	vld [tilespmem:s29+$0xFFFFFF40]  }
0x1ac: {  	v1 =	vld [tilespmem:s29+$0xFFFFFEC0];
	_ =	sdelay $0x1  }
0x1ad: {  	v2 =	vld [tilespmem:s29+$0xFFFFFFC0];
	_ =	sdelay $0x1  }
0x1ae: {  	v3 =	vld [tilespmem:s29+$0x40]  }
0x1af: {  	v0 =	vadd.f32 v0, v1  }
0x1b0: {  	v1 =	vld [tilespmem:s29+$0xC0]  }
0x1b1: {  	v0 =	vadd.f32 v2, v0;
	_ =	sdelay $0x1  }
0x1b2: {  	v0 =	vadd.f32 v3, v0;
	_ =	sdelay $0x1  }
0x1b3: {  	v0 =	vadd.f32 v1, v0  }
0x1b4: {  	s1 =	simm.s32 $0x0  }
0x1b5: {  	[tilespmem:s1+$0x15040] =	vst v0  }
0x1b6: {  	v0 =	vld [tilespmem:s29+$0xFFFFFED0]  }
0x1b7: {  	v1 =	vld [tilespmem:s29+$0xFFFFFF50];
	_ =	sdelay $0x1  }
0x1b8: {  	v2 =	vld [tilespmem:s29+$0xFFFFFFD0];
	_ =	sdelay $0x1  }
0x1b9: {  	v3 =	vld [tilespmem:s29+$0x50]  }
0x1ba: {  	v0 =	vadd.f32 v1, v0  }
0x1bb: {  	v1 =	vld [tilespmem:s29+$0xD0]  }
0x1bc: {  	v0 =	vadd.f32 v2, v0;
	_ =	sdelay $0x1  }
0x1bd: {  	v0 =	vadd.f32 v3, v0;
	_ =	sdelay $0x1  }
0x1be: {  	v0 =	vadd.f32 v1, v0;
	_ =	sdelay $0x1  }
0x1bf: {  	[tilespmem:s1+$0x15050] =	vst v0  }
0x1c0: {  	v0 =	vld [tilespmem:s29+$0xFFFFFEE0]  }
0x1c1: {  	v1 =	vld [tilespmem:s29+$0xFFFFFF60];
	_ =	sdelay $0x1  }
0x1c2: {  	v2 =	vld [tilespmem:s29+$0xFFFFFFE0];
	_ =	sdelay $0x1  }
0x1c3: {  	v3 =	vld [tilespmem:s29+$0x60]  }
0x1c4: {  	v0 =	vadd.f32 v1, v0  }
0x1c5: {  	v1 =	vld [tilespmem:s29+$0xE0]  }
0x1c6: {  	v0 =	vadd.f32 v2, v0;
	_ =	sdelay $0x1  }
0x1c7: {  	v0 =	vadd.f32 v3, v0;
	_ =	sdelay $0x1  }
0x1c8: {  	v0 =	vadd.f32 v1, v0;
	_ =	sdelay $0x1  }
0x1c9: {  	[tilespmem:s1+$0x15060] =	vst v0  }
0x1ca: {  	v0 =	vld [tilespmem:s29+$0xFFFFFEF0]  }
0x1cb: {  	v1 =	vld [tilespmem:s29+$0xFFFFFF70];
	_ =	sdelay $0x1  }
0x1cc: {  	v2 =	vld [tilespmem:s29+$0xFFFFFFF0];
	_ =	sdelay $0x1  }
0x1cd: {  	v3 =	vld [tilespmem:s29+$0x70]  }
0x1ce: {  	v0 =	vadd.f32 v1, v0  }
0x1cf: {  	v1 =	vld [tilespmem:s29+$0xF0]  }
0x1d0: {  	v0 =	vadd.f32 v2, v0;
	_ =	sdelay $0x1  }
0x1d1: {  	v0 =	vadd.f32 v3, v0;
	_ =	sdelay $0x1  }
0x1d2: {  	v0 =	vadd.f32 v1, v0;
	_ =	sdelay $0x1  }
0x1d3: {  	[tilespmem:s1+$0x15070] =	vst v0  }
0x1d4: {  	v0 =	vld [tilespmem:s29+$0xFFFFFF00]  }
0x1d5: {  	v1 =	vld [tilespmem:s29+$0xFFFFFF80];
	_ =	sdelay $0x1  }
0x1d6: {  	v2 =	vld [tilespmem:s29+$0x0];
	_ =	sdelay $0x1  }
0x1d7: {  	v3 =	vld [tilespmem:s29+$0x80]  }
0x1d8: {  	v0 =	vadd.f32 v1, v0  }
0x1d9: {  	v1 =	vld [tilespmem:s29+$0x100]  }
0x1da: {  	v0 =	vadd.f32 v2, v0;
	_ =	sdelay $0x1  }
0x1db: {  	v0 =	vadd.f32 v3, v0;
	_ =	sdelay $0x1  }
0x1dc: {  	v0 =	vadd.f32 v1, v0;
	_ =	sdelay $0x1  }
0x1dd: {  	[tilespmem:s1+$0x15080] =	vst v0  }
0x1de: {  	v0 =	vld [tilespmem:s29+$0xFFFFFF10]  }
0x1df: {  	v1 =	vld [tilespmem:s29+$0xFFFFFF90];
	_ =	sdelay $0x1  }
0x1e0: {  	v2 =	vld [tilespmem:s29+$0x10];
	_ =	sdelay $0x1  }
0x1e1: {  	v3 =	vld [tilespmem:s29+$0x90]  }
0x1e2: {  	v0 =	vadd.f32 v1, v0  }
0x1e3: {  	v1 =	vld [tilespmem:s29+$0x110]  }
0x1e4: {  	v0 =	vadd.f32 v2, v0;
	_ =	sdelay $0x1  }
0x1e5: {  	v0 =	vadd.f32 v3, v0;
	_ =	sdelay $0x1  }
0x1e6: {  	v0 =	vadd.f32 v1, v0;
	_ =	sdelay $0x1  }
0x1e7: {  	[tilespmem:s1+$0x15090] =	vst v0  }
0x1e8: {  	v0 =	vld [tilespmem:s29+$0xFFFFFF20]  }
0x1e9: {  	v1 =	vld [tilespmem:s29+$0xFFFFFFA0];
	_ =	sdelay $0x1  }
0x1ea: {  	v2 =	vld [tilespmem:s29+$0x20];
	_ =	sdelay $0x1  }
0x1eb: {  	v3 =	vld [tilespmem:s29+$0xA0]  }
0x1ec: {  	v0 =	vadd.f32 v1, v0  }
0x1ed: {  	v1 =	vld [tilespmem:s29+$0x120]  }
0x1ee: {  	v0 =	vadd.f32 v2, v0;
	_ =	sdelay $0x1  }
0x1ef: {  	v0 =	vadd.f32 v3, v0;
	_ =	sdelay $0x1  }
0x1f0: {  	v0 =	vadd.f32 v1, v0;
	_ =	sdelay $0x1  }
0x1f1: {  	[tilespmem:s1+$0x150A0] =	vst v0  }
0x1f2: {  	v3 =	vld [tilespmem:s29+$0xFFFFFF30]  }
0x1f3: {  	v4 =	vld [tilespmem:s29+$0xFFFFFFB0]  }
0x1f4: {  	v2 =	vld [tilespmem:s29+$0x30]  }
0x1f5: {  	v0 =	vld [tilespmem:s29+$0xB0]  }
0x1f6: {  	s0 =	simm.s32 $0x200;
	v1 =	vld [tilespmem:s29+$0x130]  }
.LBB2_8:
0x1f7: {  	p0 =	sne.s32 s0, $0x7E00  }
0x1f8: {  	s29 =	sadd.s32 $0x280, s29;
	s13 =	smov.u32 s0;
	s0 =	sadd.s32 $0x200, s0;
	v3 =	vadd.f32 v4, v3  }
0x1f9: {  	_ = 	snop  }
0x1fa: {  	v2 =	vadd.f32 v2, v3;
	_ =	sdelay $0x1  }
0x1fb: {  	v0 =	vadd.f32 v0, v2;
	_ =	sdelay $0x1  }
0x1fc: {  	v0 =	vadd.f32 v1, v0;
	_ =	sdelay $0x1  }
0x1fd: {  	[tilespmem:s1+$0x150B0] =	vst v0  }
0x1fe: {  	v0 =	vld [tilespmem:s29+$0xFFFFFF40]  }
0x1ff: {  	v1 =	vld [tilespmem:s29+$0xFFFFFEC0]  }
0x200: {  	v2 =	vld [tilespmem:s29+$0xFFFFFFC0];
	_ =	sdelay $0x2  }
0x201: {  	v3 =	vld [tilespmem:s29+$0x40]  }
0x202: {  	v0 =	vadd.f32 v0, v1  }
0x203: {  	v1 =	vld [tilespmem:s29+$0xC0]  }
0x204: {  	v0 =	vadd.f32 v2, v0;
	_ =	sdelay $0x1  }
0x205: {  	v0 =	vadd.f32 v3, v0;
	_ =	sdelay $0x1  }
0x206: {  	v0 =	vadd.f32 v1, v0  }
0x207: {  	s1 =	sshra.s32 s13, $0x2  }
0x208: {  	[tilespmem:s1+$0x15040] =	vst v0  }
0x209: {  	v0 =	vld [tilespmem:s29+$0xFFFFFED0]  }
0x20a: {  	v1 =	vld [tilespmem:s29+$0xFFFFFF50];
	_ =	sdelay $0x1  }
0x20b: {  	v2 =	vld [tilespmem:s29+$0xFFFFFFD0];
	_ =	sdelay $0x1  }
0x20c: {  	v3 =	vld [tilespmem:s29+$0x50]  }
0x20d: {  	v0 =	vadd.f32 v1, v0  }
0x20e: {  	v1 =	vld [tilespmem:s29+$0xD0]  }
0x20f: {  	v0 =	vadd.f32 v2, v0;
	_ =	sdelay $0x1  }
0x210: {  	v0 =	vadd.f32 v3, v0;
	_ =	sdelay $0x1  }
0x211: {  	v0 =	vadd.f32 v1, v0;
	_ =	sdelay $0x1  }
0x212: {  	[tilespmem:s1+$0x15050] =	vst v0  }
0x213: {  	v0 =	vld [tilespmem:s29+$0xFFFFFEE0]  }
0x214: {  	v1 =	vld [tilespmem:s29+$0xFFFFFF60];
	_ =	sdelay $0x1  }
0x215: {  	v2 =	vld [tilespmem:s29+$0xFFFFFFE0];
	_ =	sdelay $0x1  }
0x216: {  	v3 =	vld [tilespmem:s29+$0x60]  }
0x217: {  	v0 =	vadd.f32 v1, v0  }
0x218: {  	v1 =	vld [tilespmem:s29+$0xE0]  }
0x219: {  	v0 =	vadd.f32 v2, v0;
	_ =	sdelay $0x1  }
0x21a: {  	v0 =	vadd.f32 v3, v0;
	_ =	sdelay $0x1  }
0x21b: {  	v0 =	vadd.f32 v1, v0;
	_ =	sdelay $0x1  }
0x21c: {  	[tilespmem:s1+$0x15060] =	vst v0  }
0x21d: {  	v0 =	vld [tilespmem:s29+$0xFFFFFEF0]  }
0x21e: {  	v1 =	vld [tilespmem:s29+$0xFFFFFF70];
	_ =	sdelay $0x1  }
0x21f: {  	v2 =	vld [tilespmem:s29+$0xFFFFFFF0];
	_ =	sdelay $0x1  }
0x220: {  	v3 =	vld [tilespmem:s29+$0x70]  }
0x221: {  	v0 =	vadd.f32 v1, v0  }
0x222: {  	v1 =	vld [tilespmem:s29+$0xF0]  }
0x223: {  	v0 =	vadd.f32 v2, v0;
	_ =	sdelay $0x1  }
0x224: {  	v0 =	vadd.f32 v3, v0;
	_ =	sdelay $0x1  }
0x225: {  	v0 =	vadd.f32 v1, v0;
	_ =	sdelay $0x1  }
0x226: {  	[tilespmem:s1+$0x15070] =	vst v0  }
0x227: {  	v0 =	vld [tilespmem:s29+$0xFFFFFF00]  }
0x228: {  	v1 =	vld [tilespmem:s29+$0xFFFFFF80];
	_ =	sdelay $0x1  }
0x229: {  	v2 =	vld [tilespmem:s29+$0x0];
	_ =	sdelay $0x1  }
0x22a: {  	v3 =	vld [tilespmem:s29+$0x80]  }
0x22b: {  	v0 =	vadd.f32 v1, v0  }
0x22c: {  	v1 =	vld [tilespmem:s29+$0x100]  }
0x22d: {  	v0 =	vadd.f32 v2, v0;
	_ =	sdelay $0x1  }
0x22e: {  	v0 =	vadd.f32 v3, v0;
	_ =	sdelay $0x1  }
0x22f: {  	v0 =	vadd.f32 v1, v0;
	_ =	sdelay $0x1  }
0x230: {  	[tilespmem:s1+$0x15080] =	vst v0  }
0x231: {  	v0 =	vld [tilespmem:s29+$0xFFFFFF10]  }
0x232: {  	v1 =	vld [tilespmem:s29+$0xFFFFFF90]  }
0x233: {  	v2 =	vld [tilespmem:s29+$0x10]  }
0x234: {  	v3 =	vld [tilespmem:s29+$0x90]  }
0x235: {  	v4 =	vld [tilespmem:s29+$0x110];
	_ =	sdelay $0x1  }
0x236: {  	v0 =	vadd.f32 v1, v0;
	_ =	sdelay $0x1  }
0x237: {  	v0 =	vadd.f32 v2, v0;
	_ =	sdelay $0x1  }
0x238: {  	v0 =	vadd.f32 v3, v0;
	_ =	sdelay $0x1  }
0x239: {  	v0 =	vadd.f32 v4, v0;
	_ =	sdelay $0x1  }
0x23a: {  	[tilespmem:s1+$0x15090] =	vst v0  }
0x23b: {  	v0 =	vld [tilespmem:s29+$0xFFFFFF20]  }
0x23c: {  	v1 =	vld [tilespmem:s29+$0xFFFFFFA0]  }
0x23d: {  	v2 =	vld [tilespmem:s29+$0x20]  }
0x23e: {  	v3 =	vld [tilespmem:s29+$0xA0]  }
0x23f: {  	v4 =	vld [tilespmem:s29+$0x120];
	_ =	sdelay $0x1  }
0x240: {  	v0 =	vadd.f32 v1, v0;
	_ =	sdelay $0x1  }
0x241: {  	v0 =	vadd.f32 v2, v0;
	_ =	sdelay $0x1  }
0x242: {  	v0 =	vadd.f32 v3, v0;
	_ =	sdelay $0x1  }
0x243: {  	v0 =	vadd.f32 v4, v0;
	_ =	sdelay $0x1  }
0x244: {  	[tilespmem:s1+$0x150A0] =	vst v0  }
.Ltmp3:
0x245: {  	v3 =	vld [tilespmem:s29+$0xFFFFFF30];
	(pc) =	sbr.rel @p0 .LBB2_8-.Ltmp3, $4  }
0x246: {  	v4 =	vld [tilespmem:s29+$0xFFFFFFB0]  }
0x247: {  	v2 =	vld [tilespmem:s29+$0x30]  }
0x248: {  	v0 =	vld [tilespmem:s29+$0xB0]  }
0x249: {  	v1 =	vld [tilespmem:s29+$0x130]  }
0x24a: {  	_ = 	snop  }
0x24b: {  	v3 =	vadd.f32 v4, v3;
	_ =	sdelay $0x1  }
0x24c: {  	v2 =	vadd.f32 v2, v3;
	_ =	sdelay $0x1  }
0x24d: {  	v0 =	vadd.f32 v0, v2;
	_ =	sdelay $0x1  }
0x24e: {  	v0 =	vadd.f32 v1, v0;
	_ =	sdelay $0x1  }
0x24f: {  	s28 =	sadd.s32 $0x1, s28;
	[tilespmem:s1+$0x150B0] =	vst v0  }
0x250: {  	[hbm4b:s7+s3] =	stream.linear.scatter [tilespmem:s22], [sflag:$0x3], $0x2000, $0x38;
	[tilespmem:$0x19040] =	vst v63  }
0x251: {  	p0 =	sne.s32 s28, s8;
	_ =	swait.ge [sflag:s25], $0x2000  }
.Ltmp4:
0x252: {  	[sflag:s25] =	ssyncset.done $0x0;
	(pc) =	sbr.rel @p0 .LBB2_1-.Ltmp4, $4  }
0x253: {  	[sflag:s25] =	ssyncadd.s32 $0xFFFFE000  }
0x254: {  	_ =	swait.ge [sflag:s26], $0x2000  }
0x255: {  	[sflag:s26] =	ssyncset.done $0x0  }
0x256: {  	[sflag:s26] =	ssyncadd.s32 $0xFFFFE000  }
0x257: {  	_ =	sfence.sel $0x180000  }
0x258: {  	[bflag:$0x0] =	sbarrier.arrive $0xFFFF  }
0x259: {  	_ =	strace $0x90000047  }
0x25a: {  	s0 =	stileid.u32;
	[bflag:$0x2] =	sbarrier.arrive $0xFFFF  }
0x25b: {  	p0 =	sne.s32 s0, $0x0;
	s0 =	rddreg [dreg:$0x2]  }
0x25c: {  	s0 =	sadd.s32 @!p0 $0x100000, s0  }
0x25d: {  	[sflag:s0] =	ssyncadd.tile.s32 @!p0 $0x1;
	_ =	shalt  }
.Lfunc_end2:
_tile_overlayer_lowered:
.L_overlay_start_2:
0x25e: {  	(tag) =	ssettag $0x2  }
0x25f: {  	s0 =	rddreg [dreg:$0x0];
	s2 =	stileid.u32  }
0x260: {  	s1 =	rddreg [dreg:$0x1];
	p0 =	sne.s32 s2, $0x0  }
0x261: {  	s3 =	rddreg [dreg:$0x2];
	[bflag:$0x3] =	sbarrier.arrive $0xFFFF;
	s2 =	simm.s32 @!p0 $0x1C05  }
0x262: {  	[timem:s3], [sflag:s2] =	dma.local @!p0 [hbm:s0], s1  }
0x263: {  	s0 =	simm.s32 @!p0 $0x5  }
0x264: {  	_ =	swait.ge @!p0 [sflag:s0], s1  }
0x265: {  	s1 =	ssub.s32 @!p0 $0x0, s1;
	[sflag:s0] =	ssyncset.done @!p0 $0x0  }
0x266: {  	[sflag:s0] =	ssyncadd.s32 @!p0 s1  }
0x267: {  	[bflag:$0x3] =	sbarrier.arrive $0xFFFF  }
0x268: {  	_ =	shalt  }

</sc_bundles>
